<compile_context>
chip_gen: v7x
topology: tpu7x:2x2x1
jax: 0.10.2.dev20260603
libtpu: 0.0.44.dev20260713+nightly
codegen_flags: <defaults>
</compile_context>

<pallas_src>
import jax
import jax.numpy as jnp
from jax import lax
from jax.experimental import pallas as pl
from jax.experimental.pallas import tpu as pltpu
from jax.experimental.pallas import tpu_sc as plsc

_NC = 2
_NS = 16
_NW = _NC * _NS

_VOCAB = 1000000
_EMBED = 16
_BATCH = 16384
_FIELDS = 26

_BC = _BATCH // 128
_BC_W = _BC // _NW
_STRIPE = _BC_W * 128
_TASKS = _FIELDS
_LOOPS = -(-_TASKS // 4)


def _gather_body(idx_hbm, w_hbm, scale_hbm, out_hbm, idx_v, scale_v,
                 r0, r1, r2, r3, o0, o1, o2, o3, sems):
    rows = (r0, r1, r2, r3)
    outs = (o0, o1, o2, o3)
    sem_g = (sems[0], sems[1], sems[2], sems[3])
    sem_w = (sems[4], sems[5], sems[6], sems[7])
    wid = lax.axis_index("s") * _NC + lax.axis_index("c")
    pltpu.sync_copy(idx_hbm.at[:, pl.ds(wid * _BC_W, _BC_W)], idx_v)
    pltpu.sync_copy(scale_hbm, scale_v)
    s = scale_v[...]
    lanes = lax.iota(jnp.int32, 16)

    def fire_gather(f, buf):
        for c in range(_BC_W):
            pltpu.async_copy(
                w_hbm.at[idx_v.at[f, c]],
                rows[buf].at[pl.ds(c * 128, 128)],
                sem_g[buf],
            )

    def wait_gather(buf):
        for c in range(_BC_W):
            pltpu.make_async_copy(
                w_hbm.at[idx_v.at[0, 0]],
                rows[buf].at[pl.ds(c * 128, 128)],
                sem_g[buf],
            ).wait()

    def fire_write(f, buf):
        for u in range(2):
            for c in range(_BC_W):
                pltpu.async_copy(
                    outs[buf].at[pl.ds(u * 8, 8), pl.ds(c * 128, 128)],
                    out_hbm.at[2 * f + u, wid * _BC_W + c],
                    sem_w[buf],
                )

    def wait_write(buf):
        for _ in range(2 * _BC_W):
            pltpu.make_async_copy(
                outs[buf].at[pl.ds(0, 8), pl.ds(0, 128)],
                out_hbm.at[0, 0],
                sem_w[buf],
            ).wait()

    fire_gather(0, 0)
    fire_gather(1, 1)
    fire_gather(2, 2)

    def step(g, carry):
        for b in range(4):
            task = 4 * g + b

            @pl.when(task < _TASKS)
            def _():
                wait_gather(b)

                @pl.when(task + 3 < _TASKS)
                def _():
                    fire_gather(task + 3, (b + 3) % 4)

                @pl.when(task >= 4)
                def _():
                    wait_write(b)

                @plsc.parallel_loop(0, _STRIPE * _EMBED // 16, unroll=16)
                def _(i):
                    e = i & (_EMBED - 1)
                    jp = i >> 4
                    col = plsc.load_gather(
                        rows[b],
                        [jp * 16 + lanes, jnp.full((16,), e, jnp.int32)],
                    )
                    outs[b][e, pl.ds(jp * 16, 16)] = col * s

                fire_write(task, b)
        return carry

    lax.fori_loop(0, _LOOPS, step, None)
    for b in range(4):
        wait_write(b)


_SC_PARAMS = pltpu.CompilerParams(
    use_tc_tiling_on_sc=False, needs_layout_passes=False
)


@jax.jit
def _run(idx3, weight, scale_vec):
    mesh = plsc.VectorSubcoreMesh(core_axis_name="c", subcore_axis_name="s")
    out = pl.kernel(
        _gather_body,
        out_type=jax.ShapeDtypeStruct(
            (_FIELDS * 2, _BC, 8, 128), jnp.float32
        ),
        mesh=mesh,
        scratch_types=[
            pltpu.VMEM((_FIELDS, _BC_W, 128), jnp.int32),
            pltpu.VMEM((_EMBED,), jnp.float32),
            pltpu.VMEM((_STRIPE, _EMBED), jnp.float32),
            pltpu.VMEM((_STRIPE, _EMBED), jnp.float32),
            pltpu.VMEM((_STRIPE, _EMBED), jnp.float32),
            pltpu.VMEM((_STRIPE, _EMBED), jnp.float32),
            pltpu.VMEM((_EMBED, _STRIPE), jnp.float32),
            pltpu.VMEM((_EMBED, _STRIPE), jnp.float32),
            pltpu.VMEM((_EMBED, _STRIPE), jnp.float32),
            pltpu.VMEM((_EMBED, _STRIPE), jnp.float32),
            [pltpu.SemaphoreType.DMA] * 8,
        ],
        compiler_params=_SC_PARAMS,
    )(idx3, weight, scale_vec)
    return out


def kernel(input, weight, weight_scale):
    idx3 = input.T.astype(jnp.int32).reshape(_FIELDS, _BC, 128)
    scale_vec = jnp.broadcast_to(
        weight_scale.astype(jnp.float32), (_EMBED,)
    )
    out4 = _run(idx3, weight, scale_vec)
    a = out4.reshape(_FIELDS, 2, _BC, 8, 128)
    b = a.transpose(2, 4, 0, 1, 3)
    return b.reshape(_BATCH, _FIELDS, _EMBED)

# --- scband reference (transcript-rebuilt; emitter-appended) ---
"""Pipeline reference for scband-qlv4-embedding-mod-38946763440163 (READ-ONLY COPY).

The authoritative reference and input builder live on the scoring server;
editing this copy changes nothing except your own understanding.
"""

import jax, jax.numpy as jnp
import numpy as np

VOCAB = 1000000
EMBED_DIM = 16
BATCH = 16384
N_FIELDS = 26
WEIGHT_SCALE = 0.05


def setup_inputs(seed: int = 0) -> dict:
    key = jax.random.key(seed)
    k1, k2 = jax.random.split(key)
    input_ids = jax.random.randint(k1, (BATCH, N_FIELDS), 0, VOCAB, dtype=jnp.int64)
    # quantized-stored weight (emulated as float32 values of an int8-range table)
    weight = jax.random.normal(k2, (VOCAB, EMBED_DIM), dtype=jnp.float32)
    weight_scale = jnp.asarray(WEIGHT_SCALE, dtype=jnp.float32)
    return {"input": input_ids, "weight": weight, "weight_scale": weight_scale}


def reference(input, weight, weight_scale):
    # weight_real_dtype == 'int8' path: _to_copy to float32, multiply by merged scale,
    # then _to_copy to emul_dtype (float32).  padding_idx=-1 -> plain embedding gather.
    w = weight.astype(jnp.float32)
    w = w * weight_scale
    w = w.astype(jnp.float32)
    out = jnp.take(w, input, axis=0)
    return out

if __name__ == "__main__":
    import jax
    _d = setup_inputs()
    print(jax.jit(kernel)(*tuple(_d.values())))

</pallas_src>

<mosaic_0001>
#map = affine_map<(d0, d1) -> (0, 0, 0)>
#map1 = affine_map<(d0, d1) -> (0, 0)>
#map2 = affine_map<(d0, d1) -> (0)>
#map3 = affine_map<(d0, d1) -> (0, 0, 0, 0)>
module attributes {stable_mosaic.version = 14 : i64} {
  func.func @_gather_body(%arg0: i32, %arg1: i32, %arg2: memref<26x128x128xi32, #tpu.memory_space<hbm>>, %arg3: memref<1000000x16xf32, #tpu.memory_space<hbm>>, %arg4: memref<16xf32, #tpu.memory_space<hbm>>, %arg5: memref<52x128x8x128xf32, #tpu.memory_space<hbm>>, %arg6: memref<26x4x128xi32, #tpu.memory_space<vmem>>, %arg7: memref<16xf32, #tpu.memory_space<vmem>>, %arg8: memref<512x16xf32, #tpu.memory_space<vmem>>, %arg9: memref<512x16xf32, #tpu.memory_space<vmem>>, %arg10: memref<512x16xf32, #tpu.memory_space<vmem>>, %arg11: memref<512x16xf32, #tpu.memory_space<vmem>>, %arg12: memref<16x512xf32, #tpu.memory_space<vmem>>, %arg13: memref<16x512xf32, #tpu.memory_space<vmem>>, %arg14: memref<16x512xf32, #tpu.memory_space<vmem>>, %arg15: memref<16x512xf32, #tpu.memory_space<vmem>>, %arg16: memref<!tpu.dma_semaphore, #tpu.memory_space<semaphore_mem>>, %arg17: memref<!tpu.dma_semaphore, #tpu.memory_space<semaphore_mem>>, %arg18: memref<!tpu.dma_semaphore, #tpu.memory_space<semaphore_mem>>, %arg19: memref<!tpu.dma_semaphore, #tpu.memory_space<semaphore_mem>>, %arg20: memref<!tpu.dma_semaphore, #tpu.memory_space<semaphore_mem>>, %arg21: memref<!tpu.dma_semaphore, #tpu.memory_space<semaphore_mem>>, %arg22: memref<!tpu.dma_semaphore, #tpu.memory_space<semaphore_mem>>, %arg23: memref<!tpu.dma_semaphore, #tpu.memory_space<semaphore_mem>>) attributes {dimension_semantics = [#tpu.dimension_semantics<core_parallel>, #tpu.dimension_semantics<subcore_parallel>], iteration_bounds = array<i64: 2, 16>, scalar_prefetch = 0 : i64, scratch_operands = 18 : i64, tpu.core_type = #tpu.core_type<sc_vector_subcore>, window_params = [{transform_indices = #map}, {transform_indices = #map1}, {transform_indices = #map2}, {transform_indices = #map3}]} {
    %mul3A = arith.constant 2 : i32
    %mul3A_0 = arith.muli %arg1, %mul3A : i32
    %add3A = arith.addi %mul3A_0, %arg0 : i32
    %mul3A_1 = arith.constant 4 : i32
    %mul3A_2 = arith.muli %add3A, %mul3A_1 : i32
    "tpu.region"() ({
      %run_scoped3A = tpu.sem_alloc : memref<!tpu.dma_semaphore, #tpu.memory_space<semaphore_mem>>
      %dma_start3A_650 = arith.constant 0 : i32
      %dma_start3A_651 = arith.constant 0 : i32
      %dma_start3A_652 = tpu.memref_slice %arg2[%dma_start3A_650, %mul3A_2, %dma_start3A_651] : memref<26x128x128xi32, #tpu.memory_space<hbm>> -> memref<26x4x128xi32, #tpu.memory_space<hbm>>
      %dma_start3A_653 = arith.constant 0 : i32
      %dma_start3A_654 = arith.constant 0 : i32
      %dma_start3A_655 = tpu.memref_slice %arg2[%dma_start3A_653, %mul3A_2, %dma_start3A_654] : memref<26x128x128xi32, #tpu.memory_space<hbm>> -> memref<26x4x128xi32, #tpu.memory_space<hbm>>
      tpu.enqueue_dma source(%dma_start3A_655 : memref<26x4x128xi32, #tpu.memory_space<hbm>>) target(%arg6 : memref<26x4x128xi32, #tpu.memory_space<vmem>>) target_semaphore(%run_scoped3A : memref<!tpu.dma_semaphore, #tpu.memory_space<semaphore_mem>>)
      %dma_wait3A_656 = arith.constant 0 : i32
      %dma_wait3A_657 = arith.constant 0 : i32
      %dma_wait3A_658 = tpu.memref_slice %arg2[%dma_wait3A_656, %mul3A_2, %dma_wait3A_657] : memref<26x128x128xi32, #tpu.memory_space<hbm>> -> memref<26x4x128xi32, #tpu.memory_space<hbm>>
      %dma_wait3A_659 = arith.constant 0 : i32
      %dma_wait3A_660 = arith.constant 0 : i32
      %dma_wait3A_661 = tpu.memref_slice %arg2[%dma_wait3A_659, %mul3A_2, %dma_wait3A_660] : memref<26x128x128xi32, #tpu.memory_space<hbm>> -> memref<26x4x128xi32, #tpu.memory_space<hbm>>
      tpu.wait_dma2 semaphore(%run_scoped3A : memref<!tpu.dma_semaphore, #tpu.memory_space<semaphore_mem>>) src(%dma_wait3A_661 : memref<26x4x128xi32, #tpu.memory_space<hbm>>) dst(%arg6 : memref<26x4x128xi32, #tpu.memory_space<vmem>>)
      tpu.yield
    }) : () -> ()
    "tpu.region"() ({
      %run_scoped3A = tpu.sem_alloc : memref<!tpu.dma_semaphore, #tpu.memory_space<semaphore_mem>>
      tpu.enqueue_dma source(%arg4 : memref<16xf32, #tpu.memory_space<hbm>>) target(%arg7 : memref<16xf32, #tpu.memory_space<vmem>>) target_semaphore(%run_scoped3A : memref<!tpu.dma_semaphore, #tpu.memory_space<semaphore_mem>>)
      tpu.wait_dma2 semaphore(%run_scoped3A : memref<!tpu.dma_semaphore, #tpu.memory_space<semaphore_mem>>) src(%arg4 : memref<16xf32, #tpu.memory_space<hbm>>) dst(%arg7 : memref<16xf32, #tpu.memory_space<vmem>>)
      tpu.yield
    }) : () -> ()
    %get3A = arith.constant 0 : index
    %get3A_3 = tpu.vector_load %arg7[%get3A] {strides = array<i32>} : memref<16xf32, #tpu.memory_space<vmem>>, vector<16xf32>,
    %iota3A = tpu.iota {dimensions = array<i32: 0>} : vector<16xi32>
    %dma_start3A = arith.constant 0 : i32
    %dma_start3A_4 = arith.constant 0 : i32
    %dma_start3A_5 = arith.constant 0 : i32
    %dma_start3A_6 = arith.constant 0 : i32
    %dma_start3A_7 = tpu.memref_slice %arg8[%dma_start3A_5, %dma_start3A_6] : memref<512x16xf32, #tpu.memory_space<vmem>> -> memref<128x16xf32, #tpu.memory_space<vmem>>
    %dma_start3A_8 = arith.constant 0 : i32
    %dma_start3A_9 = tpu.memref_slice %arg6[%dma_start3A, %dma_start3A_4, %dma_start3A_8] : memref<26x4x128xi32, #tpu.memory_space<vmem>> -> memref<1x1x128xi32, #tpu.memory_space<vmem>>
    %dma_start3A_10 = tpu.memref_squeeze %dma_start3A_9 : memref<1x1x128xi32, #tpu.memory_space<vmem>> -> memref<128xi32, #tpu.memory_space<vmem>>
    %dma_start3A_11 = arith.constant 0 : i32
    %dma_start3A_12 = arith.constant 0 : i32
    %dma_start3A_13 = tpu.memref_slice %arg3[%dma_start3A_11, %dma_start3A_12] : memref<1000000x16xf32, #tpu.memory_space<hbm>> -> memref<1000000x16xf32, #tpu.memory_space<hbm>>
    tpu.enqueue_indirect_dma source(%dma_start3A_13 : memref<1000000x16xf32, #tpu.memory_space<hbm>>) target(%dma_start3A_7 : memref<128x16xf32, #tpu.memory_space<vmem>>) offsets(%dma_start3A_10 : memref<128xi32, #tpu.memory_space<vmem>>) semaphore(%arg16 : memref<!tpu.dma_semaphore, #tpu.memory_space<semaphore_mem>>)
    %dma_start3A_14 = arith.constant 0 : i32
    %dma_start3A_15 = arith.constant 1 : i32
    %dma_start3A_16 = arith.constant 128 : i32
    %dma_start3A_17 = arith.constant 0 : i32
    %dma_start3A_18 = tpu.memref_slice %arg8[%dma_start3A_16, %dma_start3A_17] : memref<512x16xf32, #tpu.memory_space<vmem>> -> memref<128x16xf32, #tpu.memory_space<vmem>>
    %dma_start3A_19 = arith.constant 0 : i32
    %dma_start3A_20 = tpu.memref_slice %arg6[%dma_start3A_14, %dma_start3A_15, %dma_start3A_19] : memref<26x4x128xi32, #tpu.memory_space<vmem>> -> memref<1x1x128xi32, #tpu.memory_space<vmem>>
    %dma_start3A_21 = tpu.memref_squeeze %dma_start3A_20 : memref<1x1x128xi32, #tpu.memory_space<vmem>> -> memref<128xi32, #tpu.memory_space<vmem>>
    %dma_start3A_22 = arith.constant 0 : i32
    %dma_start3A_23 = arith.constant 0 : i32
    %dma_start3A_24 = tpu.memref_slice %arg3[%dma_start3A_22, %dma_start3A_23] : memref<1000000x16xf32, #tpu.memory_space<hbm>> -> memref<1000000x16xf32, #tpu.memory_space<hbm>>
    tpu.enqueue_indirect_dma source(%dma_start3A_24 : memref<1000000x16xf32, #tpu.memory_space<hbm>>) target(%dma_start3A_18 : memref<128x16xf32, #tpu.memory_space<vmem>>) offsets(%dma_start3A_21 : memref<128xi32, #tpu.memory_space<vmem>>) semaphore(%arg16 : memref<!tpu.dma_semaphore, #tpu.memory_space<semaphore_mem>>)
    %dma_start3A_25 = arith.constant 0 : i32
    %dma_start3A_26 = arith.constant 2 : i32
    %dma_start3A_27 = arith.constant 256 : i32
    %dma_start3A_28 = arith.constant 0 : i32
    %dma_start3A_29 = tpu.memref_slice %arg8[%dma_start3A_27, %dma_start3A_28] : memref<512x16xf32, #tpu.memory_space<vmem>> -> memref<128x16xf32, #tpu.memory_space<vmem>>
    %dma_start3A_30 = arith.constant 0 : i32
    %dma_start3A_31 = tpu.memref_slice %arg6[%dma_start3A_25, %dma_start3A_26, %dma_start3A_30] : memref<26x4x128xi32, #tpu.memory_space<vmem>> -> memref<1x1x128xi32, #tpu.memory_space<vmem>>
    %dma_start3A_32 = tpu.memref_squeeze %dma_start3A_31 : memref<1x1x128xi32, #tpu.memory_space<vmem>> -> memref<128xi32, #tpu.memory_space<vmem>>
    %dma_start3A_33 = arith.constant 0 : i32
    %dma_start3A_34 = arith.constant 0 : i32
    %dma_start3A_35 = tpu.memref_slice %arg3[%dma_start3A_33, %dma_start3A_34] : memref<1000000x16xf32, #tpu.memory_space<hbm>> -> memref<1000000x16xf32, #tpu.memory_space<hbm>>
    tpu.enqueue_indirect_dma source(%dma_start3A_35 : memref<1000000x16xf32, #tpu.memory_space<hbm>>) target(%dma_start3A_29 : memref<128x16xf32, #tpu.memory_space<vmem>>) offsets(%dma_start3A_32 : memref<128xi32, #tpu.memory_space<vmem>>) semaphore(%arg16 : memref<!tpu.dma_semaphore, #tpu.memory_space<semaphore_mem>>)
    %dma_start3A_36 = arith.constant 0 : i32
    %dma_start3A_37 = arith.constant 3 : i32
    %dma_start3A_38 = arith.constant 384 : i32
    %dma_start3A_39 = arith.constant 0 : i32
    %dma_start3A_40 = tpu.memref_slice %arg8[%dma_start3A_38, %dma_start3A_39] : memref<512x16xf32, #tpu.memory_space<vmem>> -> memref<128x16xf32, #tpu.memory_space<vmem>>
    %dma_start3A_41 = arith.constant 0 : i32
    %dma_start3A_42 = tpu.memref_slice %arg6[%dma_start3A_36, %dma_start3A_37, %dma_start3A_41] : memref<26x4x128xi32, #tpu.memory_space<vmem>> -> memref<1x1x128xi32, #tpu.memory_space<vmem>>
    %dma_start3A_43 = tpu.memref_squeeze %dma_start3A_42 : memref<1x1x128xi32, #tpu.memory_space<vmem>> -> memref<128xi32, #tpu.memory_space<vmem>>
    %dma_start3A_44 = arith.constant 0 : i32
    %dma_start3A_45 = arith.constant 0 : i32
    %dma_start3A_46 = tpu.memref_slice %arg3[%dma_start3A_44, %dma_start3A_45] : memref<1000000x16xf32, #tpu.memory_space<hbm>> -> memref<1000000x16xf32, #tpu.memory_space<hbm>>
    tpu.enqueue_indirect_dma source(%dma_start3A_46 : memref<1000000x16xf32, #tpu.memory_space<hbm>>) target(%dma_start3A_40 : memref<128x16xf32, #tpu.memory_space<vmem>>) offsets(%dma_start3A_43 : memref<128xi32, #tpu.memory_space<vmem>>) semaphore(%arg16 : memref<!tpu.dma_semaphore, #tpu.memory_space<semaphore_mem>>)
    %dma_start3A_47 = arith.constant 1 : i32
    %dma_start3A_48 = arith.constant 0 : i32
    %dma_start3A_49 = arith.constant 0 : i32
    %dma_start3A_50 = arith.constant 0 : i32
    %dma_start3A_51 = tpu.memref_slice %arg9[%dma_start3A_49, %dma_start3A_50] : memref<512x16xf32, #tpu.memory_space<vmem>> -> memref<128x16xf32, #tpu.memory_space<vmem>>
    %dma_start3A_52 = arith.constant 0 : i32
    %dma_start3A_53 = tpu.memref_slice %arg6[%dma_start3A_47, %dma_start3A_48, %dma_start3A_52] : memref<26x4x128xi32, #tpu.memory_space<vmem>> -> memref<1x1x128xi32, #tpu.memory_space<vmem>>
    %dma_start3A_54 = tpu.memref_squeeze %dma_start3A_53 : memref<1x1x128xi32, #tpu.memory_space<vmem>> -> memref<128xi32, #tpu.memory_space<vmem>>
    %dma_start3A_55 = arith.constant 0 : i32
    %dma_start3A_56 = arith.constant 0 : i32
    %dma_start3A_57 = tpu.memref_slice %arg3[%dma_start3A_55, %dma_start3A_56] : memref<1000000x16xf32, #tpu.memory_space<hbm>> -> memref<1000000x16xf32, #tpu.memory_space<hbm>>
    tpu.enqueue_indirect_dma source(%dma_start3A_57 : memref<1000000x16xf32, #tpu.memory_space<hbm>>) target(%dma_start3A_51 : memref<128x16xf32, #tpu.memory_space<vmem>>) offsets(%dma_start3A_54 : memref<128xi32, #tpu.memory_space<vmem>>) semaphore(%arg17 : memref<!tpu.dma_semaphore, #tpu.memory_space<semaphore_mem>>)
    %dma_start3A_58 = arith.constant 1 : i32
    %dma_start3A_59 = arith.constant 1 : i32
    %dma_start3A_60 = arith.constant 128 : i32
    %dma_start3A_61 = arith.constant 0 : i32
    %dma_start3A_62 = tpu.memref_slice %arg9[%dma_start3A_60, %dma_start3A_61] : memref<512x16xf32, #tpu.memory_space<vmem>> -> memref<128x16xf32, #tpu.memory_space<vmem>>
    %dma_start3A_63 = arith.constant 0 : i32
    %dma_start3A_64 = tpu.memref_slice %arg6[%dma_start3A_58, %dma_start3A_59, %dma_start3A_63] : memref<26x4x128xi32, #tpu.memory_space<vmem>> -> memref<1x1x128xi32, #tpu.memory_space<vmem>>
    %dma_start3A_65 = tpu.memref_squeeze %dma_start3A_64 : memref<1x1x128xi32, #tpu.memory_space<vmem>> -> memref<128xi32, #tpu.memory_space<vmem>>
    %dma_start3A_66 = arith.constant 0 : i32
    %dma_start3A_67 = arith.constant 0 : i32
    %dma_start3A_68 = tpu.memref_slice %arg3[%dma_start3A_66, %dma_start3A_67] : memref<1000000x16xf32, #tpu.memory_space<hbm>> -> memref<1000000x16xf32, #tpu.memory_space<hbm>>
    tpu.enqueue_indirect_dma source(%dma_start3A_68 : memref<1000000x16xf32, #tpu.memory_space<hbm>>) target(%dma_start3A_62 : memref<128x16xf32, #tpu.memory_space<vmem>>) offsets(%dma_start3A_65 : memref<128xi32, #tpu.memory_space<vmem>>) semaphore(%arg17 : memref<!tpu.dma_semaphore, #tpu.memory_space<semaphore_mem>>)
    %dma_start3A_69 = arith.constant 1 : i32
    %dma_start3A_70 = arith.constant 2 : i32
    %dma_start3A_71 = arith.constant 256 : i32
    %dma_start3A_72 = arith.constant 0 : i32
    %dma_start3A_73 = tpu.memref_slice %arg9[%dma_start3A_71, %dma_start3A_72] : memref<512x16xf32, #tpu.memory_space<vmem>> -> memref<128x16xf32, #tpu.memory_space<vmem>>
    %dma_start3A_74 = arith.constant 0 : i32
    %dma_start3A_75 = tpu.memref_slice %arg6[%dma_start3A_69, %dma_start3A_70, %dma_start3A_74] : memref<26x4x128xi32, #tpu.memory_space<vmem>> -> memref<1x1x128xi32, #tpu.memory_space<vmem>>
    %dma_start3A_76 = tpu.memref_squeeze %dma_start3A_75 : memref<1x1x128xi32, #tpu.memory_space<vmem>> -> memref<128xi32, #tpu.memory_space<vmem>>
    %dma_start3A_77 = arith.constant 0 : i32
    %dma_start3A_78 = arith.constant 0 : i32
    %dma_start3A_79 = tpu.memref_slice %arg3[%dma_start3A_77, %dma_start3A_78] : memref<1000000x16xf32, #tpu.memory_space<hbm>> -> memref<1000000x16xf32, #tpu.memory_space<hbm>>
    tpu.enqueue_indirect_dma source(%dma_start3A_79 : memref<1000000x16xf32, #tpu.memory_space<hbm>>) target(%dma_start3A_73 : memref<128x16xf32, #tpu.memory_space<vmem>>) offsets(%dma_start3A_76 : memref<128xi32, #tpu.memory_space<vmem>>) semaphore(%arg17 : memref<!tpu.dma_semaphore, #tpu.memory_space<semaphore_mem>>)
    %dma_start3A_80 = arith.constant 1 : i32
    %dma_start3A_81 = arith.constant 3 : i32
    %dma_start3A_82 = arith.constant 384 : i32
    %dma_start3A_83 = arith.constant 0 : i32
    %dma_start3A_84 = tpu.memref_slice %arg9[%dma_start3A_82, %dma_start3A_83] : memref<512x16xf32, #tpu.memory_space<vmem>> -> memref<128x16xf32, #tpu.memory_space<vmem>>
    %dma_start3A_85 = arith.constant 0 : i32
    %dma_start3A_86 = tpu.memref_slice %arg6[%dma_start3A_80, %dma_start3A_81, %dma_start3A_85] : memref<26x4x128xi32, #tpu.memory_space<vmem>> -> memref<1x1x128xi32, #tpu.memory_space<vmem>>
    %dma_start3A_87 = tpu.memref_squeeze %dma_start3A_86 : memref<1x1x128xi32, #tpu.memory_space<vmem>> -> memref<128xi32, #tpu.memory_space<vmem>>
    %dma_start3A_88 = arith.constant 0 : i32
    %dma_start3A_89 = arith.constant 0 : i32
    %dma_start3A_90 = tpu.memref_slice %arg3[%dma_start3A_88, %dma_start3A_89] : memref<1000000x16xf32, #tpu.memory_space<hbm>> -> memref<1000000x16xf32, #tpu.memory_space<hbm>>
    tpu.enqueue_indirect_dma source(%dma_start3A_90 : memref<1000000x16xf32, #tpu.memory_space<hbm>>) target(%dma_start3A_84 : memref<128x16xf32, #tpu.memory_space<vmem>>) offsets(%dma_start3A_87 : memref<128xi32, #tpu.memory_space<vmem>>) semaphore(%arg17 : memref<!tpu.dma_semaphore, #tpu.memory_space<semaphore_mem>>)
    %dma_start3A_91 = arith.constant 2 : i32
    %dma_start3A_92 = arith.constant 0 : i32
    %dma_start3A_93 = arith.constant 0 : i32
    %dma_start3A_94 = arith.constant 0 : i32
    %dma_start3A_95 = tpu.memref_slice %arg10[%dma_start3A_93, %dma_start3A_94] : memref<512x16xf32, #tpu.memory_space<vmem>> -> memref<128x16xf32, #tpu.memory_space<vmem>>
    %dma_start3A_96 = arith.constant 0 : i32
    %dma_start3A_97 = tpu.memref_slice %arg6[%dma_start3A_91, %dma_start3A_92, %dma_start3A_96] : memref<26x4x128xi32, #tpu.memory_space<vmem>> -> memref<1x1x128xi32, #tpu.memory_space<vmem>>
    %dma_start3A_98 = tpu.memref_squeeze %dma_start3A_97 : memref<1x1x128xi32, #tpu.memory_space<vmem>> -> memref<128xi32, #tpu.memory_space<vmem>>
    %dma_start3A_99 = arith.constant 0 : i32
    %dma_start3A_100 = arith.constant 0 : i32
    %dma_start3A_101 = tpu.memref_slice %arg3[%dma_start3A_99, %dma_start3A_100] : memref<1000000x16xf32, #tpu.memory_space<hbm>> -> memref<1000000x16xf32, #tpu.memory_space<hbm>>
    tpu.enqueue_indirect_dma source(%dma_start3A_101 : memref<1000000x16xf32, #tpu.memory_space<hbm>>) target(%dma_start3A_95 : memref<128x16xf32, #tpu.memory_space<vmem>>) offsets(%dma_start3A_98 : memref<128xi32, #tpu.memory_space<vmem>>) semaphore(%arg18 : memref<!tpu.dma_semaphore, #tpu.memory_space<semaphore_mem>>)
    %dma_start3A_102 = arith.constant 2 : i32
    %dma_start3A_103 = arith.constant 1 : i32
    %dma_start3A_104 = arith.constant 128 : i32
    %dma_start3A_105 = arith.constant 0 : i32
    %dma_start3A_106 = tpu.memref_slice %arg10[%dma_start3A_104, %dma_start3A_105] : memref<512x16xf32, #tpu.memory_space<vmem>> -> memref<128x16xf32, #tpu.memory_space<vmem>>
    %dma_start3A_107 = arith.constant 0 : i32
    %dma_start3A_108 = tpu.memref_slice %arg6[%dma_start3A_102, %dma_start3A_103, %dma_start3A_107] : memref<26x4x128xi32, #tpu.memory_space<vmem>> -> memref<1x1x128xi32, #tpu.memory_space<vmem>>
    %dma_start3A_109 = tpu.memref_squeeze %dma_start3A_108 : memref<1x1x128xi32, #tpu.memory_space<vmem>> -> memref<128xi32, #tpu.memory_space<vmem>>
    %dma_start3A_110 = arith.constant 0 : i32
    %dma_start3A_111 = arith.constant 0 : i32
    %dma_start3A_112 = tpu.memref_slice %arg3[%dma_start3A_110, %dma_start3A_111] : memref<1000000x16xf32, #tpu.memory_space<hbm>> -> memref<1000000x16xf32, #tpu.memory_space<hbm>>
    tpu.enqueue_indirect_dma source(%dma_start3A_112 : memref<1000000x16xf32, #tpu.memory_space<hbm>>) target(%dma_start3A_106 : memref<128x16xf32, #tpu.memory_space<vmem>>) offsets(%dma_start3A_109 : memref<128xi32, #tpu.memory_space<vmem>>) semaphore(%arg18 : memref<!tpu.dma_semaphore, #tpu.memory_space<semaphore_mem>>)
    %dma_start3A_113 = arith.constant 2 : i32
    %dma_start3A_114 = arith.constant 2 : i32
    %dma_start3A_115 = arith.constant 256 : i32
    %dma_start3A_116 = arith.constant 0 : i32
    %dma_start3A_117 = tpu.memref_slice %arg10[%dma_start3A_115, %dma_start3A_116] : memref<512x16xf32, #tpu.memory_space<vmem>> -> memref<128x16xf32, #tpu.memory_space<vmem>>
    %dma_start3A_118 = arith.constant 0 : i32
    %dma_start3A_119 = tpu.memref_slice %arg6[%dma_start3A_113, %dma_start3A_114, %dma_start3A_118] : memref<26x4x128xi32, #tpu.memory_space<vmem>> -> memref<1x1x128xi32, #tpu.memory_space<vmem>>
    %dma_start3A_120 = tpu.memref_squeeze %dma_start3A_119 : memref<1x1x128xi32, #tpu.memory_space<vmem>> -> memref<128xi32, #tpu.memory_space<vmem>>
    %dma_start3A_121 = arith.constant 0 : i32
    %dma_start3A_122 = arith.constant 0 : i32
    %dma_start3A_123 = tpu.memref_slice %arg3[%dma_start3A_121, %dma_start3A_122] : memref<1000000x16xf32, #tpu.memory_space<hbm>> -> memref<1000000x16xf32, #tpu.memory_space<hbm>>
    tpu.enqueue_indirect_dma source(%dma_start3A_123 : memref<1000000x16xf32, #tpu.memory_space<hbm>>) target(%dma_start3A_117 : memref<128x16xf32, #tpu.memory_space<vmem>>) offsets(%dma_start3A_120 : memref<128xi32, #tpu.memory_space<vmem>>) semaphore(%arg18 : memref<!tpu.dma_semaphore, #tpu.memory_space<semaphore_mem>>)
    %dma_start3A_124 = arith.constant 2 : i32
    %dma_start3A_125 = arith.constant 3 : i32
    %dma_start3A_126 = arith.constant 384 : i32
    %dma_start3A_127 = arith.constant 0 : i32
    %dma_start3A_128 = tpu.memref_slice %arg10[%dma_start3A_126, %dma_start3A_127] : memref<512x16xf32, #tpu.memory_space<vmem>> -> memref<128x16xf32, #tpu.memory_space<vmem>>
    %dma_start3A_129 = arith.constant 0 : i32
    %dma_start3A_130 = tpu.memref_slice %arg6[%dma_start3A_124, %dma_start3A_125, %dma_start3A_129] : memref<26x4x128xi32, #tpu.memory_space<vmem>> -> memref<1x1x128xi32, #tpu.memory_space<vmem>>
    %dma_start3A_131 = tpu.memref_squeeze %dma_start3A_130 : memref<1x1x128xi32, #tpu.memory_space<vmem>> -> memref<128xi32, #tpu.memory_space<vmem>>
    %dma_start3A_132 = arith.constant 0 : i32
    %dma_start3A_133 = arith.constant 0 : i32
    %dma_start3A_134 = tpu.memref_slice %arg3[%dma_start3A_132, %dma_start3A_133] : memref<1000000x16xf32, #tpu.memory_space<hbm>> -> memref<1000000x16xf32, #tpu.memory_space<hbm>>
    tpu.enqueue_indirect_dma source(%dma_start3A_134 : memref<1000000x16xf32, #tpu.memory_space<hbm>>) target(%dma_start3A_128 : memref<128x16xf32, #tpu.memory_space<vmem>>) offsets(%dma_start3A_131 : memref<128xi32, #tpu.memory_space<vmem>>) semaphore(%arg18 : memref<!tpu.dma_semaphore, #tpu.memory_space<semaphore_mem>>)
    %scan3A = arith.constant 0 : i32
    %scan3A_135 = arith.constant 7 : i32
    %scan3A_136 = arith.addi %scan3A, %scan3A_135 : i32
    %scan3A_137 = arith.constant 1 : i32
    scf.for %scan3A_650 = %scan3A to %scan3A_136 step %scan3A_137  : i32 {
      %mul3A_651 = arith.constant 4 : i32
      %mul3A_652 = arith.muli %mul3A_651, %scan3A_650 : i32
      %add3A_653 = arith.constant 0 : i32
      %add3A_654 = arith.addi %mul3A_652, %add3A_653 : i32
      %lt3A = arith.constant 26 : i32
      %lt3A_655 = arith.cmpi slt, %add3A_654, %lt3A : i32
      %convert_element_type3A = arith.extui %lt3A_655 : i1 to i32
      %cond3A = arith.constant 0 : i32
      %cond3A_656 = arith.cmpi ne, %convert_element_type3A, %cond3A : i32
      scf.if %cond3A_656 {
        %dma_wait3A_684 = arith.constant 0 : i32
        %dma_wait3A_685 = arith.constant 0 : i32
        %dma_wait3A_686 = arith.constant 0 : i32
        %dma_wait3A_687 = arith.constant 0 : i32
        %dma_wait3A_688 = tpu.memref_slice %arg8[%dma_wait3A_686, %dma_wait3A_687] : memref<512x16xf32, #tpu.memory_space<vmem>> -> memref<128x16xf32, #tpu.memory_space<vmem>>
        %dma_wait3A_689 = arith.constant 0 : i32
        %dma_wait3A_690 = tpu.memref_slice %arg6[%dma_wait3A_684, %dma_wait3A_685, %dma_wait3A_689] : memref<26x4x128xi32, #tpu.memory_space<vmem>> -> memref<1x1x128xi32, #tpu.memory_space<vmem>>
        %dma_wait3A_691 = tpu.memref_squeeze %dma_wait3A_690 : memref<1x1x128xi32, #tpu.memory_space<vmem>> -> memref<128xi32, #tpu.memory_space<vmem>>
        %dma_wait3A_692 = arith.constant 0 : i32
        %dma_wait3A_693 = arith.constant 0 : i32
        %dma_wait3A_694 = tpu.memref_slice %arg3[%dma_wait3A_692, %dma_wait3A_693] : memref<1000000x16xf32, #tpu.memory_space<hbm>> -> memref<1000000x16xf32, #tpu.memory_space<hbm>>
        tpu.wait_indirect_dma semaphore(%arg16 : memref<!tpu.dma_semaphore, #tpu.memory_space<semaphore_mem>>) src(%dma_wait3A_694 : memref<1000000x16xf32, #tpu.memory_space<hbm>>) dst(%dma_wait3A_688 : memref<128x16xf32, #tpu.memory_space<vmem>>)
        %dma_wait3A_695 = arith.constant 0 : i32
        %dma_wait3A_696 = arith.constant 0 : i32
        %dma_wait3A_697 = arith.constant 128 : i32
        %dma_wait3A_698 = arith.constant 0 : i32
        %dma_wait3A_699 = tpu.memref_slice %arg8[%dma_wait3A_697, %dma_wait3A_698] : memref<512x16xf32, #tpu.memory_space<vmem>> -> memref<128x16xf32, #tpu.memory_space<vmem>>
        %dma_wait3A_700 = arith.constant 0 : i32
        %dma_wait3A_701 = tpu.memref_slice %arg6[%dma_wait3A_695, %dma_wait3A_696, %dma_wait3A_700] : memref<26x4x128xi32, #tpu.memory_space<vmem>> -> memref<1x1x128xi32, #tpu.memory_space<vmem>>
        %dma_wait3A_702 = tpu.memref_squeeze %dma_wait3A_701 : memref<1x1x128xi32, #tpu.memory_space<vmem>> -> memref<128xi32, #tpu.memory_space<vmem>>
        %dma_wait3A_703 = arith.constant 0 : i32
        %dma_wait3A_704 = arith.constant 0 : i32
        %dma_wait3A_705 = tpu.memref_slice %arg3[%dma_wait3A_703, %dma_wait3A_704] : memref<1000000x16xf32, #tpu.memory_space<hbm>> -> memref<1000000x16xf32, #tpu.memory_space<hbm>>
        tpu.wait_indirect_dma semaphore(%arg16 : memref<!tpu.dma_semaphore, #tpu.memory_space<semaphore_mem>>) src(%dma_wait3A_705 : memref<1000000x16xf32, #tpu.memory_space<hbm>>) dst(%dma_wait3A_699 : memref<128x16xf32, #tpu.memory_space<vmem>>)
        %dma_wait3A_706 = arith.constant 0 : i32
        %dma_wait3A_707 = arith.constant 0 : i32
        %dma_wait3A_708 = arith.constant 256 : i32
        %dma_wait3A_709 = arith.constant 0 : i32
        %dma_wait3A_710 = tpu.memref_slice %arg8[%dma_wait3A_708, %dma_wait3A_709] : memref<512x16xf32, #tpu.memory_space<vmem>> -> memref<128x16xf32, #tpu.memory_space<vmem>>
        %dma_wait3A_711 = arith.constant 0 : i32
        %dma_wait3A_712 = tpu.memref_slice %arg6[%dma_wait3A_706, %dma_wait3A_707, %dma_wait3A_711] : memref<26x4x128xi32, #tpu.memory_space<vmem>> -> memref<1x1x128xi32, #tpu.memory_space<vmem>>
        %dma_wait3A_713 = tpu.memref_squeeze %dma_wait3A_712 : memref<1x1x128xi32, #tpu.memory_space<vmem>> -> memref<128xi32, #tpu.memory_space<vmem>>
        %dma_wait3A_714 = arith.constant 0 : i32
        %dma_wait3A_715 = arith.constant 0 : i32
        %dma_wait3A_716 = tpu.memref_slice %arg3[%dma_wait3A_714, %dma_wait3A_715] : memref<1000000x16xf32, #tpu.memory_space<hbm>> -> memref<1000000x16xf32, #tpu.memory_space<hbm>>
        tpu.wait_indirect_dma semaphore(%arg16 : memref<!tpu.dma_semaphore, #tpu.memory_space<semaphore_mem>>) src(%dma_wait3A_716 : memref<1000000x16xf32, #tpu.memory_space<hbm>>) dst(%dma_wait3A_710 : memref<128x16xf32, #tpu.memory_space<vmem>>)
        %dma_wait3A_717 = arith.constant 0 : i32
        %dma_wait3A_718 = arith.constant 0 : i32
        %dma_wait3A_719 = arith.constant 384 : i32
        %dma_wait3A_720 = arith.constant 0 : i32
        %dma_wait3A_721 = tpu.memref_slice %arg8[%dma_wait3A_719, %dma_wait3A_720] : memref<512x16xf32, #tpu.memory_space<vmem>> -> memref<128x16xf32, #tpu.memory_space<vmem>>
        %dma_wait3A_722 = arith.constant 0 : i32
        %dma_wait3A_723 = tpu.memref_slice %arg6[%dma_wait3A_717, %dma_wait3A_718, %dma_wait3A_722] : memref<26x4x128xi32, #tpu.memory_space<vmem>> -> memref<1x1x128xi32, #tpu.memory_space<vmem>>
        %dma_wait3A_724 = tpu.memref_squeeze %dma_wait3A_723 : memref<1x1x128xi32, #tpu.memory_space<vmem>> -> memref<128xi32, #tpu.memory_space<vmem>>
        %dma_wait3A_725 = arith.constant 0 : i32
        %dma_wait3A_726 = arith.constant 0 : i32
        %dma_wait3A_727 = tpu.memref_slice %arg3[%dma_wait3A_725, %dma_wait3A_726] : memref<1000000x16xf32, #tpu.memory_space<hbm>> -> memref<1000000x16xf32, #tpu.memory_space<hbm>>
        tpu.wait_indirect_dma semaphore(%arg16 : memref<!tpu.dma_semaphore, #tpu.memory_space<semaphore_mem>>) src(%dma_wait3A_727 : memref<1000000x16xf32, #tpu.memory_space<hbm>>) dst(%dma_wait3A_721 : memref<128x16xf32, #tpu.memory_space<vmem>>)
        %add3A_728 = arith.constant 3 : i32
        %add3A_729 = arith.addi %add3A_654, %add3A_728 : i32
        %lt3A_730 = arith.constant 26 : i32
        %lt3A_731 = arith.cmpi slt, %add3A_729, %lt3A_730 : i32
        %convert_element_type3A_732 = arith.extui %lt3A_731 : i1 to i32
        %cond3A_733 = arith.constant 0 : i32
        %cond3A_734 = arith.cmpi ne, %convert_element_type3A_732, %cond3A_733 : i32
        scf.if %cond3A_734 {
          %add3A_917 = arith.constant 3 : i32
          %add3A_918 = arith.addi %add3A_654, %add3A_917 : i32
          %dma_start3A_919 = arith.constant 0 : i32
          %dma_start3A_920 = arith.constant 0 : i32
          %dma_start3A_921 = arith.constant 0 : i32
          %dma_start3A_922 = tpu.memref_slice %arg11[%dma_start3A_920, %dma_start3A_921] : memref<512x16xf32, #tpu.memory_space<vmem>> -> memref<128x16xf32, #tpu.memory_space<vmem>>
          %dma_start3A_923 = arith.constant 0 : i32
          %dma_start3A_924 = tpu.memref_slice %arg6[%add3A_918, %dma_start3A_919, %dma_start3A_923] : memref<26x4x128xi32, #tpu.memory_space<vmem>> -> memref<1x1x128xi32, #tpu.memory_space<vmem>>
          %dma_start3A_925 = tpu.memref_squeeze %dma_start3A_924 : memref<1x1x128xi32, #tpu.memory_space<vmem>> -> memref<128xi32, #tpu.memory_space<vmem>>
          %dma_start3A_926 = arith.constant 0 : i32
          %dma_start3A_927 = arith.constant 0 : i32
          %dma_start3A_928 = tpu.memref_slice %arg3[%dma_start3A_926, %dma_start3A_927] : memref<1000000x16xf32, #tpu.memory_space<hbm>> -> memref<1000000x16xf32, #tpu.memory_space<hbm>>
          tpu.enqueue_indirect_dma source(%dma_start3A_928 : memref<1000000x16xf32, #tpu.memory_space<hbm>>) target(%dma_start3A_922 : memref<128x16xf32, #tpu.memory_space<vmem>>) offsets(%dma_start3A_925 : memref<128xi32, #tpu.memory_space<vmem>>) semaphore(%arg19 : memref<!tpu.dma_semaphore, #tpu.memory_space<semaphore_mem>>)
          %dma_start3A_929 = arith.constant 1 : i32
          %dma_start3A_930 = arith.constant 128 : i32
          %dma_start3A_931 = arith.constant 0 : i32
          %dma_start3A_932 = tpu.memref_slice %arg11[%dma_start3A_930, %dma_start3A_931] : memref<512x16xf32, #tpu.memory_space<vmem>> -> memref<128x16xf32, #tpu.memory_space<vmem>>
          %dma_start3A_933 = arith.constant 0 : i32
          %dma_start3A_934 = tpu.memref_slice %arg6[%add3A_918, %dma_start3A_929, %dma_start3A_933] : memref<26x4x128xi32, #tpu.memory_space<vmem>> -> memref<1x1x128xi32, #tpu.memory_space<vmem>>
          %dma_start3A_935 = tpu.memref_squeeze %dma_start3A_934 : memref<1x1x128xi32, #tpu.memory_space<vmem>> -> memref<128xi32, #tpu.memory_space<vmem>>
          %dma_start3A_936 = arith.constant 0 : i32
          %dma_start3A_937 = arith.constant 0 : i32
          %dma_start3A_938 = tpu.memref_slice %arg3[%dma_start3A_936, %dma_start3A_937] : memref<1000000x16xf32, #tpu.memory_space<hbm>> -> memref<1000000x16xf32, #tpu.memory_space<hbm>>
          tpu.enqueue_indirect_dma source(%dma_start3A_938 : memref<1000000x16xf32, #tpu.memory_space<hbm>>) target(%dma_start3A_932 : memref<128x16xf32, #tpu.memory_space<vmem>>) offsets(%dma_start3A_935 : memref<128xi32, #tpu.memory_space<vmem>>) semaphore(%arg19 : memref<!tpu.dma_semaphore, #tpu.memory_space<semaphore_mem>>)
          %dma_start3A_939 = arith.constant 2 : i32
          %dma_start3A_940 = arith.constant 256 : i32
          %dma_start3A_941 = arith.constant 0 : i32
          %dma_start3A_942 = tpu.memref_slice %arg11[%dma_start3A_940, %dma_start3A_941] : memref<512x16xf32, #tpu.memory_space<vmem>> -> memref<128x16xf32, #tpu.memory_space<vmem>>
          %dma_start3A_943 = arith.constant 0 : i32
          %dma_start3A_944 = tpu.memref_slice %arg6[%add3A_918, %dma_start3A_939, %dma_start3A_943] : memref<26x4x128xi32, #tpu.memory_space<vmem>> -> memref<1x1x128xi32, #tpu.memory_space<vmem>>
          %dma_start3A_945 = tpu.memref_squeeze %dma_start3A_944 : memref<1x1x128xi32, #tpu.memory_space<vmem>> -> memref<128xi32, #tpu.memory_space<vmem>>
          %dma_start3A_946 = arith.constant 0 : i32
          %dma_start3A_947 = arith.constant 0 : i32
          %dma_start3A_948 = tpu.memref_slice %arg3[%dma_start3A_946, %dma_start3A_947] : memref<1000000x16xf32, #tpu.memory_space<hbm>> -> memref<1000000x16xf32, #tpu.memory_space<hbm>>
          tpu.enqueue_indirect_dma source(%dma_start3A_948 : memref<1000000x16xf32, #tpu.memory_space<hbm>>) target(%dma_start3A_942 : memref<128x16xf32, #tpu.memory_space<vmem>>) offsets(%dma_start3A_945 : memref<128xi32, #tpu.memory_space<vmem>>) semaphore(%arg19 : memref<!tpu.dma_semaphore, #tpu.memory_space<semaphore_mem>>)
          %dma_start3A_949 = arith.constant 3 : i32
          %dma_start3A_950 = arith.constant 384 : i32
          %dma_start3A_951 = arith.constant 0 : i32
          %dma_start3A_952 = tpu.memref_slice %arg11[%dma_start3A_950, %dma_start3A_951] : memref<512x16xf32, #tpu.memory_space<vmem>> -> memref<128x16xf32, #tpu.memory_space<vmem>>
          %dma_start3A_953 = arith.constant 0 : i32
          %dma_start3A_954 = tpu.memref_slice %arg6[%add3A_918, %dma_start3A_949, %dma_start3A_953] : memref<26x4x128xi32, #tpu.memory_space<vmem>> -> memref<1x1x128xi32, #tpu.memory_space<vmem>>
          %dma_start3A_955 = tpu.memref_squeeze %dma_start3A_954 : memref<1x1x128xi32, #tpu.memory_space<vmem>> -> memref<128xi32, #tpu.memory_space<vmem>>
          %dma_start3A_956 = arith.constant 0 : i32
          %dma_start3A_957 = arith.constant 0 : i32
          %dma_start3A_958 = tpu.memref_slice %arg3[%dma_start3A_956, %dma_start3A_957] : memref<1000000x16xf32, #tpu.memory_space<hbm>> -> memref<1000000x16xf32, #tpu.memory_space<hbm>>
          tpu.enqueue_indirect_dma source(%dma_start3A_958 : memref<1000000x16xf32, #tpu.memory_space<hbm>>) target(%dma_start3A_952 : memref<128x16xf32, #tpu.memory_space<vmem>>) offsets(%dma_start3A_955 : memref<128xi32, #tpu.memory_space<vmem>>) semaphore(%arg19 : memref<!tpu.dma_semaphore, #tpu.memory_space<semaphore_mem>>)
        } else {
        }
        %ge3A = arith.constant 4 : i32
        %ge3A_735 = arith.cmpi sge, %add3A_654, %ge3A : i32
        %convert_element_type3A_736 = arith.extui %ge3A_735 : i1 to i32
        %cond3A_737 = arith.constant 0 : i32
        %cond3A_738 = arith.cmpi ne, %convert_element_type3A_736, %cond3A_737 : i32
        scf.if %cond3A_738 {
          %dma_wait3A_917 = arith.constant 0 : i32
          %dma_wait3A_918 = arith.constant 0 : i32
          %dma_wait3A_919 = arith.constant 0 : i32
          %dma_wait3A_920 = arith.constant 0 : i32
          %dma_wait3A_921 = tpu.memref_slice %arg12[%dma_wait3A_919, %dma_wait3A_920] : memref<16x512xf32, #tpu.memory_space<vmem>> -> memref<8x128xf32, #tpu.memory_space<vmem>>
          %dma_wait3A_922 = arith.constant 0 : i32
          %dma_wait3A_923 = arith.constant 0 : i32
          %dma_wait3A_924 = tpu.memref_slice %arg5[%dma_wait3A_917, %dma_wait3A_918, %dma_wait3A_922, %dma_wait3A_923] : memref<52x128x8x128xf32, #tpu.memory_space<hbm>> -> memref<1x1x8x128xf32, #tpu.memory_space<hbm>>
          %dma_wait3A_925 = tpu.memref_squeeze %dma_wait3A_924 : memref<1x1x8x128xf32, #tpu.memory_space<hbm>> -> memref<8x128xf32, #tpu.memory_space<hbm>>
          %dma_wait3A_926 = arith.constant 0 : i32
          %dma_wait3A_927 = arith.constant 0 : i32
          %dma_wait3A_928 = tpu.memref_slice %arg5[%dma_wait3A_917, %dma_wait3A_918, %dma_wait3A_926, %dma_wait3A_927] : memref<52x128x8x128xf32, #tpu.memory_space<hbm>> -> memref<1x1x8x128xf32, #tpu.memory_space<hbm>>
          %dma_wait3A_929 = tpu.memref_squeeze %dma_wait3A_928 : memref<1x1x8x128xf32, #tpu.memory_space<hbm>> -> memref<8x128xf32, #tpu.memory_space<hbm>>
          %dma_wait3A_930 = arith.constant 0 : i32
          %dma_wait3A_931 = arith.constant 0 : i32
          %dma_wait3A_932 = tpu.memref_slice %arg12[%dma_wait3A_930, %dma_wait3A_931] : memref<16x512xf32, #tpu.memory_space<vmem>> -> memref<8x128xf32, #tpu.memory_space<vmem>>
          tpu.wait_dma2 semaphore(%arg20 : memref<!tpu.dma_semaphore, #tpu.memory_space<semaphore_mem>>) src(%dma_wait3A_932 : memref<8x128xf32, #tpu.memory_space<vmem>>) dst(%dma_wait3A_929 : memref<8x128xf32, #tpu.memory_space<hbm>>)
          %dma_wait3A_933 = arith.constant 0 : i32
          %dma_wait3A_934 = arith.constant 0 : i32
          %dma_wait3A_935 = arith.constant 0 : i32
          %dma_wait3A_936 = arith.constant 0 : i32
          %dma_wait3A_937 = tpu.memref_slice %arg12[%dma_wait3A_935, %dma_wait3A_936] : memref<16x512xf32, #tpu.memory_space<vmem>> -> memref<8x128xf32, #tpu.memory_space<vmem>>
          %dma_wait3A_938 = arith.constant 0 : i32
          %dma_wait3A_939 = arith.constant 0 : i32
          %dma_wait3A_940 = tpu.memref_slice %arg5[%dma_wait3A_933, %dma_wait3A_934, %dma_wait3A_938, %dma_wait3A_939] : memref<52x128x8x128xf32, #tpu.memory_space<hbm>> -> memref<1x1x8x128xf32, #tpu.memory_space<hbm>>
          %dma_wait3A_941 = tpu.memref_squeeze %dma_wait3A_940 : memref<1x1x8x128xf32, #tpu.memory_space<hbm>> -> memref<8x128xf32, #tpu.memory_space<hbm>>
          %dma_wait3A_942 = arith.constant 0 : i32
          %dma_wait3A_943 = arith.constant 0 : i32
          %dma_wait3A_944 = tpu.memref_slice %arg5[%dma_wait3A_933, %dma_wait3A_934, %dma_wait3A_942, %dma_wait3A_943] : memref<52x128x8x128xf32, #tpu.memory_space<hbm>> -> memref<1x1x8x128xf32, #tpu.memory_space<hbm>>
          %dma_wait3A_945 = tpu.memref_squeeze %dma_wait3A_944 : memref<1x1x8x128xf32, #tpu.memory_space<hbm>> -> memref<8x128xf32, #tpu.memory_space<hbm>>
          %dma_wait3A_946 = arith.constant 0 : i32
          %dma_wait3A_947 = arith.constant 0 : i32
          %dma_wait3A_948 = tpu.memref_slice %arg12[%dma_wait3A_946, %dma_wait3A_947] : memref<16x512xf32, #tpu.memory_space<vmem>> -> memref<8x128xf32, #tpu.memory_space<vmem>>
          tpu.wait_dma2 semaphore(%arg20 : memref<!tpu.dma_semaphore, #tpu.memory_space<semaphore_mem>>) src(%dma_wait3A_948 : memref<8x128xf32, #tpu.memory_space<vmem>>) dst(%dma_wait3A_945 : memref<8x128xf32, #tpu.memory_space<hbm>>)
          %dma_wait3A_949 = arith.constant 0 : i32
          %dma_wait3A_950 = arith.constant 0 : i32
          %dma_wait3A_951 = arith.constant 0 : i32
          %dma_wait3A_952 = arith.constant 0 : i32
          %dma_wait3A_953 = tpu.memref_slice %arg12[%dma_wait3A_951, %dma_wait3A_952] : memref<16x512xf32, #tpu.memory_space<vmem>> -> memref<8x128xf32, #tpu.memory_space<vmem>>
          %dma_wait3A_954 = arith.constant 0 : i32
          %dma_wait3A_955 = arith.constant 0 : i32
          %dma_wait3A_956 = tpu.memref_slice %arg5[%dma_wait3A_949, %dma_wait3A_950, %dma_wait3A_954, %dma_wait3A_955] : memref<52x128x8x128xf32, #tpu.memory_space<hbm>> -> memref<1x1x8x128xf32, #tpu.memory_space<hbm>>
          %dma_wait3A_957 = tpu.memref_squeeze %dma_wait3A_956 : memref<1x1x8x128xf32, #tpu.memory_space<hbm>> -> memref<8x128xf32, #tpu.memory_space<hbm>>
          %dma_wait3A_958 = arith.constant 0 : i32
          %dma_wait3A_959 = arith.constant 0 : i32
          %dma_wait3A_960 = tpu.memref_slice %arg5[%dma_wait3A_949, %dma_wait3A_950, %dma_wait3A_958, %dma_wait3A_959] : memref<52x128x8x128xf32, #tpu.memory_space<hbm>> -> memref<1x1x8x128xf32, #tpu.memory_space<hbm>>
          %dma_wait3A_961 = tpu.memref_squeeze %dma_wait3A_960 : memref<1x1x8x128xf32, #tpu.memory_space<hbm>> -> memref<8x128xf32, #tpu.memory_space<hbm>>
          %dma_wait3A_962 = arith.constant 0 : i32
          %dma_wait3A_963 = arith.constant 0 : i32
          %dma_wait3A_964 = tpu.memref_slice %arg12[%dma_wait3A_962, %dma_wait3A_963] : memref<16x512xf32, #tpu.memory_space<vmem>> -> memref<8x128xf32, #tpu.memory_space<vmem>>
          tpu.wait_dma2 semaphore(%arg20 : memref<!tpu.dma_semaphore, #tpu.memory_space<semaphore_mem>>) src(%dma_wait3A_964 : memref<8x128xf32, #tpu.memory_space<vmem>>) dst(%dma_wait3A_961 : memref<8x128xf32, #tpu.memory_space<hbm>>)
          %dma_wait3A_965 = arith.constant 0 : i32
          %dma_wait3A_966 = arith.constant 0 : i32
          %dma_wait3A_967 = arith.constant 0 : i32
          %dma_wait3A_968 = arith.constant 0 : i32
          %dma_wait3A_969 = tpu.memref_slice %arg12[%dma_wait3A_967, %dma_wait3A_968] : memref<16x512xf32, #tpu.memory_space<vmem>> -> memref<8x128xf32, #tpu.memory_space<vmem>>
          %dma_wait3A_970 = arith.constant 0 : i32
          %dma_wait3A_971 = arith.constant 0 : i32
          %dma_wait3A_972 = tpu.memref_slice %arg5[%dma_wait3A_965, %dma_wait3A_966, %dma_wait3A_970, %dma_wait3A_971] : memref<52x128x8x128xf32, #tpu.memory_space<hbm>> -> memref<1x1x8x128xf32, #tpu.memory_space<hbm>>
          %dma_wait3A_973 = tpu.memref_squeeze %dma_wait3A_972 : memref<1x1x8x128xf32, #tpu.memory_space<hbm>> -> memref<8x128xf32, #tpu.memory_space<hbm>>
          %dma_wait3A_974 = arith.constant 0 : i32
          %dma_wait3A_975 = arith.constant 0 : i32
          %dma_wait3A_976 = tpu.memref_slice %arg5[%dma_wait3A_965, %dma_wait3A_966, %dma_wait3A_974, %dma_wait3A_975] : memref<52x128x8x128xf32, #tpu.memory_space<hbm>> -> memref<1x1x8x128xf32, #tpu.memory_space<hbm>>
          %dma_wait3A_977 = tpu.memref_squeeze %dma_wait3A_976 : memref<1x1x8x128xf32, #tpu.memory_space<hbm>> -> memref<8x128xf32, #tpu.memory_space<hbm>>
          %dma_wait3A_978 = arith.constant 0 : i32
          %dma_wait3A_979 = arith.constant 0 : i32
          %dma_wait3A_980 = tpu.memref_slice %arg12[%dma_wait3A_978, %dma_wait3A_979] : memref<16x512xf32, #tpu.memory_space<vmem>> -> memref<8x128xf32, #tpu.memory_space<vmem>>
          tpu.wait_dma2 semaphore(%arg20 : memref<!tpu.dma_semaphore, #tpu.memory_space<semaphore_mem>>) src(%dma_wait3A_980 : memref<8x128xf32, #tpu.memory_space<vmem>>) dst(%dma_wait3A_977 : memref<8x128xf32, #tpu.memory_space<hbm>>)
          %dma_wait3A_981 = arith.constant 0 : i32
          %dma_wait3A_982 = arith.constant 0 : i32
          %dma_wait3A_983 = arith.constant 0 : i32
          %dma_wait3A_984 = arith.constant 0 : i32
          %dma_wait3A_985 = tpu.memref_slice %arg12[%dma_wait3A_983, %dma_wait3A_984] : memref<16x512xf32, #tpu.memory_space<vmem>> -> memref<8x128xf32, #tpu.memory_space<vmem>>
          %dma_wait3A_986 = arith.constant 0 : i32
          %dma_wait3A_987 = arith.constant 0 : i32
          %dma_wait3A_988 = tpu.memref_slice %arg5[%dma_wait3A_981, %dma_wait3A_982, %dma_wait3A_986, %dma_wait3A_987] : memref<52x128x8x128xf32, #tpu.memory_space<hbm>> -> memref<1x1x8x128xf32, #tpu.memory_space<hbm>>
          %dma_wait3A_989 = tpu.memref_squeeze %dma_wait3A_988 : memref<1x1x8x128xf32, #tpu.memory_space<hbm>> -> memref<8x128xf32, #tpu.memory_space<hbm>>
          %dma_wait3A_990 = arith.constant 0 : i32
          %dma_wait3A_991 = arith.constant 0 : i32
          %dma_wait3A_992 = tpu.memref_slice %arg5[%dma_wait3A_981, %dma_wait3A_982, %dma_wait3A_990, %dma_wait3A_991] : memref<52x128x8x128xf32, #tpu.memory_space<hbm>> -> memref<1x1x8x128xf32, #tpu.memory_space<hbm>>
          %dma_wait3A_993 = tpu.memref_squeeze %dma_wait3A_992 : memref<1x1x8x128xf32, #tpu.memory_space<hbm>> -> memref<8x128xf32, #tpu.memory_space<hbm>>
          %dma_wait3A_994 = arith.constant 0 : i32
          %dma_wait3A_995 = arith.constant 0 : i32
          %dma_wait3A_996 = tpu.memref_slice %arg12[%dma_wait3A_994, %dma_wait3A_995] : memref<16x512xf32, #tpu.memory_space<vmem>> -> memref<8x128xf32, #tpu.memory_space<vmem>>
          tpu.wait_dma2 semaphore(%arg20 : memref<!tpu.dma_semaphore, #tpu.memory_space<semaphore_mem>>) src(%dma_wait3A_996 : memref<8x128xf32, #tpu.memory_space<vmem>>) dst(%dma_wait3A_993 : memref<8x128xf32, #tpu.memory_space<hbm>>)
          %dma_wait3A_997 = arith.constant 0 : i32
          %dma_wait3A_998 = arith.constant 0 : i32
          %dma_wait3A_999 = arith.constant 0 : i32
          %dma_wait3A_1000 = arith.constant 0 : i32
          %dma_wait3A_1001 = tpu.memref_slice %arg12[%dma_wait3A_999, %dma_wait3A_1000] : memref<16x512xf32, #tpu.memory_space<vmem>> -> memref<8x128xf32, #tpu.memory_space<vmem>>
          %dma_wait3A_1002 = arith.constant 0 : i32
          %dma_wait3A_1003 = arith.constant 0 : i32
          %dma_wait3A_1004 = tpu.memref_slice %arg5[%dma_wait3A_997, %dma_wait3A_998, %dma_wait3A_1002, %dma_wait3A_1003] : memref<52x128x8x128xf32, #tpu.memory_space<hbm>> -> memref<1x1x8x128xf32, #tpu.memory_space<hbm>>
          %dma_wait3A_1005 = tpu.memref_squeeze %dma_wait3A_1004 : memref<1x1x8x128xf32, #tpu.memory_space<hbm>> -> memref<8x128xf32, #tpu.memory_space<hbm>>
          %dma_wait3A_1006 = arith.constant 0 : i32
          %dma_wait3A_1007 = arith.constant 0 : i32
          %dma_wait3A_1008 = tpu.memref_slice %arg5[%dma_wait3A_997, %dma_wait3A_998, %dma_wait3A_1006, %dma_wait3A_1007] : memref<52x128x8x128xf32, #tpu.memory_space<hbm>> -> memref<1x1x8x128xf32, #tpu.memory_space<hbm>>
          %dma_wait3A_1009 = tpu.memref_squeeze %dma_wait3A_1008 : memref<1x1x8x128xf32, #tpu.memory_space<hbm>> -> memref<8x128xf32, #tpu.memory_space<hbm>>
          %dma_wait3A_1010 = arith.constant 0 : i32
          %dma_wait3A_1011 = arith.constant 0 : i32
          %dma_wait3A_1012 = tpu.memref_slice %arg12[%dma_wait3A_1010, %dma_wait3A_1011] : memref<16x512xf32, #tpu.memory_space<vmem>> -> memref<8x128xf32, #tpu.memory_space<vmem>>
          tpu.wait_dma2 semaphore(%arg20 : memref<!tpu.dma_semaphore, #tpu.memory_space<semaphore_mem>>) src(%dma_wait3A_1012 : memref<8x128xf32, #tpu.memory_space<vmem>>) dst(%dma_wait3A_1009 : memref<8x128xf32, #tpu.memory_space<hbm>>)
          %dma_wait3A_1013 = arith.constant 0 : i32
          %dma_wait3A_1014 = arith.constant 0 : i32
          %dma_wait3A_1015 = arith.constant 0 : i32
          %dma_wait3A_1016 = arith.constant 0 : i32
          %dma_wait3A_1017 = tpu.memref_slice %arg12[%dma_wait3A_1015, %dma_wait3A_1016] : memref<16x512xf32, #tpu.memory_space<vmem>> -> memref<8x128xf32, #tpu.memory_space<vmem>>
          %dma_wait3A_1018 = arith.constant 0 : i32
          %dma_wait3A_1019 = arith.constant 0 : i32
          %dma_wait3A_1020 = tpu.memref_slice %arg5[%dma_wait3A_1013, %dma_wait3A_1014, %dma_wait3A_1018, %dma_wait3A_1019] : memref<52x128x8x128xf32, #tpu.memory_space<hbm>> -> memref<1x1x8x128xf32, #tpu.memory_space<hbm>>
          %dma_wait3A_1021 = tpu.memref_squeeze %dma_wait3A_1020 : memref<1x1x8x128xf32, #tpu.memory_space<hbm>> -> memref<8x128xf32, #tpu.memory_space<hbm>>
          %dma_wait3A_1022 = arith.constant 0 : i32
          %dma_wait3A_1023 = arith.constant 0 : i32
          %dma_wait3A_1024 = tpu.memref_slice %arg5[%dma_wait3A_1013, %dma_wait3A_1014, %dma_wait3A_1022, %dma_wait3A_1023] : memref<52x128x8x128xf32, #tpu.memory_space<hbm>> -> memref<1x1x8x128xf32, #tpu.memory_space<hbm>>
          %dma_wait3A_1025 = tpu.memref_squeeze %dma_wait3A_1024 : memref<1x1x8x128xf32, #tpu.memory_space<hbm>> -> memref<8x128xf32, #tpu.memory_space<hbm>>
          %dma_wait3A_1026 = arith.constant 0 : i32
          %dma_wait3A_1027 = arith.constant 0 : i32
          %dma_wait3A_1028 = tpu.memref_slice %arg12[%dma_wait3A_1026, %dma_wait3A_1027] : memref<16x512xf32, #tpu.memory_space<vmem>> -> memref<8x128xf32, #tpu.memory_space<vmem>>
          tpu.wait_dma2 semaphore(%arg20 : memref<!tpu.dma_semaphore, #tpu.memory_space<semaphore_mem>>) src(%dma_wait3A_1028 : memref<8x128xf32, #tpu.memory_space<vmem>>) dst(%dma_wait3A_1025 : memref<8x128xf32, #tpu.memory_space<hbm>>)
          %dma_wait3A_1029 = arith.constant 0 : i32
          %dma_wait3A_1030 = arith.constant 0 : i32
          %dma_wait3A_1031 = arith.constant 0 : i32
          %dma_wait3A_1032 = arith.constant 0 : i32
          %dma_wait3A_1033 = tpu.memref_slice %arg12[%dma_wait3A_1031, %dma_wait3A_1032] : memref<16x512xf32, #tpu.memory_space<vmem>> -> memref<8x128xf32, #tpu.memory_space<vmem>>
          %dma_wait3A_1034 = arith.constant 0 : i32
          %dma_wait3A_1035 = arith.constant 0 : i32
          %dma_wait3A_1036 = tpu.memref_slice %arg5[%dma_wait3A_1029, %dma_wait3A_1030, %dma_wait3A_1034, %dma_wait3A_1035] : memref<52x128x8x128xf32, #tpu.memory_space<hbm>> -> memref<1x1x8x128xf32, #tpu.memory_space<hbm>>
          %dma_wait3A_1037 = tpu.memref_squeeze %dma_wait3A_1036 : memref<1x1x8x128xf32, #tpu.memory_space<hbm>> -> memref<8x128xf32, #tpu.memory_space<hbm>>
          %dma_wait3A_1038 = arith.constant 0 : i32
          %dma_wait3A_1039 = arith.constant 0 : i32
          %dma_wait3A_1040 = tpu.memref_slice %arg5[%dma_wait3A_1029, %dma_wait3A_1030, %dma_wait3A_1038, %dma_wait3A_1039] : memref<52x128x8x128xf32, #tpu.memory_space<hbm>> -> memref<1x1x8x128xf32, #tpu.memory_space<hbm>>
          %dma_wait3A_1041 = tpu.memref_squeeze %dma_wait3A_1040 : memref<1x1x8x128xf32, #tpu.memory_space<hbm>> -> memref<8x128xf32, #tpu.memory_space<hbm>>
          %dma_wait3A_1042 = arith.constant 0 : i32
          %dma_wait3A_1043 = arith.constant 0 : i32
          %dma_wait3A_1044 = tpu.memref_slice %arg12[%dma_wait3A_1042, %dma_wait3A_1043] : memref<16x512xf32, #tpu.memory_space<vmem>> -> memref<8x128xf32, #tpu.memory_space<vmem>>
          tpu.wait_dma2 semaphore(%arg20 : memref<!tpu.dma_semaphore, #tpu.memory_space<semaphore_mem>>) src(%dma_wait3A_1044 : memref<8x128xf32, #tpu.memory_space<vmem>>) dst(%dma_wait3A_1041 : memref<8x128xf32, #tpu.memory_space<hbm>>)
        } else {
        }
        %parallel_loop3A = arith.constant 0 : i32
        %parallel_loop3A_739 = arith.constant 512 : i32
        %parallel_loop3A_740 = arith.constant 1 : i32
        scf.for %parallel_loop3A_917 = %parallel_loop3A to %parallel_loop3A_739 step %parallel_loop3A_740  : i32 {
          %parallel_loop3A_918 = arith.constant 15 : i32
          %parallel_loop3A_919 = arith.andi %parallel_loop3A_917, %parallel_loop3A_918 : i32
          %parallel_loop3A_920 = arith.constant 4 : i32
          %parallel_loop3A_921 = arith.shrsi %parallel_loop3A_917, %parallel_loop3A_920 : i32
          %parallel_loop3A_922 = arith.constant 16 : i32
          %parallel_loop3A_923 = arith.muli %parallel_loop3A_921, %parallel_loop3A_922 : i32
          %parallel_loop3A_924 = vector.broadcast %parallel_loop3A_923 : i32 to vector<16xi32>
          %parallel_loop3A_925 = arith.addi %parallel_loop3A_924, %iota3A : vector<16xi32>
          %parallel_loop3A_926 = vector.broadcast %parallel_loop3A_919 : i32 to vector<16xi32>
          %parallel_loop3A_927 = tpu.vector_load_idx %arg8[%parallel_loop3A_925, %parallel_loop3A_926] : memref<512x16xf32, #tpu.memory_space<vmem>>[vector<16xi32>, vector<16xi32>], vector<16xf32>,
          %parallel_loop3A_928 = arith.mulf %parallel_loop3A_927, %get3A_3 : vector<16xf32>
          %parallel_loop3A_929 = arith.constant 16 : i32
          %parallel_loop3A_930 = arith.muli %parallel_loop3A_921, %parallel_loop3A_929 : i32
          %parallel_loop3A_931 = arith.index_cast %parallel_loop3A_919 : i32 to index
          %parallel_loop3A_932 = arith.index_cast %parallel_loop3A_930 : i32 to index
          %parallel_loop3A_933 = tpu.vector_load %arg12[%parallel_loop3A_931, %parallel_loop3A_932] {strides = array<i32>} : memref<16x512xf32, #tpu.memory_space<vmem>>, vector<16xf32>,
          tpu.vector_store %arg12[%parallel_loop3A_931, %parallel_loop3A_932], %parallel_loop3A_928 {strides = array<i32>} : memref<16x512xf32, #tpu.memory_space<vmem>>, vector<16xf32>,
        } {sc.loop_unroll_factor = 16 : i64, sc.parallel_access}
        %mul3A_741 = arith.constant 2 : i32
        %mul3A_742 = arith.muli %mul3A_741, %add3A_654 : i32
        %add3A_743 = arith.constant 0 : i32
        %add3A_744 = arith.addi %mul3A_742, %add3A_743 : i32
        %mul3A_745 = arith.constant 4 : i32
        %mul3A_746 = arith.muli %add3A, %mul3A_745 : i32
        %add3A_747 = arith.constant 0 : i32
        %add3A_748 = arith.addi %mul3A_746, %add3A_747 : i32
        %dma_start3A_749 = arith.constant 0 : i32
        %dma_start3A_750 = arith.constant 0 : i32
        %dma_start3A_751 = tpu.memref_slice %arg12[%dma_start3A_749, %dma_start3A_750] : memref<16x512xf32, #tpu.memory_space<vmem>> -> memref<8x128xf32, #tpu.memory_space<vmem>>
        %dma_start3A_752 = arith.constant 0 : i32
        %dma_start3A_753 = arith.constant 0 : i32
        %dma_start3A_754 = tpu.memref_slice %arg5[%add3A_744, %add3A_748, %dma_start3A_752, %dma_start3A_753] : memref<52x128x8x128xf32, #tpu.memory_space<hbm>> -> memref<1x1x8x128xf32, #tpu.memory_space<hbm>>
        %dma_start3A_755 = tpu.memref_squeeze %dma_start3A_754 : memref<1x1x8x128xf32, #tpu.memory_space<hbm>> -> memref<8x128xf32, #tpu.memory_space<hbm>>
        %dma_start3A_756 = arith.constant 0 : i32
        %dma_start3A_757 = arith.constant 0 : i32
        %dma_start3A_758 = tpu.memref_slice %arg5[%add3A_744, %add3A_748, %dma_start3A_756, %dma_start3A_757] : memref<52x128x8x128xf32, #tpu.memory_space<hbm>> -> memref<1x1x8x128xf32, #tpu.memory_space<hbm>>
        %dma_start3A_759 = tpu.memref_squeeze %dma_start3A_758 : memref<1x1x8x128xf32, #tpu.memory_space<hbm>> -> memref<8x128xf32, #tpu.memory_space<hbm>>
        %dma_start3A_760 = arith.constant 0 : i32
        %dma_start3A_761 = arith.constant 0 : i32
        %dma_start3A_762 = tpu.memref_slice %arg12[%dma_start3A_760, %dma_start3A_761] : memref<16x512xf32, #tpu.memory_space<vmem>> -> memref<8x128xf32, #tpu.memory_space<vmem>>
        tpu.enqueue_dma source(%dma_start3A_762 : memref<8x128xf32, #tpu.memory_space<vmem>>) target(%dma_start3A_759 : memref<8x128xf32, #tpu.memory_space<hbm>>) target_semaphore(%arg20 : memref<!tpu.dma_semaphore, #tpu.memory_space<semaphore_mem>>)
        %mul3A_763 = arith.constant 2 : i32
        %mul3A_764 = arith.muli %mul3A_763, %add3A_654 : i32
        %add3A_765 = arith.constant 0 : i32
        %add3A_766 = arith.addi %mul3A_764, %add3A_765 : i32
        %mul3A_767 = arith.constant 4 : i32
        %mul3A_768 = arith.muli %add3A, %mul3A_767 : i32
        %add3A_769 = arith.constant 1 : i32
        %add3A_770 = arith.addi %mul3A_768, %add3A_769 : i32
        %dma_start3A_771 = arith.constant 0 : i32
        %dma_start3A_772 = arith.constant 128 : i32
        %dma_start3A_773 = tpu.memref_slice %arg12[%dma_start3A_771, %dma_start3A_772] : memref<16x512xf32, #tpu.memory_space<vmem>> -> memref<8x128xf32, #tpu.memory_space<vmem>>
        %dma_start3A_774 = arith.constant 0 : i32
        %dma_start3A_775 = arith.constant 0 : i32
        %dma_start3A_776 = tpu.memref_slice %arg5[%add3A_766, %add3A_770, %dma_start3A_774, %dma_start3A_775] : memref<52x128x8x128xf32, #tpu.memory_space<hbm>> -> memref<1x1x8x128xf32, #tpu.memory_space<hbm>>
        %dma_start3A_777 = tpu.memref_squeeze %dma_start3A_776 : memref<1x1x8x128xf32, #tpu.memory_space<hbm>> -> memref<8x128xf32, #tpu.memory_space<hbm>>
        %dma_start3A_778 = arith.constant 0 : i32
        %dma_start3A_779 = arith.constant 0 : i32
        %dma_start3A_780 = tpu.memref_slice %arg5[%add3A_766, %add3A_770, %dma_start3A_778, %dma_start3A_779] : memref<52x128x8x128xf32, #tpu.memory_space<hbm>> -> memref<1x1x8x128xf32, #tpu.memory_space<hbm>>
        %dma_start3A_781 = tpu.memref_squeeze %dma_start3A_780 : memref<1x1x8x128xf32, #tpu.memory_space<hbm>> -> memref<8x128xf32, #tpu.memory_space<hbm>>
        %dma_start3A_782 = arith.constant 0 : i32
        %dma_start3A_783 = arith.constant 128 : i32
        %dma_start3A_784 = tpu.memref_slice %arg12[%dma_start3A_782, %dma_start3A_783] : memref<16x512xf32, #tpu.memory_space<vmem>> -> memref<8x128xf32, #tpu.memory_space<vmem>>
        tpu.enqueue_dma source(%dma_start3A_784 : memref<8x128xf32, #tpu.memory_space<vmem>>) target(%dma_start3A_781 : memref<8x128xf32, #tpu.memory_space<hbm>>) target_semaphore(%arg20 : memref<!tpu.dma_semaphore, #tpu.memory_space<semaphore_mem>>)
        %mul3A_785 = arith.constant 2 : i32
        %mul3A_786 = arith.muli %mul3A_785, %add3A_654 : i32
        %add3A_787 = arith.constant 0 : i32
        %add3A_788 = arith.addi %mul3A_786, %add3A_787 : i32
        %mul3A_789 = arith.constant 4 : i32
        %mul3A_790 = arith.muli %add3A, %mul3A_789 : i32
        %add3A_791 = arith.constant 2 : i32
        %add3A_792 = arith.addi %mul3A_790, %add3A_791 : i32
        %dma_start3A_793 = arith.constant 0 : i32
        %dma_start3A_794 = arith.constant 256 : i32
        %dma_start3A_795 = tpu.memref_slice %arg12[%dma_start3A_793, %dma_start3A_794] : memref<16x512xf32, #tpu.memory_space<vmem>> -> memref<8x128xf32, #tpu.memory_space<vmem>>
        %dma_start3A_796 = arith.constant 0 : i32
        %dma_start3A_797 = arith.constant 0 : i32
        %dma_start3A_798 = tpu.memref_slice %arg5[%add3A_788, %add3A_792, %dma_start3A_796, %dma_start3A_797] : memref<52x128x8x128xf32, #tpu.memory_space<hbm>> -> memref<1x1x8x128xf32, #tpu.memory_space<hbm>>
        %dma_start3A_799 = tpu.memref_squeeze %dma_start3A_798 : memref<1x1x8x128xf32, #tpu.memory_space<hbm>> -> memref<8x128xf32, #tpu.memory_space<hbm>>
        %dma_start3A_800 = arith.constant 0 : i32
        %dma_start3A_801 = arith.constant 0 : i32
        %dma_start3A_802 = tpu.memref_slice %arg5[%add3A_788, %add3A_792, %dma_start3A_800, %dma_start3A_801] : memref<52x128x8x128xf32, #tpu.memory_space<hbm>> -> memref<1x1x8x128xf32, #tpu.memory_space<hbm>>
        %dma_start3A_803 = tpu.memref_squeeze %dma_start3A_802 : memref<1x1x8x128xf32, #tpu.memory_space<hbm>> -> memref<8x128xf32, #tpu.memory_space<hbm>>
        %dma_start3A_804 = arith.constant 0 : i32
        %dma_start3A_805 = arith.constant 256 : i32
        %dma_start3A_806 = tpu.memref_slice %arg12[%dma_start3A_804, %dma_start3A_805] : memref<16x512xf32, #tpu.memory_space<vmem>> -> memref<8x128xf32, #tpu.memory_space<vmem>>
        tpu.enqueue_dma source(%dma_start3A_806 : memref<8x128xf32, #tpu.memory_space<vmem>>) target(%dma_start3A_803 : memref<8x128xf32, #tpu.memory_space<hbm>>) target_semaphore(%arg20 : memref<!tpu.dma_semaphore, #tpu.memory_space<semaphore_mem>>)
        %mul3A_807 = arith.constant 2 : i32
        %mul3A_808 = arith.muli %mul3A_807, %add3A_654 : i32
        %add3A_809 = arith.constant 0 : i32
        %add3A_810 = arith.addi %mul3A_808, %add3A_809 : i32
        %mul3A_811 = arith.constant 4 : i32
        %mul3A_812 = arith.muli %add3A, %mul3A_811 : i32
        %add3A_813 = arith.constant 3 : i32
        %add3A_814 = arith.addi %mul3A_812, %add3A_813 : i32
        %dma_start3A_815 = arith.constant 0 : i32
        %dma_start3A_816 = arith.constant 384 : i32
        %dma_start3A_817 = tpu.memref_slice %arg12[%dma_start3A_815, %dma_start3A_816] : memref<16x512xf32, #tpu.memory_space<vmem>> -> memref<8x128xf32, #tpu.memory_space<vmem>>
        %dma_start3A_818 = arith.constant 0 : i32
        %dma_start3A_819 = arith.constant 0 : i32
        %dma_start3A_820 = tpu.memref_slice %arg5[%add3A_810, %add3A_814, %dma_start3A_818, %dma_start3A_819] : memref<52x128x8x128xf32, #tpu.memory_space<hbm>> -> memref<1x1x8x128xf32, #tpu.memory_space<hbm>>
        %dma_start3A_821 = tpu.memref_squeeze %dma_start3A_820 : memref<1x1x8x128xf32, #tpu.memory_space<hbm>> -> memref<8x128xf32, #tpu.memory_space<hbm>>
        %dma_start3A_822 = arith.constant 0 : i32
        %dma_start3A_823 = arith.constant 0 : i32
        %dma_start3A_824 = tpu.memref_slice %arg5[%add3A_810, %add3A_814, %dma_start3A_822, %dma_start3A_823] : memref<52x128x8x128xf32, #tpu.memory_space<hbm>> -> memref<1x1x8x128xf32, #tpu.memory_space<hbm>>
        %dma_start3A_825 = tpu.memref_squeeze %dma_start3A_824 : memref<1x1x8x128xf32, #tpu.memory_space<hbm>> -> memref<8x128xf32, #tpu.memory_space<hbm>>
        %dma_start3A_826 = arith.constant 0 : i32
        %dma_start3A_827 = arith.constant 384 : i32
        %dma_start3A_828 = tpu.memref_slice %arg12[%dma_start3A_826, %dma_start3A_827] : memref<16x512xf32, #tpu.memory_space<vmem>> -> memref<8x128xf32, #tpu.memory_space<vmem>>
        tpu.enqueue_dma source(%dma_start3A_828 : memref<8x128xf32, #tpu.memory_space<vmem>>) target(%dma_start3A_825 : memref<8x128xf32, #tpu.memory_space<hbm>>) target_semaphore(%arg20 : memref<!tpu.dma_semaphore, #tpu.memory_space<semaphore_mem>>)
        %mul3A_829 = arith.constant 2 : i32
        %mul3A_830 = arith.muli %mul3A_829, %add3A_654 : i32
        %add3A_831 = arith.constant 1 : i32
        %add3A_832 = arith.addi %mul3A_830, %add3A_831 : i32
        %mul3A_833 = arith.constant 4 : i32
        %mul3A_834 = arith.muli %add3A, %mul3A_833 : i32
        %add3A_835 = arith.constant 0 : i32
        %add3A_836 = arith.addi %mul3A_834, %add3A_835 : i32
        %dma_start3A_837 = arith.constant 8 : i32
        %dma_start3A_838 = arith.constant 0 : i32
        %dma_start3A_839 = tpu.memref_slice %arg12[%dma_start3A_837, %dma_start3A_838] : memref<16x512xf32, #tpu.memory_space<vmem>> -> memref<8x128xf32, #tpu.memory_space<vmem>>
        %dma_start3A_840 = arith.constant 0 : i32
        %dma_start3A_841 = arith.constant 0 : i32
        %dma_start3A_842 = tpu.memref_slice %arg5[%add3A_832, %add3A_836, %dma_start3A_840, %dma_start3A_841] : memref<52x128x8x128xf32, #tpu.memory_space<hbm>> -> memref<1x1x8x128xf32, #tpu.memory_space<hbm>>
        %dma_start3A_843 = tpu.memref_squeeze %dma_start3A_842 : memref<1x1x8x128xf32, #tpu.memory_space<hbm>> -> memref<8x128xf32, #tpu.memory_space<hbm>>
        %dma_start3A_844 = arith.constant 0 : i32
        %dma_start3A_845 = arith.constant 0 : i32
        %dma_start3A_846 = tpu.memref_slice %arg5[%add3A_832, %add3A_836, %dma_start3A_844, %dma_start3A_845] : memref<52x128x8x128xf32, #tpu.memory_space<hbm>> -> memref<1x1x8x128xf32, #tpu.memory_space<hbm>>
        %dma_start3A_847 = tpu.memref_squeeze %dma_start3A_846 : memref<1x1x8x128xf32, #tpu.memory_space<hbm>> -> memref<8x128xf32, #tpu.memory_space<hbm>>
        %dma_start3A_848 = arith.constant 8 : i32
        %dma_start3A_849 = arith.constant 0 : i32
        %dma_start3A_850 = tpu.memref_slice %arg12[%dma_start3A_848, %dma_start3A_849] : memref<16x512xf32, #tpu.memory_space<vmem>> -> memref<8x128xf32, #tpu.memory_space<vmem>>
        tpu.enqueue_dma source(%dma_start3A_850 : memref<8x128xf32, #tpu.memory_space<vmem>>) target(%dma_start3A_847 : memref<8x128xf32, #tpu.memory_space<hbm>>) target_semaphore(%arg20 : memref<!tpu.dma_semaphore, #tpu.memory_space<semaphore_mem>>)
        %mul3A_851 = arith.constant 2 : i32
        %mul3A_852 = arith.muli %mul3A_851, %add3A_654 : i32
        %add3A_853 = arith.constant 1 : i32
        %add3A_854 = arith.addi %mul3A_852, %add3A_853 : i32
        %mul3A_855 = arith.constant 4 : i32
        %mul3A_856 = arith.muli %add3A, %mul3A_855 : i32
        %add3A_857 = arith.constant 1 : i32
        %add3A_858 = arith.addi %mul3A_856, %add3A_857 : i32
        %dma_start3A_859 = arith.constant 8 : i32
        %dma_start3A_860 = arith.constant 128 : i32
        %dma_start3A_861 = tpu.memref_slice %arg12[%dma_start3A_859, %dma_start3A_860] : memref<16x512xf32, #tpu.memory_space<vmem>> -> memref<8x128xf32, #tpu.memory_space<vmem>>
        %dma_start3A_862 = arith.constant 0 : i32
        %dma_start3A_863 = arith.constant 0 : i32
        %dma_start3A_864 = tpu.memref_slice %arg5[%add3A_854, %add3A_858, %dma_start3A_862, %dma_start3A_863] : memref<52x128x8x128xf32, #tpu.memory_space<hbm>> -> memref<1x1x8x128xf32, #tpu.memory_space<hbm>>
        %dma_start3A_865 = tpu.memref_squeeze %dma_start3A_864 : memref<1x1x8x128xf32, #tpu.memory_space<hbm>> -> memref<8x128xf32, #tpu.memory_space<hbm>>
        %dma_start3A_866 = arith.constant 0 : i32
        %dma_start3A_867 = arith.constant 0 : i32
        %dma_start3A_868 = tpu.memref_slice %arg5[%add3A_854, %add3A_858, %dma_start3A_866, %dma_start3A_867] : memref<52x128x8x128xf32, #tpu.memory_space<hbm>> -> memref<1x1x8x128xf32, #tpu.memory_space<hbm>>
        %dma_start3A_869 = tpu.memref_squeeze %dma_start3A_868 : memref<1x1x8x128xf32, #tpu.memory_space<hbm>> -> memref<8x128xf32, #tpu.memory_space<hbm>>
        %dma_start3A_870 = arith.constant 8 : i32
        %dma_start3A_871 = arith.constant 128 : i32
        %dma_start3A_872 = tpu.memref_slice %arg12[%dma_start3A_870, %dma_start3A_871] : memref<16x512xf32, #tpu.memory_space<vmem>> -> memref<8x128xf32, #tpu.memory_space<vmem>>
        tpu.enqueue_dma source(%dma_start3A_872 : memref<8x128xf32, #tpu.memory_space<vmem>>) target(%dma_start3A_869 : memref<8x128xf32, #tpu.memory_space<hbm>>) target_semaphore(%arg20 : memref<!tpu.dma_semaphore, #tpu.memory_space<semaphore_mem>>)
        %mul3A_873 = arith.constant 2 : i32
        %mul3A_874 = arith.muli %mul3A_873, %add3A_654 : i32
        %add3A_875 = arith.constant 1 : i32
        %add3A_876 = arith.addi %mul3A_874, %add3A_875 : i32
        %mul3A_877 = arith.constant 4 : i32
        %mul3A_878 = arith.muli %add3A, %mul3A_877 : i32
        %add3A_879 = arith.constant 2 : i32
        %add3A_880 = arith.addi %mul3A_878, %add3A_879 : i32
        %dma_start3A_881 = arith.constant 8 : i32
        %dma_start3A_882 = arith.constant 256 : i32
        %dma_start3A_883 = tpu.memref_slice %arg12[%dma_start3A_881, %dma_start3A_882] : memref<16x512xf32, #tpu.memory_space<vmem>> -> memref<8x128xf32, #tpu.memory_space<vmem>>
        %dma_start3A_884 = arith.constant 0 : i32
        %dma_start3A_885 = arith.constant 0 : i32
        %dma_start3A_886 = tpu.memref_slice %arg5[%add3A_876, %add3A_880, %dma_start3A_884, %dma_start3A_885] : memref<52x128x8x128xf32, #tpu.memory_space<hbm>> -> memref<1x1x8x128xf32, #tpu.memory_space<hbm>>
        %dma_start3A_887 = tpu.memref_squeeze %dma_start3A_886 : memref<1x1x8x128xf32, #tpu.memory_space<hbm>> -> memref<8x128xf32, #tpu.memory_space<hbm>>
        %dma_start3A_888 = arith.constant 0 : i32
        %dma_start3A_889 = arith.constant 0 : i32
        %dma_start3A_890 = tpu.memref_slice %arg5[%add3A_876, %add3A_880, %dma_start3A_888, %dma_start3A_889] : memref<52x128x8x128xf32, #tpu.memory_space<hbm>> -> memref<1x1x8x128xf32, #tpu.memory_space<hbm>>
        %dma_start3A_891 = tpu.memref_squeeze %dma_start3A_890 : memref<1x1x8x128xf32, #tpu.memory_space<hbm>> -> memref<8x128xf32, #tpu.memory_space<hbm>>
        %dma_start3A_892 = arith.constant 8 : i32
        %dma_start3A_893 = arith.constant 256 : i32
        %dma_start3A_894 = tpu.memref_slice %arg12[%dma_start3A_892, %dma_start3A_893] : memref<16x512xf32, #tpu.memory_space<vmem>> -> memref<8x128xf32, #tpu.memory_space<vmem>>
        tpu.enqueue_dma source(%dma_start3A_894 : memref<8x128xf32, #tpu.memory_space<vmem>>) target(%dma_start3A_891 : memref<8x128xf32, #tpu.memory_space<hbm>>) target_semaphore(%arg20 : memref<!tpu.dma_semaphore, #tpu.memory_space<semaphore_mem>>)
        %mul3A_895 = arith.constant 2 : i32
        %mul3A_896 = arith.muli %mul3A_895, %add3A_654 : i32
        %add3A_897 = arith.constant 1 : i32
        %add3A_898 = arith.addi %mul3A_896, %add3A_897 : i32
        %mul3A_899 = arith.constant 4 : i32
        %mul3A_900 = arith.muli %add3A, %mul3A_899 : i32
        %add3A_901 = arith.constant 3 : i32
        %add3A_902 = arith.addi %mul3A_900, %add3A_901 : i32
        %dma_start3A_903 = arith.constant 8 : i32
        %dma_start3A_904 = arith.constant 384 : i32
        %dma_start3A_905 = tpu.memref_slice %arg12[%dma_start3A_903, %dma_start3A_904] : memref<16x512xf32, #tpu.memory_space<vmem>> -> memref<8x128xf32, #tpu.memory_space<vmem>>
        %dma_start3A_906 = arith.constant 0 : i32
        %dma_start3A_907 = arith.constant 0 : i32
        %dma_start3A_908 = tpu.memref_slice %arg5[%add3A_898, %add3A_902, %dma_start3A_906, %dma_start3A_907] : memref<52x128x8x128xf32, #tpu.memory_space<hbm>> -> memref<1x1x8x128xf32, #tpu.memory_space<hbm>>
        %dma_start3A_909 = tpu.memref_squeeze %dma_start3A_908 : memref<1x1x8x128xf32, #tpu.memory_space<hbm>> -> memref<8x128xf32, #tpu.memory_space<hbm>>
        %dma_start3A_910 = arith.constant 0 : i32
        %dma_start3A_911 = arith.constant 0 : i32
        %dma_start3A_912 = tpu.memref_slice %arg5[%add3A_898, %add3A_902, %dma_start3A_910, %dma_start3A_911] : memref<52x128x8x128xf32, #tpu.memory_space<hbm>> -> memref<1x1x8x128xf32, #tpu.memory_space<hbm>>
        %dma_start3A_913 = tpu.memref_squeeze %dma_start3A_912 : memref<1x1x8x128xf32, #tpu.memory_space<hbm>> -> memref<8x128xf32, #tpu.memory_space<hbm>>
        %dma_start3A_914 = arith.constant 8 : i32
        %dma_start3A_915 = arith.constant 384 : i32
        %dma_start3A_916 = tpu.memref_slice %arg12[%dma_start3A_914, %dma_start3A_915] : memref<16x512xf32, #tpu.memory_space<vmem>> -> memref<8x128xf32, #tpu.memory_space<vmem>>
        tpu.enqueue_dma source(%dma_start3A_916 : memref<8x128xf32, #tpu.memory_space<vmem>>) target(%dma_start3A_913 : memref<8x128xf32, #tpu.memory_space<hbm>>) target_semaphore(%arg20 : memref<!tpu.dma_semaphore, #tpu.memory_space<semaphore_mem>>)
      } else {
      }
      %mul3A_657 = arith.constant 4 : i32
      %mul3A_658 = arith.muli %mul3A_657, %scan3A_650 : i32
      %add3A_659 = arith.constant 1 : i32
      %add3A_660 = arith.addi %mul3A_658, %add3A_659 : i32
      %lt3A_661 = arith.constant 26 : i32
      %lt3A_662 = arith.cmpi slt, %add3A_660, %lt3A_661 : i32
      %convert_element_type3A_663 = arith.extui %lt3A_662 : i1 to i32
      %cond3A_664 = arith.constant 0 : i32
      %cond3A_665 = arith.cmpi ne, %convert_element_type3A_663, %cond3A_664 : i32
      scf.if %cond3A_665 {
        %dma_wait3A_684 = arith.constant 0 : i32
        %dma_wait3A_685 = arith.constant 0 : i32
        %dma_wait3A_686 = arith.constant 0 : i32
        %dma_wait3A_687 = arith.constant 0 : i32
        %dma_wait3A_688 = tpu.memref_slice %arg9[%dma_wait3A_686, %dma_wait3A_687] : memref<512x16xf32, #tpu.memory_space<vmem>> -> memref<128x16xf32, #tpu.memory_space<vmem>>
        %dma_wait3A_689 = arith.constant 0 : i32
        %dma_wait3A_690 = tpu.memref_slice %arg6[%dma_wait3A_684, %dma_wait3A_685, %dma_wait3A_689] : memref<26x4x128xi32, #tpu.memory_space<vmem>> -> memref<1x1x128xi32, #tpu.memory_space<vmem>>
        %dma_wait3A_691 = tpu.memref_squeeze %dma_wait3A_690 : memref<1x1x128xi32, #tpu.memory_space<vmem>> -> memref<128xi32, #tpu.memory_space<vmem>>
        %dma_wait3A_692 = arith.constant 0 : i32
        %dma_wait3A_693 = arith.constant 0 : i32
        %dma_wait3A_694 = tpu.memref_slice %arg3[%dma_wait3A_692, %dma_wait3A_693] : memref<1000000x16xf32, #tpu.memory_space<hbm>> -> memref<1000000x16xf32, #tpu.memory_space<hbm>>
        tpu.wait_indirect_dma semaphore(%arg17 : memref<!tpu.dma_semaphore, #tpu.memory_space<semaphore_mem>>) src(%dma_wait3A_694 : memref<1000000x16xf32, #tpu.memory_space<hbm>>) dst(%dma_wait3A_688 : memref<128x16xf32, #tpu.memory_space<vmem>>)
        %dma_wait3A_695 = arith.constant 0 : i32
        %dma_wait3A_696 = arith.constant 0 : i32
        %dma_wait3A_697 = arith.constant 128 : i32
        %dma_wait3A_698 = arith.constant 0 : i32
        %dma_wait3A_699 = tpu.memref_slice %arg9[%dma_wait3A_697, %dma_wait3A_698] : memref<512x16xf32, #tpu.memory_space<vmem>> -> memref<128x16xf32, #tpu.memory_space<vmem>>
        %dma_wait3A_700 = arith.constant 0 : i32
        %dma_wait3A_701 = tpu.memref_slice %arg6[%dma_wait3A_695, %dma_wait3A_696, %dma_wait3A_700] : memref<26x4x128xi32, #tpu.memory_space<vmem>> -> memref<1x1x128xi32, #tpu.memory_space<vmem>>
        %dma_wait3A_702 = tpu.memref_squeeze %dma_wait3A_701 : memref<1x1x128xi32, #tpu.memory_space<vmem>> -> memref<128xi32, #tpu.memory_space<vmem>>
        %dma_wait3A_703 = arith.constant 0 : i32
        %dma_wait3A_704 = arith.constant 0 : i32
        %dma_wait3A_705 = tpu.memref_slice %arg3[%dma_wait3A_703, %dma_wait3A_704] : memref<1000000x16xf32, #tpu.memory_space<hbm>> -> memref<1000000x16xf32, #tpu.memory_space<hbm>>
        tpu.wait_indirect_dma semaphore(%arg17 : memref<!tpu.dma_semaphore, #tpu.memory_space<semaphore_mem>>) src(%dma_wait3A_705 : memref<1000000x16xf32, #tpu.memory_space<hbm>>) dst(%dma_wait3A_699 : memref<128x16xf32, #tpu.memory_space<vmem>>)
        %dma_wait3A_706 = arith.constant 0 : i32
        %dma_wait3A_707 = arith.constant 0 : i32
        %dma_wait3A_708 = arith.constant 256 : i32
        %dma_wait3A_709 = arith.constant 0 : i32
        %dma_wait3A_710 = tpu.memref_slice %arg9[%dma_wait3A_708, %dma_wait3A_709] : memref<512x16xf32, #tpu.memory_space<vmem>> -> memref<128x16xf32, #tpu.memory_space<vmem>>
        %dma_wait3A_711 = arith.constant 0 : i32
        %dma_wait3A_712 = tpu.memref_slice %arg6[%dma_wait3A_706, %dma_wait3A_707, %dma_wait3A_711] : memref<26x4x128xi32, #tpu.memory_space<vmem>> -> memref<1x1x128xi32, #tpu.memory_space<vmem>>
        %dma_wait3A_713 = tpu.memref_squeeze %dma_wait3A_712 : memref<1x1x128xi32, #tpu.memory_space<vmem>> -> memref<128xi32, #tpu.memory_space<vmem>>
        %dma_wait3A_714 = arith.constant 0 : i32
        %dma_wait3A_715 = arith.constant 0 : i32
        %dma_wait3A_716 = tpu.memref_slice %arg3[%dma_wait3A_714, %dma_wait3A_715] : memref<1000000x16xf32, #tpu.memory_space<hbm>> -> memref<1000000x16xf32, #tpu.memory_space<hbm>>
        tpu.wait_indirect_dma semaphore(%arg17 : memref<!tpu.dma_semaphore, #tpu.memory_space<semaphore_mem>>) src(%dma_wait3A_716 : memref<1000000x16xf32, #tpu.memory_space<hbm>>) dst(%dma_wait3A_710 : memref<128x16xf32, #tpu.memory_space<vmem>>)
        %dma_wait3A_717 = arith.constant 0 : i32
        %dma_wait3A_718 = arith.constant 0 : i32
        %dma_wait3A_719 = arith.constant 384 : i32
        %dma_wait3A_720 = arith.constant 0 : i32
        %dma_wait3A_721 = tpu.memref_slice %arg9[%dma_wait3A_719, %dma_wait3A_720] : memref<512x16xf32, #tpu.memory_space<vmem>> -> memref<128x16xf32, #tpu.memory_space<vmem>>
        %dma_wait3A_722 = arith.constant 0 : i32
        %dma_wait3A_723 = tpu.memref_slice %arg6[%dma_wait3A_717, %dma_wait3A_718, %dma_wait3A_722] : memref<26x4x128xi32, #tpu.memory_space<vmem>> -> memref<1x1x128xi32, #tpu.memory_space<vmem>>
        %dma_wait3A_724 = tpu.memref_squeeze %dma_wait3A_723 : memref<1x1x128xi32, #tpu.memory_space<vmem>> -> memref<128xi32, #tpu.memory_space<vmem>>
        %dma_wait3A_725 = arith.constant 0 : i32
        %dma_wait3A_726 = arith.constant 0 : i32
        %dma_wait3A_727 = tpu.memref_slice %arg3[%dma_wait3A_725, %dma_wait3A_726] : memref<1000000x16xf32, #tpu.memory_space<hbm>> -> memref<1000000x16xf32, #tpu.memory_space<hbm>>
        tpu.wait_indirect_dma semaphore(%arg17 : memref<!tpu.dma_semaphore, #tpu.memory_space<semaphore_mem>>) src(%dma_wait3A_727 : memref<1000000x16xf32, #tpu.memory_space<hbm>>) dst(%dma_wait3A_721 : memref<128x16xf32, #tpu.memory_space<vmem>>)
        %add3A_728 = arith.constant 3 : i32
        %add3A_729 = arith.addi %add3A_660, %add3A_728 : i32
        %lt3A_730 = arith.constant 26 : i32
        %lt3A_731 = arith.cmpi slt, %add3A_729, %lt3A_730 : i32
        %convert_element_type3A_732 = arith.extui %lt3A_731 : i1 to i32
        %cond3A_733 = arith.constant 0 : i32
        %cond3A_734 = arith.cmpi ne, %convert_element_type3A_732, %cond3A_733 : i32
        scf.if %cond3A_734 {
          %add3A_917 = arith.constant 3 : i32
          %add3A_918 = arith.addi %add3A_660, %add3A_917 : i32
          %dma_start3A_919 = arith.constant 0 : i32
          %dma_start3A_920 = arith.constant 0 : i32
          %dma_start3A_921 = arith.constant 0 : i32
          %dma_start3A_922 = tpu.memref_slice %arg8[%dma_start3A_920, %dma_start3A_921] : memref<512x16xf32, #tpu.memory_space<vmem>> -> memref<128x16xf32, #tpu.memory_space<vmem>>
          %dma_start3A_923 = arith.constant 0 : i32
          %dma_start3A_924 = tpu.memref_slice %arg6[%add3A_918, %dma_start3A_919, %dma_start3A_923] : memref<26x4x128xi32, #tpu.memory_space<vmem>> -> memref<1x1x128xi32, #tpu.memory_space<vmem>>
          %dma_start3A_925 = tpu.memref_squeeze %dma_start3A_924 : memref<1x1x128xi32, #tpu.memory_space<vmem>> -> memref<128xi32, #tpu.memory_space<vmem>>
          %dma_start3A_926 = arith.constant 0 : i32
          %dma_start3A_927 = arith.constant 0 : i32
          %dma_start3A_928 = tpu.memref_slice %arg3[%dma_start3A_926, %dma_start3A_927] : memref<1000000x16xf32, #tpu.memory_space<hbm>> -> memref<1000000x16xf32, #tpu.memory_space<hbm>>
          tpu.enqueue_indirect_dma source(%dma_start3A_928 : memref<1000000x16xf32, #tpu.memory_space<hbm>>) target(%dma_start3A_922 : memref<128x16xf32, #tpu.memory_space<vmem>>) offsets(%dma_start3A_925 : memref<128xi32, #tpu.memory_space<vmem>>) semaphore(%arg16 : memref<!tpu.dma_semaphore, #tpu.memory_space<semaphore_mem>>)
          %dma_start3A_929 = arith.constant 1 : i32
          %dma_start3A_930 = arith.constant 128 : i32
          %dma_start3A_931 = arith.constant 0 : i32
          %dma_start3A_932 = tpu.memref_slice %arg8[%dma_start3A_930, %dma_start3A_931] : memref<512x16xf32, #tpu.memory_space<vmem>> -> memref<128x16xf32, #tpu.memory_space<vmem>>
          %dma_start3A_933 = arith.constant 0 : i32
          %dma_start3A_934 = tpu.memref_slice %arg6[%add3A_918, %dma_start3A_929, %dma_start3A_933] : memref<26x4x128xi32, #tpu.memory_space<vmem>> -> memref<1x1x128xi32, #tpu.memory_space<vmem>>
          %dma_start3A_935 = tpu.memref_squeeze %dma_start3A_934 : memref<1x1x128xi32, #tpu.memory_space<vmem>> -> memref<128xi32, #tpu.memory_space<vmem>>
          %dma_start3A_936 = arith.constant 0 : i32
          %dma_start3A_937 = arith.constant 0 : i32
          %dma_start3A_938 = tpu.memref_slice %arg3[%dma_start3A_936, %dma_start3A_937] : memref<1000000x16xf32, #tpu.memory_space<hbm>> -> memref<1000000x16xf32, #tpu.memory_space<hbm>>
          tpu.enqueue_indirect_dma source(%dma_start3A_938 : memref<1000000x16xf32, #tpu.memory_space<hbm>>) target(%dma_start3A_932 : memref<128x16xf32, #tpu.memory_space<vmem>>) offsets(%dma_start3A_935 : memref<128xi32, #tpu.memory_space<vmem>>) semaphore(%arg16 : memref<!tpu.dma_semaphore, #tpu.memory_space<semaphore_mem>>)
          %dma_start3A_939 = arith.constant 2 : i32
          %dma_start3A_940 = arith.constant 256 : i32
          %dma_start3A_941 = arith.constant 0 : i32
          %dma_start3A_942 = tpu.memref_slice %arg8[%dma_start3A_940, %dma_start3A_941] : memref<512x16xf32, #tpu.memory_space<vmem>> -> memref<128x16xf32, #tpu.memory_space<vmem>>
          %dma_start3A_943 = arith.constant 0 : i32
          %dma_start3A_944 = tpu.memref_slice %arg6[%add3A_918, %dma_start3A_939, %dma_start3A_943] : memref<26x4x128xi32, #tpu.memory_space<vmem>> -> memref<1x1x128xi32, #tpu.memory_space<vmem>>
          %dma_start3A_945 = tpu.memref_squeeze %dma_start3A_944 : memref<1x1x128xi32, #tpu.memory_space<vmem>> -> memref<128xi32, #tpu.memory_space<vmem>>
          %dma_start3A_946 = arith.constant 0 : i32
          %dma_start3A_947 = arith.constant 0 : i32
          %dma_start3A_948 = tpu.memref_slice %arg3[%dma_start3A_946, %dma_start3A_947] : memref<1000000x16xf32, #tpu.memory_space<hbm>> -> memref<1000000x16xf32, #tpu.memory_space<hbm>>
          tpu.enqueue_indirect_dma source(%dma_start3A_948 : memref<1000000x16xf32, #tpu.memory_space<hbm>>) target(%dma_start3A_942 : memref<128x16xf32, #tpu.memory_space<vmem>>) offsets(%dma_start3A_945 : memref<128xi32, #tpu.memory_space<vmem>>) semaphore(%arg16 : memref<!tpu.dma_semaphore, #tpu.memory_space<semaphore_mem>>)
          %dma_start3A_949 = arith.constant 3 : i32
          %dma_start3A_950 = arith.constant 384 : i32
          %dma_start3A_951 = arith.constant 0 : i32
          %dma_start3A_952 = tpu.memref_slice %arg8[%dma_start3A_950, %dma_start3A_951] : memref<512x16xf32, #tpu.memory_space<vmem>> -> memref<128x16xf32, #tpu.memory_space<vmem>>
          %dma_start3A_953 = arith.constant 0 : i32
          %dma_start3A_954 = tpu.memref_slice %arg6[%add3A_918, %dma_start3A_949, %dma_start3A_953] : memref<26x4x128xi32, #tpu.memory_space<vmem>> -> memref<1x1x128xi32, #tpu.memory_space<vmem>>
          %dma_start3A_955 = tpu.memref_squeeze %dma_start3A_954 : memref<1x1x128xi32, #tpu.memory_space<vmem>> -> memref<128xi32, #tpu.memory_space<vmem>>
          %dma_start3A_956 = arith.constant 0 : i32
          %dma_start3A_957 = arith.constant 0 : i32
          %dma_start3A_958 = tpu.memref_slice %arg3[%dma_start3A_956, %dma_start3A_957] : memref<1000000x16xf32, #tpu.memory_space<hbm>> -> memref<1000000x16xf32, #tpu.memory_space<hbm>>
          tpu.enqueue_indirect_dma source(%dma_start3A_958 : memref<1000000x16xf32, #tpu.memory_space<hbm>>) target(%dma_start3A_952 : memref<128x16xf32, #tpu.memory_space<vmem>>) offsets(%dma_start3A_955 : memref<128xi32, #tpu.memory_space<vmem>>) semaphore(%arg16 : memref<!tpu.dma_semaphore, #tpu.memory_space<semaphore_mem>>)
        } else {
        }
        %ge3A = arith.constant 4 : i32
        %ge3A_735 = arith.cmpi sge, %add3A_660, %ge3A : i32
        %convert_element_type3A_736 = arith.extui %ge3A_735 : i1 to i32
        %cond3A_737 = arith.constant 0 : i32
        %cond3A_738 = arith.cmpi ne, %convert_element_type3A_736, %cond3A_737 : i32
        scf.if %cond3A_738 {
          %dma_wait3A_917 = arith.constant 0 : i32
          %dma_wait3A_918 = arith.constant 0 : i32
          %dma_wait3A_919 = arith.constant 0 : i32
          %dma_wait3A_920 = arith.constant 0 : i32
          %dma_wait3A_921 = tpu.memref_slice %arg13[%dma_wait3A_919, %dma_wait3A_920] : memref<16x512xf32, #tpu.memory_space<vmem>> -> memref<8x128xf32, #tpu.memory_space<vmem>>
          %dma_wait3A_922 = arith.constant 0 : i32
          %dma_wait3A_923 = arith.constant 0 : i32
          %dma_wait3A_924 = tpu.memref_slice %arg5[%dma_wait3A_917, %dma_wait3A_918, %dma_wait3A_922, %dma_wait3A_923] : memref<52x128x8x128xf32, #tpu.memory_space<hbm>> -> memref<1x1x8x128xf32, #tpu.memory_space<hbm>>
          %dma_wait3A_925 = tpu.memref_squeeze %dma_wait3A_924 : memref<1x1x8x128xf32, #tpu.memory_space<hbm>> -> memref<8x128xf32, #tpu.memory_space<hbm>>
          %dma_wait3A_926 = arith.constant 0 : i32
          %dma_wait3A_927 = arith.constant 0 : i32
          %dma_wait3A_928 = tpu.memref_slice %arg5[%dma_wait3A_917, %dma_wait3A_918, %dma_wait3A_926, %dma_wait3A_927] : memref<52x128x8x128xf32, #tpu.memory_space<hbm>> -> memref<1x1x8x128xf32, #tpu.memory_space<hbm>>
          %dma_wait3A_929 = tpu.memref_squeeze %dma_wait3A_928 : memref<1x1x8x128xf32, #tpu.memory_space<hbm>> -> memref<8x128xf32, #tpu.memory_space<hbm>>
          %dma_wait3A_930 = arith.constant 0 : i32
          %dma_wait3A_931 = arith.constant 0 : i32
          %dma_wait3A_932 = tpu.memref_slice %arg13[%dma_wait3A_930, %dma_wait3A_931] : memref<16x512xf32, #tpu.memory_space<vmem>> -> memref<8x128xf32, #tpu.memory_space<vmem>>
          tpu.wait_dma2 semaphore(%arg21 : memref<!tpu.dma_semaphore, #tpu.memory_space<semaphore_mem>>) src(%dma_wait3A_932 : memref<8x128xf32, #tpu.memory_space<vmem>>) dst(%dma_wait3A_929 : memref<8x128xf32, #tpu.memory_space<hbm>>)
          %dma_wait3A_933 = arith.constant 0 : i32
          %dma_wait3A_934 = arith.constant 0 : i32
          %dma_wait3A_935 = arith.constant 0 : i32
          %dma_wait3A_936 = arith.constant 0 : i32
          %dma_wait3A_937 = tpu.memref_slice %arg13[%dma_wait3A_935, %dma_wait3A_936] : memref<16x512xf32, #tpu.memory_space<vmem>> -> memref<8x128xf32, #tpu.memory_space<vmem>>
          %dma_wait3A_938 = arith.constant 0 : i32
          %dma_wait3A_939 = arith.constant 0 : i32
          %dma_wait3A_940 = tpu.memref_slice %arg5[%dma_wait3A_933, %dma_wait3A_934, %dma_wait3A_938, %dma_wait3A_939] : memref<52x128x8x128xf32, #tpu.memory_space<hbm>> -> memref<1x1x8x128xf32, #tpu.memory_space<hbm>>
          %dma_wait3A_941 = tpu.memref_squeeze %dma_wait3A_940 : memref<1x1x8x128xf32, #tpu.memory_space<hbm>> -> memref<8x128xf32, #tpu.memory_space<hbm>>
          %dma_wait3A_942 = arith.constant 0 : i32
          %dma_wait3A_943 = arith.constant 0 : i32
          %dma_wait3A_944 = tpu.memref_slice %arg5[%dma_wait3A_933, %dma_wait3A_934, %dma_wait3A_942, %dma_wait3A_943] : memref<52x128x8x128xf32, #tpu.memory_space<hbm>> -> memref<1x1x8x128xf32, #tpu.memory_space<hbm>>
          %dma_wait3A_945 = tpu.memref_squeeze %dma_wait3A_944 : memref<1x1x8x128xf32, #tpu.memory_space<hbm>> -> memref<8x128xf32, #tpu.memory_space<hbm>>
          %dma_wait3A_946 = arith.constant 0 : i32
          %dma_wait3A_947 = arith.constant 0 : i32
          %dma_wait3A_948 = tpu.memref_slice %arg13[%dma_wait3A_946, %dma_wait3A_947] : memref<16x512xf32, #tpu.memory_space<vmem>> -> memref<8x128xf32, #tpu.memory_space<vmem>>
          tpu.wait_dma2 semaphore(%arg21 : memref<!tpu.dma_semaphore, #tpu.memory_space<semaphore_mem>>) src(%dma_wait3A_948 : memref<8x128xf32, #tpu.memory_space<vmem>>) dst(%dma_wait3A_945 : memref<8x128xf32, #tpu.memory_space<hbm>>)
          %dma_wait3A_949 = arith.constant 0 : i32
          %dma_wait3A_950 = arith.constant 0 : i32
          %dma_wait3A_951 = arith.constant 0 : i32
          %dma_wait3A_952 = arith.constant 0 : i32
          %dma_wait3A_953 = tpu.memref_slice %arg13[%dma_wait3A_951, %dma_wait3A_952] : memref<16x512xf32, #tpu.memory_space<vmem>> -> memref<8x128xf32, #tpu.memory_space<vmem>>
          %dma_wait3A_954 = arith.constant 0 : i32
          %dma_wait3A_955 = arith.constant 0 : i32
          %dma_wait3A_956 = tpu.memref_slice %arg5[%dma_wait3A_949, %dma_wait3A_950, %dma_wait3A_954, %dma_wait3A_955] : memref<52x128x8x128xf32, #tpu.memory_space<hbm>> -> memref<1x1x8x128xf32, #tpu.memory_space<hbm>>
          %dma_wait3A_957 = tpu.memref_squeeze %dma_wait3A_956 : memref<1x1x8x128xf32, #tpu.memory_space<hbm>> -> memref<8x128xf32, #tpu.memory_space<hbm>>
          %dma_wait3A_958 = arith.constant 0 : i32
          %dma_wait3A_959 = arith.constant 0 : i32
          %dma_wait3A_960 = tpu.memref_slice %arg5[%dma_wait3A_949, %dma_wait3A_950, %dma_wait3A_958, %dma_wait3A_959] : memref<52x128x8x128xf32, #tpu.memory_space<hbm>> -> memref<1x1x8x128xf32, #tpu.memory_space<hbm>>
          %dma_wait3A_961 = tpu.memref_squeeze %dma_wait3A_960 : memref<1x1x8x128xf32, #tpu.memory_space<hbm>> -> memref<8x128xf32, #tpu.memory_space<hbm>>
          %dma_wait3A_962 = arith.constant 0 : i32
          %dma_wait3A_963 = arith.constant 0 : i32
          %dma_wait3A_964 = tpu.memref_slice %arg13[%dma_wait3A_962, %dma_wait3A_963] : memref<16x512xf32, #tpu.memory_space<vmem>> -> memref<8x128xf32, #tpu.memory_space<vmem>>
          tpu.wait_dma2 semaphore(%arg21 : memref<!tpu.dma_semaphore, #tpu.memory_space<semaphore_mem>>) src(%dma_wait3A_964 : memref<8x128xf32, #tpu.memory_space<vmem>>) dst(%dma_wait3A_961 : memref<8x128xf32, #tpu.memory_space<hbm>>)
          %dma_wait3A_965 = arith.constant 0 : i32
          %dma_wait3A_966 = arith.constant 0 : i32
          %dma_wait3A_967 = arith.constant 0 : i32
          %dma_wait3A_968 = arith.constant 0 : i32
          %dma_wait3A_969 = tpu.memref_slice %arg13[%dma_wait3A_967, %dma_wait3A_968] : memref<16x512xf32, #tpu.memory_space<vmem>> -> memref<8x128xf32, #tpu.memory_space<vmem>>
          %dma_wait3A_970 = arith.constant 0 : i32
          %dma_wait3A_971 = arith.constant 0 : i32
          %dma_wait3A_972 = tpu.memref_slice %arg5[%dma_wait3A_965, %dma_wait3A_966, %dma_wait3A_970, %dma_wait3A_971] : memref<52x128x8x128xf32, #tpu.memory_space<hbm>> -> memref<1x1x8x128xf32, #tpu.memory_space<hbm>>
          %dma_wait3A_973 = tpu.memref_squeeze %dma_wait3A_972 : memref<1x1x8x128xf32, #tpu.memory_space<hbm>> -> memref<8x128xf32, #tpu.memory_space<hbm>>
          %dma_wait3A_974 = arith.constant 0 : i32
          %dma_wait3A_975 = arith.constant 0 : i32
          %dma_wait3A_976 = tpu.memref_slice %arg5[%dma_wait3A_965, %dma_wait3A_966, %dma_wait3A_974, %dma_wait3A_975] : memref<52x128x8x128xf32, #tpu.memory_space<hbm>> -> memref<1x1x8x128xf32, #tpu.memory_space<hbm>>
          %dma_wait3A_977 = tpu.memref_squeeze %dma_wait3A_976 : memref<1x1x8x128xf32, #tpu.memory_space<hbm>> -> memref<8x128xf32, #tpu.memory_space<hbm>>
          %dma_wait3A_978 = arith.constant 0 : i32
          %dma_wait3A_979 = arith.constant 0 : i32
          %dma_wait3A_980 = tpu.memref_slice %arg13[%dma_wait3A_978, %dma_wait3A_979] : memref<16x512xf32, #tpu.memory_space<vmem>> -> memref<8x128xf32, #tpu.memory_space<vmem>>
          tpu.wait_dma2 semaphore(%arg21 : memref<!tpu.dma_semaphore, #tpu.memory_space<semaphore_mem>>) src(%dma_wait3A_980 : memref<8x128xf32, #tpu.memory_space<vmem>>) dst(%dma_wait3A_977 : memref<8x128xf32, #tpu.memory_space<hbm>>)
          %dma_wait3A_981 = arith.constant 0 : i32
          %dma_wait3A_982 = arith.constant 0 : i32
          %dma_wait3A_983 = arith.constant 0 : i32
          %dma_wait3A_984 = arith.constant 0 : i32
          %dma_wait3A_985 = tpu.memref_slice %arg13[%dma_wait3A_983, %dma_wait3A_984] : memref<16x512xf32, #tpu.memory_space<vmem>> -> memref<8x128xf32, #tpu.memory_space<vmem>>
          %dma_wait3A_986 = arith.constant 0 : i32
          %dma_wait3A_987 = arith.constant 0 : i32
          %dma_wait3A_988 = tpu.memref_slice %arg5[%dma_wait3A_981, %dma_wait3A_982, %dma_wait3A_986, %dma_wait3A_987] : memref<52x128x8x128xf32, #tpu.memory_space<hbm>> -> memref<1x1x8x128xf32, #tpu.memory_space<hbm>>
          %dma_wait3A_989 = tpu.memref_squeeze %dma_wait3A_988 : memref<1x1x8x128xf32, #tpu.memory_space<hbm>> -> memref<8x128xf32, #tpu.memory_space<hbm>>
          %dma_wait3A_990 = arith.constant 0 : i32
          %dma_wait3A_991 = arith.constant 0 : i32
          %dma_wait3A_992 = tpu.memref_slice %arg5[%dma_wait3A_981, %dma_wait3A_982, %dma_wait3A_990, %dma_wait3A_991] : memref<52x128x8x128xf32, #tpu.memory_space<hbm>> -> memref<1x1x8x128xf32, #tpu.memory_space<hbm>>
          %dma_wait3A_993 = tpu.memref_squeeze %dma_wait3A_992 : memref<1x1x8x128xf32, #tpu.memory_space<hbm>> -> memref<8x128xf32, #tpu.memory_space<hbm>>
          %dma_wait3A_994 = arith.constant 0 : i32
          %dma_wait3A_995 = arith.constant 0 : i32
          %dma_wait3A_996 = tpu.memref_slice %arg13[%dma_wait3A_994, %dma_wait3A_995] : memref<16x512xf32, #tpu.memory_space<vmem>> -> memref<8x128xf32, #tpu.memory_space<vmem>>
          tpu.wait_dma2 semaphore(%arg21 : memref<!tpu.dma_semaphore, #tpu.memory_space<semaphore_mem>>) src(%dma_wait3A_996 : memref<8x128xf32, #tpu.memory_space<vmem>>) dst(%dma_wait3A_993 : memref<8x128xf32, #tpu.memory_space<hbm>>)
          %dma_wait3A_997 = arith.constant 0 : i32
          %dma_wait3A_998 = arith.constant 0 : i32
          %dma_wait3A_999 = arith.constant 0 : i32
          %dma_wait3A_1000 = arith.constant 0 : i32
          %dma_wait3A_1001 = tpu.memref_slice %arg13[%dma_wait3A_999, %dma_wait3A_1000] : memref<16x512xf32, #tpu.memory_space<vmem>> -> memref<8x128xf32, #tpu.memory_space<vmem>>
          %dma_wait3A_1002 = arith.constant 0 : i32
          %dma_wait3A_1003 = arith.constant 0 : i32
          %dma_wait3A_1004 = tpu.memref_slice %arg5[%dma_wait3A_997, %dma_wait3A_998, %dma_wait3A_1002, %dma_wait3A_1003] : memref<52x128x8x128xf32, #tpu.memory_space<hbm>> -> memref<1x1x8x128xf32, #tpu.memory_space<hbm>>
          %dma_wait3A_1005 = tpu.memref_squeeze %dma_wait3A_1004 : memref<1x1x8x128xf32, #tpu.memory_space<hbm>> -> memref<8x128xf32, #tpu.memory_space<hbm>>
          %dma_wait3A_1006 = arith.constant 0 : i32
          %dma_wait3A_1007 = arith.constant 0 : i32
          %dma_wait3A_1008 = tpu.memref_slice %arg5[%dma_wait3A_997, %dma_wait3A_998, %dma_wait3A_1006, %dma_wait3A_1007] : memref<52x128x8x128xf32, #tpu.memory_space<hbm>> -> memref<1x1x8x128xf32, #tpu.memory_space<hbm>>
          %dma_wait3A_1009 = tpu.memref_squeeze %dma_wait3A_1008 : memref<1x1x8x128xf32, #tpu.memory_space<hbm>> -> memref<8x128xf32, #tpu.memory_space<hbm>>
          %dma_wait3A_1010 = arith.constant 0 : i32
          %dma_wait3A_1011 = arith.constant 0 : i32
          %dma_wait3A_1012 = tpu.memref_slice %arg13[%dma_wait3A_1010, %dma_wait3A_1011] : memref<16x512xf32, #tpu.memory_space<vmem>> -> memref<8x128xf32, #tpu.memory_space<vmem>>
          tpu.wait_dma2 semaphore(%arg21 : memref<!tpu.dma_semaphore, #tpu.memory_space<semaphore_mem>>) src(%dma_wait3A_1012 : memref<8x128xf32, #tpu.memory_space<vmem>>) dst(%dma_wait3A_1009 : memref<8x128xf32, #tpu.memory_space<hbm>>)
          %dma_wait3A_1013 = arith.constant 0 : i32
          %dma_wait3A_1014 = arith.constant 0 : i32
          %dma_wait3A_1015 = arith.constant 0 : i32
          %dma_wait3A_1016 = arith.constant 0 : i32
          %dma_wait3A_1017 = tpu.memref_slice %arg13[%dma_wait3A_1015, %dma_wait3A_1016] : memref<16x512xf32, #tpu.memory_space<vmem>> -> memref<8x128xf32, #tpu.memory_space<vmem>>
          %dma_wait3A_1018 = arith.constant 0 : i32
          %dma_wait3A_1019 = arith.constant 0 : i32
          %dma_wait3A_1020 = tpu.memref_slice %arg5[%dma_wait3A_1013, %dma_wait3A_1014, %dma_wait3A_1018, %dma_wait3A_1019] : memref<52x128x8x128xf32, #tpu.memory_space<hbm>> -> memref<1x1x8x128xf32, #tpu.memory_space<hbm>>
          %dma_wait3A_1021 = tpu.memref_squeeze %dma_wait3A_1020 : memref<1x1x8x128xf32, #tpu.memory_space<hbm>> -> memref<8x128xf32, #tpu.memory_space<hbm>>
          %dma_wait3A_1022 = arith.constant 0 : i32
          %dma_wait3A_1023 = arith.constant 0 : i32
          %dma_wait3A_1024 = tpu.memref_slice %arg5[%dma_wait3A_1013, %dma_wait3A_1014, %dma_wait3A_1022, %dma_wait3A_1023] : memref<52x128x8x128xf32, #tpu.memory_space<hbm>> -> memref<1x1x8x128xf32, #tpu.memory_space<hbm>>
          %dma_wait3A_1025 = tpu.memref_squeeze %dma_wait3A_1024 : memref<1x1x8x128xf32, #tpu.memory_space<hbm>> -> memref<8x128xf32, #tpu.memory_space<hbm>>
          %dma_wait3A_1026 = arith.constant 0 : i32
          %dma_wait3A_1027 = arith.constant 0 : i32
          %dma_wait3A_1028 = tpu.memref_slice %arg13[%dma_wait3A_1026, %dma_wait3A_1027] : memref<16x512xf32, #tpu.memory_space<vmem>> -> memref<8x128xf32, #tpu.memory_space<vmem>>
          tpu.wait_dma2 semaphore(%arg21 : memref<!tpu.dma_semaphore, #tpu.memory_space<semaphore_mem>>) src(%dma_wait3A_1028 : memref<8x128xf32, #tpu.memory_space<vmem>>) dst(%dma_wait3A_1025 : memref<8x128xf32, #tpu.memory_space<hbm>>)
          %dma_wait3A_1029 = arith.constant 0 : i32
          %dma_wait3A_1030 = arith.constant 0 : i32
          %dma_wait3A_1031 = arith.constant 0 : i32
          %dma_wait3A_1032 = arith.constant 0 : i32
          %dma_wait3A_1033 = tpu.memref_slice %arg13[%dma_wait3A_1031, %dma_wait3A_1032] : memref<16x512xf32, #tpu.memory_space<vmem>> -> memref<8x128xf32, #tpu.memory_space<vmem>>
          %dma_wait3A_1034 = arith.constant 0 : i32
          %dma_wait3A_1035 = arith.constant 0 : i32
          %dma_wait3A_1036 = tpu.memref_slice %arg5[%dma_wait3A_1029, %dma_wait3A_1030, %dma_wait3A_1034, %dma_wait3A_1035] : memref<52x128x8x128xf32, #tpu.memory_space<hbm>> -> memref<1x1x8x128xf32, #tpu.memory_space<hbm>>
          %dma_wait3A_1037 = tpu.memref_squeeze %dma_wait3A_1036 : memref<1x1x8x128xf32, #tpu.memory_space<hbm>> -> memref<8x128xf32, #tpu.memory_space<hbm>>
          %dma_wait3A_1038 = arith.constant 0 : i32
          %dma_wait3A_1039 = arith.constant 0 : i32
          %dma_wait3A_1040 = tpu.memref_slice %arg5[%dma_wait3A_1029, %dma_wait3A_1030, %dma_wait3A_1038, %dma_wait3A_1039] : memref<52x128x8x128xf32, #tpu.memory_space<hbm>> -> memref<1x1x8x128xf32, #tpu.memory_space<hbm>>
          %dma_wait3A_1041 = tpu.memref_squeeze %dma_wait3A_1040 : memref<1x1x8x128xf32, #tpu.memory_space<hbm>> -> memref<8x128xf32, #tpu.memory_space<hbm>>
          %dma_wait3A_1042 = arith.constant 0 : i32
          %dma_wait3A_1043 = arith.constant 0 : i32
          %dma_wait3A_1044 = tpu.memref_slice %arg13[%dma_wait3A_1042, %dma_wait3A_1043] : memref<16x512xf32, #tpu.memory_space<vmem>> -> memref<8x128xf32, #tpu.memory_space<vmem>>
          tpu.wait_dma2 semaphore(%arg21 : memref<!tpu.dma_semaphore, #tpu.memory_space<semaphore_mem>>) src(%dma_wait3A_1044 : memref<8x128xf32, #tpu.memory_space<vmem>>) dst(%dma_wait3A_1041 : memref<8x128xf32, #tpu.memory_space<hbm>>)
        } else {
        }
        %parallel_loop3A = arith.constant 0 : i32
        %parallel_loop3A_739 = arith.constant 512 : i32
        %parallel_loop3A_740 = arith.constant 1 : i32
        scf.for %parallel_loop3A_917 = %parallel_loop3A to %parallel_loop3A_739 step %parallel_loop3A_740  : i32 {
          %parallel_loop3A_918 = arith.constant 15 : i32
          %parallel_loop3A_919 = arith.andi %parallel_loop3A_917, %parallel_loop3A_918 : i32
          %parallel_loop3A_920 = arith.constant 4 : i32
          %parallel_loop3A_921 = arith.shrsi %parallel_loop3A_917, %parallel_loop3A_920 : i32
          %parallel_loop3A_922 = arith.constant 16 : i32
          %parallel_loop3A_923 = arith.muli %parallel_loop3A_921, %parallel_loop3A_922 : i32
          %parallel_loop3A_924 = vector.broadcast %parallel_loop3A_923 : i32 to vector<16xi32>
          %parallel_loop3A_925 = arith.addi %parallel_loop3A_924, %iota3A : vector<16xi32>
          %parallel_loop3A_926 = vector.broadcast %parallel_loop3A_919 : i32 to vector<16xi32>
          %parallel_loop3A_927 = tpu.vector_load_idx %arg9[%parallel_loop3A_925, %parallel_loop3A_926] : memref<512x16xf32, #tpu.memory_space<vmem>>[vector<16xi32>, vector<16xi32>], vector<16xf32>,
          %parallel_loop3A_928 = arith.mulf %parallel_loop3A_927, %get3A_3 : vector<16xf32>
          %parallel_loop3A_929 = arith.constant 16 : i32
          %parallel_loop3A_930 = arith.muli %parallel_loop3A_921, %parallel_loop3A_929 : i32
          %parallel_loop3A_931 = arith.index_cast %parallel_loop3A_919 : i32 to index
          %parallel_loop3A_932 = arith.index_cast %parallel_loop3A_930 : i32 to index
          %parallel_loop3A_933 = tpu.vector_load %arg13[%parallel_loop3A_931, %parallel_loop3A_932] {strides = array<i32>} : memref<16x512xf32, #tpu.memory_space<vmem>>, vector<16xf32>,
          tpu.vector_store %arg13[%parallel_loop3A_931, %parallel_loop3A_932], %parallel_loop3A_928 {strides = array<i32>} : memref<16x512xf32, #tpu.memory_space<vmem>>, vector<16xf32>,
        } {sc.loop_unroll_factor = 16 : i64, sc.parallel_access}
        %mul3A_741 = arith.constant 2 : i32
        %mul3A_742 = arith.muli %mul3A_741, %add3A_660 : i32
        %add3A_743 = arith.constant 0 : i32
        %add3A_744 = arith.addi %mul3A_742, %add3A_743 : i32
        %mul3A_745 = arith.constant 4 : i32
        %mul3A_746 = arith.muli %add3A, %mul3A_745 : i32
        %add3A_747 = arith.constant 0 : i32
        %add3A_748 = arith.addi %mul3A_746, %add3A_747 : i32
        %dma_start3A_749 = arith.constant 0 : i32
        %dma_start3A_750 = arith.constant 0 : i32
        %dma_start3A_751 = tpu.memref_slice %arg13[%dma_start3A_749, %dma_start3A_750] : memref<16x512xf32, #tpu.memory_space<vmem>> -> memref<8x128xf32, #tpu.memory_space<vmem>>
        %dma_start3A_752 = arith.constant 0 : i32
        %dma_start3A_753 = arith.constant 0 : i32
        %dma_start3A_754 = tpu.memref_slice %arg5[%add3A_744, %add3A_748, %dma_start3A_752, %dma_start3A_753] : memref<52x128x8x128xf32, #tpu.memory_space<hbm>> -> memref<1x1x8x128xf32, #tpu.memory_space<hbm>>
        %dma_start3A_755 = tpu.memref_squeeze %dma_start3A_754 : memref<1x1x8x128xf32, #tpu.memory_space<hbm>> -> memref<8x128xf32, #tpu.memory_space<hbm>>
        %dma_start3A_756 = arith.constant 0 : i32
        %dma_start3A_757 = arith.constant 0 : i32
        %dma_start3A_758 = tpu.memref_slice %arg5[%add3A_744, %add3A_748, %dma_start3A_756, %dma_start3A_757] : memref<52x128x8x128xf32, #tpu.memory_space<hbm>> -> memref<1x1x8x128xf32, #tpu.memory_space<hbm>>
        %dma_start3A_759 = tpu.memref_squeeze %dma_start3A_758 : memref<1x1x8x128xf32, #tpu.memory_space<hbm>> -> memref<8x128xf32, #tpu.memory_space<hbm>>
        %dma_start3A_760 = arith.constant 0 : i32
        %dma_start3A_761 = arith.constant 0 : i32
        %dma_start3A_762 = tpu.memref_slice %arg13[%dma_start3A_760, %dma_start3A_761] : memref<16x512xf32, #tpu.memory_space<vmem>> -> memref<8x128xf32, #tpu.memory_space<vmem>>
        tpu.enqueue_dma source(%dma_start3A_762 : memref<8x128xf32, #tpu.memory_space<vmem>>) target(%dma_start3A_759 : memref<8x128xf32, #tpu.memory_space<hbm>>) target_semaphore(%arg21 : memref<!tpu.dma_semaphore, #tpu.memory_space<semaphore_mem>>)
        %mul3A_763 = arith.constant 2 : i32
        %mul3A_764 = arith.muli %mul3A_763, %add3A_660 : i32
        %add3A_765 = arith.constant 0 : i32
        %add3A_766 = arith.addi %mul3A_764, %add3A_765 : i32
        %mul3A_767 = arith.constant 4 : i32
        %mul3A_768 = arith.muli %add3A, %mul3A_767 : i32
        %add3A_769 = arith.constant 1 : i32
        %add3A_770 = arith.addi %mul3A_768, %add3A_769 : i32
        %dma_start3A_771 = arith.constant 0 : i32
        %dma_start3A_772 = arith.constant 128 : i32
        %dma_start3A_773 = tpu.memref_slice %arg13[%dma_start3A_771, %dma_start3A_772] : memref<16x512xf32, #tpu.memory_space<vmem>> -> memref<8x128xf32, #tpu.memory_space<vmem>>
        %dma_start3A_774 = arith.constant 0 : i32
        %dma_start3A_775 = arith.constant 0 : i32
        %dma_start3A_776 = tpu.memref_slice %arg5[%add3A_766, %add3A_770, %dma_start3A_774, %dma_start3A_775] : memref<52x128x8x128xf32, #tpu.memory_space<hbm>> -> memref<1x1x8x128xf32, #tpu.memory_space<hbm>>
        %dma_start3A_777 = tpu.memref_squeeze %dma_start3A_776 : memref<1x1x8x128xf32, #tpu.memory_space<hbm>> -> memref<8x128xf32, #tpu.memory_space<hbm>>
        %dma_start3A_778 = arith.constant 0 : i32
        %dma_start3A_779 = arith.constant 0 : i32
        %dma_start3A_780 = tpu.memref_slice %arg5[%add3A_766, %add3A_770, %dma_start3A_778, %dma_start3A_779] : memref<52x128x8x128xf32, #tpu.memory_space<hbm>> -> memref<1x1x8x128xf32, #tpu.memory_space<hbm>>
        %dma_start3A_781 = tpu.memref_squeeze %dma_start3A_780 : memref<1x1x8x128xf32, #tpu.memory_space<hbm>> -> memref<8x128xf32, #tpu.memory_space<hbm>>
        %dma_start3A_782 = arith.constant 0 : i32
        %dma_start3A_783 = arith.constant 128 : i32
        %dma_start3A_784 = tpu.memref_slice %arg13[%dma_start3A_782, %dma_start3A_783] : memref<16x512xf32, #tpu.memory_space<vmem>> -> memref<8x128xf32, #tpu.memory_space<vmem>>
        tpu.enqueue_dma source(%dma_start3A_784 : memref<8x128xf32, #tpu.memory_space<vmem>>) target(%dma_start3A_781 : memref<8x128xf32, #tpu.memory_space<hbm>>) target_semaphore(%arg21 : memref<!tpu.dma_semaphore, #tpu.memory_space<semaphore_mem>>)
        %mul3A_785 = arith.constant 2 : i32
        %mul3A_786 = arith.muli %mul3A_785, %add3A_660 : i32
        %add3A_787 = arith.constant 0 : i32
        %add3A_788 = arith.addi %mul3A_786, %add3A_787 : i32
        %mul3A_789 = arith.constant 4 : i32
        %mul3A_790 = arith.muli %add3A, %mul3A_789 : i32
        %add3A_791 = arith.constant 2 : i32
        %add3A_792 = arith.addi %mul3A_790, %add3A_791 : i32
        %dma_start3A_793 = arith.constant 0 : i32
        %dma_start3A_794 = arith.constant 256 : i32
        %dma_start3A_795 = tpu.memref_slice %arg13[%dma_start3A_793, %dma_start3A_794] : memref<16x512xf32, #tpu.memory_space<vmem>> -> memref<8x128xf32, #tpu.memory_space<vmem>>
        %dma_start3A_796 = arith.constant 0 : i32
        %dma_start3A_797 = arith.constant 0 : i32
        %dma_start3A_798 = tpu.memref_slice %arg5[%add3A_788, %add3A_792, %dma_start3A_796, %dma_start3A_797] : memref<52x128x8x128xf32, #tpu.memory_space<hbm>> -> memref<1x1x8x128xf32, #tpu.memory_space<hbm>>
        %dma_start3A_799 = tpu.memref_squeeze %dma_start3A_798 : memref<1x1x8x128xf32, #tpu.memory_space<hbm>> -> memref<8x128xf32, #tpu.memory_space<hbm>>
        %dma_start3A_800 = arith.constant 0 : i32
        %dma_start3A_801 = arith.constant 0 : i32
        %dma_start3A_802 = tpu.memref_slice %arg5[%add3A_788, %add3A_792, %dma_start3A_800, %dma_start3A_801] : memref<52x128x8x128xf32, #tpu.memory_space<hbm>> -> memref<1x1x8x128xf32, #tpu.memory_space<hbm>>
        %dma_start3A_803 = tpu.memref_squeeze %dma_start3A_802 : memref<1x1x8x128xf32, #tpu.memory_space<hbm>> -> memref<8x128xf32, #tpu.memory_space<hbm>>
        %dma_start3A_804 = arith.constant 0 : i32
        %dma_start3A_805 = arith.constant 256 : i32
        %dma_start3A_806 = tpu.memref_slice %arg13[%dma_start3A_804, %dma_start3A_805] : memref<16x512xf32, #tpu.memory_space<vmem>> -> memref<8x128xf32, #tpu.memory_space<vmem>>
        tpu.enqueue_dma source(%dma_start3A_806 : memref<8x128xf32, #tpu.memory_space<vmem>>) target(%dma_start3A_803 : memref<8x128xf32, #tpu.memory_space<hbm>>) target_semaphore(%arg21 : memref<!tpu.dma_semaphore, #tpu.memory_space<semaphore_mem>>)
        %mul3A_807 = arith.constant 2 : i32
        %mul3A_808 = arith.muli %mul3A_807, %add3A_660 : i32
        %add3A_809 = arith.constant 0 : i32
        %add3A_810 = arith.addi %mul3A_808, %add3A_809 : i32
        %mul3A_811 = arith.constant 4 : i32
        %mul3A_812 = arith.muli %add3A, %mul3A_811 : i32
        %add3A_813 = arith.constant 3 : i32
        %add3A_814 = arith.addi %mul3A_812, %add3A_813 : i32
        %dma_start3A_815 = arith.constant 0 : i32
        %dma_start3A_816 = arith.constant 384 : i32
        %dma_start3A_817 = tpu.memref_slice %arg13[%dma_start3A_815, %dma_start3A_816] : memref<16x512xf32, #tpu.memory_space<vmem>> -> memref<8x128xf32, #tpu.memory_space<vmem>>
        %dma_start3A_818 = arith.constant 0 : i32
        %dma_start3A_819 = arith.constant 0 : i32
        %dma_start3A_820 = tpu.memref_slice %arg5[%add3A_810, %add3A_814, %dma_start3A_818, %dma_start3A_819] : memref<52x128x8x128xf32, #tpu.memory_space<hbm>> -> memref<1x1x8x128xf32, #tpu.memory_space<hbm>>
        %dma_start3A_821 = tpu.memref_squeeze %dma_start3A_820 : memref<1x1x8x128xf32, #tpu.memory_space<hbm>> -> memref<8x128xf32, #tpu.memory_space<hbm>>
        %dma_start3A_822 = arith.constant 0 : i32
        %dma_start3A_823 = arith.constant 0 : i32
        %dma_start3A_824 = tpu.memref_slice %arg5[%add3A_810, %add3A_814, %dma_start3A_822, %dma_start3A_823] : memref<52x128x8x128xf32, #tpu.memory_space<hbm>> -> memref<1x1x8x128xf32, #tpu.memory_space<hbm>>
        %dma_start3A_825 = tpu.memref_squeeze %dma_start3A_824 : memref<1x1x8x128xf32, #tpu.memory_space<hbm>> -> memref<8x128xf32, #tpu.memory_space<hbm>>
        %dma_start3A_826 = arith.constant 0 : i32
        %dma_start3A_827 = arith.constant 384 : i32
        %dma_start3A_828 = tpu.memref_slice %arg13[%dma_start3A_826, %dma_start3A_827] : memref<16x512xf32, #tpu.memory_space<vmem>> -> memref<8x128xf32, #tpu.memory_space<vmem>>
        tpu.enqueue_dma source(%dma_start3A_828 : memref<8x128xf32, #tpu.memory_space<vmem>>) target(%dma_start3A_825 : memref<8x128xf32, #tpu.memory_space<hbm>>) target_semaphore(%arg21 : memref<!tpu.dma_semaphore, #tpu.memory_space<semaphore_mem>>)
        %mul3A_829 = arith.constant 2 : i32
        %mul3A_830 = arith.muli %mul3A_829, %add3A_660 : i32
        %add3A_831 = arith.constant 1 : i32
        %add3A_832 = arith.addi %mul3A_830, %add3A_831 : i32
        %mul3A_833 = arith.constant 4 : i32
        %mul3A_834 = arith.muli %add3A, %mul3A_833 : i32
        %add3A_835 = arith.constant 0 : i32
        %add3A_836 = arith.addi %mul3A_834, %add3A_835 : i32
        %dma_start3A_837 = arith.constant 8 : i32
        %dma_start3A_838 = arith.constant 0 : i32
        %dma_start3A_839 = tpu.memref_slice %arg13[%dma_start3A_837, %dma_start3A_838] : memref<16x512xf32, #tpu.memory_space<vmem>> -> memref<8x128xf32, #tpu.memory_space<vmem>>
        %dma_start3A_840 = arith.constant 0 : i32
        %dma_start3A_841 = arith.constant 0 : i32
        %dma_start3A_842 = tpu.memref_slice %arg5[%add3A_832, %add3A_836, %dma_start3A_840, %dma_start3A_841] : memref<52x128x8x128xf32, #tpu.memory_space<hbm>> -> memref<1x1x8x128xf32, #tpu.memory_space<hbm>>
        %dma_start3A_843 = tpu.memref_squeeze %dma_start3A_842 : memref<1x1x8x128xf32, #tpu.memory_space<hbm>> -> memref<8x128xf32, #tpu.memory_space<hbm>>
        %dma_start3A_844 = arith.constant 0 : i32
        %dma_start3A_845 = arith.constant 0 : i32
        %dma_start3A_846 = tpu.memref_slice %arg5[%add3A_832, %add3A_836, %dma_start3A_844, %dma_start3A_845] : memref<52x128x8x128xf32, #tpu.memory_space<hbm>> -> memref<1x1x8x128xf32, #tpu.memory_space<hbm>>
        %dma_start3A_847 = tpu.memref_squeeze %dma_start3A_846 : memref<1x1x8x128xf32, #tpu.memory_space<hbm>> -> memref<8x128xf32, #tpu.memory_space<hbm>>
        %dma_start3A_848 = arith.constant 8 : i32
        %dma_start3A_849 = arith.constant 0 : i32
        %dma_start3A_850 = tpu.memref_slice %arg13[%dma_start3A_848, %dma_start3A_849] : memref<16x512xf32, #tpu.memory_space<vmem>> -> memref<8x128xf32, #tpu.memory_space<vmem>>
        tpu.enqueue_dma source(%dma_start3A_850 : memref<8x128xf32, #tpu.memory_space<vmem>>) target(%dma_start3A_847 : memref<8x128xf32, #tpu.memory_space<hbm>>) target_semaphore(%arg21 : memref<!tpu.dma_semaphore, #tpu.memory_space<semaphore_mem>>)
        %mul3A_851 = arith.constant 2 : i32
        %mul3A_852 = arith.muli %mul3A_851, %add3A_660 : i32
        %add3A_853 = arith.constant 1 : i32
        %add3A_854 = arith.addi %mul3A_852, %add3A_853 : i32
        %mul3A_855 = arith.constant 4 : i32
        %mul3A_856 = arith.muli %add3A, %mul3A_855 : i32
        %add3A_857 = arith.constant 1 : i32
        %add3A_858 = arith.addi %mul3A_856, %add3A_857 : i32
        %dma_start3A_859 = arith.constant 8 : i32
        %dma_start3A_860 = arith.constant 128 : i32
        %dma_start3A_861 = tpu.memref_slice %arg13[%dma_start3A_859, %dma_start3A_860] : memref<16x512xf32, #tpu.memory_space<vmem>> -> memref<8x128xf32, #tpu.memory_space<vmem>>
        %dma_start3A_862 = arith.constant 0 : i32
        %dma_start3A_863 = arith.constant 0 : i32
        %dma_start3A_864 = tpu.memref_slice %arg5[%add3A_854, %add3A_858, %dma_start3A_862, %dma_start3A_863] : memref<52x128x8x128xf32, #tpu.memory_space<hbm>> -> memref<1x1x8x128xf32, #tpu.memory_space<hbm>>
        %dma_start3A_865 = tpu.memref_squeeze %dma_start3A_864 : memref<1x1x8x128xf32, #tpu.memory_space<hbm>> -> memref<8x128xf32, #tpu.memory_space<hbm>>
        %dma_start3A_866 = arith.constant 0 : i32
        %dma_start3A_867 = arith.constant 0 : i32
        %dma_start3A_868 = tpu.memref_slice %arg5[%add3A_854, %add3A_858, %dma_start3A_866, %dma_start3A_867] : memref<52x128x8x128xf32, #tpu.memory_space<hbm>> -> memref<1x1x8x128xf32, #tpu.memory_space<hbm>>
        %dma_start3A_869 = tpu.memref_squeeze %dma_start3A_868 : memref<1x1x8x128xf32, #tpu.memory_space<hbm>> -> memref<8x128xf32, #tpu.memory_space<hbm>>
        %dma_start3A_870 = arith.constant 8 : i32
        %dma_start3A_871 = arith.constant 128 : i32
        %dma_start3A_872 = tpu.memref_slice %arg13[%dma_start3A_870, %dma_start3A_871] : memref<16x512xf32, #tpu.memory_space<vmem>> -> memref<8x128xf32, #tpu.memory_space<vmem>>
        tpu.enqueue_dma source(%dma_start3A_872 : memref<8x128xf32, #tpu.memory_space<vmem>>) target(%dma_start3A_869 : memref<8x128xf32, #tpu.memory_space<hbm>>) target_semaphore(%arg21 : memref<!tpu.dma_semaphore, #tpu.memory_space<semaphore_mem>>)
        %mul3A_873 = arith.constant 2 : i32
        %mul3A_874 = arith.muli %mul3A_873, %add3A_660 : i32
        %add3A_875 = arith.constant 1 : i32
        %add3A_876 = arith.addi %mul3A_874, %add3A_875 : i32
        %mul3A_877 = arith.constant 4 : i32
        %mul3A_878 = arith.muli %add3A, %mul3A_877 : i32
        %add3A_879 = arith.constant 2 : i32
        %add3A_880 = arith.addi %mul3A_878, %add3A_879 : i32
        %dma_start3A_881 = arith.constant 8 : i32
        %dma_start3A_882 = arith.constant 256 : i32
        %dma_start3A_883 = tpu.memref_slice %arg13[%dma_start3A_881, %dma_start3A_882] : memref<16x512xf32, #tpu.memory_space<vmem>> -> memref<8x128xf32, #tpu.memory_space<vmem>>
        %dma_start3A_884 = arith.constant 0 : i32
        %dma_start3A_885 = arith.constant 0 : i32
        %dma_start3A_886 = tpu.memref_slice %arg5[%add3A_876, %add3A_880, %dma_start3A_884, %dma_start3A_885] : memref<52x128x8x128xf32, #tpu.memory_space<hbm>> -> memref<1x1x8x128xf32, #tpu.memory_space<hbm>>
        %dma_start3A_887 = tpu.memref_squeeze %dma_start3A_886 : memref<1x1x8x128xf32, #tpu.memory_space<hbm>> -> memref<8x128xf32, #tpu.memory_space<hbm>>
        %dma_start3A_888 = arith.constant 0 : i32
        %dma_start3A_889 = arith.constant 0 : i32
        %dma_start3A_890 = tpu.memref_slice %arg5[%add3A_876, %add3A_880, %dma_start3A_888, %dma_start3A_889] : memref<52x128x8x128xf32, #tpu.memory_space<hbm>> -> memref<1x1x8x128xf32, #tpu.memory_space<hbm>>
        %dma_start3A_891 = tpu.memref_squeeze %dma_start3A_890 : memref<1x1x8x128xf32, #tpu.memory_space<hbm>> -> memref<8x128xf32, #tpu.memory_space<hbm>>
        %dma_start3A_892 = arith.constant 8 : i32
        %dma_start3A_893 = arith.constant 256 : i32
        %dma_start3A_894 = tpu.memref_slice %arg13[%dma_start3A_892, %dma_start3A_893] : memref<16x512xf32, #tpu.memory_space<vmem>> -> memref<8x128xf32, #tpu.memory_space<vmem>>
        tpu.enqueue_dma source(%dma_start3A_894 : memref<8x128xf32, #tpu.memory_space<vmem>>) target(%dma_start3A_891 : memref<8x128xf32, #tpu.memory_space<hbm>>) target_semaphore(%arg21 : memref<!tpu.dma_semaphore, #tpu.memory_space<semaphore_mem>>)
        %mul3A_895 = arith.constant 2 : i32
        %mul3A_896 = arith.muli %mul3A_895, %add3A_660 : i32
        %add3A_897 = arith.constant 1 : i32
        %add3A_898 = arith.addi %mul3A_896, %add3A_897 : i32
        %mul3A_899 = arith.constant 4 : i32
        %mul3A_900 = arith.muli %add3A, %mul3A_899 : i32
        %add3A_901 = arith.constant 3 : i32
        %add3A_902 = arith.addi %mul3A_900, %add3A_901 : i32
        %dma_start3A_903 = arith.constant 8 : i32
        %dma_start3A_904 = arith.constant 384 : i32
        %dma_start3A_905 = tpu.memref_slice %arg13[%dma_start3A_903, %dma_start3A_904] : memref<16x512xf32, #tpu.memory_space<vmem>> -> memref<8x128xf32, #tpu.memory_space<vmem>>
        %dma_start3A_906 = arith.constant 0 : i32
        %dma_start3A_907 = arith.constant 0 : i32
        %dma_start3A_908 = tpu.memref_slice %arg5[%add3A_898, %add3A_902, %dma_start3A_906, %dma_start3A_907] : memref<52x128x8x128xf32, #tpu.memory_space<hbm>> -> memref<1x1x8x128xf32, #tpu.memory_space<hbm>>
        %dma_start3A_909 = tpu.memref_squeeze %dma_start3A_908 : memref<1x1x8x128xf32, #tpu.memory_space<hbm>> -> memref<8x128xf32, #tpu.memory_space<hbm>>
        %dma_start3A_910 = arith.constant 0 : i32
        %dma_start3A_911 = arith.constant 0 : i32
        %dma_start3A_912 = tpu.memref_slice %arg5[%add3A_898, %add3A_902, %dma_start3A_910, %dma_start3A_911] : memref<52x128x8x128xf32, #tpu.memory_space<hbm>> -> memref<1x1x8x128xf32, #tpu.memory_space<hbm>>
        %dma_start3A_913 = tpu.memref_squeeze %dma_start3A_912 : memref<1x1x8x128xf32, #tpu.memory_space<hbm>> -> memref<8x128xf32, #tpu.memory_space<hbm>>
        %dma_start3A_914 = arith.constant 8 : i32
        %dma_start3A_915 = arith.constant 384 : i32
        %dma_start3A_916 = tpu.memref_slice %arg13[%dma_start3A_914, %dma_start3A_915] : memref<16x512xf32, #tpu.memory_space<vmem>> -> memref<8x128xf32, #tpu.memory_space<vmem>>
        tpu.enqueue_dma source(%dma_start3A_916 : memref<8x128xf32, #tpu.memory_space<vmem>>) target(%dma_start3A_913 : memref<8x128xf32, #tpu.memory_space<hbm>>) target_semaphore(%arg21 : memref<!tpu.dma_semaphore, #tpu.memory_space<semaphore_mem>>)
      } else {
      }
      %mul3A_666 = arith.constant 4 : i32
      %mul3A_667 = arith.muli %mul3A_666, %scan3A_650 : i32
      %add3A_668 = arith.constant 2 : i32
      %add3A_669 = arith.addi %mul3A_667, %add3A_668 : i32
      %lt3A_670 = arith.constant 26 : i32
      %lt3A_671 = arith.cmpi slt, %add3A_669, %lt3A_670 : i32
      %convert_element_type3A_672 = arith.extui %lt3A_671 : i1 to i32
      %cond3A_673 = arith.constant 0 : i32
      %cond3A_674 = arith.cmpi ne, %convert_element_type3A_672, %cond3A_673 : i32
      scf.if %cond3A_674 {
        %dma_wait3A_684 = arith.constant 0 : i32
        %dma_wait3A_685 = arith.constant 0 : i32
        %dma_wait3A_686 = arith.constant 0 : i32
        %dma_wait3A_687 = arith.constant 0 : i32
        %dma_wait3A_688 = tpu.memref_slice %arg10[%dma_wait3A_686, %dma_wait3A_687] : memref<512x16xf32, #tpu.memory_space<vmem>> -> memref<128x16xf32, #tpu.memory_space<vmem>>
        %dma_wait3A_689 = arith.constant 0 : i32
        %dma_wait3A_690 = tpu.memref_slice %arg6[%dma_wait3A_684, %dma_wait3A_685, %dma_wait3A_689] : memref<26x4x128xi32, #tpu.memory_space<vmem>> -> memref<1x1x128xi32, #tpu.memory_space<vmem>>
        %dma_wait3A_691 = tpu.memref_squeeze %dma_wait3A_690 : memref<1x1x128xi32, #tpu.memory_space<vmem>> -> memref<128xi32, #tpu.memory_space<vmem>>
        %dma_wait3A_692 = arith.constant 0 : i32
        %dma_wait3A_693 = arith.constant 0 : i32
        %dma_wait3A_694 = tpu.memref_slice %arg3[%dma_wait3A_692, %dma_wait3A_693] : memref<1000000x16xf32, #tpu.memory_space<hbm>> -> memref<1000000x16xf32, #tpu.memory_space<hbm>>
        tpu.wait_indirect_dma semaphore(%arg18 : memref<!tpu.dma_semaphore, #tpu.memory_space<semaphore_mem>>) src(%dma_wait3A_694 : memref<1000000x16xf32, #tpu.memory_space<hbm>>) dst(%dma_wait3A_688 : memref<128x16xf32, #tpu.memory_space<vmem>>)
        %dma_wait3A_695 = arith.constant 0 : i32
        %dma_wait3A_696 = arith.constant 0 : i32
        %dma_wait3A_697 = arith.constant 128 : i32
        %dma_wait3A_698 = arith.constant 0 : i32
        %dma_wait3A_699 = tpu.memref_slice %arg10[%dma_wait3A_697, %dma_wait3A_698] : memref<512x16xf32, #tpu.memory_space<vmem>> -> memref<128x16xf32, #tpu.memory_space<vmem>>
        %dma_wait3A_700 = arith.constant 0 : i32
        %dma_wait3A_701 = tpu.memref_slice %arg6[%dma_wait3A_695, %dma_wait3A_696, %dma_wait3A_700] : memref<26x4x128xi32, #tpu.memory_space<vmem>> -> memref<1x1x128xi32, #tpu.memory_space<vmem>>
        %dma_wait3A_702 = tpu.memref_squeeze %dma_wait3A_701 : memref<1x1x128xi32, #tpu.memory_space<vmem>> -> memref<128xi32, #tpu.memory_space<vmem>>
        %dma_wait3A_703 = arith.constant 0 : i32
        %dma_wait3A_704 = arith.constant 0 : i32
        %dma_wait3A_705 = tpu.memref_slice %arg3[%dma_wait3A_703, %dma_wait3A_704] : memref<1000000x16xf32, #tpu.memory_space<hbm>> -> memref<1000000x16xf32, #tpu.memory_space<hbm>>
        tpu.wait_indirect_dma semaphore(%arg18 : memref<!tpu.dma_semaphore, #tpu.memory_space<semaphore_mem>>) src(%dma_wait3A_705 : memref<1000000x16xf32, #tpu.memory_space<hbm>>) dst(%dma_wait3A_699 : memref<128x16xf32, #tpu.memory_space<vmem>>)
        %dma_wait3A_706 = arith.constant 0 : i32
        %dma_wait3A_707 = arith.constant 0 : i32
        %dma_wait3A_708 = arith.constant 256 : i32
        %dma_wait3A_709 = arith.constant 0 : i32
        %dma_wait3A_710 = tpu.memref_slice %arg10[%dma_wait3A_708, %dma_wait3A_709] : memref<512x16xf32, #tpu.memory_space<vmem>> -> memref<128x16xf32, #tpu.memory_space<vmem>>
        %dma_wait3A_711 = arith.constant 0 : i32
        %dma_wait3A_712 = tpu.memref_slice %arg6[%dma_wait3A_706, %dma_wait3A_707, %dma_wait3A_711] : memref<26x4x128xi32, #tpu.memory_space<vmem>> -> memref<1x1x128xi32, #tpu.memory_space<vmem>>
        %dma_wait3A_713 = tpu.memref_squeeze %dma_wait3A_712 : memref<1x1x128xi32, #tpu.memory_space<vmem>> -> memref<128xi32, #tpu.memory_space<vmem>>
        %dma_wait3A_714 = arith.constant 0 : i32
        %dma_wait3A_715 = arith.constant 0 : i32
        %dma_wait3A_716 = tpu.memref_slice %arg3[%dma_wait3A_714, %dma_wait3A_715] : memref<1000000x16xf32, #tpu.memory_space<hbm>> -> memref<1000000x16xf32, #tpu.memory_space<hbm>>
        tpu.wait_indirect_dma semaphore(%arg18 : memref<!tpu.dma_semaphore, #tpu.memory_space<semaphore_mem>>) src(%dma_wait3A_716 : memref<1000000x16xf32, #tpu.memory_space<hbm>>) dst(%dma_wait3A_710 : memref<128x16xf32, #tpu.memory_space<vmem>>)
        %dma_wait3A_717 = arith.constant 0 : i32
        %dma_wait3A_718 = arith.constant 0 : i32
        %dma_wait3A_719 = arith.constant 384 : i32
        %dma_wait3A_720 = arith.constant 0 : i32
        %dma_wait3A_721 = tpu.memref_slice %arg10[%dma_wait3A_719, %dma_wait3A_720] : memref<512x16xf32, #tpu.memory_space<vmem>> -> memref<128x16xf32, #tpu.memory_space<vmem>>
        %dma_wait3A_722 = arith.constant 0 : i32
        %dma_wait3A_723 = tpu.memref_slice %arg6[%dma_wait3A_717, %dma_wait3A_718, %dma_wait3A_722] : memref<26x4x128xi32, #tpu.memory_space<vmem>> -> memref<1x1x128xi32, #tpu.memory_space<vmem>>
        %dma_wait3A_724 = tpu.memref_squeeze %dma_wait3A_723 : memref<1x1x128xi32, #tpu.memory_space<vmem>> -> memref<128xi32, #tpu.memory_space<vmem>>
        %dma_wait3A_725 = arith.constant 0 : i32
        %dma_wait3A_726 = arith.constant 0 : i32
        %dma_wait3A_727 = tpu.memref_slice %arg3[%dma_wait3A_725, %dma_wait3A_726] : memref<1000000x16xf32, #tpu.memory_space<hbm>> -> memref<1000000x16xf32, #tpu.memory_space<hbm>>
        tpu.wait_indirect_dma semaphore(%arg18 : memref<!tpu.dma_semaphore, #tpu.memory_space<semaphore_mem>>) src(%dma_wait3A_727 : memref<1000000x16xf32, #tpu.memory_space<hbm>>) dst(%dma_wait3A_721 : memref<128x16xf32, #tpu.memory_space<vmem>>)
        %add3A_728 = arith.constant 3 : i32
        %add3A_729 = arith.addi %add3A_669, %add3A_728 : i32
        %lt3A_730 = arith.constant 26 : i32
        %lt3A_731 = arith.cmpi slt, %add3A_729, %lt3A_730 : i32
        %convert_element_type3A_732 = arith.extui %lt3A_731 : i1 to i32
        %cond3A_733 = arith.constant 0 : i32
        %cond3A_734 = arith.cmpi ne, %convert_element_type3A_732, %cond3A_733 : i32
        scf.if %cond3A_734 {
          %add3A_917 = arith.constant 3 : i32
          %add3A_918 = arith.addi %add3A_669, %add3A_917 : i32
          %dma_start3A_919 = arith.constant 0 : i32
          %dma_start3A_920 = arith.constant 0 : i32
          %dma_start3A_921 = arith.constant 0 : i32
          %dma_start3A_922 = tpu.memref_slice %arg9[%dma_start3A_920, %dma_start3A_921] : memref<512x16xf32, #tpu.memory_space<vmem>> -> memref<128x16xf32, #tpu.memory_space<vmem>>
          %dma_start3A_923 = arith.constant 0 : i32
          %dma_start3A_924 = tpu.memref_slice %arg6[%add3A_918, %dma_start3A_919, %dma_start3A_923] : memref<26x4x128xi32, #tpu.memory_space<vmem>> -> memref<1x1x128xi32, #tpu.memory_space<vmem>>
          %dma_start3A_925 = tpu.memref_squeeze %dma_start3A_924 : memref<1x1x128xi32, #tpu.memory_space<vmem>> -> memref<128xi32, #tpu.memory_space<vmem>>
          %dma_start3A_926 = arith.constant 0 : i32
          %dma_start3A_927 = arith.constant 0 : i32
          %dma_start3A_928 = tpu.memref_slice %arg3[%dma_start3A_926, %dma_start3A_927] : memref<1000000x16xf32, #tpu.memory_space<hbm>> -> memref<1000000x16xf32, #tpu.memory_space<hbm>>
          tpu.enqueue_indirect_dma source(%dma_start3A_928 : memref<1000000x16xf32, #tpu.memory_space<hbm>>) target(%dma_start3A_922 : memref<128x16xf32, #tpu.memory_space<vmem>>) offsets(%dma_start3A_925 : memref<128xi32, #tpu.memory_space<vmem>>) semaphore(%arg17 : memref<!tpu.dma_semaphore, #tpu.memory_space<semaphore_mem>>)
          %dma_start3A_929 = arith.constant 1 : i32
          %dma_start3A_930 = arith.constant 128 : i32
          %dma_start3A_931 = arith.constant 0 : i32
          %dma_start3A_932 = tpu.memref_slice %arg9[%dma_start3A_930, %dma_start3A_931] : memref<512x16xf32, #tpu.memory_space<vmem>> -> memref<128x16xf32, #tpu.memory_space<vmem>>
          %dma_start3A_933 = arith.constant 0 : i32
          %dma_start3A_934 = tpu.memref_slice %arg6[%add3A_918, %dma_start3A_929, %dma_start3A_933] : memref<26x4x128xi32, #tpu.memory_space<vmem>> -> memref<1x1x128xi32, #tpu.memory_space<vmem>>
          %dma_start3A_935 = tpu.memref_squeeze %dma_start3A_934 : memref<1x1x128xi32, #tpu.memory_space<vmem>> -> memref<128xi32, #tpu.memory_space<vmem>>
          %dma_start3A_936 = arith.constant 0 : i32
          %dma_start3A_937 = arith.constant 0 : i32
          %dma_start3A_938 = tpu.memref_slice %arg3[%dma_start3A_936, %dma_start3A_937] : memref<1000000x16xf32, #tpu.memory_space<hbm>> -> memref<1000000x16xf32, #tpu.memory_space<hbm>>
          tpu.enqueue_indirect_dma source(%dma_start3A_938 : memref<1000000x16xf32, #tpu.memory_space<hbm>>) target(%dma_start3A_932 : memref<128x16xf32, #tpu.memory_space<vmem>>) offsets(%dma_start3A_935 : memref<128xi32, #tpu.memory_space<vmem>>) semaphore(%arg17 : memref<!tpu.dma_semaphore, #tpu.memory_space<semaphore_mem>>)
          %dma_start3A_939 = arith.constant 2 : i32
          %dma_start3A_940 = arith.constant 256 : i32
          %dma_start3A_941 = arith.constant 0 : i32
          %dma_start3A_942 = tpu.memref_slice %arg9[%dma_start3A_940, %dma_start3A_941] : memref<512x16xf32, #tpu.memory_space<vmem>> -> memref<128x16xf32, #tpu.memory_space<vmem>>
          %dma_start3A_943 = arith.constant 0 : i32
          %dma_start3A_944 = tpu.memref_slice %arg6[%add3A_918, %dma_start3A_939, %dma_start3A_943] : memref<26x4x128xi32, #tpu.memory_space<vmem>> -> memref<1x1x128xi32, #tpu.memory_space<vmem>>
          %dma_start3A_945 = tpu.memref_squeeze %dma_start3A_944 : memref<1x1x128xi32, #tpu.memory_space<vmem>> -> memref<128xi32, #tpu.memory_space<vmem>>
          %dma_start3A_946 = arith.constant 0 : i32
          %dma_start3A_947 = arith.constant 0 : i32
          %dma_start3A_948 = tpu.memref_slice %arg3[%dma_start3A_946, %dma_start3A_947] : memref<1000000x16xf32, #tpu.memory_space<hbm>> -> memref<1000000x16xf32, #tpu.memory_space<hbm>>
          tpu.enqueue_indirect_dma source(%dma_start3A_948 : memref<1000000x16xf32, #tpu.memory_space<hbm>>) target(%dma_start3A_942 : memref<128x16xf32, #tpu.memory_space<vmem>>) offsets(%dma_start3A_945 : memref<128xi32, #tpu.memory_space<vmem>>) semaphore(%arg17 : memref<!tpu.dma_semaphore, #tpu.memory_space<semaphore_mem>>)
          %dma_start3A_949 = arith.constant 3 : i32
          %dma_start3A_950 = arith.constant 384 : i32
          %dma_start3A_951 = arith.constant 0 : i32
          %dma_start3A_952 = tpu.memref_slice %arg9[%dma_start3A_950, %dma_start3A_951] : memref<512x16xf32, #tpu.memory_space<vmem>> -> memref<128x16xf32, #tpu.memory_space<vmem>>
          %dma_start3A_953 = arith.constant 0 : i32
          %dma_start3A_954 = tpu.memref_slice %arg6[%add3A_918, %dma_start3A_949, %dma_start3A_953] : memref<26x4x128xi32, #tpu.memory_space<vmem>> -> memref<1x1x128xi32, #tpu.memory_space<vmem>>
          %dma_start3A_955 = tpu.memref_squeeze %dma_start3A_954 : memref<1x1x128xi32, #tpu.memory_space<vmem>> -> memref<128xi32, #tpu.memory_space<vmem>>
          %dma_start3A_956 = arith.constant 0 : i32
          %dma_start3A_957 = arith.constant 0 : i32
          %dma_start3A_958 = tpu.memref_slice %arg3[%dma_start3A_956, %dma_start3A_957] : memref<1000000x16xf32, #tpu.memory_space<hbm>> -> memref<1000000x16xf32, #tpu.memory_space<hbm>>
          tpu.enqueue_indirect_dma source(%dma_start3A_958 : memref<1000000x16xf32, #tpu.memory_space<hbm>>) target(%dma_start3A_952 : memref<128x16xf32, #tpu.memory_space<vmem>>) offsets(%dma_start3A_955 : memref<128xi32, #tpu.memory_space<vmem>>) semaphore(%arg17 : memref<!tpu.dma_semaphore, #tpu.memory_space<semaphore_mem>>)
        } else {
        }
        %ge3A = arith.constant 4 : i32
        %ge3A_735 = arith.cmpi sge, %add3A_669, %ge3A : i32
        %convert_element_type3A_736 = arith.extui %ge3A_735 : i1 to i32
        %cond3A_737 = arith.constant 0 : i32
        %cond3A_738 = arith.cmpi ne, %convert_element_type3A_736, %cond3A_737 : i32
        scf.if %cond3A_738 {
          %dma_wait3A_917 = arith.constant 0 : i32
          %dma_wait3A_918 = arith.constant 0 : i32
          %dma_wait3A_919 = arith.constant 0 : i32
          %dma_wait3A_920 = arith.constant 0 : i32
          %dma_wait3A_921 = tpu.memref_slice %arg14[%dma_wait3A_919, %dma_wait3A_920] : memref<16x512xf32, #tpu.memory_space<vmem>> -> memref<8x128xf32, #tpu.memory_space<vmem>>
          %dma_wait3A_922 = arith.constant 0 : i32
          %dma_wait3A_923 = arith.constant 0 : i32
          %dma_wait3A_924 = tpu.memref_slice %arg5[%dma_wait3A_917, %dma_wait3A_918, %dma_wait3A_922, %dma_wait3A_923] : memref<52x128x8x128xf32, #tpu.memory_space<hbm>> -> memref<1x1x8x128xf32, #tpu.memory_space<hbm>>
          %dma_wait3A_925 = tpu.memref_squeeze %dma_wait3A_924 : memref<1x1x8x128xf32, #tpu.memory_space<hbm>> -> memref<8x128xf32, #tpu.memory_space<hbm>>
          %dma_wait3A_926 = arith.constant 0 : i32
          %dma_wait3A_927 = arith.constant 0 : i32
          %dma_wait3A_928 = tpu.memref_slice %arg5[%dma_wait3A_917, %dma_wait3A_918, %dma_wait3A_926, %dma_wait3A_927] : memref<52x128x8x128xf32, #tpu.memory_space<hbm>> -> memref<1x1x8x128xf32, #tpu.memory_space<hbm>>
          %dma_wait3A_929 = tpu.memref_squeeze %dma_wait3A_928 : memref<1x1x8x128xf32, #tpu.memory_space<hbm>> -> memref<8x128xf32, #tpu.memory_space<hbm>>
          %dma_wait3A_930 = arith.constant 0 : i32
          %dma_wait3A_931 = arith.constant 0 : i32
          %dma_wait3A_932 = tpu.memref_slice %arg14[%dma_wait3A_930, %dma_wait3A_931] : memref<16x512xf32, #tpu.memory_space<vmem>> -> memref<8x128xf32, #tpu.memory_space<vmem>>
          tpu.wait_dma2 semaphore(%arg22 : memref<!tpu.dma_semaphore, #tpu.memory_space<semaphore_mem>>) src(%dma_wait3A_932 : memref<8x128xf32, #tpu.memory_space<vmem>>) dst(%dma_wait3A_929 : memref<8x128xf32, #tpu.memory_space<hbm>>)
          %dma_wait3A_933 = arith.constant 0 : i32
          %dma_wait3A_934 = arith.constant 0 : i32
          %dma_wait3A_935 = arith.constant 0 : i32
          %dma_wait3A_936 = arith.constant 0 : i32
          %dma_wait3A_937 = tpu.memref_slice %arg14[%dma_wait3A_935, %dma_wait3A_936] : memref<16x512xf32, #tpu.memory_space<vmem>> -> memref<8x128xf32, #tpu.memory_space<vmem>>
          %dma_wait3A_938 = arith.constant 0 : i32
          %dma_wait3A_939 = arith.constant 0 : i32
          %dma_wait3A_940 = tpu.memref_slice %arg5[%dma_wait3A_933, %dma_wait3A_934, %dma_wait3A_938, %dma_wait3A_939] : memref<52x128x8x128xf32, #tpu.memory_space<hbm>> -> memref<1x1x8x128xf32, #tpu.memory_space<hbm>>
          %dma_wait3A_941 = tpu.memref_squeeze %dma_wait3A_940 : memref<1x1x8x128xf32, #tpu.memory_space<hbm>> -> memref<8x128xf32, #tpu.memory_space<hbm>>
          %dma_wait3A_942 = arith.constant 0 : i32
          %dma_wait3A_943 = arith.constant 0 : i32
          %dma_wait3A_944 = tpu.memref_slice %arg5[%dma_wait3A_933, %dma_wait3A_934, %dma_wait3A_942, %dma_wait3A_943] : memref<52x128x8x128xf32, #tpu.memory_space<hbm>> -> memref<1x1x8x128xf32, #tpu.memory_space<hbm>>
          %dma_wait3A_945 = tpu.memref_squeeze %dma_wait3A_944 : memref<1x1x8x128xf32, #tpu.memory_space<hbm>> -> memref<8x128xf32, #tpu.memory_space<hbm>>
          %dma_wait3A_946 = arith.constant 0 : i32
          %dma_wait3A_947 = arith.constant 0 : i32
          %dma_wait3A_948 = tpu.memref_slice %arg14[%dma_wait3A_946, %dma_wait3A_947] : memref<16x512xf32, #tpu.memory_space<vmem>> -> memref<8x128xf32, #tpu.memory_space<vmem>>
          tpu.wait_dma2 semaphore(%arg22 : memref<!tpu.dma_semaphore, #tpu.memory_space<semaphore_mem>>) src(%dma_wait3A_948 : memref<8x128xf32, #tpu.memory_space<vmem>>) dst(%dma_wait3A_945 : memref<8x128xf32, #tpu.memory_space<hbm>>)
          %dma_wait3A_949 = arith.constant 0 : i32
          %dma_wait3A_950 = arith.constant 0 : i32
          %dma_wait3A_951 = arith.constant 0 : i32
          %dma_wait3A_952 = arith.constant 0 : i32
          %dma_wait3A_953 = tpu.memref_slice %arg14[%dma_wait3A_951, %dma_wait3A_952] : memref<16x512xf32, #tpu.memory_space<vmem>> -> memref<8x128xf32, #tpu.memory_space<vmem>>
          %dma_wait3A_954 = arith.constant 0 : i32
          %dma_wait3A_955 = arith.constant 0 : i32
          %dma_wait3A_956 = tpu.memref_slice %arg5[%dma_wait3A_949, %dma_wait3A_950, %dma_wait3A_954, %dma_wait3A_955] : memref<52x128x8x128xf32, #tpu.memory_space<hbm>> -> memref<1x1x8x128xf32, #tpu.memory_space<hbm>>
          %dma_wait3A_957 = tpu.memref_squeeze %dma_wait3A_956 : memref<1x1x8x128xf32, #tpu.memory_space<hbm>> -> memref<8x128xf32, #tpu.memory_space<hbm>>
          %dma_wait3A_958 = arith.constant 0 : i32
          %dma_wait3A_959 = arith.constant 0 : i32
          %dma_wait3A_960 = tpu.memref_slice %arg5[%dma_wait3A_949, %dma_wait3A_950, %dma_wait3A_958, %dma_wait3A_959] : memref<52x128x8x128xf32, #tpu.memory_space<hbm>> -> memref<1x1x8x128xf32, #tpu.memory_space<hbm>>
          %dma_wait3A_961 = tpu.memref_squeeze %dma_wait3A_960 : memref<1x1x8x128xf32, #tpu.memory_space<hbm>> -> memref<8x128xf32, #tpu.memory_space<hbm>>
          %dma_wait3A_962 = arith.constant 0 : i32
          %dma_wait3A_963 = arith.constant 0 : i32
          %dma_wait3A_964 = tpu.memref_slice %arg14[%dma_wait3A_962, %dma_wait3A_963] : memref<16x512xf32, #tpu.memory_space<vmem>> -> memref<8x128xf32, #tpu.memory_space<vmem>>
          tpu.wait_dma2 semaphore(%arg22 : memref<!tpu.dma_semaphore, #tpu.memory_space<semaphore_mem>>) src(%dma_wait3A_964 : memref<8x128xf32, #tpu.memory_space<vmem>>) dst(%dma_wait3A_961 : memref<8x128xf32, #tpu.memory_space<hbm>>)
          %dma_wait3A_965 = arith.constant 0 : i32
          %dma_wait3A_966 = arith.constant 0 : i32
          %dma_wait3A_967 = arith.constant 0 : i32
          %dma_wait3A_968 = arith.constant 0 : i32
          %dma_wait3A_969 = tpu.memref_slice %arg14[%dma_wait3A_967, %dma_wait3A_968] : memref<16x512xf32, #tpu.memory_space<vmem>> -> memref<8x128xf32, #tpu.memory_space<vmem>>
          %dma_wait3A_970 = arith.constant 0 : i32
          %dma_wait3A_971 = arith.constant 0 : i32
          %dma_wait3A_972 = tpu.memref_slice %arg5[%dma_wait3A_965, %dma_wait3A_966, %dma_wait3A_970, %dma_wait3A_971] : memref<52x128x8x128xf32, #tpu.memory_space<hbm>> -> memref<1x1x8x128xf32, #tpu.memory_space<hbm>>
          %dma_wait3A_973 = tpu.memref_squeeze %dma_wait3A_972 : memref<1x1x8x128xf32, #tpu.memory_space<hbm>> -> memref<8x128xf32, #tpu.memory_space<hbm>>
          %dma_wait3A_974 = arith.constant 0 : i32
          %dma_wait3A_975 = arith.constant 0 : i32
          %dma_wait3A_976 = tpu.memref_slice %arg5[%dma_wait3A_965, %dma_wait3A_966, %dma_wait3A_974, %dma_wait3A_975] : memref<52x128x8x128xf32, #tpu.memory_space<hbm>> -> memref<1x1x8x128xf32, #tpu.memory_space<hbm>>
          %dma_wait3A_977 = tpu.memref_squeeze %dma_wait3A_976 : memref<1x1x8x128xf32, #tpu.memory_space<hbm>> -> memref<8x128xf32, #tpu.memory_space<hbm>>
          %dma_wait3A_978 = arith.constant 0 : i32
          %dma_wait3A_979 = arith.constant 0 : i32
          %dma_wait3A_980 = tpu.memref_slice %arg14[%dma_wait3A_978, %dma_wait3A_979] : memref<16x512xf32, #tpu.memory_space<vmem>> -> memref<8x128xf32, #tpu.memory_space<vmem>>
          tpu.wait_dma2 semaphore(%arg22 : memref<!tpu.dma_semaphore, #tpu.memory_space<semaphore_mem>>) src(%dma_wait3A_980 : memref<8x128xf32, #tpu.memory_space<vmem>>) dst(%dma_wait3A_977 : memref<8x128xf32, #tpu.memory_space<hbm>>)
          %dma_wait3A_981 = arith.constant 0 : i32
          %dma_wait3A_982 = arith.constant 0 : i32
          %dma_wait3A_983 = arith.constant 0 : i32
          %dma_wait3A_984 = arith.constant 0 : i32
          %dma_wait3A_985 = tpu.memref_slice %arg14[%dma_wait3A_983, %dma_wait3A_984] : memref<16x512xf32, #tpu.memory_space<vmem>> -> memref<8x128xf32, #tpu.memory_space<vmem>>
          %dma_wait3A_986 = arith.constant 0 : i32
          %dma_wait3A_987 = arith.constant 0 : i32
          %dma_wait3A_988 = tpu.memref_slice %arg5[%dma_wait3A_981, %dma_wait3A_982, %dma_wait3A_986, %dma_wait3A_987] : memref<52x128x8x128xf32, #tpu.memory_space<hbm>> -> memref<1x1x8x128xf32, #tpu.memory_space<hbm>>
          %dma_wait3A_989 = tpu.memref_squeeze %dma_wait3A_988 : memref<1x1x8x128xf32, #tpu.memory_space<hbm>> -> memref<8x128xf32, #tpu.memory_space<hbm>>
          %dma_wait3A_990 = arith.constant 0 : i32
          %dma_wait3A_991 = arith.constant 0 : i32
          %dma_wait3A_992 = tpu.memref_slice %arg5[%dma_wait3A_981, %dma_wait3A_982, %dma_wait3A_990, %dma_wait3A_991] : memref<52x128x8x128xf32, #tpu.memory_space<hbm>> -> memref<1x1x8x128xf32, #tpu.memory_space<hbm>>
          %dma_wait3A_993 = tpu.memref_squeeze %dma_wait3A_992 : memref<1x1x8x128xf32, #tpu.memory_space<hbm>> -> memref<8x128xf32, #tpu.memory_space<hbm>>
          %dma_wait3A_994 = arith.constant 0 : i32
          %dma_wait3A_995 = arith.constant 0 : i32
          %dma_wait3A_996 = tpu.memref_slice %arg14[%dma_wait3A_994, %dma_wait3A_995] : memref<16x512xf32, #tpu.memory_space<vmem>> -> memref<8x128xf32, #tpu.memory_space<vmem>>
          tpu.wait_dma2 semaphore(%arg22 : memref<!tpu.dma_semaphore, #tpu.memory_space<semaphore_mem>>) src(%dma_wait3A_996 : memref<8x128xf32, #tpu.memory_space<vmem>>) dst(%dma_wait3A_993 : memref<8x128xf32, #tpu.memory_space<hbm>>)
          %dma_wait3A_997 = arith.constant 0 : i32
          %dma_wait3A_998 = arith.constant 0 : i32
          %dma_wait3A_999 = arith.constant 0 : i32
          %dma_wait3A_1000 = arith.constant 0 : i32
          %dma_wait3A_1001 = tpu.memref_slice %arg14[%dma_wait3A_999, %dma_wait3A_1000] : memref<16x512xf32, #tpu.memory_space<vmem>> -> memref<8x128xf32, #tpu.memory_space<vmem>>
          %dma_wait3A_1002 = arith.constant 0 : i32
          %dma_wait3A_1003 = arith.constant 0 : i32
          %dma_wait3A_1004 = tpu.memref_slice %arg5[%dma_wait3A_997, %dma_wait3A_998, %dma_wait3A_1002, %dma_wait3A_1003] : memref<52x128x8x128xf32, #tpu.memory_space<hbm>> -> memref<1x1x8x128xf32, #tpu.memory_space<hbm>>
          %dma_wait3A_1005 = tpu.memref_squeeze %dma_wait3A_1004 : memref<1x1x8x128xf32, #tpu.memory_space<hbm>> -> memref<8x128xf32, #tpu.memory_space<hbm>>
          %dma_wait3A_1006 = arith.constant 0 : i32
          %dma_wait3A_1007 = arith.constant 0 : i32
          %dma_wait3A_1008 = tpu.memref_slice %arg5[%dma_wait3A_997, %dma_wait3A_998, %dma_wait3A_1006, %dma_wait3A_1007] : memref<52x128x8x128xf32, #tpu.memory_space<hbm>> -> memref<1x1x8x128xf32, #tpu.memory_space<hbm>>
          %dma_wait3A_1009 = tpu.memref_squeeze %dma_wait3A_1008 : memref<1x1x8x128xf32, #tpu.memory_space<hbm>> -> memref<8x128xf32, #tpu.memory_space<hbm>>
          %dma_wait3A_1010 = arith.constant 0 : i32
          %dma_wait3A_1011 = arith.constant 0 : i32
          %dma_wait3A_1012 = tpu.memref_slice %arg14[%dma_wait3A_1010, %dma_wait3A_1011] : memref<16x512xf32, #tpu.memory_space<vmem>> -> memref<8x128xf32, #tpu.memory_space<vmem>>
          tpu.wait_dma2 semaphore(%arg22 : memref<!tpu.dma_semaphore, #tpu.memory_space<semaphore_mem>>) src(%dma_wait3A_1012 : memref<8x128xf32, #tpu.memory_space<vmem>>) dst(%dma_wait3A_1009 : memref<8x128xf32, #tpu.memory_space<hbm>>)
          %dma_wait3A_1013 = arith.constant 0 : i32
          %dma_wait3A_1014 = arith.constant 0 : i32
          %dma_wait3A_1015 = arith.constant 0 : i32
          %dma_wait3A_1016 = arith.constant 0 : i32
          %dma_wait3A_1017 = tpu.memref_slice %arg14[%dma_wait3A_1015, %dma_wait3A_1016] : memref<16x512xf32, #tpu.memory_space<vmem>> -> memref<8x128xf32, #tpu.memory_space<vmem>>
          %dma_wait3A_1018 = arith.constant 0 : i32
          %dma_wait3A_1019 = arith.constant 0 : i32
          %dma_wait3A_1020 = tpu.memref_slice %arg5[%dma_wait3A_1013, %dma_wait3A_1014, %dma_wait3A_1018, %dma_wait3A_1019] : memref<52x128x8x128xf32, #tpu.memory_space<hbm>> -> memref<1x1x8x128xf32, #tpu.memory_space<hbm>>
          %dma_wait3A_1021 = tpu.memref_squeeze %dma_wait3A_1020 : memref<1x1x8x128xf32, #tpu.memory_space<hbm>> -> memref<8x128xf32, #tpu.memory_space<hbm>>
          %dma_wait3A_1022 = arith.constant 0 : i32
          %dma_wait3A_1023 = arith.constant 0 : i32
          %dma_wait3A_1024 = tpu.memref_slice %arg5[%dma_wait3A_1013, %dma_wait3A_1014, %dma_wait3A_1022, %dma_wait3A_1023] : memref<52x128x8x128xf32, #tpu.memory_space<hbm>> -> memref<1x1x8x128xf32, #tpu.memory_space<hbm>>
          %dma_wait3A_1025 = tpu.memref_squeeze %dma_wait3A_1024 : memref<1x1x8x128xf32, #tpu.memory_space<hbm>> -> memref<8x128xf32, #tpu.memory_space<hbm>>
          %dma_wait3A_1026 = arith.constant 0 : i32
          %dma_wait3A_1027 = arith.constant 0 : i32
          %dma_wait3A_1028 = tpu.memref_slice %arg14[%dma_wait3A_1026, %dma_wait3A_1027] : memref<16x512xf32, #tpu.memory_space<vmem>> -> memref<8x128xf32, #tpu.memory_space<vmem>>
          tpu.wait_dma2 semaphore(%arg22 : memref<!tpu.dma_semaphore, #tpu.memory_space<semaphore_mem>>) src(%dma_wait3A_1028 : memref<8x128xf32, #tpu.memory_space<vmem>>) dst(%dma_wait3A_1025 : memref<8x128xf32, #tpu.memory_space<hbm>>)
          %dma_wait3A_1029 = arith.constant 0 : i32
          %dma_wait3A_1030 = arith.constant 0 : i32
          %dma_wait3A_1031 = arith.constant 0 : i32
          %dma_wait3A_1032 = arith.constant 0 : i32
          %dma_wait3A_1033 = tpu.memref_slice %arg14[%dma_wait3A_1031, %dma_wait3A_1032] : memref<16x512xf32, #tpu.memory_space<vmem>> -> memref<8x128xf32, #tpu.memory_space<vmem>>
          %dma_wait3A_1034 = arith.constant 0 : i32
          %dma_wait3A_1035 = arith.constant 0 : i32
          %dma_wait3A_1036 = tpu.memref_slice %arg5[%dma_wait3A_1029, %dma_wait3A_1030, %dma_wait3A_1034, %dma_wait3A_1035] : memref<52x128x8x128xf32, #tpu.memory_space<hbm>> -> memref<1x1x8x128xf32, #tpu.memory_space<hbm>>
          %dma_wait3A_1037 = tpu.memref_squeeze %dma_wait3A_1036 : memref<1x1x8x128xf32, #tpu.memory_space<hbm>> -> memref<8x128xf32, #tpu.memory_space<hbm>>
          %dma_wait3A_1038 = arith.constant 0 : i32
          %dma_wait3A_1039 = arith.constant 0 : i32
          %dma_wait3A_1040 = tpu.memref_slice %arg5[%dma_wait3A_1029, %dma_wait3A_1030, %dma_wait3A_1038, %dma_wait3A_1039] : memref<52x128x8x128xf32, #tpu.memory_space<hbm>> -> memref<1x1x8x128xf32, #tpu.memory_space<hbm>>
          %dma_wait3A_1041 = tpu.memref_squeeze %dma_wait3A_1040 : memref<1x1x8x128xf32, #tpu.memory_space<hbm>> -> memref<8x128xf32, #tpu.memory_space<hbm>>
          %dma_wait3A_1042 = arith.constant 0 : i32
          %dma_wait3A_1043 = arith.constant 0 : i32
          %dma_wait3A_1044 = tpu.memref_slice %arg14[%dma_wait3A_1042, %dma_wait3A_1043] : memref<16x512xf32, #tpu.memory_space<vmem>> -> memref<8x128xf32, #tpu.memory_space<vmem>>
          tpu.wait_dma2 semaphore(%arg22 : memref<!tpu.dma_semaphore, #tpu.memory_space<semaphore_mem>>) src(%dma_wait3A_1044 : memref<8x128xf32, #tpu.memory_space<vmem>>) dst(%dma_wait3A_1041 : memref<8x128xf32, #tpu.memory_space<hbm>>)
        } else {
        }
        %parallel_loop3A = arith.constant 0 : i32
        %parallel_loop3A_739 = arith.constant 512 : i32
        %parallel_loop3A_740 = arith.constant 1 : i32
        scf.for %parallel_loop3A_917 = %parallel_loop3A to %parallel_loop3A_739 step %parallel_loop3A_740  : i32 {
          %parallel_loop3A_918 = arith.constant 15 : i32
          %parallel_loop3A_919 = arith.andi %parallel_loop3A_917, %parallel_loop3A_918 : i32
          %parallel_loop3A_920 = arith.constant 4 : i32
          %parallel_loop3A_921 = arith.shrsi %parallel_loop3A_917, %parallel_loop3A_920 : i32
          %parallel_loop3A_922 = arith.constant 16 : i32
          %parallel_loop3A_923 = arith.muli %parallel_loop3A_921, %parallel_loop3A_922 : i32
          %parallel_loop3A_924 = vector.broadcast %parallel_loop3A_923 : i32 to vector<16xi32>
          %parallel_loop3A_925 = arith.addi %parallel_loop3A_924, %iota3A : vector<16xi32>
          %parallel_loop3A_926 = vector.broadcast %parallel_loop3A_919 : i32 to vector<16xi32>
          %parallel_loop3A_927 = tpu.vector_load_idx %arg10[%parallel_loop3A_925, %parallel_loop3A_926] : memref<512x16xf32, #tpu.memory_space<vmem>>[vector<16xi32>, vector<16xi32>], vector<16xf32>,
          %parallel_loop3A_928 = arith.mulf %parallel_loop3A_927, %get3A_3 : vector<16xf32>
          %parallel_loop3A_929 = arith.constant 16 : i32
          %parallel_loop3A_930 = arith.muli %parallel_loop3A_921, %parallel_loop3A_929 : i32
          %parallel_loop3A_931 = arith.index_cast %parallel_loop3A_919 : i32 to index
          %parallel_loop3A_932 = arith.index_cast %parallel_loop3A_930 : i32 to index
          %parallel_loop3A_933 = tpu.vector_load %arg14[%parallel_loop3A_931, %parallel_loop3A_932] {strides = array<i32>} : memref<16x512xf32, #tpu.memory_space<vmem>>, vector<16xf32>,
          tpu.vector_store %arg14[%parallel_loop3A_931, %parallel_loop3A_932], %parallel_loop3A_928 {strides = array<i32>} : memref<16x512xf32, #tpu.memory_space<vmem>>, vector<16xf32>,
        } {sc.loop_unroll_factor = 16 : i64, sc.parallel_access}
        %mul3A_741 = arith.constant 2 : i32
        %mul3A_742 = arith.muli %mul3A_741, %add3A_669 : i32
        %add3A_743 = arith.constant 0 : i32
        %add3A_744 = arith.addi %mul3A_742, %add3A_743 : i32
        %mul3A_745 = arith.constant 4 : i32
        %mul3A_746 = arith.muli %add3A, %mul3A_745 : i32
        %add3A_747 = arith.constant 0 : i32
        %add3A_748 = arith.addi %mul3A_746, %add3A_747 : i32
        %dma_start3A_749 = arith.constant 0 : i32
        %dma_start3A_750 = arith.constant 0 : i32
        %dma_start3A_751 = tpu.memref_slice %arg14[%dma_start3A_749, %dma_start3A_750] : memref<16x512xf32, #tpu.memory_space<vmem>> -> memref<8x128xf32, #tpu.memory_space<vmem>>
        %dma_start3A_752 = arith.constant 0 : i32
        %dma_start3A_753 = arith.constant 0 : i32
        %dma_start3A_754 = tpu.memref_slice %arg5[%add3A_744, %add3A_748, %dma_start3A_752, %dma_start3A_753] : memref<52x128x8x128xf32, #tpu.memory_space<hbm>> -> memref<1x1x8x128xf32, #tpu.memory_space<hbm>>
        %dma_start3A_755 = tpu.memref_squeeze %dma_start3A_754 : memref<1x1x8x128xf32, #tpu.memory_space<hbm>> -> memref<8x128xf32, #tpu.memory_space<hbm>>
        %dma_start3A_756 = arith.constant 0 : i32
        %dma_start3A_757 = arith.constant 0 : i32
        %dma_start3A_758 = tpu.memref_slice %arg5[%add3A_744, %add3A_748, %dma_start3A_756, %dma_start3A_757] : memref<52x128x8x128xf32, #tpu.memory_space<hbm>> -> memref<1x1x8x128xf32, #tpu.memory_space<hbm>>
        %dma_start3A_759 = tpu.memref_squeeze %dma_start3A_758 : memref<1x1x8x128xf32, #tpu.memory_space<hbm>> -> memref<8x128xf32, #tpu.memory_space<hbm>>
        %dma_start3A_760 = arith.constant 0 : i32
        %dma_start3A_761 = arith.constant 0 : i32
        %dma_start3A_762 = tpu.memref_slice %arg14[%dma_start3A_760, %dma_start3A_761] : memref<16x512xf32, #tpu.memory_space<vmem>> -> memref<8x128xf32, #tpu.memory_space<vmem>>
        tpu.enqueue_dma source(%dma_start3A_762 : memref<8x128xf32, #tpu.memory_space<vmem>>) target(%dma_start3A_759 : memref<8x128xf32, #tpu.memory_space<hbm>>) target_semaphore(%arg22 : memref<!tpu.dma_semaphore, #tpu.memory_space<semaphore_mem>>)
        %mul3A_763 = arith.constant 2 : i32
        %mul3A_764 = arith.muli %mul3A_763, %add3A_669 : i32
        %add3A_765 = arith.constant 0 : i32
        %add3A_766 = arith.addi %mul3A_764, %add3A_765 : i32
        %mul3A_767 = arith.constant 4 : i32
        %mul3A_768 = arith.muli %add3A, %mul3A_767 : i32
        %add3A_769 = arith.constant 1 : i32
        %add3A_770 = arith.addi %mul3A_768, %add3A_769 : i32
        %dma_start3A_771 = arith.constant 0 : i32
        %dma_start3A_772 = arith.constant 128 : i32
        %dma_start3A_773 = tpu.memref_slice %arg14[%dma_start3A_771, %dma_start3A_772] : memref<16x512xf32, #tpu.memory_space<vmem>> -> memref<8x128xf32, #tpu.memory_space<vmem>>
        %dma_start3A_774 = arith.constant 0 : i32
        %dma_start3A_775 = arith.constant 0 : i32
        %dma_start3A_776 = tpu.memref_slice %arg5[%add3A_766, %add3A_770, %dma_start3A_774, %dma_start3A_775] : memref<52x128x8x128xf32, #tpu.memory_space<hbm>> -> memref<1x1x8x128xf32, #tpu.memory_space<hbm>>
        %dma_start3A_777 = tpu.memref_squeeze %dma_start3A_776 : memref<1x1x8x128xf32, #tpu.memory_space<hbm>> -> memref<8x128xf32, #tpu.memory_space<hbm>>
        %dma_start3A_778 = arith.constant 0 : i32
        %dma_start3A_779 = arith.constant 0 : i32
        %dma_start3A_780 = tpu.memref_slice %arg5[%add3A_766, %add3A_770, %dma_start3A_778, %dma_start3A_779] : memref<52x128x8x128xf32, #tpu.memory_space<hbm>> -> memref<1x1x8x128xf32, #tpu.memory_space<hbm>>
        %dma_start3A_781 = tpu.memref_squeeze %dma_start3A_780 : memref<1x1x8x128xf32, #tpu.memory_space<hbm>> -> memref<8x128xf32, #tpu.memory_space<hbm>>
        %dma_start3A_782 = arith.constant 0 : i32
        %dma_start3A_783 = arith.constant 128 : i32
        %dma_start3A_784 = tpu.memref_slice %arg14[%dma_start3A_782, %dma_start3A_783] : memref<16x512xf32, #tpu.memory_space<vmem>> -> memref<8x128xf32, #tpu.memory_space<vmem>>
        tpu.enqueue_dma source(%dma_start3A_784 : memref<8x128xf32, #tpu.memory_space<vmem>>) target(%dma_start3A_781 : memref<8x128xf32, #tpu.memory_space<hbm>>) target_semaphore(%arg22 : memref<!tpu.dma_semaphore, #tpu.memory_space<semaphore_mem>>)
        %mul3A_785 = arith.constant 2 : i32
        %mul3A_786 = arith.muli %mul3A_785, %add3A_669 : i32
        %add3A_787 = arith.constant 0 : i32
        %add3A_788 = arith.addi %mul3A_786, %add3A_787 : i32
        %mul3A_789 = arith.constant 4 : i32
        %mul3A_790 = arith.muli %add3A, %mul3A_789 : i32
        %add3A_791 = arith.constant 2 : i32
        %add3A_792 = arith.addi %mul3A_790, %add3A_791 : i32
        %dma_start3A_793 = arith.constant 0 : i32
        %dma_start3A_794 = arith.constant 256 : i32
        %dma_start3A_795 = tpu.memref_slice %arg14[%dma_start3A_793, %dma_start3A_794] : memref<16x512xf32, #tpu.memory_space<vmem>> -> memref<8x128xf32, #tpu.memory_space<vmem>>
        %dma_start3A_796 = arith.constant 0 : i32
        %dma_start3A_797 = arith.constant 0 : i32
        %dma_start3A_798 = tpu.memref_slice %arg5[%add3A_788, %add3A_792, %dma_start3A_796, %dma_start3A_797] : memref<52x128x8x128xf32, #tpu.memory_space<hbm>> -> memref<1x1x8x128xf32, #tpu.memory_space<hbm>>
        %dma_start3A_799 = tpu.memref_squeeze %dma_start3A_798 : memref<1x1x8x128xf32, #tpu.memory_space<hbm>> -> memref<8x128xf32, #tpu.memory_space<hbm>>
        %dma_start3A_800 = arith.constant 0 : i32
        %dma_start3A_801 = arith.constant 0 : i32
        %dma_start3A_802 = tpu.memref_slice %arg5[%add3A_788, %add3A_792, %dma_start3A_800, %dma_start3A_801] : memref<52x128x8x128xf32, #tpu.memory_space<hbm>> -> memref<1x1x8x128xf32, #tpu.memory_space<hbm>>
        %dma_start3A_803 = tpu.memref_squeeze %dma_start3A_802 : memref<1x1x8x128xf32, #tpu.memory_space<hbm>> -> memref<8x128xf32, #tpu.memory_space<hbm>>
        %dma_start3A_804 = arith.constant 0 : i32
        %dma_start3A_805 = arith.constant 256 : i32
        %dma_start3A_806 = tpu.memref_slice %arg14[%dma_start3A_804, %dma_start3A_805] : memref<16x512xf32, #tpu.memory_space<vmem>> -> memref<8x128xf32, #tpu.memory_space<vmem>>
        tpu.enqueue_dma source(%dma_start3A_806 : memref<8x128xf32, #tpu.memory_space<vmem>>) target(%dma_start3A_803 : memref<8x128xf32, #tpu.memory_space<hbm>>) target_semaphore(%arg22 : memref<!tpu.dma_semaphore, #tpu.memory_space<semaphore_mem>>)
        %mul3A_807 = arith.constant 2 : i32
        %mul3A_808 = arith.muli %mul3A_807, %add3A_669 : i32
        %add3A_809 = arith.constant 0 : i32
        %add3A_810 = arith.addi %mul3A_808, %add3A_809 : i32
        %mul3A_811 = arith.constant 4 : i32
        %mul3A_812 = arith.muli %add3A, %mul3A_811 : i32
        %add3A_813 = arith.constant 3 : i32
        %add3A_814 = arith.addi %mul3A_812, %add3A_813 : i32
        %dma_start3A_815 = arith.constant 0 : i32
        %dma_start3A_816 = arith.constant 384 : i32
        %dma_start3A_817 = tpu.memref_slice %arg14[%dma_start3A_815, %dma_start3A_816] : memref<16x512xf32, #tpu.memory_space<vmem>> -> memref<8x128xf32, #tpu.memory_space<vmem>>
        %dma_start3A_818 = arith.constant 0 : i32
        %dma_start3A_819 = arith.constant 0 : i32
        %dma_start3A_820 = tpu.memref_slice %arg5[%add3A_810, %add3A_814, %dma_start3A_818, %dma_start3A_819] : memref<52x128x8x128xf32, #tpu.memory_space<hbm>> -> memref<1x1x8x128xf32, #tpu.memory_space<hbm>>
        %dma_start3A_821 = tpu.memref_squeeze %dma_start3A_820 : memref<1x1x8x128xf32, #tpu.memory_space<hbm>> -> memref<8x128xf32, #tpu.memory_space<hbm>>
        %dma_start3A_822 = arith.constant 0 : i32
        %dma_start3A_823 = arith.constant 0 : i32
        %dma_start3A_824 = tpu.memref_slice %arg5[%add3A_810, %add3A_814, %dma_start3A_822, %dma_start3A_823] : memref<52x128x8x128xf32, #tpu.memory_space<hbm>> -> memref<1x1x8x128xf32, #tpu.memory_space<hbm>>
        %dma_start3A_825 = tpu.memref_squeeze %dma_start3A_824 : memref<1x1x8x128xf32, #tpu.memory_space<hbm>> -> memref<8x128xf32, #tpu.memory_space<hbm>>
        %dma_start3A_826 = arith.constant 0 : i32
        %dma_start3A_827 = arith.constant 384 : i32
        %dma_start3A_828 = tpu.memref_slice %arg14[%dma_start3A_826, %dma_start3A_827] : memref<16x512xf32, #tpu.memory_space<vmem>> -> memref<8x128xf32, #tpu.memory_space<vmem>>
        tpu.enqueue_dma source(%dma_start3A_828 : memref<8x128xf32, #tpu.memory_space<vmem>>) target(%dma_start3A_825 : memref<8x128xf32, #tpu.memory_space<hbm>>) target_semaphore(%arg22 : memref<!tpu.dma_semaphore, #tpu.memory_space<semaphore_mem>>)
        %mul3A_829 = arith.constant 2 : i32
        %mul3A_830 = arith.muli %mul3A_829, %add3A_669 : i32
        %add3A_831 = arith.constant 1 : i32
        %add3A_832 = arith.addi %mul3A_830, %add3A_831 : i32
        %mul3A_833 = arith.constant 4 : i32
        %mul3A_834 = arith.muli %add3A, %mul3A_833 : i32
        %add3A_835 = arith.constant 0 : i32
        %add3A_836 = arith.addi %mul3A_834, %add3A_835 : i32
        %dma_start3A_837 = arith.constant 8 : i32
        %dma_start3A_838 = arith.constant 0 : i32
        %dma_start3A_839 = tpu.memref_slice %arg14[%dma_start3A_837, %dma_start3A_838] : memref<16x512xf32, #tpu.memory_space<vmem>> -> memref<8x128xf32, #tpu.memory_space<vmem>>
        %dma_start3A_840 = arith.constant 0 : i32
        %dma_start3A_841 = arith.constant 0 : i32
        %dma_start3A_842 = tpu.memref_slice %arg5[%add3A_832, %add3A_836, %dma_start3A_840, %dma_start3A_841] : memref<52x128x8x128xf32, #tpu.memory_space<hbm>> -> memref<1x1x8x128xf32, #tpu.memory_space<hbm>>
        %dma_start3A_843 = tpu.memref_squeeze %dma_start3A_842 : memref<1x1x8x128xf32, #tpu.memory_space<hbm>> -> memref<8x128xf32, #tpu.memory_space<hbm>>
        %dma_start3A_844 = arith.constant 0 : i32
        %dma_start3A_845 = arith.constant 0 : i32
        %dma_start3A_846 = tpu.memref_slice %arg5[%add3A_832, %add3A_836, %dma_start3A_844, %dma_start3A_845] : memref<52x128x8x128xf32, #tpu.memory_space<hbm>> -> memref<1x1x8x128xf32, #tpu.memory_space<hbm>>
        %dma_start3A_847 = tpu.memref_squeeze %dma_start3A_846 : memref<1x1x8x128xf32, #tpu.memory_space<hbm>> -> memref<8x128xf32, #tpu.memory_space<hbm>>
        %dma_start3A_848 = arith.constant 8 : i32
        %dma_start3A_849 = arith.constant 0 : i32
        %dma_start3A_850 = tpu.memref_slice %arg14[%dma_start3A_848, %dma_start3A_849] : memref<16x512xf32, #tpu.memory_space<vmem>> -> memref<8x128xf32, #tpu.memory_space<vmem>>
        tpu.enqueue_dma source(%dma_start3A_850 : memref<8x128xf32, #tpu.memory_space<vmem>>) target(%dma_start3A_847 : memref<8x128xf32, #tpu.memory_space<hbm>>) target_semaphore(%arg22 : memref<!tpu.dma_semaphore, #tpu.memory_space<semaphore_mem>>)
        %mul3A_851 = arith.constant 2 : i32
        %mul3A_852 = arith.muli %mul3A_851, %add3A_669 : i32
        %add3A_853 = arith.constant 1 : i32
        %add3A_854 = arith.addi %mul3A_852, %add3A_853 : i32
        %mul3A_855 = arith.constant 4 : i32
        %mul3A_856 = arith.muli %add3A, %mul3A_855 : i32
        %add3A_857 = arith.constant 1 : i32
        %add3A_858 = arith.addi %mul3A_856, %add3A_857 : i32
        %dma_start3A_859 = arith.constant 8 : i32
        %dma_start3A_860 = arith.constant 128 : i32
        %dma_start3A_861 = tpu.memref_slice %arg14[%dma_start3A_859, %dma_start3A_860] : memref<16x512xf32, #tpu.memory_space<vmem>> -> memref<8x128xf32, #tpu.memory_space<vmem>>
        %dma_start3A_862 = arith.constant 0 : i32
        %dma_start3A_863 = arith.constant 0 : i32
        %dma_start3A_864 = tpu.memref_slice %arg5[%add3A_854, %add3A_858, %dma_start3A_862, %dma_start3A_863] : memref<52x128x8x128xf32, #tpu.memory_space<hbm>> -> memref<1x1x8x128xf32, #tpu.memory_space<hbm>>
        %dma_start3A_865 = tpu.memref_squeeze %dma_start3A_864 : memref<1x1x8x128xf32, #tpu.memory_space<hbm>> -> memref<8x128xf32, #tpu.memory_space<hbm>>
        %dma_start3A_866 = arith.constant 0 : i32
        %dma_start3A_867 = arith.constant 0 : i32
        %dma_start3A_868 = tpu.memref_slice %arg5[%add3A_854, %add3A_858, %dma_start3A_866, %dma_start3A_867] : memref<52x128x8x128xf32, #tpu.memory_space<hbm>> -> memref<1x1x8x128xf32, #tpu.memory_space<hbm>>
        %dma_start3A_869 = tpu.memref_squeeze %dma_start3A_868 : memref<1x1x8x128xf32, #tpu.memory_space<hbm>> -> memref<8x128xf32, #tpu.memory_space<hbm>>
        %dma_start3A_870 = arith.constant 8 : i32
        %dma_start3A_871 = arith.constant 128 : i32
        %dma_start3A_872 = tpu.memref_slice %arg14[%dma_start3A_870, %dma_start3A_871] : memref<16x512xf32, #tpu.memory_space<vmem>> -> memref<8x128xf32, #tpu.memory_space<vmem>>
        tpu.enqueue_dma source(%dma_start3A_872 : memref<8x128xf32, #tpu.memory_space<vmem>>) target(%dma_start3A_869 : memref<8x128xf32, #tpu.memory_space<hbm>>) target_semaphore(%arg22 : memref<!tpu.dma_semaphore, #tpu.memory_space<semaphore_mem>>)
        %mul3A_873 = arith.constant 2 : i32
        %mul3A_874 = arith.muli %mul3A_873, %add3A_669 : i32
        %add3A_875 = arith.constant 1 : i32
        %add3A_876 = arith.addi %mul3A_874, %add3A_875 : i32
        %mul3A_877 = arith.constant 4 : i32
        %mul3A_878 = arith.muli %add3A, %mul3A_877 : i32
        %add3A_879 = arith.constant 2 : i32
        %add3A_880 = arith.addi %mul3A_878, %add3A_879 : i32
        %dma_start3A_881 = arith.constant 8 : i32
        %dma_start3A_882 = arith.constant 256 : i32
        %dma_start3A_883 = tpu.memref_slice %arg14[%dma_start3A_881, %dma_start3A_882] : memref<16x512xf32, #tpu.memory_space<vmem>> -> memref<8x128xf32, #tpu.memory_space<vmem>>
        %dma_start3A_884 = arith.constant 0 : i32
        %dma_start3A_885 = arith.constant 0 : i32
        %dma_start3A_886 = tpu.memref_slice %arg5[%add3A_876, %add3A_880, %dma_start3A_884, %dma_start3A_885] : memref<52x128x8x128xf32, #tpu.memory_space<hbm>> -> memref<1x1x8x128xf32, #tpu.memory_space<hbm>>
        %dma_start3A_887 = tpu.memref_squeeze %dma_start3A_886 : memref<1x1x8x128xf32, #tpu.memory_space<hbm>> -> memref<8x128xf32, #tpu.memory_space<hbm>>
        %dma_start3A_888 = arith.constant 0 : i32
        %dma_start3A_889 = arith.constant 0 : i32
        %dma_start3A_890 = tpu.memref_slice %arg5[%add3A_876, %add3A_880, %dma_start3A_888, %dma_start3A_889] : memref<52x128x8x128xf32, #tpu.memory_space<hbm>> -> memref<1x1x8x128xf32, #tpu.memory_space<hbm>>
        %dma_start3A_891 = tpu.memref_squeeze %dma_start3A_890 : memref<1x1x8x128xf32, #tpu.memory_space<hbm>> -> memref<8x128xf32, #tpu.memory_space<hbm>>
        %dma_start3A_892 = arith.constant 8 : i32
        %dma_start3A_893 = arith.constant 256 : i32
        %dma_start3A_894 = tpu.memref_slice %arg14[%dma_start3A_892, %dma_start3A_893] : memref<16x512xf32, #tpu.memory_space<vmem>> -> memref<8x128xf32, #tpu.memory_space<vmem>>
        tpu.enqueue_dma source(%dma_start3A_894 : memref<8x128xf32, #tpu.memory_space<vmem>>) target(%dma_start3A_891 : memref<8x128xf32, #tpu.memory_space<hbm>>) target_semaphore(%arg22 : memref<!tpu.dma_semaphore, #tpu.memory_space<semaphore_mem>>)
        %mul3A_895 = arith.constant 2 : i32
        %mul3A_896 = arith.muli %mul3A_895, %add3A_669 : i32
        %add3A_897 = arith.constant 1 : i32
        %add3A_898 = arith.addi %mul3A_896, %add3A_897 : i32
        %mul3A_899 = arith.constant 4 : i32
        %mul3A_900 = arith.muli %add3A, %mul3A_899 : i32
        %add3A_901 = arith.constant 3 : i32
        %add3A_902 = arith.addi %mul3A_900, %add3A_901 : i32
        %dma_start3A_903 = arith.constant 8 : i32
        %dma_start3A_904 = arith.constant 384 : i32
        %dma_start3A_905 = tpu.memref_slice %arg14[%dma_start3A_903, %dma_start3A_904] : memref<16x512xf32, #tpu.memory_space<vmem>> -> memref<8x128xf32, #tpu.memory_space<vmem>>
        %dma_start3A_906 = arith.constant 0 : i32
        %dma_start3A_907 = arith.constant 0 : i32
        %dma_start3A_908 = tpu.memref_slice %arg5[%add3A_898, %add3A_902, %dma_start3A_906, %dma_start3A_907] : memref<52x128x8x128xf32, #tpu.memory_space<hbm>> -> memref<1x1x8x128xf32, #tpu.memory_space<hbm>>
        %dma_start3A_909 = tpu.memref_squeeze %dma_start3A_908 : memref<1x1x8x128xf32, #tpu.memory_space<hbm>> -> memref<8x128xf32, #tpu.memory_space<hbm>>
        %dma_start3A_910 = arith.constant 0 : i32
        %dma_start3A_911 = arith.constant 0 : i32
        %dma_start3A_912 = tpu.memref_slice %arg5[%add3A_898, %add3A_902, %dma_start3A_910, %dma_start3A_911] : memref<52x128x8x128xf32, #tpu.memory_space<hbm>> -> memref<1x1x8x128xf32, #tpu.memory_space<hbm>>
        %dma_start3A_913 = tpu.memref_squeeze %dma_start3A_912 : memref<1x1x8x128xf32, #tpu.memory_space<hbm>> -> memref<8x128xf32, #tpu.memory_space<hbm>>
        %dma_start3A_914 = arith.constant 8 : i32
        %dma_start3A_915 = arith.constant 384 : i32
        %dma_start3A_916 = tpu.memref_slice %arg14[%dma_start3A_914, %dma_start3A_915] : memref<16x512xf32, #tpu.memory_space<vmem>> -> memref<8x128xf32, #tpu.memory_space<vmem>>
        tpu.enqueue_dma source(%dma_start3A_916 : memref<8x128xf32, #tpu.memory_space<vmem>>) target(%dma_start3A_913 : memref<8x128xf32, #tpu.memory_space<hbm>>) target_semaphore(%arg22 : memref<!tpu.dma_semaphore, #tpu.memory_space<semaphore_mem>>)
      } else {
      }
      %mul3A_675 = arith.constant 4 : i32
      %mul3A_676 = arith.muli %mul3A_675, %scan3A_650 : i32
      %add3A_677 = arith.constant 3 : i32
      %add3A_678 = arith.addi %mul3A_676, %add3A_677 : i32
      %lt3A_679 = arith.constant 26 : i32
      %lt3A_680 = arith.cmpi slt, %add3A_678, %lt3A_679 : i32
      %convert_element_type3A_681 = arith.extui %lt3A_680 : i1 to i32
      %cond3A_682 = arith.constant 0 : i32
      %cond3A_683 = arith.cmpi ne, %convert_element_type3A_681, %cond3A_682 : i32
      scf.if %cond3A_683 {
        %dma_wait3A_684 = arith.constant 0 : i32
        %dma_wait3A_685 = arith.constant 0 : i32
        %dma_wait3A_686 = arith.constant 0 : i32
        %dma_wait3A_687 = arith.constant 0 : i32
        %dma_wait3A_688 = tpu.memref_slice %arg11[%dma_wait3A_686, %dma_wait3A_687] : memref<512x16xf32, #tpu.memory_space<vmem>> -> memref<128x16xf32, #tpu.memory_space<vmem>>
        %dma_wait3A_689 = arith.constant 0 : i32
        %dma_wait3A_690 = tpu.memref_slice %arg6[%dma_wait3A_684, %dma_wait3A_685, %dma_wait3A_689] : memref<26x4x128xi32, #tpu.memory_space<vmem>> -> memref<1x1x128xi32, #tpu.memory_space<vmem>>
        %dma_wait3A_691 = tpu.memref_squeeze %dma_wait3A_690 : memref<1x1x128xi32, #tpu.memory_space<vmem>> -> memref<128xi32, #tpu.memory_space<vmem>>
        %dma_wait3A_692 = arith.constant 0 : i32
        %dma_wait3A_693 = arith.constant 0 : i32
        %dma_wait3A_694 = tpu.memref_slice %arg3[%dma_wait3A_692, %dma_wait3A_693] : memref<1000000x16xf32, #tpu.memory_space<hbm>> -> memref<1000000x16xf32, #tpu.memory_space<hbm>>
        tpu.wait_indirect_dma semaphore(%arg19 : memref<!tpu.dma_semaphore, #tpu.memory_space<semaphore_mem>>) src(%dma_wait3A_694 : memref<1000000x16xf32, #tpu.memory_space<hbm>>) dst(%dma_wait3A_688 : memref<128x16xf32, #tpu.memory_space<vmem>>)
        %dma_wait3A_695 = arith.constant 0 : i32
        %dma_wait3A_696 = arith.constant 0 : i32
        %dma_wait3A_697 = arith.constant 128 : i32
        %dma_wait3A_698 = arith.constant 0 : i32
        %dma_wait3A_699 = tpu.memref_slice %arg11[%dma_wait3A_697, %dma_wait3A_698] : memref<512x16xf32, #tpu.memory_space<vmem>> -> memref<128x16xf32, #tpu.memory_space<vmem>>
        %dma_wait3A_700 = arith.constant 0 : i32
        %dma_wait3A_701 = tpu.memref_slice %arg6[%dma_wait3A_695, %dma_wait3A_696, %dma_wait3A_700] : memref<26x4x128xi32, #tpu.memory_space<vmem>> -> memref<1x1x128xi32, #tpu.memory_space<vmem>>
        %dma_wait3A_702 = tpu.memref_squeeze %dma_wait3A_701 : memref<1x1x128xi32, #tpu.memory_space<vmem>> -> memref<128xi32, #tpu.memory_space<vmem>>
        %dma_wait3A_703 = arith.constant 0 : i32
        %dma_wait3A_704 = arith.constant 0 : i32
        %dma_wait3A_705 = tpu.memref_slice %arg3[%dma_wait3A_703, %dma_wait3A_704] : memref<1000000x16xf32, #tpu.memory_space<hbm>> -> memref<1000000x16xf32, #tpu.memory_space<hbm>>
        tpu.wait_indirect_dma semaphore(%arg19 : memref<!tpu.dma_semaphore, #tpu.memory_space<semaphore_mem>>) src(%dma_wait3A_705 : memref<1000000x16xf32, #tpu.memory_space<hbm>>) dst(%dma_wait3A_699 : memref<128x16xf32, #tpu.memory_space<vmem>>)
        %dma_wait3A_706 = arith.constant 0 : i32
        %dma_wait3A_707 = arith.constant 0 : i32
        %dma_wait3A_708 = arith.constant 256 : i32
        %dma_wait3A_709 = arith.constant 0 : i32
        %dma_wait3A_710 = tpu.memref_slice %arg11[%dma_wait3A_708, %dma_wait3A_709] : memref<512x16xf32, #tpu.memory_space<vmem>> -> memref<128x16xf32, #tpu.memory_space<vmem>>
        %dma_wait3A_711 = arith.constant 0 : i32
        %dma_wait3A_712 = tpu.memref_slice %arg6[%dma_wait3A_706, %dma_wait3A_707, %dma_wait3A_711] : memref<26x4x128xi32, #tpu.memory_space<vmem>> -> memref<1x1x128xi32, #tpu.memory_space<vmem>>
        %dma_wait3A_713 = tpu.memref_squeeze %dma_wait3A_712 : memref<1x1x128xi32, #tpu.memory_space<vmem>> -> memref<128xi32, #tpu.memory_space<vmem>>
        %dma_wait3A_714 = arith.constant 0 : i32
        %dma_wait3A_715 = arith.constant 0 : i32
        %dma_wait3A_716 = tpu.memref_slice %arg3[%dma_wait3A_714, %dma_wait3A_715] : memref<1000000x16xf32, #tpu.memory_space<hbm>> -> memref<1000000x16xf32, #tpu.memory_space<hbm>>
        tpu.wait_indirect_dma semaphore(%arg19 : memref<!tpu.dma_semaphore, #tpu.memory_space<semaphore_mem>>) src(%dma_wait3A_716 : memref<1000000x16xf32, #tpu.memory_space<hbm>>) dst(%dma_wait3A_710 : memref<128x16xf32, #tpu.memory_space<vmem>>)
        %dma_wait3A_717 = arith.constant 0 : i32
        %dma_wait3A_718 = arith.constant 0 : i32
        %dma_wait3A_719 = arith.constant 384 : i32
        %dma_wait3A_720 = arith.constant 0 : i32
        %dma_wait3A_721 = tpu.memref_slice %arg11[%dma_wait3A_719, %dma_wait3A_720] : memref<512x16xf32, #tpu.memory_space<vmem>> -> memref<128x16xf32, #tpu.memory_space<vmem>>
        %dma_wait3A_722 = arith.constant 0 : i32
        %dma_wait3A_723 = tpu.memref_slice %arg6[%dma_wait3A_717, %dma_wait3A_718, %dma_wait3A_722] : memref<26x4x128xi32, #tpu.memory_space<vmem>> -> memref<1x1x128xi32, #tpu.memory_space<vmem>>
        %dma_wait3A_724 = tpu.memref_squeeze %dma_wait3A_723 : memref<1x1x128xi32, #tpu.memory_space<vmem>> -> memref<128xi32, #tpu.memory_space<vmem>>
        %dma_wait3A_725 = arith.constant 0 : i32
        %dma_wait3A_726 = arith.constant 0 : i32
        %dma_wait3A_727 = tpu.memref_slice %arg3[%dma_wait3A_725, %dma_wait3A_726] : memref<1000000x16xf32, #tpu.memory_space<hbm>> -> memref<1000000x16xf32, #tpu.memory_space<hbm>>
        tpu.wait_indirect_dma semaphore(%arg19 : memref<!tpu.dma_semaphore, #tpu.memory_space<semaphore_mem>>) src(%dma_wait3A_727 : memref<1000000x16xf32, #tpu.memory_space<hbm>>) dst(%dma_wait3A_721 : memref<128x16xf32, #tpu.memory_space<vmem>>)
        %add3A_728 = arith.constant 3 : i32
        %add3A_729 = arith.addi %add3A_678, %add3A_728 : i32
        %lt3A_730 = arith.constant 26 : i32
        %lt3A_731 = arith.cmpi slt, %add3A_729, %lt3A_730 : i32
        %convert_element_type3A_732 = arith.extui %lt3A_731 : i1 to i32
        %cond3A_733 = arith.constant 0 : i32
        %cond3A_734 = arith.cmpi ne, %convert_element_type3A_732, %cond3A_733 : i32
        scf.if %cond3A_734 {
          %add3A_917 = arith.constant 3 : i32
          %add3A_918 = arith.addi %add3A_678, %add3A_917 : i32
          %dma_start3A_919 = arith.constant 0 : i32
          %dma_start3A_920 = arith.constant 0 : i32
          %dma_start3A_921 = arith.constant 0 : i32
          %dma_start3A_922 = tpu.memref_slice %arg10[%dma_start3A_920, %dma_start3A_921] : memref<512x16xf32, #tpu.memory_space<vmem>> -> memref<128x16xf32, #tpu.memory_space<vmem>>
          %dma_start3A_923 = arith.constant 0 : i32
          %dma_start3A_924 = tpu.memref_slice %arg6[%add3A_918, %dma_start3A_919, %dma_start3A_923] : memref<26x4x128xi32, #tpu.memory_space<vmem>> -> memref<1x1x128xi32, #tpu.memory_space<vmem>>
          %dma_start3A_925 = tpu.memref_squeeze %dma_start3A_924 : memref<1x1x128xi32, #tpu.memory_space<vmem>> -> memref<128xi32, #tpu.memory_space<vmem>>
          %dma_start3A_926 = arith.constant 0 : i32
          %dma_start3A_927 = arith.constant 0 : i32
          %dma_start3A_928 = tpu.memref_slice %arg3[%dma_start3A_926, %dma_start3A_927] : memref<1000000x16xf32, #tpu.memory_space<hbm>> -> memref<1000000x16xf32, #tpu.memory_space<hbm>>
          tpu.enqueue_indirect_dma source(%dma_start3A_928 : memref<1000000x16xf32, #tpu.memory_space<hbm>>) target(%dma_start3A_922 : memref<128x16xf32, #tpu.memory_space<vmem>>) offsets(%dma_start3A_925 : memref<128xi32, #tpu.memory_space<vmem>>) semaphore(%arg18 : memref<!tpu.dma_semaphore, #tpu.memory_space<semaphore_mem>>)
          %dma_start3A_929 = arith.constant 1 : i32
          %dma_start3A_930 = arith.constant 128 : i32
          %dma_start3A_931 = arith.constant 0 : i32
          %dma_start3A_932 = tpu.memref_slice %arg10[%dma_start3A_930, %dma_start3A_931] : memref<512x16xf32, #tpu.memory_space<vmem>> -> memref<128x16xf32, #tpu.memory_space<vmem>>
          %dma_start3A_933 = arith.constant 0 : i32
          %dma_start3A_934 = tpu.memref_slice %arg6[%add3A_918, %dma_start3A_929, %dma_start3A_933] : memref<26x4x128xi32, #tpu.memory_space<vmem>> -> memref<1x1x128xi32, #tpu.memory_space<vmem>>
          %dma_start3A_935 = tpu.memref_squeeze %dma_start3A_934 : memref<1x1x128xi32, #tpu.memory_space<vmem>> -> memref<128xi32, #tpu.memory_space<vmem>>
          %dma_start3A_936 = arith.constant 0 : i32
          %dma_start3A_937 = arith.constant 0 : i32
          %dma_start3A_938 = tpu.memref_slice %arg3[%dma_start3A_936, %dma_start3A_937] : memref<1000000x16xf32, #tpu.memory_space<hbm>> -> memref<1000000x16xf32, #tpu.memory_space<hbm>>
          tpu.enqueue_indirect_dma source(%dma_start3A_938 : memref<1000000x16xf32, #tpu.memory_space<hbm>>) target(%dma_start3A_932 : memref<128x16xf32, #tpu.memory_space<vmem>>) offsets(%dma_start3A_935 : memref<128xi32, #tpu.memory_space<vmem>>) semaphore(%arg18 : memref<!tpu.dma_semaphore, #tpu.memory_space<semaphore_mem>>)
          %dma_start3A_939 = arith.constant 2 : i32
          %dma_start3A_940 = arith.constant 256 : i32
          %dma_start3A_941 = arith.constant 0 : i32
          %dma_start3A_942 = tpu.memref_slice %arg10[%dma_start3A_940, %dma_start3A_941] : memref<512x16xf32, #tpu.memory_space<vmem>> -> memref<128x16xf32, #tpu.memory_space<vmem>>
          %dma_start3A_943 = arith.constant 0 : i32
          %dma_start3A_944 = tpu.memref_slice %arg6[%add3A_918, %dma_start3A_939, %dma_start3A_943] : memref<26x4x128xi32, #tpu.memory_space<vmem>> -> memref<1x1x128xi32, #tpu.memory_space<vmem>>
          %dma_start3A_945 = tpu.memref_squeeze %dma_start3A_944 : memref<1x1x128xi32, #tpu.memory_space<vmem>> -> memref<128xi32, #tpu.memory_space<vmem>>
          %dma_start3A_946 = arith.constant 0 : i32
          %dma_start3A_947 = arith.constant 0 : i32
          %dma_start3A_948 = tpu.memref_slice %arg3[%dma_start3A_946, %dma_start3A_947] : memref<1000000x16xf32, #tpu.memory_space<hbm>> -> memref<1000000x16xf32, #tpu.memory_space<hbm>>
          tpu.enqueue_indirect_dma source(%dma_start3A_948 : memref<1000000x16xf32, #tpu.memory_space<hbm>>) target(%dma_start3A_942 : memref<128x16xf32, #tpu.memory_space<vmem>>) offsets(%dma_start3A_945 : memref<128xi32, #tpu.memory_space<vmem>>) semaphore(%arg18 : memref<!tpu.dma_semaphore, #tpu.memory_space<semaphore_mem>>)
          %dma_start3A_949 = arith.constant 3 : i32
          %dma_start3A_950 = arith.constant 384 : i32
          %dma_start3A_951 = arith.constant 0 : i32
          %dma_start3A_952 = tpu.memref_slice %arg10[%dma_start3A_950, %dma_start3A_951] : memref<512x16xf32, #tpu.memory_space<vmem>> -> memref<128x16xf32, #tpu.memory_space<vmem>>
          %dma_start3A_953 = arith.constant 0 : i32
          %dma_start3A_954 = tpu.memref_slice %arg6[%add3A_918, %dma_start3A_949, %dma_start3A_953] : memref<26x4x128xi32, #tpu.memory_space<vmem>> -> memref<1x1x128xi32, #tpu.memory_space<vmem>>
          %dma_start3A_955 = tpu.memref_squeeze %dma_start3A_954 : memref<1x1x128xi32, #tpu.memory_space<vmem>> -> memref<128xi32, #tpu.memory_space<vmem>>
          %dma_start3A_956 = arith.constant 0 : i32
          %dma_start3A_957 = arith.constant 0 : i32
          %dma_start3A_958 = tpu.memref_slice %arg3[%dma_start3A_956, %dma_start3A_957] : memref<1000000x16xf32, #tpu.memory_space<hbm>> -> memref<1000000x16xf32, #tpu.memory_space<hbm>>
          tpu.enqueue_indirect_dma source(%dma_start3A_958 : memref<1000000x16xf32, #tpu.memory_space<hbm>>) target(%dma_start3A_952 : memref<128x16xf32, #tpu.memory_space<vmem>>) offsets(%dma_start3A_955 : memref<128xi32, #tpu.memory_space<vmem>>) semaphore(%arg18 : memref<!tpu.dma_semaphore, #tpu.memory_space<semaphore_mem>>)
        } else {
        }
        %ge3A = arith.constant 4 : i32
        %ge3A_735 = arith.cmpi sge, %add3A_678, %ge3A : i32
        %convert_element_type3A_736 = arith.extui %ge3A_735 : i1 to i32
        %cond3A_737 = arith.constant 0 : i32
        %cond3A_738 = arith.cmpi ne, %convert_element_type3A_736, %cond3A_737 : i32
        scf.if %cond3A_738 {
          %dma_wait3A_917 = arith.constant 0 : i32
          %dma_wait3A_918 = arith.constant 0 : i32
          %dma_wait3A_919 = arith.constant 0 : i32
          %dma_wait3A_920 = arith.constant 0 : i32
          %dma_wait3A_921 = tpu.memref_slice %arg15[%dma_wait3A_919, %dma_wait3A_920] : memref<16x512xf32, #tpu.memory_space<vmem>> -> memref<8x128xf32, #tpu.memory_space<vmem>>
          %dma_wait3A_922 = arith.constant 0 : i32
          %dma_wait3A_923 = arith.constant 0 : i32
          %dma_wait3A_924 = tpu.memref_slice %arg5[%dma_wait3A_917, %dma_wait3A_918, %dma_wait3A_922, %dma_wait3A_923] : memref<52x128x8x128xf32, #tpu.memory_space<hbm>> -> memref<1x1x8x128xf32, #tpu.memory_space<hbm>>
          %dma_wait3A_925 = tpu.memref_squeeze %dma_wait3A_924 : memref<1x1x8x128xf32, #tpu.memory_space<hbm>> -> memref<8x128xf32, #tpu.memory_space<hbm>>
          %dma_wait3A_926 = arith.constant 0 : i32
          %dma_wait3A_927 = arith.constant 0 : i32
          %dma_wait3A_928 = tpu.memref_slice %arg5[%dma_wait3A_917, %dma_wait3A_918, %dma_wait3A_926, %dma_wait3A_927] : memref<52x128x8x128xf32, #tpu.memory_space<hbm>> -> memref<1x1x8x128xf32, #tpu.memory_space<hbm>>
          %dma_wait3A_929 = tpu.memref_squeeze %dma_wait3A_928 : memref<1x1x8x128xf32, #tpu.memory_space<hbm>> -> memref<8x128xf32, #tpu.memory_space<hbm>>
          %dma_wait3A_930 = arith.constant 0 : i32
          %dma_wait3A_931 = arith.constant 0 : i32
          %dma_wait3A_932 = tpu.memref_slice %arg15[%dma_wait3A_930, %dma_wait3A_931] : memref<16x512xf32, #tpu.memory_space<vmem>> -> memref<8x128xf32, #tpu.memory_space<vmem>>
          tpu.wait_dma2 semaphore(%arg23 : memref<!tpu.dma_semaphore, #tpu.memory_space<semaphore_mem>>) src(%dma_wait3A_932 : memref<8x128xf32, #tpu.memory_space<vmem>>) dst(%dma_wait3A_929 : memref<8x128xf32, #tpu.memory_space<hbm>>)
          %dma_wait3A_933 = arith.constant 0 : i32
          %dma_wait3A_934 = arith.constant 0 : i32
          %dma_wait3A_935 = arith.constant 0 : i32
          %dma_wait3A_936 = arith.constant 0 : i32
          %dma_wait3A_937 = tpu.memref_slice %arg15[%dma_wait3A_935, %dma_wait3A_936] : memref<16x512xf32, #tpu.memory_space<vmem>> -> memref<8x128xf32, #tpu.memory_space<vmem>>
          %dma_wait3A_938 = arith.constant 0 : i32
          %dma_wait3A_939 = arith.constant 0 : i32
          %dma_wait3A_940 = tpu.memref_slice %arg5[%dma_wait3A_933, %dma_wait3A_934, %dma_wait3A_938, %dma_wait3A_939] : memref<52x128x8x128xf32, #tpu.memory_space<hbm>> -> memref<1x1x8x128xf32, #tpu.memory_space<hbm>>
          %dma_wait3A_941 = tpu.memref_squeeze %dma_wait3A_940 : memref<1x1x8x128xf32, #tpu.memory_space<hbm>> -> memref<8x128xf32, #tpu.memory_space<hbm>>
          %dma_wait3A_942 = arith.constant 0 : i32
          %dma_wait3A_943 = arith.constant 0 : i32
          %dma_wait3A_944 = tpu.memref_slice %arg5[%dma_wait3A_933, %dma_wait3A_934, %dma_wait3A_942, %dma_wait3A_943] : memref<52x128x8x128xf32, #tpu.memory_space<hbm>> -> memref<1x1x8x128xf32, #tpu.memory_space<hbm>>
          %dma_wait3A_945 = tpu.memref_squeeze %dma_wait3A_944 : memref<1x1x8x128xf32, #tpu.memory_space<hbm>> -> memref<8x128xf32, #tpu.memory_space<hbm>>
          %dma_wait3A_946 = arith.constant 0 : i32
          %dma_wait3A_947 = arith.constant 0 : i32
          %dma_wait3A_948 = tpu.memref_slice %arg15[%dma_wait3A_946, %dma_wait3A_947] : memref<16x512xf32, #tpu.memory_space<vmem>> -> memref<8x128xf32, #tpu.memory_space<vmem>>
          tpu.wait_dma2 semaphore(%arg23 : memref<!tpu.dma_semaphore, #tpu.memory_space<semaphore_mem>>) src(%dma_wait3A_948 : memref<8x128xf32, #tpu.memory_space<vmem>>) dst(%dma_wait3A_945 : memref<8x128xf32, #tpu.memory_space<hbm>>)
          %dma_wait3A_949 = arith.constant 0 : i32
          %dma_wait3A_950 = arith.constant 0 : i32
          %dma_wait3A_951 = arith.constant 0 : i32
          %dma_wait3A_952 = arith.constant 0 : i32
          %dma_wait3A_953 = tpu.memref_slice %arg15[%dma_wait3A_951, %dma_wait3A_952] : memref<16x512xf32, #tpu.memory_space<vmem>> -> memref<8x128xf32, #tpu.memory_space<vmem>>
          %dma_wait3A_954 = arith.constant 0 : i32
          %dma_wait3A_955 = arith.constant 0 : i32
          %dma_wait3A_956 = tpu.memref_slice %arg5[%dma_wait3A_949, %dma_wait3A_950, %dma_wait3A_954, %dma_wait3A_955] : memref<52x128x8x128xf32, #tpu.memory_space<hbm>> -> memref<1x1x8x128xf32, #tpu.memory_space<hbm>>
          %dma_wait3A_957 = tpu.memref_squeeze %dma_wait3A_956 : memref<1x1x8x128xf32, #tpu.memory_space<hbm>> -> memref<8x128xf32, #tpu.memory_space<hbm>>
          %dma_wait3A_958 = arith.constant 0 : i32
          %dma_wait3A_959 = arith.constant 0 : i32
          %dma_wait3A_960 = tpu.memref_slice %arg5[%dma_wait3A_949, %dma_wait3A_950, %dma_wait3A_958, %dma_wait3A_959] : memref<52x128x8x128xf32, #tpu.memory_space<hbm>> -> memref<1x1x8x128xf32, #tpu.memory_space<hbm>>
          %dma_wait3A_961 = tpu.memref_squeeze %dma_wait3A_960 : memref<1x1x8x128xf32, #tpu.memory_space<hbm>> -> memref<8x128xf32, #tpu.memory_space<hbm>>
          %dma_wait3A_962 = arith.constant 0 : i32
          %dma_wait3A_963 = arith.constant 0 : i32
          %dma_wait3A_964 = tpu.memref_slice %arg15[%dma_wait3A_962, %dma_wait3A_963] : memref<16x512xf32, #tpu.memory_space<vmem>> -> memref<8x128xf32, #tpu.memory_space<vmem>>
          tpu.wait_dma2 semaphore(%arg23 : memref<!tpu.dma_semaphore, #tpu.memory_space<semaphore_mem>>) src(%dma_wait3A_964 : memref<8x128xf32, #tpu.memory_space<vmem>>) dst(%dma_wait3A_961 : memref<8x128xf32, #tpu.memory_space<hbm>>)
          %dma_wait3A_965 = arith.constant 0 : i32
          %dma_wait3A_966 = arith.constant 0 : i32
          %dma_wait3A_967 = arith.constant 0 : i32
          %dma_wait3A_968 = arith.constant 0 : i32
          %dma_wait3A_969 = tpu.memref_slice %arg15[%dma_wait3A_967, %dma_wait3A_968] : memref<16x512xf32, #tpu.memory_space<vmem>> -> memref<8x128xf32, #tpu.memory_space<vmem>>
          %dma_wait3A_970 = arith.constant 0 : i32
          %dma_wait3A_971 = arith.constant 0 : i32
          %dma_wait3A_972 = tpu.memref_slice %arg5[%dma_wait3A_965, %dma_wait3A_966, %dma_wait3A_970, %dma_wait3A_971] : memref<52x128x8x128xf32, #tpu.memory_space<hbm>> -> memref<1x1x8x128xf32, #tpu.memory_space<hbm>>
          %dma_wait3A_973 = tpu.memref_squeeze %dma_wait3A_972 : memref<1x1x8x128xf32, #tpu.memory_space<hbm>> -> memref<8x128xf32, #tpu.memory_space<hbm>>
          %dma_wait3A_974 = arith.constant 0 : i32
          %dma_wait3A_975 = arith.constant 0 : i32
          %dma_wait3A_976 = tpu.memref_slice %arg5[%dma_wait3A_965, %dma_wait3A_966, %dma_wait3A_974, %dma_wait3A_975] : memref<52x128x8x128xf32, #tpu.memory_space<hbm>> -> memref<1x1x8x128xf32, #tpu.memory_space<hbm>>
          %dma_wait3A_977 = tpu.memref_squeeze %dma_wait3A_976 : memref<1x1x8x128xf32, #tpu.memory_space<hbm>> -> memref<8x128xf32, #tpu.memory_space<hbm>>
          %dma_wait3A_978 = arith.constant 0 : i32
          %dma_wait3A_979 = arith.constant 0 : i32
          %dma_wait3A_980 = tpu.memref_slice %arg15[%dma_wait3A_978, %dma_wait3A_979] : memref<16x512xf32, #tpu.memory_space<vmem>> -> memref<8x128xf32, #tpu.memory_space<vmem>>
          tpu.wait_dma2 semaphore(%arg23 : memref<!tpu.dma_semaphore, #tpu.memory_space<semaphore_mem>>) src(%dma_wait3A_980 : memref<8x128xf32, #tpu.memory_space<vmem>>) dst(%dma_wait3A_977 : memref<8x128xf32, #tpu.memory_space<hbm>>)
          %dma_wait3A_981 = arith.constant 0 : i32
          %dma_wait3A_982 = arith.constant 0 : i32
          %dma_wait3A_983 = arith.constant 0 : i32
          %dma_wait3A_984 = arith.constant 0 : i32
          %dma_wait3A_985 = tpu.memref_slice %arg15[%dma_wait3A_983, %dma_wait3A_984] : memref<16x512xf32, #tpu.memory_space<vmem>> -> memref<8x128xf32, #tpu.memory_space<vmem>>
          %dma_wait3A_986 = arith.constant 0 : i32
          %dma_wait3A_987 = arith.constant 0 : i32
          %dma_wait3A_988 = tpu.memref_slice %arg5[%dma_wait3A_981, %dma_wait3A_982, %dma_wait3A_986, %dma_wait3A_987] : memref<52x128x8x128xf32, #tpu.memory_space<hbm>> -> memref<1x1x8x128xf32, #tpu.memory_space<hbm>>
          %dma_wait3A_989 = tpu.memref_squeeze %dma_wait3A_988 : memref<1x1x8x128xf32, #tpu.memory_space<hbm>> -> memref<8x128xf32, #tpu.memory_space<hbm>>
          %dma_wait3A_990 = arith.constant 0 : i32
          %dma_wait3A_991 = arith.constant 0 : i32
          %dma_wait3A_992 = tpu.memref_slice %arg5[%dma_wait3A_981, %dma_wait3A_982, %dma_wait3A_990, %dma_wait3A_991] : memref<52x128x8x128xf32, #tpu.memory_space<hbm>> -> memref<1x1x8x128xf32, #tpu.memory_space<hbm>>
          %dma_wait3A_993 = tpu.memref_squeeze %dma_wait3A_992 : memref<1x1x8x128xf32, #tpu.memory_space<hbm>> -> memref<8x128xf32, #tpu.memory_space<hbm>>
          %dma_wait3A_994 = arith.constant 0 : i32
          %dma_wait3A_995 = arith.constant 0 : i32
          %dma_wait3A_996 = tpu.memref_slice %arg15[%dma_wait3A_994, %dma_wait3A_995] : memref<16x512xf32, #tpu.memory_space<vmem>> -> memref<8x128xf32, #tpu.memory_space<vmem>>
          tpu.wait_dma2 semaphore(%arg23 : memref<!tpu.dma_semaphore, #tpu.memory_space<semaphore_mem>>) src(%dma_wait3A_996 : memref<8x128xf32, #tpu.memory_space<vmem>>) dst(%dma_wait3A_993 : memref<8x128xf32, #tpu.memory_space<hbm>>)
          %dma_wait3A_997 = arith.constant 0 : i32
          %dma_wait3A_998 = arith.constant 0 : i32
          %dma_wait3A_999 = arith.constant 0 : i32
          %dma_wait3A_1000 = arith.constant 0 : i32
          %dma_wait3A_1001 = tpu.memref_slice %arg15[%dma_wait3A_999, %dma_wait3A_1000] : memref<16x512xf32, #tpu.memory_space<vmem>> -> memref<8x128xf32, #tpu.memory_space<vmem>>
          %dma_wait3A_1002 = arith.constant 0 : i32
          %dma_wait3A_1003 = arith.constant 0 : i32
          %dma_wait3A_1004 = tpu.memref_slice %arg5[%dma_wait3A_997, %dma_wait3A_998, %dma_wait3A_1002, %dma_wait3A_1003] : memref<52x128x8x128xf32, #tpu.memory_space<hbm>> -> memref<1x1x8x128xf32, #tpu.memory_space<hbm>>
          %dma_wait3A_1005 = tpu.memref_squeeze %dma_wait3A_1004 : memref<1x1x8x128xf32, #tpu.memory_space<hbm>> -> memref<8x128xf32, #tpu.memory_space<hbm>>
          %dma_wait3A_1006 = arith.constant 0 : i32
          %dma_wait3A_1007 = arith.constant 0 : i32
          %dma_wait3A_1008 = tpu.memref_slice %arg5[%dma_wait3A_997, %dma_wait3A_998, %dma_wait3A_1006, %dma_wait3A_1007] : memref<52x128x8x128xf32, #tpu.memory_space<hbm>> -> memref<1x1x8x128xf32, #tpu.memory_space<hbm>>
          %dma_wait3A_1009 = tpu.memref_squeeze %dma_wait3A_1008 : memref<1x1x8x128xf32, #tpu.memory_space<hbm>> -> memref<8x128xf32, #tpu.memory_space<hbm>>
          %dma_wait3A_1010 = arith.constant 0 : i32
          %dma_wait3A_1011 = arith.constant 0 : i32
          %dma_wait3A_1012 = tpu.memref_slice %arg15[%dma_wait3A_1010, %dma_wait3A_1011] : memref<16x512xf32, #tpu.memory_space<vmem>> -> memref<8x128xf32, #tpu.memory_space<vmem>>
          tpu.wait_dma2 semaphore(%arg23 : memref<!tpu.dma_semaphore, #tpu.memory_space<semaphore_mem>>) src(%dma_wait3A_1012 : memref<8x128xf32, #tpu.memory_space<vmem>>) dst(%dma_wait3A_1009 : memref<8x128xf32, #tpu.memory_space<hbm>>)
          %dma_wait3A_1013 = arith.constant 0 : i32
          %dma_wait3A_1014 = arith.constant 0 : i32
          %dma_wait3A_1015 = arith.constant 0 : i32
          %dma_wait3A_1016 = arith.constant 0 : i32
          %dma_wait3A_1017 = tpu.memref_slice %arg15[%dma_wait3A_1015, %dma_wait3A_1016] : memref<16x512xf32, #tpu.memory_space<vmem>> -> memref<8x128xf32, #tpu.memory_space<vmem>>
          %dma_wait3A_1018 = arith.constant 0 : i32
          %dma_wait3A_1019 = arith.constant 0 : i32
          %dma_wait3A_1020 = tpu.memref_slice %arg5[%dma_wait3A_1013, %dma_wait3A_1014, %dma_wait3A_1018, %dma_wait3A_1019] : memref<52x128x8x128xf32, #tpu.memory_space<hbm>> -> memref<1x1x8x128xf32, #tpu.memory_space<hbm>>
          %dma_wait3A_1021 = tpu.memref_squeeze %dma_wait3A_1020 : memref<1x1x8x128xf32, #tpu.memory_space<hbm>> -> memref<8x128xf32, #tpu.memory_space<hbm>>
          %dma_wait3A_1022 = arith.constant 0 : i32
          %dma_wait3A_1023 = arith.constant 0 : i32
          %dma_wait3A_1024 = tpu.memref_slice %arg5[%dma_wait3A_1013, %dma_wait3A_1014, %dma_wait3A_1022, %dma_wait3A_1023] : memref<52x128x8x128xf32, #tpu.memory_space<hbm>> -> memref<1x1x8x128xf32, #tpu.memory_space<hbm>>
          %dma_wait3A_1025 = tpu.memref_squeeze %dma_wait3A_1024 : memref<1x1x8x128xf32, #tpu.memory_space<hbm>> -> memref<8x128xf32, #tpu.memory_space<hbm>>
          %dma_wait3A_1026 = arith.constant 0 : i32
          %dma_wait3A_1027 = arith.constant 0 : i32
          %dma_wait3A_1028 = tpu.memref_slice %arg15[%dma_wait3A_1026, %dma_wait3A_1027] : memref<16x512xf32, #tpu.memory_space<vmem>> -> memref<8x128xf32, #tpu.memory_space<vmem>>
          tpu.wait_dma2 semaphore(%arg23 : memref<!tpu.dma_semaphore, #tpu.memory_space<semaphore_mem>>) src(%dma_wait3A_1028 : memref<8x128xf32, #tpu.memory_space<vmem>>) dst(%dma_wait3A_1025 : memref<8x128xf32, #tpu.memory_space<hbm>>)
          %dma_wait3A_1029 = arith.constant 0 : i32
          %dma_wait3A_1030 = arith.constant 0 : i32
          %dma_wait3A_1031 = arith.constant 0 : i32
          %dma_wait3A_1032 = arith.constant 0 : i32
          %dma_wait3A_1033 = tpu.memref_slice %arg15[%dma_wait3A_1031, %dma_wait3A_1032] : memref<16x512xf32, #tpu.memory_space<vmem>> -> memref<8x128xf32, #tpu.memory_space<vmem>>
          %dma_wait3A_1034 = arith.constant 0 : i32
          %dma_wait3A_1035 = arith.constant 0 : i32
          %dma_wait3A_1036 = tpu.memref_slice %arg5[%dma_wait3A_1029, %dma_wait3A_1030, %dma_wait3A_1034, %dma_wait3A_1035] : memref<52x128x8x128xf32, #tpu.memory_space<hbm>> -> memref<1x1x8x128xf32, #tpu.memory_space<hbm>>
          %dma_wait3A_1037 = tpu.memref_squeeze %dma_wait3A_1036 : memref<1x1x8x128xf32, #tpu.memory_space<hbm>> -> memref<8x128xf32, #tpu.memory_space<hbm>>
          %dma_wait3A_1038 = arith.constant 0 : i32
          %dma_wait3A_1039 = arith.constant 0 : i32
          %dma_wait3A_1040 = tpu.memref_slice %arg5[%dma_wait3A_1029, %dma_wait3A_1030, %dma_wait3A_1038, %dma_wait3A_1039] : memref<52x128x8x128xf32, #tpu.memory_space<hbm>> -> memref<1x1x8x128xf32, #tpu.memory_space<hbm>>
          %dma_wait3A_1041 = tpu.memref_squeeze %dma_wait3A_1040 : memref<1x1x8x128xf32, #tpu.memory_space<hbm>> -> memref<8x128xf32, #tpu.memory_space<hbm>>
          %dma_wait3A_1042 = arith.constant 0 : i32
          %dma_wait3A_1043 = arith.constant 0 : i32
          %dma_wait3A_1044 = tpu.memref_slice %arg15[%dma_wait3A_1042, %dma_wait3A_1043] : memref<16x512xf32, #tpu.memory_space<vmem>> -> memref<8x128xf32, #tpu.memory_space<vmem>>
          tpu.wait_dma2 semaphore(%arg23 : memref<!tpu.dma_semaphore, #tpu.memory_space<semaphore_mem>>) src(%dma_wait3A_1044 : memref<8x128xf32, #tpu.memory_space<vmem>>) dst(%dma_wait3A_1041 : memref<8x128xf32, #tpu.memory_space<hbm>>)
        } else {
        }
        %parallel_loop3A = arith.constant 0 : i32
        %parallel_loop3A_739 = arith.constant 512 : i32
        %parallel_loop3A_740 = arith.constant 1 : i32
        scf.for %parallel_loop3A_917 = %parallel_loop3A to %parallel_loop3A_739 step %parallel_loop3A_740  : i32 {
          %parallel_loop3A_918 = arith.constant 15 : i32
          %parallel_loop3A_919 = arith.andi %parallel_loop3A_917, %parallel_loop3A_918 : i32
          %parallel_loop3A_920 = arith.constant 4 : i32
          %parallel_loop3A_921 = arith.shrsi %parallel_loop3A_917, %parallel_loop3A_920 : i32
          %parallel_loop3A_922 = arith.constant 16 : i32
          %parallel_loop3A_923 = arith.muli %parallel_loop3A_921, %parallel_loop3A_922 : i32
          %parallel_loop3A_924 = vector.broadcast %parallel_loop3A_923 : i32 to vector<16xi32>
          %parallel_loop3A_925 = arith.addi %parallel_loop3A_924, %iota3A : vector<16xi32>
          %parallel_loop3A_926 = vector.broadcast %parallel_loop3A_919 : i32 to vector<16xi32>
          %parallel_loop3A_927 = tpu.vector_load_idx %arg11[%parallel_loop3A_925, %parallel_loop3A_926] : memref<512x16xf32, #tpu.memory_space<vmem>>[vector<16xi32>, vector<16xi32>], vector<16xf32>,
          %parallel_loop3A_928 = arith.mulf %parallel_loop3A_927, %get3A_3 : vector<16xf32>
          %parallel_loop3A_929 = arith.constant 16 : i32
          %parallel_loop3A_930 = arith.muli %parallel_loop3A_921, %parallel_loop3A_929 : i32
          %parallel_loop3A_931 = arith.index_cast %parallel_loop3A_919 : i32 to index
          %parallel_loop3A_932 = arith.index_cast %parallel_loop3A_930 : i32 to index
          %parallel_loop3A_933 = tpu.vector_load %arg15[%parallel_loop3A_931, %parallel_loop3A_932] {strides = array<i32>} : memref<16x512xf32, #tpu.memory_space<vmem>>, vector<16xf32>,
          tpu.vector_store %arg15[%parallel_loop3A_931, %parallel_loop3A_932], %parallel_loop3A_928 {strides = array<i32>} : memref<16x512xf32, #tpu.memory_space<vmem>>, vector<16xf32>,
        } {sc.loop_unroll_factor = 16 : i64, sc.parallel_access}
        %mul3A_741 = arith.constant 2 : i32
        %mul3A_742 = arith.muli %mul3A_741, %add3A_678 : i32
        %add3A_743 = arith.constant 0 : i32
        %add3A_744 = arith.addi %mul3A_742, %add3A_743 : i32
        %mul3A_745 = arith.constant 4 : i32
        %mul3A_746 = arith.muli %add3A, %mul3A_745 : i32
        %add3A_747 = arith.constant 0 : i32
        %add3A_748 = arith.addi %mul3A_746, %add3A_747 : i32
        %dma_start3A_749 = arith.constant 0 : i32
        %dma_start3A_750 = arith.constant 0 : i32
        %dma_start3A_751 = tpu.memref_slice %arg15[%dma_start3A_749, %dma_start3A_750] : memref<16x512xf32, #tpu.memory_space<vmem>> -> memref<8x128xf32, #tpu.memory_space<vmem>>
        %dma_start3A_752 = arith.constant 0 : i32
        %dma_start3A_753 = arith.constant 0 : i32
        %dma_start3A_754 = tpu.memref_slice %arg5[%add3A_744, %add3A_748, %dma_start3A_752, %dma_start3A_753] : memref<52x128x8x128xf32, #tpu.memory_space<hbm>> -> memref<1x1x8x128xf32, #tpu.memory_space<hbm>>
        %dma_start3A_755 = tpu.memref_squeeze %dma_start3A_754 : memref<1x1x8x128xf32, #tpu.memory_space<hbm>> -> memref<8x128xf32, #tpu.memory_space<hbm>>
        %dma_start3A_756 = arith.constant 0 : i32
        %dma_start3A_757 = arith.constant 0 : i32
        %dma_start3A_758 = tpu.memref_slice %arg5[%add3A_744, %add3A_748, %dma_start3A_756, %dma_start3A_757] : memref<52x128x8x128xf32, #tpu.memory_space<hbm>> -> memref<1x1x8x128xf32, #tpu.memory_space<hbm>>
        %dma_start3A_759 = tpu.memref_squeeze %dma_start3A_758 : memref<1x1x8x128xf32, #tpu.memory_space<hbm>> -> memref<8x128xf32, #tpu.memory_space<hbm>>
        %dma_start3A_760 = arith.constant 0 : i32
        %dma_start3A_761 = arith.constant 0 : i32
        %dma_start3A_762 = tpu.memref_slice %arg15[%dma_start3A_760, %dma_start3A_761] : memref<16x512xf32, #tpu.memory_space<vmem>> -> memref<8x128xf32, #tpu.memory_space<vmem>>
        tpu.enqueue_dma source(%dma_start3A_762 : memref<8x128xf32, #tpu.memory_space<vmem>>) target(%dma_start3A_759 : memref<8x128xf32, #tpu.memory_space<hbm>>) target_semaphore(%arg23 : memref<!tpu.dma_semaphore, #tpu.memory_space<semaphore_mem>>)
        %mul3A_763 = arith.constant 2 : i32
        %mul3A_764 = arith.muli %mul3A_763, %add3A_678 : i32
        %add3A_765 = arith.constant 0 : i32
        %add3A_766 = arith.addi %mul3A_764, %add3A_765 : i32
        %mul3A_767 = arith.constant 4 : i32
        %mul3A_768 = arith.muli %add3A, %mul3A_767 : i32
        %add3A_769 = arith.constant 1 : i32
        %add3A_770 = arith.addi %mul3A_768, %add3A_769 : i32
        %dma_start3A_771 = arith.constant 0 : i32
        %dma_start3A_772 = arith.constant 128 : i32
        %dma_start3A_773 = tpu.memref_slice %arg15[%dma_start3A_771, %dma_start3A_772] : memref<16x512xf32, #tpu.memory_space<vmem>> -> memref<8x128xf32, #tpu.memory_space<vmem>>
        %dma_start3A_774 = arith.constant 0 : i32
        %dma_start3A_775 = arith.constant 0 : i32
        %dma_start3A_776 = tpu.memref_slice %arg5[%add3A_766, %add3A_770, %dma_start3A_774, %dma_start3A_775] : memref<52x128x8x128xf32, #tpu.memory_space<hbm>> -> memref<1x1x8x128xf32, #tpu.memory_space<hbm>>
        %dma_start3A_777 = tpu.memref_squeeze %dma_start3A_776 : memref<1x1x8x128xf32, #tpu.memory_space<hbm>> -> memref<8x128xf32, #tpu.memory_space<hbm>>
        %dma_start3A_778 = arith.constant 0 : i32
        %dma_start3A_779 = arith.constant 0 : i32
        %dma_start3A_780 = tpu.memref_slice %arg5[%add3A_766, %add3A_770, %dma_start3A_778, %dma_start3A_779] : memref<52x128x8x128xf32, #tpu.memory_space<hbm>> -> memref<1x1x8x128xf32, #tpu.memory_space<hbm>>
        %dma_start3A_781 = tpu.memref_squeeze %dma_start3A_780 : memref<1x1x8x128xf32, #tpu.memory_space<hbm>> -> memref<8x128xf32, #tpu.memory_space<hbm>>
        %dma_start3A_782 = arith.constant 0 : i32
        %dma_start3A_783 = arith.constant 128 : i32
        %dma_start3A_784 = tpu.memref_slice %arg15[%dma_start3A_782, %dma_start3A_783] : memref<16x512xf32, #tpu.memory_space<vmem>> -> memref<8x128xf32, #tpu.memory_space<vmem>>
        tpu.enqueue_dma source(%dma_start3A_784 : memref<8x128xf32, #tpu.memory_space<vmem>>) target(%dma_start3A_781 : memref<8x128xf32, #tpu.memory_space<hbm>>) target_semaphore(%arg23 : memref<!tpu.dma_semaphore, #tpu.memory_space<semaphore_mem>>)
        %mul3A_785 = arith.constant 2 : i32
        %mul3A_786 = arith.muli %mul3A_785, %add3A_678 : i32
        %add3A_787 = arith.constant 0 : i32
        %add3A_788 = arith.addi %mul3A_786, %add3A_787 : i32
        %mul3A_789 = arith.constant 4 : i32
        %mul3A_790 = arith.muli %add3A, %mul3A_789 : i32
        %add3A_791 = arith.constant 2 : i32
        %add3A_792 = arith.addi %mul3A_790, %add3A_791 : i32
        %dma_start3A_793 = arith.constant 0 : i32
        %dma_start3A_794 = arith.constant 256 : i32
        %dma_start3A_795 = tpu.memref_slice %arg15[%dma_start3A_793, %dma_start3A_794] : memref<16x512xf32, #tpu.memory_space<vmem>> -> memref<8x128xf32, #tpu.memory_space<vmem>>
        %dma_start3A_796 = arith.constant 0 : i32
        %dma_start3A_797 = arith.constant 0 : i32
        %dma_start3A_798 = tpu.memref_slice %arg5[%add3A_788, %add3A_792, %dma_start3A_796, %dma_start3A_797] : memref<52x128x8x128xf32, #tpu.memory_space<hbm>> -> memref<1x1x8x128xf32, #tpu.memory_space<hbm>>
        %dma_start3A_799 = tpu.memref_squeeze %dma_start3A_798 : memref<1x1x8x128xf32, #tpu.memory_space<hbm>> -> memref<8x128xf32, #tpu.memory_space<hbm>>
        %dma_start3A_800 = arith.constant 0 : i32
        %dma_start3A_801 = arith.constant 0 : i32
        %dma_start3A_802 = tpu.memref_slice %arg5[%add3A_788, %add3A_792, %dma_start3A_800, %dma_start3A_801] : memref<52x128x8x128xf32, #tpu.memory_space<hbm>> -> memref<1x1x8x128xf32, #tpu.memory_space<hbm>>
        %dma_start3A_803 = tpu.memref_squeeze %dma_start3A_802 : memref<1x1x8x128xf32, #tpu.memory_space<hbm>> -> memref<8x128xf32, #tpu.memory_space<hbm>>
        %dma_start3A_804 = arith.constant 0 : i32
        %dma_start3A_805 = arith.constant 256 : i32
        %dma_start3A_806 = tpu.memref_slice %arg15[%dma_start3A_804, %dma_start3A_805] : memref<16x512xf32, #tpu.memory_space<vmem>> -> memref<8x128xf32, #tpu.memory_space<vmem>>
        tpu.enqueue_dma source(%dma_start3A_806 : memref<8x128xf32, #tpu.memory_space<vmem>>) target(%dma_start3A_803 : memref<8x128xf32, #tpu.memory_space<hbm>>) target_semaphore(%arg23 : memref<!tpu.dma_semaphore, #tpu.memory_space<semaphore_mem>>)
        %mul3A_807 = arith.constant 2 : i32
        %mul3A_808 = arith.muli %mul3A_807, %add3A_678 : i32
        %add3A_809 = arith.constant 0 : i32
        %add3A_810 = arith.addi %mul3A_808, %add3A_809 : i32
        %mul3A_811 = arith.constant 4 : i32
        %mul3A_812 = arith.muli %add3A, %mul3A_811 : i32
        %add3A_813 = arith.constant 3 : i32
        %add3A_814 = arith.addi %mul3A_812, %add3A_813 : i32
        %dma_start3A_815 = arith.constant 0 : i32
        %dma_start3A_816 = arith.constant 384 : i32
        %dma_start3A_817 = tpu.memref_slice %arg15[%dma_start3A_815, %dma_start3A_816] : memref<16x512xf32, #tpu.memory_space<vmem>> -> memref<8x128xf32, #tpu.memory_space<vmem>>
        %dma_start3A_818 = arith.constant 0 : i32
        %dma_start3A_819 = arith.constant 0 : i32
        %dma_start3A_820 = tpu.memref_slice %arg5[%add3A_810, %add3A_814, %dma_start3A_818, %dma_start3A_819] : memref<52x128x8x128xf32, #tpu.memory_space<hbm>> -> memref<1x1x8x128xf32, #tpu.memory_space<hbm>>
        %dma_start3A_821 = tpu.memref_squeeze %dma_start3A_820 : memref<1x1x8x128xf32, #tpu.memory_space<hbm>> -> memref<8x128xf32, #tpu.memory_space<hbm>>
        %dma_start3A_822 = arith.constant 0 : i32
        %dma_start3A_823 = arith.constant 0 : i32
        %dma_start3A_824 = tpu.memref_slice %arg5[%add3A_810, %add3A_814, %dma_start3A_822, %dma_start3A_823] : memref<52x128x8x128xf32, #tpu.memory_space<hbm>> -> memref<1x1x8x128xf32, #tpu.memory_space<hbm>>
        %dma_start3A_825 = tpu.memref_squeeze %dma_start3A_824 : memref<1x1x8x128xf32, #tpu.memory_space<hbm>> -> memref<8x128xf32, #tpu.memory_space<hbm>>
        %dma_start3A_826 = arith.constant 0 : i32
        %dma_start3A_827 = arith.constant 384 : i32
        %dma_start3A_828 = tpu.memref_slice %arg15[%dma_start3A_826, %dma_start3A_827] : memref<16x512xf32, #tpu.memory_space<vmem>> -> memref<8x128xf32, #tpu.memory_space<vmem>>
        tpu.enqueue_dma source(%dma_start3A_828 : memref<8x128xf32, #tpu.memory_space<vmem>>) target(%dma_start3A_825 : memref<8x128xf32, #tpu.memory_space<hbm>>) target_semaphore(%arg23 : memref<!tpu.dma_semaphore, #tpu.memory_space<semaphore_mem>>)
        %mul3A_829 = arith.constant 2 : i32
        %mul3A_830 = arith.muli %mul3A_829, %add3A_678 : i32
        %add3A_831 = arith.constant 1 : i32
        %add3A_832 = arith.addi %mul3A_830, %add3A_831 : i32
        %mul3A_833 = arith.constant 4 : i32
        %mul3A_834 = arith.muli %add3A, %mul3A_833 : i32
        %add3A_835 = arith.constant 0 : i32
        %add3A_836 = arith.addi %mul3A_834, %add3A_835 : i32
        %dma_start3A_837 = arith.constant 8 : i32
        %dma_start3A_838 = arith.constant 0 : i32
        %dma_start3A_839 = tpu.memref_slice %arg15[%dma_start3A_837, %dma_start3A_838] : memref<16x512xf32, #tpu.memory_space<vmem>> -> memref<8x128xf32, #tpu.memory_space<vmem>>
        %dma_start3A_840 = arith.constant 0 : i32
        %dma_start3A_841 = arith.constant 0 : i32
        %dma_start3A_842 = tpu.memref_slice %arg5[%add3A_832, %add3A_836, %dma_start3A_840, %dma_start3A_841] : memref<52x128x8x128xf32, #tpu.memory_space<hbm>> -> memref<1x1x8x128xf32, #tpu.memory_space<hbm>>
        %dma_start3A_843 = tpu.memref_squeeze %dma_start3A_842 : memref<1x1x8x128xf32, #tpu.memory_space<hbm>> -> memref<8x128xf32, #tpu.memory_space<hbm>>
        %dma_start3A_844 = arith.constant 0 : i32
        %dma_start3A_845 = arith.constant 0 : i32
        %dma_start3A_846 = tpu.memref_slice %arg5[%add3A_832, %add3A_836, %dma_start3A_844, %dma_start3A_845] : memref<52x128x8x128xf32, #tpu.memory_space<hbm>> -> memref<1x1x8x128xf32, #tpu.memory_space<hbm>>
        %dma_start3A_847 = tpu.memref_squeeze %dma_start3A_846 : memref<1x1x8x128xf32, #tpu.memory_space<hbm>> -> memref<8x128xf32, #tpu.memory_space<hbm>>
        %dma_start3A_848 = arith.constant 8 : i32
        %dma_start3A_849 = arith.constant 0 : i32
        %dma_start3A_850 = tpu.memref_slice %arg15[%dma_start3A_848, %dma_start3A_849] : memref<16x512xf32, #tpu.memory_space<vmem>> -> memref<8x128xf32, #tpu.memory_space<vmem>>
        tpu.enqueue_dma source(%dma_start3A_850 : memref<8x128xf32, #tpu.memory_space<vmem>>) target(%dma_start3A_847 : memref<8x128xf32, #tpu.memory_space<hbm>>) target_semaphore(%arg23 : memref<!tpu.dma_semaphore, #tpu.memory_space<semaphore_mem>>)
        %mul3A_851 = arith.constant 2 : i32
        %mul3A_852 = arith.muli %mul3A_851, %add3A_678 : i32
        %add3A_853 = arith.constant 1 : i32
        %add3A_854 = arith.addi %mul3A_852, %add3A_853 : i32
        %mul3A_855 = arith.constant 4 : i32
        %mul3A_856 = arith.muli %add3A, %mul3A_855 : i32
        %add3A_857 = arith.constant 1 : i32
        %add3A_858 = arith.addi %mul3A_856, %add3A_857 : i32
        %dma_start3A_859 = arith.constant 8 : i32
        %dma_start3A_860 = arith.constant 128 : i32
        %dma_start3A_861 = tpu.memref_slice %arg15[%dma_start3A_859, %dma_start3A_860] : memref<16x512xf32, #tpu.memory_space<vmem>> -> memref<8x128xf32, #tpu.memory_space<vmem>>
        %dma_start3A_862 = arith.constant 0 : i32
        %dma_start3A_863 = arith.constant 0 : i32
        %dma_start3A_864 = tpu.memref_slice %arg5[%add3A_854, %add3A_858, %dma_start3A_862, %dma_start3A_863] : memref<52x128x8x128xf32, #tpu.memory_space<hbm>> -> memref<1x1x8x128xf32, #tpu.memory_space<hbm>>
        %dma_start3A_865 = tpu.memref_squeeze %dma_start3A_864 : memref<1x1x8x128xf32, #tpu.memory_space<hbm>> -> memref<8x128xf32, #tpu.memory_space<hbm>>
        %dma_start3A_866 = arith.constant 0 : i32
        %dma_start3A_867 = arith.constant 0 : i32
        %dma_start3A_868 = tpu.memref_slice %arg5[%add3A_854, %add3A_858, %dma_start3A_866, %dma_start3A_867] : memref<52x128x8x128xf32, #tpu.memory_space<hbm>> -> memref<1x1x8x128xf32, #tpu.memory_space<hbm>>
        %dma_start3A_869 = tpu.memref_squeeze %dma_start3A_868 : memref<1x1x8x128xf32, #tpu.memory_space<hbm>> -> memref<8x128xf32, #tpu.memory_space<hbm>>
        %dma_start3A_870 = arith.constant 8 : i32
        %dma_start3A_871 = arith.constant 128 : i32
        %dma_start3A_872 = tpu.memref_slice %arg15[%dma_start3A_870, %dma_start3A_871] : memref<16x512xf32, #tpu.memory_space<vmem>> -> memref<8x128xf32, #tpu.memory_space<vmem>>
        tpu.enqueue_dma source(%dma_start3A_872 : memref<8x128xf32, #tpu.memory_space<vmem>>) target(%dma_start3A_869 : memref<8x128xf32, #tpu.memory_space<hbm>>) target_semaphore(%arg23 : memref<!tpu.dma_semaphore, #tpu.memory_space<semaphore_mem>>)
        %mul3A_873 = arith.constant 2 : i32
        %mul3A_874 = arith.muli %mul3A_873, %add3A_678 : i32
        %add3A_875 = arith.constant 1 : i32
        %add3A_876 = arith.addi %mul3A_874, %add3A_875 : i32
        %mul3A_877 = arith.constant 4 : i32
        %mul3A_878 = arith.muli %add3A, %mul3A_877 : i32
        %add3A_879 = arith.constant 2 : i32
        %add3A_880 = arith.addi %mul3A_878, %add3A_879 : i32
        %dma_start3A_881 = arith.constant 8 : i32
        %dma_start3A_882 = arith.constant 256 : i32
        %dma_start3A_883 = tpu.memref_slice %arg15[%dma_start3A_881, %dma_start3A_882] : memref<16x512xf32, #tpu.memory_space<vmem>> -> memref<8x128xf32, #tpu.memory_space<vmem>>
        %dma_start3A_884 = arith.constant 0 : i32
        %dma_start3A_885 = arith.constant 0 : i32
        %dma_start3A_886 = tpu.memref_slice %arg5[%add3A_876, %add3A_880, %dma_start3A_884, %dma_start3A_885] : memref<52x128x8x128xf32, #tpu.memory_space<hbm>> -> memref<1x1x8x128xf32, #tpu.memory_space<hbm>>
        %dma_start3A_887 = tpu.memref_squeeze %dma_start3A_886 : memref<1x1x8x128xf32, #tpu.memory_space<hbm>> -> memref<8x128xf32, #tpu.memory_space<hbm>>
        %dma_start3A_888 = arith.constant 0 : i32
        %dma_start3A_889 = arith.constant 0 : i32
        %dma_start3A_890 = tpu.memref_slice %arg5[%add3A_876, %add3A_880, %dma_start3A_888, %dma_start3A_889] : memref<52x128x8x128xf32, #tpu.memory_space<hbm>> -> memref<1x1x8x128xf32, #tpu.memory_space<hbm>>
        %dma_start3A_891 = tpu.memref_squeeze %dma_start3A_890 : memref<1x1x8x128xf32, #tpu.memory_space<hbm>> -> memref<8x128xf32, #tpu.memory_space<hbm>>
        %dma_start3A_892 = arith.constant 8 : i32
        %dma_start3A_893 = arith.constant 256 : i32
        %dma_start3A_894 = tpu.memref_slice %arg15[%dma_start3A_892, %dma_start3A_893] : memref<16x512xf32, #tpu.memory_space<vmem>> -> memref<8x128xf32, #tpu.memory_space<vmem>>
        tpu.enqueue_dma source(%dma_start3A_894 : memref<8x128xf32, #tpu.memory_space<vmem>>) target(%dma_start3A_891 : memref<8x128xf32, #tpu.memory_space<hbm>>) target_semaphore(%arg23 : memref<!tpu.dma_semaphore, #tpu.memory_space<semaphore_mem>>)
        %mul3A_895 = arith.constant 2 : i32
        %mul3A_896 = arith.muli %mul3A_895, %add3A_678 : i32
        %add3A_897 = arith.constant 1 : i32
        %add3A_898 = arith.addi %mul3A_896, %add3A_897 : i32
        %mul3A_899 = arith.constant 4 : i32
        %mul3A_900 = arith.muli %add3A, %mul3A_899 : i32
        %add3A_901 = arith.constant 3 : i32
        %add3A_902 = arith.addi %mul3A_900, %add3A_901 : i32
        %dma_start3A_903 = arith.constant 8 : i32
        %dma_start3A_904 = arith.constant 384 : i32
        %dma_start3A_905 = tpu.memref_slice %arg15[%dma_start3A_903, %dma_start3A_904] : memref<16x512xf32, #tpu.memory_space<vmem>> -> memref<8x128xf32, #tpu.memory_space<vmem>>
        %dma_start3A_906 = arith.constant 0 : i32
        %dma_start3A_907 = arith.constant 0 : i32
        %dma_start3A_908 = tpu.memref_slice %arg5[%add3A_898, %add3A_902, %dma_start3A_906, %dma_start3A_907] : memref<52x128x8x128xf32, #tpu.memory_space<hbm>> -> memref<1x1x8x128xf32, #tpu.memory_space<hbm>>
        %dma_start3A_909 = tpu.memref_squeeze %dma_start3A_908 : memref<1x1x8x128xf32, #tpu.memory_space<hbm>> -> memref<8x128xf32, #tpu.memory_space<hbm>>
        %dma_start3A_910 = arith.constant 0 : i32
        %dma_start3A_911 = arith.constant 0 : i32
        %dma_start3A_912 = tpu.memref_slice %arg5[%add3A_898, %add3A_902, %dma_start3A_910, %dma_start3A_911] : memref<52x128x8x128xf32, #tpu.memory_space<hbm>> -> memref<1x1x8x128xf32, #tpu.memory_space<hbm>>
        %dma_start3A_913 = tpu.memref_squeeze %dma_start3A_912 : memref<1x1x8x128xf32, #tpu.memory_space<hbm>> -> memref<8x128xf32, #tpu.memory_space<hbm>>
        %dma_start3A_914 = arith.constant 8 : i32
        %dma_start3A_915 = arith.constant 384 : i32
        %dma_start3A_916 = tpu.memref_slice %arg15[%dma_start3A_914, %dma_start3A_915] : memref<16x512xf32, #tpu.memory_space<vmem>> -> memref<8x128xf32, #tpu.memory_space<vmem>>
        tpu.enqueue_dma source(%dma_start3A_916 : memref<8x128xf32, #tpu.memory_space<vmem>>) target(%dma_start3A_913 : memref<8x128xf32, #tpu.memory_space<hbm>>) target_semaphore(%arg23 : memref<!tpu.dma_semaphore, #tpu.memory_space<semaphore_mem>>)
      } else {
      }
    }
    %scan3A_138 = arith.constant 7 : i32
    %dma_wait3A = arith.constant 0 : i32
    %dma_wait3A_139 = arith.constant 0 : i32
    %dma_wait3A_140 = arith.constant 0 : i32
    %dma_wait3A_141 = arith.constant 0 : i32
    %dma_wait3A_142 = tpu.memref_slice %arg12[%dma_wait3A_140, %dma_wait3A_141] : memref<16x512xf32, #tpu.memory_space<vmem>> -> memref<8x128xf32, #tpu.memory_space<vmem>>
    %dma_wait3A_143 = arith.constant 0 : i32
    %dma_wait3A_144 = arith.constant 0 : i32
    %dma_wait3A_145 = tpu.memref_slice %arg5[%dma_wait3A, %dma_wait3A_139, %dma_wait3A_143, %dma_wait3A_144] : memref<52x128x8x128xf32, #tpu.memory_space<hbm>> -> memref<1x1x8x128xf32, #tpu.memory_space<hbm>>
    %dma_wait3A_146 = tpu.memref_squeeze %dma_wait3A_145 : memref<1x1x8x128xf32, #tpu.memory_space<hbm>> -> memref<8x128xf32, #tpu.memory_space<hbm>>
    %dma_wait3A_147 = arith.constant 0 : i32
    %dma_wait3A_148 = arith.constant 0 : i32
    %dma_wait3A_149 = tpu.memref_slice %arg5[%dma_wait3A, %dma_wait3A_139, %dma_wait3A_147, %dma_wait3A_148] : memref<52x128x8x128xf32, #tpu.memory_space<hbm>> -> memref<1x1x8x128xf32, #tpu.memory_space<hbm>>
    %dma_wait3A_150 = tpu.memref_squeeze %dma_wait3A_149 : memref<1x1x8x128xf32, #tpu.memory_space<hbm>> -> memref<8x128xf32, #tpu.memory_space<hbm>>
    %dma_wait3A_151 = arith.constant 0 : i32
    %dma_wait3A_152 = arith.constant 0 : i32
    %dma_wait3A_153 = tpu.memref_slice %arg12[%dma_wait3A_151, %dma_wait3A_152] : memref<16x512xf32, #tpu.memory_space<vmem>> -> memref<8x128xf32, #tpu.memory_space<vmem>>
    tpu.wait_dma2 semaphore(%arg20 : memref<!tpu.dma_semaphore, #tpu.memory_space<semaphore_mem>>) src(%dma_wait3A_153 : memref<8x128xf32, #tpu.memory_space<vmem>>) dst(%dma_wait3A_150 : memref<8x128xf32, #tpu.memory_space<hbm>>)
    %dma_wait3A_154 = arith.constant 0 : i32
    %dma_wait3A_155 = arith.constant 0 : i32
    %dma_wait3A_156 = arith.constant 0 : i32
    %dma_wait3A_157 = arith.constant 0 : i32
    %dma_wait3A_158 = tpu.memref_slice %arg12[%dma_wait3A_156, %dma_wait3A_157] : memref<16x512xf32, #tpu.memory_space<vmem>> -> memref<8x128xf32, #tpu.memory_space<vmem>>
    %dma_wait3A_159 = arith.constant 0 : i32
    %dma_wait3A_160 = arith.constant 0 : i32
    %dma_wait3A_161 = tpu.memref_slice %arg5[%dma_wait3A_154, %dma_wait3A_155, %dma_wait3A_159, %dma_wait3A_160] : memref<52x128x8x128xf32, #tpu.memory_space<hbm>> -> memref<1x1x8x128xf32, #tpu.memory_space<hbm>>
    %dma_wait3A_162 = tpu.memref_squeeze %dma_wait3A_161 : memref<1x1x8x128xf32, #tpu.memory_space<hbm>> -> memref<8x128xf32, #tpu.memory_space<hbm>>
    %dma_wait3A_163 = arith.constant 0 : i32
    %dma_wait3A_164 = arith.constant 0 : i32
    %dma_wait3A_165 = tpu.memref_slice %arg5[%dma_wait3A_154, %dma_wait3A_155, %dma_wait3A_163, %dma_wait3A_164] : memref<52x128x8x128xf32, #tpu.memory_space<hbm>> -> memref<1x1x8x128xf32, #tpu.memory_space<hbm>>
    %dma_wait3A_166 = tpu.memref_squeeze %dma_wait3A_165 : memref<1x1x8x128xf32, #tpu.memory_space<hbm>> -> memref<8x128xf32, #tpu.memory_space<hbm>>
    %dma_wait3A_167 = arith.constant 0 : i32
    %dma_wait3A_168 = arith.constant 0 : i32
    %dma_wait3A_169 = tpu.memref_slice %arg12[%dma_wait3A_167, %dma_wait3A_168] : memref<16x512xf32, #tpu.memory_space<vmem>> -> memref<8x128xf32, #tpu.memory_space<vmem>>
    tpu.wait_dma2 semaphore(%arg20 : memref<!tpu.dma_semaphore, #tpu.memory_space<semaphore_mem>>) src(%dma_wait3A_169 : memref<8x128xf32, #tpu.memory_space<vmem>>) dst(%dma_wait3A_166 : memref<8x128xf32, #tpu.memory_space<hbm>>)
    %dma_wait3A_170 = arith.constant 0 : i32
    %dma_wait3A_171 = arith.constant 0 : i32
    %dma_wait3A_172 = arith.constant 0 : i32
    %dma_wait3A_173 = arith.constant 0 : i32
    %dma_wait3A_174 = tpu.memref_slice %arg12[%dma_wait3A_172, %dma_wait3A_173] : memref<16x512xf32, #tpu.memory_space<vmem>> -> memref<8x128xf32, #tpu.memory_space<vmem>>
    %dma_wait3A_175 = arith.constant 0 : i32
    %dma_wait3A_176 = arith.constant 0 : i32
    %dma_wait3A_177 = tpu.memref_slice %arg5[%dma_wait3A_170, %dma_wait3A_171, %dma_wait3A_175, %dma_wait3A_176] : memref<52x128x8x128xf32, #tpu.memory_space<hbm>> -> memref<1x1x8x128xf32, #tpu.memory_space<hbm>>
    %dma_wait3A_178 = tpu.memref_squeeze %dma_wait3A_177 : memref<1x1x8x128xf32, #tpu.memory_space<hbm>> -> memref<8x128xf32, #tpu.memory_space<hbm>>
    %dma_wait3A_179 = arith.constant 0 : i32
    %dma_wait3A_180 = arith.constant 0 : i32
    %dma_wait3A_181 = tpu.memref_slice %arg5[%dma_wait3A_170, %dma_wait3A_171, %dma_wait3A_179, %dma_wait3A_180] : memref<52x128x8x128xf32, #tpu.memory_space<hbm>> -> memref<1x1x8x128xf32, #tpu.memory_space<hbm>>
    %dma_wait3A_182 = tpu.memref_squeeze %dma_wait3A_181 : memref<1x1x8x128xf32, #tpu.memory_space<hbm>> -> memref<8x128xf32, #tpu.memory_space<hbm>>
    %dma_wait3A_183 = arith.constant 0 : i32
    %dma_wait3A_184 = arith.constant 0 : i32
    %dma_wait3A_185 = tpu.memref_slice %arg12[%dma_wait3A_183, %dma_wait3A_184] : memref<16x512xf32, #tpu.memory_space<vmem>> -> memref<8x128xf32, #tpu.memory_space<vmem>>
    tpu.wait_dma2 semaphore(%arg20 : memref<!tpu.dma_semaphore, #tpu.memory_space<semaphore_mem>>) src(%dma_wait3A_185 : memref<8x128xf32, #tpu.memory_space<vmem>>) dst(%dma_wait3A_182 : memref<8x128xf32, #tpu.memory_space<hbm>>)
    %dma_wait3A_186 = arith.constant 0 : i32
    %dma_wait3A_187 = arith.constant 0 : i32
    %dma_wait3A_188 = arith.constant 0 : i32
    %dma_wait3A_189 = arith.constant 0 : i32
    %dma_wait3A_190 = tpu.memref_slice %arg12[%dma_wait3A_188, %dma_wait3A_189] : memref<16x512xf32, #tpu.memory_space<vmem>> -> memref<8x128xf32, #tpu.memory_space<vmem>>
    %dma_wait3A_191 = arith.constant 0 : i32
    %dma_wait3A_192 = arith.constant 0 : i32
    %dma_wait3A_193 = tpu.memref_slice %arg5[%dma_wait3A_186, %dma_wait3A_187, %dma_wait3A_191, %dma_wait3A_192] : memref<52x128x8x128xf32, #tpu.memory_space<hbm>> -> memref<1x1x8x128xf32, #tpu.memory_space<hbm>>
    %dma_wait3A_194 = tpu.memref_squeeze %dma_wait3A_193 : memref<1x1x8x128xf32, #tpu.memory_space<hbm>> -> memref<8x128xf32, #tpu.memory_space<hbm>>
    %dma_wait3A_195 = arith.constant 0 : i32
    %dma_wait3A_196 = arith.constant 0 : i32
    %dma_wait3A_197 = tpu.memref_slice %arg5[%dma_wait3A_186, %dma_wait3A_187, %dma_wait3A_195, %dma_wait3A_196] : memref<52x128x8x128xf32, #tpu.memory_space<hbm>> -> memref<1x1x8x128xf32, #tpu.memory_space<hbm>>
    %dma_wait3A_198 = tpu.memref_squeeze %dma_wait3A_197 : memref<1x1x8x128xf32, #tpu.memory_space<hbm>> -> memref<8x128xf32, #tpu.memory_space<hbm>>
    %dma_wait3A_199 = arith.constant 0 : i32
    %dma_wait3A_200 = arith.constant 0 : i32
    %dma_wait3A_201 = tpu.memref_slice %arg12[%dma_wait3A_199, %dma_wait3A_200] : memref<16x512xf32, #tpu.memory_space<vmem>> -> memref<8x128xf32, #tpu.memory_space<vmem>>
    tpu.wait_dma2 semaphore(%arg20 : memref<!tpu.dma_semaphore, #tpu.memory_space<semaphore_mem>>) src(%dma_wait3A_201 : memref<8x128xf32, #tpu.memory_space<vmem>>) dst(%dma_wait3A_198 : memref<8x128xf32, #tpu.memory_space<hbm>>)
    %dma_wait3A_202 = arith.constant 0 : i32
    %dma_wait3A_203 = arith.constant 0 : i32
    %dma_wait3A_204 = arith.constant 0 : i32
    %dma_wait3A_205 = arith.constant 0 : i32
    %dma_wait3A_206 = tpu.memref_slice %arg12[%dma_wait3A_204, %dma_wait3A_205] : memref<16x512xf32, #tpu.memory_space<vmem>> -> memref<8x128xf32, #tpu.memory_space<vmem>>
    %dma_wait3A_207 = arith.constant 0 : i32
    %dma_wait3A_208 = arith.constant 0 : i32
    %dma_wait3A_209 = tpu.memref_slice %arg5[%dma_wait3A_202, %dma_wait3A_203, %dma_wait3A_207, %dma_wait3A_208] : memref<52x128x8x128xf32, #tpu.memory_space<hbm>> -> memref<1x1x8x128xf32, #tpu.memory_space<hbm>>
    %dma_wait3A_210 = tpu.memref_squeeze %dma_wait3A_209 : memref<1x1x8x128xf32, #tpu.memory_space<hbm>> -> memref<8x128xf32, #tpu.memory_space<hbm>>
    %dma_wait3A_211 = arith.constant 0 : i32
    %dma_wait3A_212 = arith.constant 0 : i32
    %dma_wait3A_213 = tpu.memref_slice %arg5[%dma_wait3A_202, %dma_wait3A_203, %dma_wait3A_211, %dma_wait3A_212] : memref<52x128x8x128xf32, #tpu.memory_space<hbm>> -> memref<1x1x8x128xf32, #tpu.memory_space<hbm>>
    %dma_wait3A_214 = tpu.memref_squeeze %dma_wait3A_213 : memref<1x1x8x128xf32, #tpu.memory_space<hbm>> -> memref<8x128xf32, #tpu.memory_space<hbm>>
    %dma_wait3A_215 = arith.constant 0 : i32
    %dma_wait3A_216 = arith.constant 0 : i32
    %dma_wait3A_217 = tpu.memref_slice %arg12[%dma_wait3A_215, %dma_wait3A_216] : memref<16x512xf32, #tpu.memory_space<vmem>> -> memref<8x128xf32, #tpu.memory_space<vmem>>
    tpu.wait_dma2 semaphore(%arg20 : memref<!tpu.dma_semaphore, #tpu.memory_space<semaphore_mem>>) src(%dma_wait3A_217 : memref<8x128xf32, #tpu.memory_space<vmem>>) dst(%dma_wait3A_214 : memref<8x128xf32, #tpu.memory_space<hbm>>)
    %dma_wait3A_218 = arith.constant 0 : i32
    %dma_wait3A_219 = arith.constant 0 : i32
    %dma_wait3A_220 = arith.constant 0 : i32
    %dma_wait3A_221 = arith.constant 0 : i32
    %dma_wait3A_222 = tpu.memref_slice %arg12[%dma_wait3A_220, %dma_wait3A_221] : memref<16x512xf32, #tpu.memory_space<vmem>> -> memref<8x128xf32, #tpu.memory_space<vmem>>
    %dma_wait3A_223 = arith.constant 0 : i32
    %dma_wait3A_224 = arith.constant 0 : i32
    %dma_wait3A_225 = tpu.memref_slice %arg5[%dma_wait3A_218, %dma_wait3A_219, %dma_wait3A_223, %dma_wait3A_224] : memref<52x128x8x128xf32, #tpu.memory_space<hbm>> -> memref<1x1x8x128xf32, #tpu.memory_space<hbm>>
    %dma_wait3A_226 = tpu.memref_squeeze %dma_wait3A_225 : memref<1x1x8x128xf32, #tpu.memory_space<hbm>> -> memref<8x128xf32, #tpu.memory_space<hbm>>
    %dma_wait3A_227 = arith.constant 0 : i32
    %dma_wait3A_228 = arith.constant 0 : i32
    %dma_wait3A_229 = tpu.memref_slice %arg5[%dma_wait3A_218, %dma_wait3A_219, %dma_wait3A_227, %dma_wait3A_228] : memref<52x128x8x128xf32, #tpu.memory_space<hbm>> -> memref<1x1x8x128xf32, #tpu.memory_space<hbm>>
    %dma_wait3A_230 = tpu.memref_squeeze %dma_wait3A_229 : memref<1x1x8x128xf32, #tpu.memory_space<hbm>> -> memref<8x128xf32, #tpu.memory_space<hbm>>
    %dma_wait3A_231 = arith.constant 0 : i32
    %dma_wait3A_232 = arith.constant 0 : i32
    %dma_wait3A_233 = tpu.memref_slice %arg12[%dma_wait3A_231, %dma_wait3A_232] : memref<16x512xf32, #tpu.memory_space<vmem>> -> memref<8x128xf32, #tpu.memory_space<vmem>>
    tpu.wait_dma2 semaphore(%arg20 : memref<!tpu.dma_semaphore, #tpu.memory_space<semaphore_mem>>) src(%dma_wait3A_233 : memref<8x128xf32, #tpu.memory_space<vmem>>) dst(%dma_wait3A_230 : memref<8x128xf32, #tpu.memory_space<hbm>>)
    %dma_wait3A_234 = arith.constant 0 : i32
    %dma_wait3A_235 = arith.constant 0 : i32
    %dma_wait3A_236 = arith.constant 0 : i32
    %dma_wait3A_237 = arith.constant 0 : i32
    %dma_wait3A_238 = tpu.memref_slice %arg12[%dma_wait3A_236, %dma_wait3A_237] : memref<16x512xf32, #tpu.memory_space<vmem>> -> memref<8x128xf32, #tpu.memory_space<vmem>>
    %dma_wait3A_239 = arith.constant 0 : i32
    %dma_wait3A_240 = arith.constant 0 : i32
    %dma_wait3A_241 = tpu.memref_slice %arg5[%dma_wait3A_234, %dma_wait3A_235, %dma_wait3A_239, %dma_wait3A_240] : memref<52x128x8x128xf32, #tpu.memory_space<hbm>> -> memref<1x1x8x128xf32, #tpu.memory_space<hbm>>
    %dma_wait3A_242 = tpu.memref_squeeze %dma_wait3A_241 : memref<1x1x8x128xf32, #tpu.memory_space<hbm>> -> memref<8x128xf32, #tpu.memory_space<hbm>>
    %dma_wait3A_243 = arith.constant 0 : i32
    %dma_wait3A_244 = arith.constant 0 : i32
    %dma_wait3A_245 = tpu.memref_slice %arg5[%dma_wait3A_234, %dma_wait3A_235, %dma_wait3A_243, %dma_wait3A_244] : memref<52x128x8x128xf32, #tpu.memory_space<hbm>> -> memref<1x1x8x128xf32, #tpu.memory_space<hbm>>
    %dma_wait3A_246 = tpu.memref_squeeze %dma_wait3A_245 : memref<1x1x8x128xf32, #tpu.memory_space<hbm>> -> memref<8x128xf32, #tpu.memory_space<hbm>>
    %dma_wait3A_247 = arith.constant 0 : i32
    %dma_wait3A_248 = arith.constant 0 : i32
    %dma_wait3A_249 = tpu.memref_slice %arg12[%dma_wait3A_247, %dma_wait3A_248] : memref<16x512xf32, #tpu.memory_space<vmem>> -> memref<8x128xf32, #tpu.memory_space<vmem>>
    tpu.wait_dma2 semaphore(%arg20 : memref<!tpu.dma_semaphore, #tpu.memory_space<semaphore_mem>>) src(%dma_wait3A_249 : memref<8x128xf32, #tpu.memory_space<vmem>>) dst(%dma_wait3A_246 : memref<8x128xf32, #tpu.memory_space<hbm>>)
    %dma_wait3A_250 = arith.constant 0 : i32
    %dma_wait3A_251 = arith.constant 0 : i32
    %dma_wait3A_252 = arith.constant 0 : i32
    %dma_wait3A_253 = arith.constant 0 : i32
    %dma_wait3A_254 = tpu.memref_slice %arg12[%dma_wait3A_252, %dma_wait3A_253] : memref<16x512xf32, #tpu.memory_space<vmem>> -> memref<8x128xf32, #tpu.memory_space<vmem>>
    %dma_wait3A_255 = arith.constant 0 : i32
    %dma_wait3A_256 = arith.constant 0 : i32
    %dma_wait3A_257 = tpu.memref_slice %arg5[%dma_wait3A_250, %dma_wait3A_251, %dma_wait3A_255, %dma_wait3A_256] : memref<52x128x8x128xf32, #tpu.memory_space<hbm>> -> memref<1x1x8x128xf32, #tpu.memory_space<hbm>>
    %dma_wait3A_258 = tpu.memref_squeeze %dma_wait3A_257 : memref<1x1x8x128xf32, #tpu.memory_space<hbm>> -> memref<8x128xf32, #tpu.memory_space<hbm>>
    %dma_wait3A_259 = arith.constant 0 : i32
    %dma_wait3A_260 = arith.constant 0 : i32
    %dma_wait3A_261 = tpu.memref_slice %arg5[%dma_wait3A_250, %dma_wait3A_251, %dma_wait3A_259, %dma_wait3A_260] : memref<52x128x8x128xf32, #tpu.memory_space<hbm>> -> memref<1x1x8x128xf32, #tpu.memory_space<hbm>>
    %dma_wait3A_262 = tpu.memref_squeeze %dma_wait3A_261 : memref<1x1x8x128xf32, #tpu.memory_space<hbm>> -> memref<8x128xf32, #tpu.memory_space<hbm>>
    %dma_wait3A_263 = arith.constant 0 : i32
    %dma_wait3A_264 = arith.constant 0 : i32
    %dma_wait3A_265 = tpu.memref_slice %arg12[%dma_wait3A_263, %dma_wait3A_264] : memref<16x512xf32, #tpu.memory_space<vmem>> -> memref<8x128xf32, #tpu.memory_space<vmem>>
    tpu.wait_dma2 semaphore(%arg20 : memref<!tpu.dma_semaphore, #tpu.memory_space<semaphore_mem>>) src(%dma_wait3A_265 : memref<8x128xf32, #tpu.memory_space<vmem>>) dst(%dma_wait3A_262 : memref<8x128xf32, #tpu.memory_space<hbm>>)
    %dma_wait3A_266 = arith.constant 0 : i32
    %dma_wait3A_267 = arith.constant 0 : i32
    %dma_wait3A_268 = arith.constant 0 : i32
    %dma_wait3A_269 = arith.constant 0 : i32
    %dma_wait3A_270 = tpu.memref_slice %arg13[%dma_wait3A_268, %dma_wait3A_269] : memref<16x512xf32, #tpu.memory_space<vmem>> -> memref<8x128xf32, #tpu.memory_space<vmem>>
    %dma_wait3A_271 = arith.constant 0 : i32
    %dma_wait3A_272 = arith.constant 0 : i32
    %dma_wait3A_273 = tpu.memref_slice %arg5[%dma_wait3A_266, %dma_wait3A_267, %dma_wait3A_271, %dma_wait3A_272] : memref<52x128x8x128xf32, #tpu.memory_space<hbm>> -> memref<1x1x8x128xf32, #tpu.memory_space<hbm>>
    %dma_wait3A_274 = tpu.memref_squeeze %dma_wait3A_273 : memref<1x1x8x128xf32, #tpu.memory_space<hbm>> -> memref<8x128xf32, #tpu.memory_space<hbm>>
    %dma_wait3A_275 = arith.constant 0 : i32
    %dma_wait3A_276 = arith.constant 0 : i32
    %dma_wait3A_277 = tpu.memref_slice %arg5[%dma_wait3A_266, %dma_wait3A_267, %dma_wait3A_275, %dma_wait3A_276] : memref<52x128x8x128xf32, #tpu.memory_space<hbm>> -> memref<1x1x8x128xf32, #tpu.memory_space<hbm>>
    %dma_wait3A_278 = tpu.memref_squeeze %dma_wait3A_277 : memref<1x1x8x128xf32, #tpu.memory_space<hbm>> -> memref<8x128xf32, #tpu.memory_space<hbm>>
    %dma_wait3A_279 = arith.constant 0 : i32
    %dma_wait3A_280 = arith.constant 0 : i32
    %dma_wait3A_281 = tpu.memref_slice %arg13[%dma_wait3A_279, %dma_wait3A_280] : memref<16x512xf32, #tpu.memory_space<vmem>> -> memref<8x128xf32, #tpu.memory_space<vmem>>
    tpu.wait_dma2 semaphore(%arg21 : memref<!tpu.dma_semaphore, #tpu.memory_space<semaphore_mem>>) src(%dma_wait3A_281 : memref<8x128xf32, #tpu.memory_space<vmem>>) dst(%dma_wait3A_278 : memref<8x128xf32, #tpu.memory_space<hbm>>)
    %dma_wait3A_282 = arith.constant 0 : i32
    %dma_wait3A_283 = arith.constant 0 : i32
    %dma_wait3A_284 = arith.constant 0 : i32
    %dma_wait3A_285 = arith.constant 0 : i32
    %dma_wait3A_286 = tpu.memref_slice %arg13[%dma_wait3A_284, %dma_wait3A_285] : memref<16x512xf32, #tpu.memory_space<vmem>> -> memref<8x128xf32, #tpu.memory_space<vmem>>
    %dma_wait3A_287 = arith.constant 0 : i32
    %dma_wait3A_288 = arith.constant 0 : i32
    %dma_wait3A_289 = tpu.memref_slice %arg5[%dma_wait3A_282, %dma_wait3A_283, %dma_wait3A_287, %dma_wait3A_288] : memref<52x128x8x128xf32, #tpu.memory_space<hbm>> -> memref<1x1x8x128xf32, #tpu.memory_space<hbm>>
    %dma_wait3A_290 = tpu.memref_squeeze %dma_wait3A_289 : memref<1x1x8x128xf32, #tpu.memory_space<hbm>> -> memref<8x128xf32, #tpu.memory_space<hbm>>
    %dma_wait3A_291 = arith.constant 0 : i32
    %dma_wait3A_292 = arith.constant 0 : i32
    %dma_wait3A_293 = tpu.memref_slice %arg5[%dma_wait3A_282, %dma_wait3A_283, %dma_wait3A_291, %dma_wait3A_292] : memref<52x128x8x128xf32, #tpu.memory_space<hbm>> -> memref<1x1x8x128xf32, #tpu.memory_space<hbm>>
    %dma_wait3A_294 = tpu.memref_squeeze %dma_wait3A_293 : memref<1x1x8x128xf32, #tpu.memory_space<hbm>> -> memref<8x128xf32, #tpu.memory_space<hbm>>
    %dma_wait3A_295 = arith.constant 0 : i32
    %dma_wait3A_296 = arith.constant 0 : i32
    %dma_wait3A_297 = tpu.memref_slice %arg13[%dma_wait3A_295, %dma_wait3A_296] : memref<16x512xf32, #tpu.memory_space<vmem>> -> memref<8x128xf32, #tpu.memory_space<vmem>>
    tpu.wait_dma2 semaphore(%arg21 : memref<!tpu.dma_semaphore, #tpu.memory_space<semaphore_mem>>) src(%dma_wait3A_297 : memref<8x128xf32, #tpu.memory_space<vmem>>) dst(%dma_wait3A_294 : memref<8x128xf32, #tpu.memory_space<hbm>>)
    %dma_wait3A_298 = arith.constant 0 : i32
    %dma_wait3A_299 = arith.constant 0 : i32
    %dma_wait3A_300 = arith.constant 0 : i32
    %dma_wait3A_301 = arith.constant 0 : i32
    %dma_wait3A_302 = tpu.memref_slice %arg13[%dma_wait3A_300, %dma_wait3A_301] : memref<16x512xf32, #tpu.memory_space<vmem>> -> memref<8x128xf32, #tpu.memory_space<vmem>>
    %dma_wait3A_303 = arith.constant 0 : i32
    %dma_wait3A_304 = arith.constant 0 : i32
    %dma_wait3A_305 = tpu.memref_slice %arg5[%dma_wait3A_298, %dma_wait3A_299, %dma_wait3A_303, %dma_wait3A_304] : memref<52x128x8x128xf32, #tpu.memory_space<hbm>> -> memref<1x1x8x128xf32, #tpu.memory_space<hbm>>
    %dma_wait3A_306 = tpu.memref_squeeze %dma_wait3A_305 : memref<1x1x8x128xf32, #tpu.memory_space<hbm>> -> memref<8x128xf32, #tpu.memory_space<hbm>>
    %dma_wait3A_307 = arith.constant 0 : i32
    %dma_wait3A_308 = arith.constant 0 : i32
    %dma_wait3A_309 = tpu.memref_slice %arg5[%dma_wait3A_298, %dma_wait3A_299, %dma_wait3A_307, %dma_wait3A_308] : memref<52x128x8x128xf32, #tpu.memory_space<hbm>> -> memref<1x1x8x128xf32, #tpu.memory_space<hbm>>
    %dma_wait3A_310 = tpu.memref_squeeze %dma_wait3A_309 : memref<1x1x8x128xf32, #tpu.memory_space<hbm>> -> memref<8x128xf32, #tpu.memory_space<hbm>>
    %dma_wait3A_311 = arith.constant 0 : i32
    %dma_wait3A_312 = arith.constant 0 : i32
    %dma_wait3A_313 = tpu.memref_slice %arg13[%dma_wait3A_311, %dma_wait3A_312] : memref<16x512xf32, #tpu.memory_space<vmem>> -> memref<8x128xf32, #tpu.memory_space<vmem>>
    tpu.wait_dma2 semaphore(%arg21 : memref<!tpu.dma_semaphore, #tpu.memory_space<semaphore_mem>>) src(%dma_wait3A_313 : memref<8x128xf32, #tpu.memory_space<vmem>>) dst(%dma_wait3A_310 : memref<8x128xf32, #tpu.memory_space<hbm>>)
    %dma_wait3A_314 = arith.constant 0 : i32
    %dma_wait3A_315 = arith.constant 0 : i32
    %dma_wait3A_316 = arith.constant 0 : i32
    %dma_wait3A_317 = arith.constant 0 : i32
    %dma_wait3A_318 = tpu.memref_slice %arg13[%dma_wait3A_316, %dma_wait3A_317] : memref<16x512xf32, #tpu.memory_space<vmem>> -> memref<8x128xf32, #tpu.memory_space<vmem>>
    %dma_wait3A_319 = arith.constant 0 : i32
    %dma_wait3A_320 = arith.constant 0 : i32
    %dma_wait3A_321 = tpu.memref_slice %arg5[%dma_wait3A_314, %dma_wait3A_315, %dma_wait3A_319, %dma_wait3A_320] : memref<52x128x8x128xf32, #tpu.memory_space<hbm>> -> memref<1x1x8x128xf32, #tpu.memory_space<hbm>>
    %dma_wait3A_322 = tpu.memref_squeeze %dma_wait3A_321 : memref<1x1x8x128xf32, #tpu.memory_space<hbm>> -> memref<8x128xf32, #tpu.memory_space<hbm>>
    %dma_wait3A_323 = arith.constant 0 : i32
    %dma_wait3A_324 = arith.constant 0 : i32
    %dma_wait3A_325 = tpu.memref_slice %arg5[%dma_wait3A_314, %dma_wait3A_315, %dma_wait3A_323, %dma_wait3A_324] : memref<52x128x8x128xf32, #tpu.memory_space<hbm>> -> memref<1x1x8x128xf32, #tpu.memory_space<hbm>>
    %dma_wait3A_326 = tpu.memref_squeeze %dma_wait3A_325 : memref<1x1x8x128xf32, #tpu.memory_space<hbm>> -> memref<8x128xf32, #tpu.memory_space<hbm>>
    %dma_wait3A_327 = arith.constant 0 : i32
    %dma_wait3A_328 = arith.constant 0 : i32
    %dma_wait3A_329 = tpu.memref_slice %arg13[%dma_wait3A_327, %dma_wait3A_328] : memref<16x512xf32, #tpu.memory_space<vmem>> -> memref<8x128xf32, #tpu.memory_space<vmem>>
    tpu.wait_dma2 semaphore(%arg21 : memref<!tpu.dma_semaphore, #tpu.memory_space<semaphore_mem>>) src(%dma_wait3A_329 : memref<8x128xf32, #tpu.memory_space<vmem>>) dst(%dma_wait3A_326 : memref<8x128xf32, #tpu.memory_space<hbm>>)
    %dma_wait3A_330 = arith.constant 0 : i32
    %dma_wait3A_331 = arith.constant 0 : i32
    %dma_wait3A_332 = arith.constant 0 : i32
    %dma_wait3A_333 = arith.constant 0 : i32
    %dma_wait3A_334 = tpu.memref_slice %arg13[%dma_wait3A_332, %dma_wait3A_333] : memref<16x512xf32, #tpu.memory_space<vmem>> -> memref<8x128xf32, #tpu.memory_space<vmem>>
    %dma_wait3A_335 = arith.constant 0 : i32
    %dma_wait3A_336 = arith.constant 0 : i32
    %dma_wait3A_337 = tpu.memref_slice %arg5[%dma_wait3A_330, %dma_wait3A_331, %dma_wait3A_335, %dma_wait3A_336] : memref<52x128x8x128xf32, #tpu.memory_space<hbm>> -> memref<1x1x8x128xf32, #tpu.memory_space<hbm>>
    %dma_wait3A_338 = tpu.memref_squeeze %dma_wait3A_337 : memref<1x1x8x128xf32, #tpu.memory_space<hbm>> -> memref<8x128xf32, #tpu.memory_space<hbm>>
    %dma_wait3A_339 = arith.constant 0 : i32
    %dma_wait3A_340 = arith.constant 0 : i32
    %dma_wait3A_341 = tpu.memref_slice %arg5[%dma_wait3A_330, %dma_wait3A_331, %dma_wait3A_339, %dma_wait3A_340] : memref<52x128x8x128xf32, #tpu.memory_space<hbm>> -> memref<1x1x8x128xf32, #tpu.memory_space<hbm>>
    %dma_wait3A_342 = tpu.memref_squeeze %dma_wait3A_341 : memref<1x1x8x128xf32, #tpu.memory_space<hbm>> -> memref<8x128xf32, #tpu.memory_space<hbm>>
    %dma_wait3A_343 = arith.constant 0 : i32
    %dma_wait3A_344 = arith.constant 0 : i32
    %dma_wait3A_345 = tpu.memref_slice %arg13[%dma_wait3A_343, %dma_wait3A_344] : memref<16x512xf32, #tpu.memory_space<vmem>> -> memref<8x128xf32, #tpu.memory_space<vmem>>
    tpu.wait_dma2 semaphore(%arg21 : memref<!tpu.dma_semaphore, #tpu.memory_space<semaphore_mem>>) src(%dma_wait3A_345 : memref<8x128xf32, #tpu.memory_space<vmem>>) dst(%dma_wait3A_342 : memref<8x128xf32, #tpu.memory_space<hbm>>)
    %dma_wait3A_346 = arith.constant 0 : i32
    %dma_wait3A_347 = arith.constant 0 : i32
    %dma_wait3A_348 = arith.constant 0 : i32
    %dma_wait3A_349 = arith.constant 0 : i32
    %dma_wait3A_350 = tpu.memref_slice %arg13[%dma_wait3A_348, %dma_wait3A_349] : memref<16x512xf32, #tpu.memory_space<vmem>> -> memref<8x128xf32, #tpu.memory_space<vmem>>
    %dma_wait3A_351 = arith.constant 0 : i32
    %dma_wait3A_352 = arith.constant 0 : i32
    %dma_wait3A_353 = tpu.memref_slice %arg5[%dma_wait3A_346, %dma_wait3A_347, %dma_wait3A_351, %dma_wait3A_352] : memref<52x128x8x128xf32, #tpu.memory_space<hbm>> -> memref<1x1x8x128xf32, #tpu.memory_space<hbm>>
    %dma_wait3A_354 = tpu.memref_squeeze %dma_wait3A_353 : memref<1x1x8x128xf32, #tpu.memory_space<hbm>> -> memref<8x128xf32, #tpu.memory_space<hbm>>
    %dma_wait3A_355 = arith.constant 0 : i32
    %dma_wait3A_356 = arith.constant 0 : i32
    %dma_wait3A_357 = tpu.memref_slice %arg5[%dma_wait3A_346, %dma_wait3A_347, %dma_wait3A_355, %dma_wait3A_356] : memref<52x128x8x128xf32, #tpu.memory_space<hbm>> -> memref<1x1x8x128xf32, #tpu.memory_space<hbm>>
    %dma_wait3A_358 = tpu.memref_squeeze %dma_wait3A_357 : memref<1x1x8x128xf32, #tpu.memory_space<hbm>> -> memref<8x128xf32, #tpu.memory_space<hbm>>
    %dma_wait3A_359 = arith.constant 0 : i32
    %dma_wait3A_360 = arith.constant 0 : i32
    %dma_wait3A_361 = tpu.memref_slice %arg13[%dma_wait3A_359, %dma_wait3A_360] : memref<16x512xf32, #tpu.memory_space<vmem>> -> memref<8x128xf32, #tpu.memory_space<vmem>>
    tpu.wait_dma2 semaphore(%arg21 : memref<!tpu.dma_semaphore, #tpu.memory_space<semaphore_mem>>) src(%dma_wait3A_361 : memref<8x128xf32, #tpu.memory_space<vmem>>) dst(%dma_wait3A_358 : memref<8x128xf32, #tpu.memory_space<hbm>>)
    %dma_wait3A_362 = arith.constant 0 : i32
    %dma_wait3A_363 = arith.constant 0 : i32
    %dma_wait3A_364 = arith.constant 0 : i32
    %dma_wait3A_365 = arith.constant 0 : i32
    %dma_wait3A_366 = tpu.memref_slice %arg13[%dma_wait3A_364, %dma_wait3A_365] : memref<16x512xf32, #tpu.memory_space<vmem>> -> memref<8x128xf32, #tpu.memory_space<vmem>>
    %dma_wait3A_367 = arith.constant 0 : i32
    %dma_wait3A_368 = arith.constant 0 : i32
    %dma_wait3A_369 = tpu.memref_slice %arg5[%dma_wait3A_362, %dma_wait3A_363, %dma_wait3A_367, %dma_wait3A_368] : memref<52x128x8x128xf32, #tpu.memory_space<hbm>> -> memref<1x1x8x128xf32, #tpu.memory_space<hbm>>
    %dma_wait3A_370 = tpu.memref_squeeze %dma_wait3A_369 : memref<1x1x8x128xf32, #tpu.memory_space<hbm>> -> memref<8x128xf32, #tpu.memory_space<hbm>>
    %dma_wait3A_371 = arith.constant 0 : i32
    %dma_wait3A_372 = arith.constant 0 : i32
    %dma_wait3A_373 = tpu.memref_slice %arg5[%dma_wait3A_362, %dma_wait3A_363, %dma_wait3A_371, %dma_wait3A_372] : memref<52x128x8x128xf32, #tpu.memory_space<hbm>> -> memref<1x1x8x128xf32, #tpu.memory_space<hbm>>
    %dma_wait3A_374 = tpu.memref_squeeze %dma_wait3A_373 : memref<1x1x8x128xf32, #tpu.memory_space<hbm>> -> memref<8x128xf32, #tpu.memory_space<hbm>>
    %dma_wait3A_375 = arith.constant 0 : i32
    %dma_wait3A_376 = arith.constant 0 : i32
    %dma_wait3A_377 = tpu.memref_slice %arg13[%dma_wait3A_375, %dma_wait3A_376] : memref<16x512xf32, #tpu.memory_space<vmem>> -> memref<8x128xf32, #tpu.memory_space<vmem>>
    tpu.wait_dma2 semaphore(%arg21 : memref<!tpu.dma_semaphore, #tpu.memory_space<semaphore_mem>>) src(%dma_wait3A_377 : memref<8x128xf32, #tpu.memory_space<vmem>>) dst(%dma_wait3A_374 : memref<8x128xf32, #tpu.memory_space<hbm>>)
    %dma_wait3A_378 = arith.constant 0 : i32
    %dma_wait3A_379 = arith.constant 0 : i32
    %dma_wait3A_380 = arith.constant 0 : i32
    %dma_wait3A_381 = arith.constant 0 : i32
    %dma_wait3A_382 = tpu.memref_slice %arg13[%dma_wait3A_380, %dma_wait3A_381] : memref<16x512xf32, #tpu.memory_space<vmem>> -> memref<8x128xf32, #tpu.memory_space<vmem>>
    %dma_wait3A_383 = arith.constant 0 : i32
    %dma_wait3A_384 = arith.constant 0 : i32
    %dma_wait3A_385 = tpu.memref_slice %arg5[%dma_wait3A_378, %dma_wait3A_379, %dma_wait3A_383, %dma_wait3A_384] : memref<52x128x8x128xf32, #tpu.memory_space<hbm>> -> memref<1x1x8x128xf32, #tpu.memory_space<hbm>>
    %dma_wait3A_386 = tpu.memref_squeeze %dma_wait3A_385 : memref<1x1x8x128xf32, #tpu.memory_space<hbm>> -> memref<8x128xf32, #tpu.memory_space<hbm>>
    %dma_wait3A_387 = arith.constant 0 : i32
    %dma_wait3A_388 = arith.constant 0 : i32
    %dma_wait3A_389 = tpu.memref_slice %arg5[%dma_wait3A_378, %dma_wait3A_379, %dma_wait3A_387, %dma_wait3A_388] : memref<52x128x8x128xf32, #tpu.memory_space<hbm>> -> memref<1x1x8x128xf32, #tpu.memory_space<hbm>>
    %dma_wait3A_390 = tpu.memref_squeeze %dma_wait3A_389 : memref<1x1x8x128xf32, #tpu.memory_space<hbm>> -> memref<8x128xf32, #tpu.memory_space<hbm>>
    %dma_wait3A_391 = arith.constant 0 : i32
    %dma_wait3A_392 = arith.constant 0 : i32
    %dma_wait3A_393 = tpu.memref_slice %arg13[%dma_wait3A_391, %dma_wait3A_392] : memref<16x512xf32, #tpu.memory_space<vmem>> -> memref<8x128xf32, #tpu.memory_space<vmem>>
    tpu.wait_dma2 semaphore(%arg21 : memref<!tpu.dma_semaphore, #tpu.memory_space<semaphore_mem>>) src(%dma_wait3A_393 : memref<8x128xf32, #tpu.memory_space<vmem>>) dst(%dma_wait3A_390 : memref<8x128xf32, #tpu.memory_space<hbm>>)
    %dma_wait3A_394 = arith.constant 0 : i32
    %dma_wait3A_395 = arith.constant 0 : i32
    %dma_wait3A_396 = arith.constant 0 : i32
    %dma_wait3A_397 = arith.constant 0 : i32
    %dma_wait3A_398 = tpu.memref_slice %arg14[%dma_wait3A_396, %dma_wait3A_397] : memref<16x512xf32, #tpu.memory_space<vmem>> -> memref<8x128xf32, #tpu.memory_space<vmem>>
    %dma_wait3A_399 = arith.constant 0 : i32
    %dma_wait3A_400 = arith.constant 0 : i32
    %dma_wait3A_401 = tpu.memref_slice %arg5[%dma_wait3A_394, %dma_wait3A_395, %dma_wait3A_399, %dma_wait3A_400] : memref<52x128x8x128xf32, #tpu.memory_space<hbm>> -> memref<1x1x8x128xf32, #tpu.memory_space<hbm>>
    %dma_wait3A_402 = tpu.memref_squeeze %dma_wait3A_401 : memref<1x1x8x128xf32, #tpu.memory_space<hbm>> -> memref<8x128xf32, #tpu.memory_space<hbm>>
    %dma_wait3A_403 = arith.constant 0 : i32
    %dma_wait3A_404 = arith.constant 0 : i32
    %dma_wait3A_405 = tpu.memref_slice %arg5[%dma_wait3A_394, %dma_wait3A_395, %dma_wait3A_403, %dma_wait3A_404] : memref<52x128x8x128xf32, #tpu.memory_space<hbm>> -> memref<1x1x8x128xf32, #tpu.memory_space<hbm>>
    %dma_wait3A_406 = tpu.memref_squeeze %dma_wait3A_405 : memref<1x1x8x128xf32, #tpu.memory_space<hbm>> -> memref<8x128xf32, #tpu.memory_space<hbm>>
    %dma_wait3A_407 = arith.constant 0 : i32
    %dma_wait3A_408 = arith.constant 0 : i32
    %dma_wait3A_409 = tpu.memref_slice %arg14[%dma_wait3A_407, %dma_wait3A_408] : memref<16x512xf32, #tpu.memory_space<vmem>> -> memref<8x128xf32, #tpu.memory_space<vmem>>
    tpu.wait_dma2 semaphore(%arg22 : memref<!tpu.dma_semaphore, #tpu.memory_space<semaphore_mem>>) src(%dma_wait3A_409 : memref<8x128xf32, #tpu.memory_space<vmem>>) dst(%dma_wait3A_406 : memref<8x128xf32, #tpu.memory_space<hbm>>)
    %dma_wait3A_410 = arith.constant 0 : i32
    %dma_wait3A_411 = arith.constant 0 : i32
    %dma_wait3A_412 = arith.constant 0 : i32
    %dma_wait3A_413 = arith.constant 0 : i32
    %dma_wait3A_414 = tpu.memref_slice %arg14[%dma_wait3A_412, %dma_wait3A_413] : memref<16x512xf32, #tpu.memory_space<vmem>> -> memref<8x128xf32, #tpu.memory_space<vmem>>
    %dma_wait3A_415 = arith.constant 0 : i32
    %dma_wait3A_416 = arith.constant 0 : i32
    %dma_wait3A_417 = tpu.memref_slice %arg5[%dma_wait3A_410, %dma_wait3A_411, %dma_wait3A_415, %dma_wait3A_416] : memref<52x128x8x128xf32, #tpu.memory_space<hbm>> -> memref<1x1x8x128xf32, #tpu.memory_space<hbm>>
    %dma_wait3A_418 = tpu.memref_squeeze %dma_wait3A_417 : memref<1x1x8x128xf32, #tpu.memory_space<hbm>> -> memref<8x128xf32, #tpu.memory_space<hbm>>
    %dma_wait3A_419 = arith.constant 0 : i32
    %dma_wait3A_420 = arith.constant 0 : i32
    %dma_wait3A_421 = tpu.memref_slice %arg5[%dma_wait3A_410, %dma_wait3A_411, %dma_wait3A_419, %dma_wait3A_420] : memref<52x128x8x128xf32, #tpu.memory_space<hbm>> -> memref<1x1x8x128xf32, #tpu.memory_space<hbm>>
    %dma_wait3A_422 = tpu.memref_squeeze %dma_wait3A_421 : memref<1x1x8x128xf32, #tpu.memory_space<hbm>> -> memref<8x128xf32, #tpu.memory_space<hbm>>
    %dma_wait3A_423 = arith.constant 0 : i32
    %dma_wait3A_424 = arith.constant 0 : i32
    %dma_wait3A_425 = tpu.memref_slice %arg14[%dma_wait3A_423, %dma_wait3A_424] : memref<16x512xf32, #tpu.memory_space<vmem>> -> memref<8x128xf32, #tpu.memory_space<vmem>>
    tpu.wait_dma2 semaphore(%arg22 : memref<!tpu.dma_semaphore, #tpu.memory_space<semaphore_mem>>) src(%dma_wait3A_425 : memref<8x128xf32, #tpu.memory_space<vmem>>) dst(%dma_wait3A_422 : memref<8x128xf32, #tpu.memory_space<hbm>>)
    %dma_wait3A_426 = arith.constant 0 : i32
    %dma_wait3A_427 = arith.constant 0 : i32
    %dma_wait3A_428 = arith.constant 0 : i32
    %dma_wait3A_429 = arith.constant 0 : i32
    %dma_wait3A_430 = tpu.memref_slice %arg14[%dma_wait3A_428, %dma_wait3A_429] : memref<16x512xf32, #tpu.memory_space<vmem>> -> memref<8x128xf32, #tpu.memory_space<vmem>>
    %dma_wait3A_431 = arith.constant 0 : i32
    %dma_wait3A_432 = arith.constant 0 : i32
    %dma_wait3A_433 = tpu.memref_slice %arg5[%dma_wait3A_426, %dma_wait3A_427, %dma_wait3A_431, %dma_wait3A_432] : memref<52x128x8x128xf32, #tpu.memory_space<hbm>> -> memref<1x1x8x128xf32, #tpu.memory_space<hbm>>
    %dma_wait3A_434 = tpu.memref_squeeze %dma_wait3A_433 : memref<1x1x8x128xf32, #tpu.memory_space<hbm>> -> memref<8x128xf32, #tpu.memory_space<hbm>>
    %dma_wait3A_435 = arith.constant 0 : i32
    %dma_wait3A_436 = arith.constant 0 : i32
    %dma_wait3A_437 = tpu.memref_slice %arg5[%dma_wait3A_426, %dma_wait3A_427, %dma_wait3A_435, %dma_wait3A_436] : memref<52x128x8x128xf32, #tpu.memory_space<hbm>> -> memref<1x1x8x128xf32, #tpu.memory_space<hbm>>
    %dma_wait3A_438 = tpu.memref_squeeze %dma_wait3A_437 : memref<1x1x8x128xf32, #tpu.memory_space<hbm>> -> memref<8x128xf32, #tpu.memory_space<hbm>>
    %dma_wait3A_439 = arith.constant 0 : i32
    %dma_wait3A_440 = arith.constant 0 : i32
    %dma_wait3A_441 = tpu.memref_slice %arg14[%dma_wait3A_439, %dma_wait3A_440] : memref<16x512xf32, #tpu.memory_space<vmem>> -> memref<8x128xf32, #tpu.memory_space<vmem>>
    tpu.wait_dma2 semaphore(%arg22 : memref<!tpu.dma_semaphore, #tpu.memory_space<semaphore_mem>>) src(%dma_wait3A_441 : memref<8x128xf32, #tpu.memory_space<vmem>>) dst(%dma_wait3A_438 : memref<8x128xf32, #tpu.memory_space<hbm>>)
    %dma_wait3A_442 = arith.constant 0 : i32
    %dma_wait3A_443 = arith.constant 0 : i32
    %dma_wait3A_444 = arith.constant 0 : i32
    %dma_wait3A_445 = arith.constant 0 : i32
    %dma_wait3A_446 = tpu.memref_slice %arg14[%dma_wait3A_444, %dma_wait3A_445] : memref<16x512xf32, #tpu.memory_space<vmem>> -> memref<8x128xf32, #tpu.memory_space<vmem>>
    %dma_wait3A_447 = arith.constant 0 : i32
    %dma_wait3A_448 = arith.constant 0 : i32
    %dma_wait3A_449 = tpu.memref_slice %arg5[%dma_wait3A_442, %dma_wait3A_443, %dma_wait3A_447, %dma_wait3A_448] : memref<52x128x8x128xf32, #tpu.memory_space<hbm>> -> memref<1x1x8x128xf32, #tpu.memory_space<hbm>>
    %dma_wait3A_450 = tpu.memref_squeeze %dma_wait3A_449 : memref<1x1x8x128xf32, #tpu.memory_space<hbm>> -> memref<8x128xf32, #tpu.memory_space<hbm>>
    %dma_wait3A_451 = arith.constant 0 : i32
    %dma_wait3A_452 = arith.constant 0 : i32
    %dma_wait3A_453 = tpu.memref_slice %arg5[%dma_wait3A_442, %dma_wait3A_443, %dma_wait3A_451, %dma_wait3A_452] : memref<52x128x8x128xf32, #tpu.memory_space<hbm>> -> memref<1x1x8x128xf32, #tpu.memory_space<hbm>>
    %dma_wait3A_454 = tpu.memref_squeeze %dma_wait3A_453 : memref<1x1x8x128xf32, #tpu.memory_space<hbm>> -> memref<8x128xf32, #tpu.memory_space<hbm>>
    %dma_wait3A_455 = arith.constant 0 : i32
    %dma_wait3A_456 = arith.constant 0 : i32
    %dma_wait3A_457 = tpu.memref_slice %arg14[%dma_wait3A_455, %dma_wait3A_456] : memref<16x512xf32, #tpu.memory_space<vmem>> -> memref<8x128xf32, #tpu.memory_space<vmem>>
    tpu.wait_dma2 semaphore(%arg22 : memref<!tpu.dma_semaphore, #tpu.memory_space<semaphore_mem>>) src(%dma_wait3A_457 : memref<8x128xf32, #tpu.memory_space<vmem>>) dst(%dma_wait3A_454 : memref<8x128xf32, #tpu.memory_space<hbm>>)
    %dma_wait3A_458 = arith.constant 0 : i32
    %dma_wait3A_459 = arith.constant 0 : i32
    %dma_wait3A_460 = arith.constant 0 : i32
    %dma_wait3A_461 = arith.constant 0 : i32
    %dma_wait3A_462 = tpu.memref_slice %arg14[%dma_wait3A_460, %dma_wait3A_461] : memref<16x512xf32, #tpu.memory_space<vmem>> -> memref<8x128xf32, #tpu.memory_space<vmem>>
    %dma_wait3A_463 = arith.constant 0 : i32
    %dma_wait3A_464 = arith.constant 0 : i32
    %dma_wait3A_465 = tpu.memref_slice %arg5[%dma_wait3A_458, %dma_wait3A_459, %dma_wait3A_463, %dma_wait3A_464] : memref<52x128x8x128xf32, #tpu.memory_space<hbm>> -> memref<1x1x8x128xf32, #tpu.memory_space<hbm>>
    %dma_wait3A_466 = tpu.memref_squeeze %dma_wait3A_465 : memref<1x1x8x128xf32, #tpu.memory_space<hbm>> -> memref<8x128xf32, #tpu.memory_space<hbm>>
    %dma_wait3A_467 = arith.constant 0 : i32
    %dma_wait3A_468 = arith.constant 0 : i32
    %dma_wait3A_469 = tpu.memref_slice %arg5[%dma_wait3A_458, %dma_wait3A_459, %dma_wait3A_467, %dma_wait3A_468] : memref<52x128x8x128xf32, #tpu.memory_space<hbm>> -> memref<1x1x8x128xf32, #tpu.memory_space<hbm>>
    %dma_wait3A_470 = tpu.memref_squeeze %dma_wait3A_469 : memref<1x1x8x128xf32, #tpu.memory_space<hbm>> -> memref<8x128xf32, #tpu.memory_space<hbm>>
    %dma_wait3A_471 = arith.constant 0 : i32
    %dma_wait3A_472 = arith.constant 0 : i32
    %dma_wait3A_473 = tpu.memref_slice %arg14[%dma_wait3A_471, %dma_wait3A_472] : memref<16x512xf32, #tpu.memory_space<vmem>> -> memref<8x128xf32, #tpu.memory_space<vmem>>
    tpu.wait_dma2 semaphore(%arg22 : memref<!tpu.dma_semaphore, #tpu.memory_space<semaphore_mem>>) src(%dma_wait3A_473 : memref<8x128xf32, #tpu.memory_space<vmem>>) dst(%dma_wait3A_470 : memref<8x128xf32, #tpu.memory_space<hbm>>)
    %dma_wait3A_474 = arith.constant 0 : i32
    %dma_wait3A_475 = arith.constant 0 : i32
    %dma_wait3A_476 = arith.constant 0 : i32
    %dma_wait3A_477 = arith.constant 0 : i32
    %dma_wait3A_478 = tpu.memref_slice %arg14[%dma_wait3A_476, %dma_wait3A_477] : memref<16x512xf32, #tpu.memory_space<vmem>> -> memref<8x128xf32, #tpu.memory_space<vmem>>
    %dma_wait3A_479 = arith.constant 0 : i32
    %dma_wait3A_480 = arith.constant 0 : i32
    %dma_wait3A_481 = tpu.memref_slice %arg5[%dma_wait3A_474, %dma_wait3A_475, %dma_wait3A_479, %dma_wait3A_480] : memref<52x128x8x128xf32, #tpu.memory_space<hbm>> -> memref<1x1x8x128xf32, #tpu.memory_space<hbm>>
    %dma_wait3A_482 = tpu.memref_squeeze %dma_wait3A_481 : memref<1x1x8x128xf32, #tpu.memory_space<hbm>> -> memref<8x128xf32, #tpu.memory_space<hbm>>
    %dma_wait3A_483 = arith.constant 0 : i32
    %dma_wait3A_484 = arith.constant 0 : i32
    %dma_wait3A_485 = tpu.memref_slice %arg5[%dma_wait3A_474, %dma_wait3A_475, %dma_wait3A_483, %dma_wait3A_484] : memref<52x128x8x128xf32, #tpu.memory_space<hbm>> -> memref<1x1x8x128xf32, #tpu.memory_space<hbm>>
    %dma_wait3A_486 = tpu.memref_squeeze %dma_wait3A_485 : memref<1x1x8x128xf32, #tpu.memory_space<hbm>> -> memref<8x128xf32, #tpu.memory_space<hbm>>
    %dma_wait3A_487 = arith.constant 0 : i32
    %dma_wait3A_488 = arith.constant 0 : i32
    %dma_wait3A_489 = tpu.memref_slice %arg14[%dma_wait3A_487, %dma_wait3A_488] : memref<16x512xf32, #tpu.memory_space<vmem>> -> memref<8x128xf32, #tpu.memory_space<vmem>>
    tpu.wait_dma2 semaphore(%arg22 : memref<!tpu.dma_semaphore, #tpu.memory_space<semaphore_mem>>) src(%dma_wait3A_489 : memref<8x128xf32, #tpu.memory_space<vmem>>) dst(%dma_wait3A_486 : memref<8x128xf32, #tpu.memory_space<hbm>>)
    %dma_wait3A_490 = arith.constant 0 : i32
    %dma_wait3A_491 = arith.constant 0 : i32
    %dma_wait3A_492 = arith.constant 0 : i32
    %dma_wait3A_493 = arith.constant 0 : i32
    %dma_wait3A_494 = tpu.memref_slice %arg14[%dma_wait3A_492, %dma_wait3A_493] : memref<16x512xf32, #tpu.memory_space<vmem>> -> memref<8x128xf32, #tpu.memory_space<vmem>>
    %dma_wait3A_495 = arith.constant 0 : i32
    %dma_wait3A_496 = arith.constant 0 : i32
    %dma_wait3A_497 = tpu.memref_slice %arg5[%dma_wait3A_490, %dma_wait3A_491, %dma_wait3A_495, %dma_wait3A_496] : memref<52x128x8x128xf32, #tpu.memory_space<hbm>> -> memref<1x1x8x128xf32, #tpu.memory_space<hbm>>
    %dma_wait3A_498 = tpu.memref_squeeze %dma_wait3A_497 : memref<1x1x8x128xf32, #tpu.memory_space<hbm>> -> memref<8x128xf32, #tpu.memory_space<hbm>>
    %dma_wait3A_499 = arith.constant 0 : i32
    %dma_wait3A_500 = arith.constant 0 : i32
    %dma_wait3A_501 = tpu.memref_slice %arg5[%dma_wait3A_490, %dma_wait3A_491, %dma_wait3A_499, %dma_wait3A_500] : memref<52x128x8x128xf32, #tpu.memory_space<hbm>> -> memref<1x1x8x128xf32, #tpu.memory_space<hbm>>
    %dma_wait3A_502 = tpu.memref_squeeze %dma_wait3A_501 : memref<1x1x8x128xf32, #tpu.memory_space<hbm>> -> memref<8x128xf32, #tpu.memory_space<hbm>>
    %dma_wait3A_503 = arith.constant 0 : i32
    %dma_wait3A_504 = arith.constant 0 : i32
    %dma_wait3A_505 = tpu.memref_slice %arg14[%dma_wait3A_503, %dma_wait3A_504] : memref<16x512xf32, #tpu.memory_space<vmem>> -> memref<8x128xf32, #tpu.memory_space<vmem>>
    tpu.wait_dma2 semaphore(%arg22 : memref<!tpu.dma_semaphore, #tpu.memory_space<semaphore_mem>>) src(%dma_wait3A_505 : memref<8x128xf32, #tpu.memory_space<vmem>>) dst(%dma_wait3A_502 : memref<8x128xf32, #tpu.memory_space<hbm>>)
    %dma_wait3A_506 = arith.constant 0 : i32
    %dma_wait3A_507 = arith.constant 0 : i32
    %dma_wait3A_508 = arith.constant 0 : i32
    %dma_wait3A_509 = arith.constant 0 : i32
    %dma_wait3A_510 = tpu.memref_slice %arg14[%dma_wait3A_508, %dma_wait3A_509] : memref<16x512xf32, #tpu.memory_space<vmem>> -> memref<8x128xf32, #tpu.memory_space<vmem>>
    %dma_wait3A_511 = arith.constant 0 : i32
    %dma_wait3A_512 = arith.constant 0 : i32
    %dma_wait3A_513 = tpu.memref_slice %arg5[%dma_wait3A_506, %dma_wait3A_507, %dma_wait3A_511, %dma_wait3A_512] : memref<52x128x8x128xf32, #tpu.memory_space<hbm>> -> memref<1x1x8x128xf32, #tpu.memory_space<hbm>>
    %dma_wait3A_514 = tpu.memref_squeeze %dma_wait3A_513 : memref<1x1x8x128xf32, #tpu.memory_space<hbm>> -> memref<8x128xf32, #tpu.memory_space<hbm>>
    %dma_wait3A_515 = arith.constant 0 : i32
    %dma_wait3A_516 = arith.constant 0 : i32
    %dma_wait3A_517 = tpu.memref_slice %arg5[%dma_wait3A_506, %dma_wait3A_507, %dma_wait3A_515, %dma_wait3A_516] : memref<52x128x8x128xf32, #tpu.memory_space<hbm>> -> memref<1x1x8x128xf32, #tpu.memory_space<hbm>>
    %dma_wait3A_518 = tpu.memref_squeeze %dma_wait3A_517 : memref<1x1x8x128xf32, #tpu.memory_space<hbm>> -> memref<8x128xf32, #tpu.memory_space<hbm>>
    %dma_wait3A_519 = arith.constant 0 : i32
    %dma_wait3A_520 = arith.constant 0 : i32
    %dma_wait3A_521 = tpu.memref_slice %arg14[%dma_wait3A_519, %dma_wait3A_520] : memref<16x512xf32, #tpu.memory_space<vmem>> -> memref<8x128xf32, #tpu.memory_space<vmem>>
    tpu.wait_dma2 semaphore(%arg22 : memref<!tpu.dma_semaphore, #tpu.memory_space<semaphore_mem>>) src(%dma_wait3A_521 : memref<8x128xf32, #tpu.memory_space<vmem>>) dst(%dma_wait3A_518 : memref<8x128xf32, #tpu.memory_space<hbm>>)
    %dma_wait3A_522 = arith.constant 0 : i32
    %dma_wait3A_523 = arith.constant 0 : i32
    %dma_wait3A_524 = arith.constant 0 : i32
    %dma_wait3A_525 = arith.constant 0 : i32
    %dma_wait3A_526 = tpu.memref_slice %arg15[%dma_wait3A_524, %dma_wait3A_525] : memref<16x512xf32, #tpu.memory_space<vmem>> -> memref<8x128xf32, #tpu.memory_space<vmem>>
    %dma_wait3A_527 = arith.constant 0 : i32
    %dma_wait3A_528 = arith.constant 0 : i32
    %dma_wait3A_529 = tpu.memref_slice %arg5[%dma_wait3A_522, %dma_wait3A_523, %dma_wait3A_527, %dma_wait3A_528] : memref<52x128x8x128xf32, #tpu.memory_space<hbm>> -> memref<1x1x8x128xf32, #tpu.memory_space<hbm>>
    %dma_wait3A_530 = tpu.memref_squeeze %dma_wait3A_529 : memref<1x1x8x128xf32, #tpu.memory_space<hbm>> -> memref<8x128xf32, #tpu.memory_space<hbm>>
    %dma_wait3A_531 = arith.constant 0 : i32
    %dma_wait3A_532 = arith.constant 0 : i32
    %dma_wait3A_533 = tpu.memref_slice %arg5[%dma_wait3A_522, %dma_wait3A_523, %dma_wait3A_531, %dma_wait3A_532] : memref<52x128x8x128xf32, #tpu.memory_space<hbm>> -> memref<1x1x8x128xf32, #tpu.memory_space<hbm>>
    %dma_wait3A_534 = tpu.memref_squeeze %dma_wait3A_533 : memref<1x1x8x128xf32, #tpu.memory_space<hbm>> -> memref<8x128xf32, #tpu.memory_space<hbm>>
    %dma_wait3A_535 = arith.constant 0 : i32
    %dma_wait3A_536 = arith.constant 0 : i32
    %dma_wait3A_537 = tpu.memref_slice %arg15[%dma_wait3A_535, %dma_wait3A_536] : memref<16x512xf32, #tpu.memory_space<vmem>> -> memref<8x128xf32, #tpu.memory_space<vmem>>
    tpu.wait_dma2 semaphore(%arg23 : memref<!tpu.dma_semaphore, #tpu.memory_space<semaphore_mem>>) src(%dma_wait3A_537 : memref<8x128xf32, #tpu.memory_space<vmem>>) dst(%dma_wait3A_534 : memref<8x128xf32, #tpu.memory_space<hbm>>)
    %dma_wait3A_538 = arith.constant 0 : i32
    %dma_wait3A_539 = arith.constant 0 : i32
    %dma_wait3A_540 = arith.constant 0 : i32
    %dma_wait3A_541 = arith.constant 0 : i32
    %dma_wait3A_542 = tpu.memref_slice %arg15[%dma_wait3A_540, %dma_wait3A_541] : memref<16x512xf32, #tpu.memory_space<vmem>> -> memref<8x128xf32, #tpu.memory_space<vmem>>
    %dma_wait3A_543 = arith.constant 0 : i32
    %dma_wait3A_544 = arith.constant 0 : i32
    %dma_wait3A_545 = tpu.memref_slice %arg5[%dma_wait3A_538, %dma_wait3A_539, %dma_wait3A_543, %dma_wait3A_544] : memref<52x128x8x128xf32, #tpu.memory_space<hbm>> -> memref<1x1x8x128xf32, #tpu.memory_space<hbm>>
    %dma_wait3A_546 = tpu.memref_squeeze %dma_wait3A_545 : memref<1x1x8x128xf32, #tpu.memory_space<hbm>> -> memref<8x128xf32, #tpu.memory_space<hbm>>
    %dma_wait3A_547 = arith.constant 0 : i32
    %dma_wait3A_548 = arith.constant 0 : i32
    %dma_wait3A_549 = tpu.memref_slice %arg5[%dma_wait3A_538, %dma_wait3A_539, %dma_wait3A_547, %dma_wait3A_548] : memref<52x128x8x128xf32, #tpu.memory_space<hbm>> -> memref<1x1x8x128xf32, #tpu.memory_space<hbm>>
    %dma_wait3A_550 = tpu.memref_squeeze %dma_wait3A_549 : memref<1x1x8x128xf32, #tpu.memory_space<hbm>> -> memref<8x128xf32, #tpu.memory_space<hbm>>
    %dma_wait3A_551 = arith.constant 0 : i32
    %dma_wait3A_552 = arith.constant 0 : i32
    %dma_wait3A_553 = tpu.memref_slice %arg15[%dma_wait3A_551, %dma_wait3A_552] : memref<16x512xf32, #tpu.memory_space<vmem>> -> memref<8x128xf32, #tpu.memory_space<vmem>>
    tpu.wait_dma2 semaphore(%arg23 : memref<!tpu.dma_semaphore, #tpu.memory_space<semaphore_mem>>) src(%dma_wait3A_553 : memref<8x128xf32, #tpu.memory_space<vmem>>) dst(%dma_wait3A_550 : memref<8x128xf32, #tpu.memory_space<hbm>>)
    %dma_wait3A_554 = arith.constant 0 : i32
    %dma_wait3A_555 = arith.constant 0 : i32
    %dma_wait3A_556 = arith.constant 0 : i32
    %dma_wait3A_557 = arith.constant 0 : i32
    %dma_wait3A_558 = tpu.memref_slice %arg15[%dma_wait3A_556, %dma_wait3A_557] : memref<16x512xf32, #tpu.memory_space<vmem>> -> memref<8x128xf32, #tpu.memory_space<vmem>>
    %dma_wait3A_559 = arith.constant 0 : i32
    %dma_wait3A_560 = arith.constant 0 : i32
    %dma_wait3A_561 = tpu.memref_slice %arg5[%dma_wait3A_554, %dma_wait3A_555, %dma_wait3A_559, %dma_wait3A_560] : memref<52x128x8x128xf32, #tpu.memory_space<hbm>> -> memref<1x1x8x128xf32, #tpu.memory_space<hbm>>
    %dma_wait3A_562 = tpu.memref_squeeze %dma_wait3A_561 : memref<1x1x8x128xf32, #tpu.memory_space<hbm>> -> memref<8x128xf32, #tpu.memory_space<hbm>>
    %dma_wait3A_563 = arith.constant 0 : i32
    %dma_wait3A_564 = arith.constant 0 : i32
    %dma_wait3A_565 = tpu.memref_slice %arg5[%dma_wait3A_554, %dma_wait3A_555, %dma_wait3A_563, %dma_wait3A_564] : memref<52x128x8x128xf32, #tpu.memory_space<hbm>> -> memref<1x1x8x128xf32, #tpu.memory_space<hbm>>
    %dma_wait3A_566 = tpu.memref_squeeze %dma_wait3A_565 : memref<1x1x8x128xf32, #tpu.memory_space<hbm>> -> memref<8x128xf32, #tpu.memory_space<hbm>>
    %dma_wait3A_567 = arith.constant 0 : i32
    %dma_wait3A_568 = arith.constant 0 : i32
    %dma_wait3A_569 = tpu.memref_slice %arg15[%dma_wait3A_567, %dma_wait3A_568] : memref<16x512xf32, #tpu.memory_space<vmem>> -> memref<8x128xf32, #tpu.memory_space<vmem>>
    tpu.wait_dma2 semaphore(%arg23 : memref<!tpu.dma_semaphore, #tpu.memory_space<semaphore_mem>>) src(%dma_wait3A_569 : memref<8x128xf32, #tpu.memory_space<vmem>>) dst(%dma_wait3A_566 : memref<8x128xf32, #tpu.memory_space<hbm>>)
    %dma_wait3A_570 = arith.constant 0 : i32
    %dma_wait3A_571 = arith.constant 0 : i32
    %dma_wait3A_572 = arith.constant 0 : i32
    %dma_wait3A_573 = arith.constant 0 : i32
    %dma_wait3A_574 = tpu.memref_slice %arg15[%dma_wait3A_572, %dma_wait3A_573] : memref<16x512xf32, #tpu.memory_space<vmem>> -> memref<8x128xf32, #tpu.memory_space<vmem>>
    %dma_wait3A_575 = arith.constant 0 : i32
    %dma_wait3A_576 = arith.constant 0 : i32
    %dma_wait3A_577 = tpu.memref_slice %arg5[%dma_wait3A_570, %dma_wait3A_571, %dma_wait3A_575, %dma_wait3A_576] : memref<52x128x8x128xf32, #tpu.memory_space<hbm>> -> memref<1x1x8x128xf32, #tpu.memory_space<hbm>>
    %dma_wait3A_578 = tpu.memref_squeeze %dma_wait3A_577 : memref<1x1x8x128xf32, #tpu.memory_space<hbm>> -> memref<8x128xf32, #tpu.memory_space<hbm>>
    %dma_wait3A_579 = arith.constant 0 : i32
    %dma_wait3A_580 = arith.constant 0 : i32
    %dma_wait3A_581 = tpu.memref_slice %arg5[%dma_wait3A_570, %dma_wait3A_571, %dma_wait3A_579, %dma_wait3A_580] : memref<52x128x8x128xf32, #tpu.memory_space<hbm>> -> memref<1x1x8x128xf32, #tpu.memory_space<hbm>>
    %dma_wait3A_582 = tpu.memref_squeeze %dma_wait3A_581 : memref<1x1x8x128xf32, #tpu.memory_space<hbm>> -> memref<8x128xf32, #tpu.memory_space<hbm>>
    %dma_wait3A_583 = arith.constant 0 : i32
    %dma_wait3A_584 = arith.constant 0 : i32
    %dma_wait3A_585 = tpu.memref_slice %arg15[%dma_wait3A_583, %dma_wait3A_584] : memref<16x512xf32, #tpu.memory_space<vmem>> -> memref<8x128xf32, #tpu.memory_space<vmem>>
    tpu.wait_dma2 semaphore(%arg23 : memref<!tpu.dma_semaphore, #tpu.memory_space<semaphore_mem>>) src(%dma_wait3A_585 : memref<8x128xf32, #tpu.memory_space<vmem>>) dst(%dma_wait3A_582 : memref<8x128xf32, #tpu.memory_space<hbm>>)
    %dma_wait3A_586 = arith.constant 0 : i32
    %dma_wait3A_587 = arith.constant 0 : i32
    %dma_wait3A_588 = arith.constant 0 : i32
    %dma_wait3A_589 = arith.constant 0 : i32
    %dma_wait3A_590 = tpu.memref_slice %arg15[%dma_wait3A_588, %dma_wait3A_589] : memref<16x512xf32, #tpu.memory_space<vmem>> -> memref<8x128xf32, #tpu.memory_space<vmem>>
    %dma_wait3A_591 = arith.constant 0 : i32
    %dma_wait3A_592 = arith.constant 0 : i32
    %dma_wait3A_593 = tpu.memref_slice %arg5[%dma_wait3A_586, %dma_wait3A_587, %dma_wait3A_591, %dma_wait3A_592] : memref<52x128x8x128xf32, #tpu.memory_space<hbm>> -> memref<1x1x8x128xf32, #tpu.memory_space<hbm>>
    %dma_wait3A_594 = tpu.memref_squeeze %dma_wait3A_593 : memref<1x1x8x128xf32, #tpu.memory_space<hbm>> -> memref<8x128xf32, #tpu.memory_space<hbm>>
    %dma_wait3A_595 = arith.constant 0 : i32
    %dma_wait3A_596 = arith.constant 0 : i32
    %dma_wait3A_597 = tpu.memref_slice %arg5[%dma_wait3A_586, %dma_wait3A_587, %dma_wait3A_595, %dma_wait3A_596] : memref<52x128x8x128xf32, #tpu.memory_space<hbm>> -> memref<1x1x8x128xf32, #tpu.memory_space<hbm>>
    %dma_wait3A_598 = tpu.memref_squeeze %dma_wait3A_597 : memref<1x1x8x128xf32, #tpu.memory_space<hbm>> -> memref<8x128xf32, #tpu.memory_space<hbm>>
    %dma_wait3A_599 = arith.constant 0 : i32
    %dma_wait3A_600 = arith.constant 0 : i32
    %dma_wait3A_601 = tpu.memref_slice %arg15[%dma_wait3A_599, %dma_wait3A_600] : memref<16x512xf32, #tpu.memory_space<vmem>> -> memref<8x128xf32, #tpu.memory_space<vmem>>
    tpu.wait_dma2 semaphore(%arg23 : memref<!tpu.dma_semaphore, #tpu.memory_space<semaphore_mem>>) src(%dma_wait3A_601 : memref<8x128xf32, #tpu.memory_space<vmem>>) dst(%dma_wait3A_598 : memref<8x128xf32, #tpu.memory_space<hbm>>)
    %dma_wait3A_602 = arith.constant 0 : i32
    %dma_wait3A_603 = arith.constant 0 : i32
    %dma_wait3A_604 = arith.constant 0 : i32
    %dma_wait3A_605 = arith.constant 0 : i32
    %dma_wait3A_606 = tpu.memref_slice %arg15[%dma_wait3A_604, %dma_wait3A_605] : memref<16x512xf32, #tpu.memory_space<vmem>> -> memref<8x128xf32, #tpu.memory_space<vmem>>
    %dma_wait3A_607 = arith.constant 0 : i32
    %dma_wait3A_608 = arith.constant 0 : i32
    %dma_wait3A_609 = tpu.memref_slice %arg5[%dma_wait3A_602, %dma_wait3A_603, %dma_wait3A_607, %dma_wait3A_608] : memref<52x128x8x128xf32, #tpu.memory_space<hbm>> -> memref<1x1x8x128xf32, #tpu.memory_space<hbm>>
    %dma_wait3A_610 = tpu.memref_squeeze %dma_wait3A_609 : memref<1x1x8x128xf32, #tpu.memory_space<hbm>> -> memref<8x128xf32, #tpu.memory_space<hbm>>
    %dma_wait3A_611 = arith.constant 0 : i32
    %dma_wait3A_612 = arith.constant 0 : i32
    %dma_wait3A_613 = tpu.memref_slice %arg5[%dma_wait3A_602, %dma_wait3A_603, %dma_wait3A_611, %dma_wait3A_612] : memref<52x128x8x128xf32, #tpu.memory_space<hbm>> -> memref<1x1x8x128xf32, #tpu.memory_space<hbm>>
    %dma_wait3A_614 = tpu.memref_squeeze %dma_wait3A_613 : memref<1x1x8x128xf32, #tpu.memory_space<hbm>> -> memref<8x128xf32, #tpu.memory_space<hbm>>
    %dma_wait3A_615 = arith.constant 0 : i32
    %dma_wait3A_616 = arith.constant 0 : i32
    %dma_wait3A_617 = tpu.memref_slice %arg15[%dma_wait3A_615, %dma_wait3A_616] : memref<16x512xf32, #tpu.memory_space<vmem>> -> memref<8x128xf32, #tpu.memory_space<vmem>>
    tpu.wait_dma2 semaphore(%arg23 : memref<!tpu.dma_semaphore, #tpu.memory_space<semaphore_mem>>) src(%dma_wait3A_617 : memref<8x128xf32, #tpu.memory_space<vmem>>) dst(%dma_wait3A_614 : memref<8x128xf32, #tpu.memory_space<hbm>>)
    %dma_wait3A_618 = arith.constant 0 : i32
    %dma_wait3A_619 = arith.constant 0 : i32
    %dma_wait3A_620 = arith.constant 0 : i32
    %dma_wait3A_621 = arith.constant 0 : i32
    %dma_wait3A_622 = tpu.memref_slice %arg15[%dma_wait3A_620, %dma_wait3A_621] : memref<16x512xf32, #tpu.memory_space<vmem>> -> memref<8x128xf32, #tpu.memory_space<vmem>>
    %dma_wait3A_623 = arith.constant 0 : i32
    %dma_wait3A_624 = arith.constant 0 : i32
    %dma_wait3A_625 = tpu.memref_slice %arg5[%dma_wait3A_618, %dma_wait3A_619, %dma_wait3A_623, %dma_wait3A_624] : memref<52x128x8x128xf32, #tpu.memory_space<hbm>> -> memref<1x1x8x128xf32, #tpu.memory_space<hbm>>
    %dma_wait3A_626 = tpu.memref_squeeze %dma_wait3A_625 : memref<1x1x8x128xf32, #tpu.memory_space<hbm>> -> memref<8x128xf32, #tpu.memory_space<hbm>>
    %dma_wait3A_627 = arith.constant 0 : i32
    %dma_wait3A_628 = arith.constant 0 : i32
    %dma_wait3A_629 = tpu.memref_slice %arg5[%dma_wait3A_618, %dma_wait3A_619, %dma_wait3A_627, %dma_wait3A_628] : memref<52x128x8x128xf32, #tpu.memory_space<hbm>> -> memref<1x1x8x128xf32, #tpu.memory_space<hbm>>
    %dma_wait3A_630 = tpu.memref_squeeze %dma_wait3A_629 : memref<1x1x8x128xf32, #tpu.memory_space<hbm>> -> memref<8x128xf32, #tpu.memory_space<hbm>>
    %dma_wait3A_631 = arith.constant 0 : i32
    %dma_wait3A_632 = arith.constant 0 : i32
    %dma_wait3A_633 = tpu.memref_slice %arg15[%dma_wait3A_631, %dma_wait3A_632] : memref<16x512xf32, #tpu.memory_space<vmem>> -> memref<8x128xf32, #tpu.memory_space<vmem>>
    tpu.wait_dma2 semaphore(%arg23 : memref<!tpu.dma_semaphore, #tpu.memory_space<semaphore_mem>>) src(%dma_wait3A_633 : memref<8x128xf32, #tpu.memory_space<vmem>>) dst(%dma_wait3A_630 : memref<8x128xf32, #tpu.memory_space<hbm>>)
    %dma_wait3A_634 = arith.constant 0 : i32
    %dma_wait3A_635 = arith.constant 0 : i32
    %dma_wait3A_636 = arith.constant 0 : i32
    %dma_wait3A_637 = arith.constant 0 : i32
    %dma_wait3A_638 = tpu.memref_slice %arg15[%dma_wait3A_636, %dma_wait3A_637] : memref<16x512xf32, #tpu.memory_space<vmem>> -> memref<8x128xf32, #tpu.memory_space<vmem>>
    %dma_wait3A_639 = arith.constant 0 : i32
    %dma_wait3A_640 = arith.constant 0 : i32
    %dma_wait3A_641 = tpu.memref_slice %arg5[%dma_wait3A_634, %dma_wait3A_635, %dma_wait3A_639, %dma_wait3A_640] : memref<52x128x8x128xf32, #tpu.memory_space<hbm>> -> memref<1x1x8x128xf32, #tpu.memory_space<hbm>>
    %dma_wait3A_642 = tpu.memref_squeeze %dma_wait3A_641 : memref<1x1x8x128xf32, #tpu.memory_space<hbm>> -> memref<8x128xf32, #tpu.memory_space<hbm>>
    %dma_wait3A_643 = arith.constant 0 : i32
    %dma_wait3A_644 = arith.constant 0 : i32
    %dma_wait3A_645 = tpu.memref_slice %arg5[%dma_wait3A_634, %dma_wait3A_635, %dma_wait3A_643, %dma_wait3A_644] : memref<52x128x8x128xf32, #tpu.memory_space<hbm>> -> memref<1x1x8x128xf32, #tpu.memory_space<hbm>>
    %dma_wait3A_646 = tpu.memref_squeeze %dma_wait3A_645 : memref<1x1x8x128xf32, #tpu.memory_space<hbm>> -> memref<8x128xf32, #tpu.memory_space<hbm>>
    %dma_wait3A_647 = arith.constant 0 : i32
    %dma_wait3A_648 = arith.constant 0 : i32
    %dma_wait3A_649 = tpu.memref_slice %arg15[%dma_wait3A_647, %dma_wait3A_648] : memref<16x512xf32, #tpu.memory_space<vmem>> -> memref<8x128xf32, #tpu.memory_space<vmem>>
    tpu.wait_dma2 semaphore(%arg23 : memref<!tpu.dma_semaphore, #tpu.memory_space<semaphore_mem>>) src(%dma_wait3A_649 : memref<8x128xf32, #tpu.memory_space<vmem>>) dst(%dma_wait3A_646 : memref<8x128xf32, #tpu.memory_space<hbm>>)
    return
  }
}

</mosaic_0001>

<sc_bundles>
// kernel: _run.3.cloned.1.call-start
scs
__scs_entry_jumppad:
0x0: {  	(pc) =	sbr.rel $0x88, $3  }
0x1: {  	(tag) =	ssettag $0x0;
	lr =	simm.s32 $0x1  }
0x2: {  	[smem:$0x3F9E] =	sst lr;
	_ =	strace $0xD0000000  }
0x3: {  	_ = 	snop  }
0x4: {  	_ = 	snop  }
0x5: {  	_ = 	snop  }
0x6: {  	_ = 	snop  }
0x7: {  	_ = 	snop  }
__scs_overlays_trampoline_lowered:
0x8: {  	[smem:$0x3FAD] =	sst s0  }
0x9: {  	[smem:$0x3FAE] =	sst s1  }
0xa: {  	[smem:$0x3FAF] =	sst s2  }
0xb: {  	[smem:$0x3FB0] =	sst s3  }
0xc: {  	[smem:$0x3FB1] =	sst s4  }
0xd: {  	[smem:$0x3FB2] =	sst s5  }
0xe: {  	[smem:$0x3FB3] =	sst s6  }
0xf: {  	[smem:$0x3FB4] =	sst s7  }
0x10: {  	[smem:$0x3FB5] =	sst s8  }
0x11: {  	[smem:$0x3FB6] =	sst s9;
	s0 =	simm.s32 @!p0 $0x0  }
0x12: {  	s1 =	sld [smem:$0x3F9C];
	s0 =	simm.s32 @p0 $0x1  }
0x13: {  	[smem:$0x3FB7] =	sst s0;
	s0 =	simm.s32 @!p1 $0x0  }
0x14: {  	s2 =	sld [smem:$0x3F9B];
	s0 =	simm.s32 @p1 $0x1  }
0x15: {  	[smem:$0x3FB8] =	sst s0;
	s0 =	simm.s32 @!p2 $0x0  }
0x16: {  	s3 =	sld [smem:$0x3FDB];
	s0 =	simm.s32 @p2 $0x1  }
0x17: {  	s4 =	simm.s32 $0x1BF5;
	[smem:$0x3FBA] =	sst s0  }
0x18: {  	s0 =	sld [smem:$0x3F9D];
	_ =	swait.ge [sflag:s4], $0x0  }
0x19: {  	s7 =	sld [smem:$0x3F9E]  }
0x1a: {  	s8 =	sadd.s32 $0xFFFFE003, lr  }
0x1b: {  	s9 =	sadd.s32 $0xFFFFFEF7, lr;
	s5 =	simm.s32 $0xFFFFFFFF;
	p2 =	slt.u32 s8, $0xFFFFF086  }
0x1c: {  	p1 =	slt.u32 s9, $0xF7A;
	s5 =	simm.s32 @!p2 $0x0  }
0x1d: {  	s5 =	simm.s32 @p1 $0x1;
	p0 =	seq.s32 s7, s2  }
0x1e: {  	s7 =	smul.u32 @!p0 $0xF7A, s2;
	p2 =	seq.s32 @!p0 s5, $0x0  }
0x1f: {  	s9 =	smul.u32 $0xF7A, s1;
	s8 =	simm.s32 @!p0 $0x1BF5;
	p2 =	por !p2, p0  }
0x20: {  	[sflag:s8] =	ssyncset.s32 @!p0 $0xFFFFF086;
	s6 =	sadd.s32 @!p0 s3, s7;
	s7 =	simm.s32 @!p0 $0x108  }
0x21: {  	s3 =	sadd.s32 s3, s9;
	s6 =	sadd.s32 @!p0 $0x88, s6;
	s7 =	simm.s32 @p2 $0x1082  }
0x22: {  	[simem:s7], [sflag:s8] =	dma.local @!p0 [hbm:s6], $0xF7A  }
0x23: {  	s9 =	sor.u32 $0xD0000000, s2;
	s6 =	simm.s32 $0x108;
	_ =	swait.ge @!p0 [sflag:s8], $0x0  }
0x24: {  	s3 =	sadd.s32 $0x88, s3;
	s6 =	simm.s32 @!p1 $0x1082;
	[sflag:s4] =	ssyncset.s32 $0xFFFFF086  }
0x25: {  	[simem:s6], [sflag:s4] =	dma.local [hbm:s3], $0xF7A  }
0x26: {  	[smem:$0x3F9E] =	sst s1;
	(tag) =	ssettag s2;
	_ =	strace s9  }
0x27: {  	s1 =	sld [smem:$0x3FAE]  }
0x28: {  	s2 =	sld [smem:$0x3FAF]  }
0x29: {  	s4 =	sld [smem:$0x3FB1]  }
0x2a: {  	p0 =	seq.s32 s5, $0x0;
	s5 =	sld [smem:$0x3FB2]  }
0x2b: {  	s6 =	sld [smem:$0x3FB3]  }
0x2c: {  	s7 =	sld [smem:$0x3FB4]  }
0x2d: {  	s3 =	simm.s32 $0x108;
	s8 =	sld [smem:$0x3FB5]  }
0x2e: {  	s3 =	simm.s32 @!p0 $0x1082;
	s9 =	sld [smem:$0x3FB6]  }
0x2f: {  	lr =	sadd.s32 s0, s3;
	s0 =	sld [smem:$0x3FAD]  }
0x30: {  	s3 =	sld [smem:$0x3FB0]  }
0x31: {  	[smem:$0x3FB9] =	sst s10  }
0x32: {  	s10 =	sld [smem:$0x3FB7];
	_ =	sdelay $0x3  }
0x33: {  	p0 =	seq.s32 s10, $0x1;
	s10 =	sld [smem:$0x3FB9];
	_ =	sdelay $0x3  }
0x34: {  	[smem:$0x3FB9] =	sst s10  }
0x35: {  	s10 =	sld [smem:$0x3FB8];
	_ =	sdelay $0x3  }
0x36: {  	p1 =	seq.s32 s10, $0x1;
	s10 =	sld [smem:$0x3FB9];
	_ =	sdelay $0x3  }
0x37: {  	[smem:$0x3FB9] =	sst s10  }
0x38: {  	s10 =	sld [smem:$0x3FBA]  }
0x39: {  	_ = 	snop;
	(pc) =	sbr.ind lr, $3  }
0x3a: {  	_ = 	snop  }
0x3b: {  	_ = 	snop  }
0x3c: {  	p2 =	seq.s32 s10, $0x1;
	s10 =	sld [smem:$0x3FB9]  }
0x3d: {  	_ =	shalt  }
0x3e: {  	_ =	shalt  }
0x3f: {  	_ =	shalt  }
0x40: {  	_ =	shalt  }
0x41: {  	_ =	shalt  }
0x42: {  	_ =	shalt  }
0x43: {  	_ =	shalt  }
0x44: {  	_ =	shalt  }
0x45: {  	_ =	shalt  }
0x46: {  	_ =	shalt  }
0x47: {  	_ =	shalt  }
0x48: {  	_ =	shalt  }
0x49: {  	_ =	shalt  }
0x4a: {  	_ =	shalt  }
0x4b: {  	_ =	shalt  }
0x4c: {  	_ =	shalt  }
0x4d: {  	_ =	shalt  }
0x4e: {  	_ =	shalt  }
0x4f: {  	_ =	shalt  }
0x50: {  	_ =	shalt  }
0x51: {  	_ =	shalt  }
0x52: {  	_ =	shalt  }
0x53: {  	_ =	shalt  }
0x54: {  	_ =	shalt  }
0x55: {  	_ =	shalt  }
0x56: {  	_ =	shalt  }
0x57: {  	_ =	shalt  }
0x58: {  	_ =	shalt  }
0x59: {  	_ =	shalt  }
0x5a: {  	_ =	shalt  }
0x5b: {  	_ =	shalt  }
0x5c: {  	_ =	shalt  }
0x5d: {  	_ =	shalt  }
0x5e: {  	_ =	shalt  }
0x5f: {  	_ =	shalt  }
0x60: {  	_ =	shalt  }
0x61: {  	_ =	shalt  }
0x62: {  	_ =	shalt  }
0x63: {  	_ =	shalt  }
0x64: {  	_ =	shalt  }
0x65: {  	_ =	shalt  }
0x66: {  	_ =	shalt  }
0x67: {  	_ =	shalt  }
0x68: {  	_ =	shalt  }
0x69: {  	_ =	shalt  }
0x6a: {  	_ =	shalt  }
0x6b: {  	_ =	shalt  }
0x6c: {  	_ =	shalt  }
0x6d: {  	_ =	shalt  }
0x6e: {  	_ =	shalt  }
0x6f: {  	_ =	shalt  }
0x70: {  	_ =	shalt  }
0x71: {  	_ =	shalt  }
0x72: {  	_ =	shalt  }
0x73: {  	_ =	shalt  }
0x74: {  	_ =	shalt  }
0x75: {  	_ =	shalt  }
0x76: {  	_ =	shalt  }
0x77: {  	_ =	shalt  }
0x78: {  	_ =	shalt  }
0x79: {  	_ =	shalt  }
0x7a: {  	_ =	shalt  }
0x7b: {  	_ =	shalt  }
0x7c: {  	_ =	shalt  }
0x7d: {  	_ =	shalt  }
0x7e: {  	_ =	shalt  }
0x7f: {  	_ =	shalt  }
0x80: {  	_ =	shalt  }
0x81: {  	_ =	shalt  }
0x82: {  	_ =	shalt  }
0x83: {  	_ =	shalt  }
0x84: {  	_ =	shalt  }
0x85: {  	_ =	shalt  }
0x86: {  	_ =	shalt  }
0x87: {  	_ =	shalt  }
.Lfunc_end0:
.L_simem_size_0:
called_computation_lowered:
.L_overlay_start_0:
0x88: {  	s2 =	sld [smem:$0x3FD9]  }
0x89: {  	s3 =	sld [smem:$0x3FFE];
	_ =	sdelay $0x1  }
0x8a: {  	s1 =	srdreg.scid  }
0x8b: {  	s0 =	sand.u32 $0x1, s1  }
0x8c: {  	s17 =	sshll.u32 s0, $0xA;
	s2 =	sadd.s32 s3, s2  }
0x8d: {  	s2 =	sadd.s32 s2, s17  }
0x8e: {  	[smem:$0x3FC5] =	sst s2  }
0x8f: {  	_ = 	snop  }
0x90: {  	s2 =	sld [smem:$0x3FC9]  }
0x91: {  	s18 =	sld [smem:$0x3FC7]  }
0x92: {  	s4 =	sld [smem:$0x3FD0];
	(tm) =	ssettm $0x1  }
0x93: {  	s5 =	sld [smem:$0x3FFB];
	_ =	sdelay $0x3  }
0x94: {  	_ =	strace s5  }
0x95: {  	s5 =	sld [smem:$0x3FFC];
	_ =	sdelay $0x3  }
0x96: {  	_ =	strace s5  }
0x97: {  	s5 =	sld [smem:$0x3FFD];
	_ =	sdelay $0x3  }
0x98: {  	_ =	strace s5  }
0x99: {  	_ =	strace $0x8FFFFFFF  }
0x9a: {  	s19 =	sld [smem:$0x3FDB];
	_ =	sdelay $0x1  }
0x9b: {  	s6 =	simm.s32 $_scs_section_size  }
0x9c: {  	s7 =	simm.s32 $_size__tile_overlayer_lowered;
	s8 =	simm.s32 $_tile_overlayer_lowered  }
0x9d: {  	s22 =	simm.s32 $0x1BFF;
	s21 =	sshll.u32 s8, $0x1;
	s5 =	sadd.s32 s6, s19  }
0x9e: {  	s9 =	simm.s32 $0x0;
	s20 =	sshll.u32 s7, $0x1;
	s7 =	sadd.s32 s21, s5  }
0x9f: {  	[timem:s9], [sflag:s22] =	dma.local [hbm:s7], s20  }
0xa0: {  	_ =	swait.ge [sflag:s22], s20  }
0xa1: {  	s6 =	ssub.s32 $0x0, s20;
	[sflag:s22] =	ssyncset.done $0x0  }
0xa2: {  	[sflag:s22] =	ssyncadd.s32 s6;
	_ =	sdelay $0x1  }
0xa3: {  	s23 =	simm.s32 $0x1B8B  }
0xa4: {  	_ =	swait.ge [sflag:s23], $0x1  }
0xa5: {  	[sflag:s23] =	ssyncset.done $0x0  }
0xa6: {  	s25 =	simm.s32 $0x1B8E;
	s24 =	sld [smem:$0x3FFE];
	[sflag:s23] =	ssyncadd.s32 $0xFFFFFFFF  }
0xa7: {  	s26 =	simm.s32 $execute0_lowered;
	[smem:$0x3FD2] =	sst s25  }
0xa8: {  	s7 =	sshll.u32 s26, $0x1;
	_ =	strace $0x80000046;
	[dreg:$0x1] =	wrdreg $0xFFFFFFFF  }
0xa9: {  	s28 =	simm.s32 $_size_execute0_lowered;
	s5 =	sadd.s32 s5, s7;
	[dreg:$0x0] =	wrdreg $0x0  }
0xaa: {  	s7 =	sshll.u32 s28, $0x1;
	[dreg:$0x2] =	wrdreg s5  }
0xab: {  	[dreg:$0x3] =	wrdreg s7  }
0xac: {  	[dreg:$0x4] =	wrdreg $0xC0  }
0xad: {  	_ =	task [dreg:s9], $0x5FFFF  }
0xae: {  	[dreg:$0x1] =	wrdreg $0xFFFFFFFF  }
0xaf: {  	[dreg:$0x0] =	wrdreg $0x60  }
0xb0: {  	[dreg:$0x2] =	wrdreg s2  }
0xb1: {  	[dreg:$0x3] =	wrdreg s24  }
0xb2: {  	[dreg:$0x4] =	wrdreg s18  }
0xb3: {  	[dreg:$0x5] =	wrdreg s4  }
0xb4: {  	[dreg:$0x6] =	wrdreg $0x9  }
0xb5: {  	_ =	task.clear_ibuf [dreg:s9], $0x7FFFF;
	_ =	strace $0x90000046  }
0xb6: {  	s29 =	simm.s32 $0x9;
	_ =	strace $0x80000048  }
0xb7: {  	_ =	swait.ge [sflag:s29], $0x1  }
0xb8: {  	[sflag:s29] =	ssyncadd.s32 $0xFFFFFFFF  }
0xb9: {  	_ =	strace $0x90000048  }
0xba: {  	_ =	sfence  }
0xbb: {  	s30 =	sld [smem:$0x0];
	_ =	sdelay $0x2  }
0xbc: {  	s31 =	sshll.u32 s1, $0xD;
	s1 =	sshrl.u32 s1, $0x2  }
0xbd: {  	s3 =	sand.u32 $0x4000, s31;
	s1 =	sadd.s32 s1, s30  }
0xbe: {  	s0 =	sor.u32 s3, s0;
	s1 =	sshll.u32 s1, $0x11  }
0xbf: {  	s0 =	sor.u32 s1, s0  }
0xc0: {  	s0 =	sadd.s32 $0x8F2B, s0  }
0xc1: {  	[sflag:s0] =	ssyncadd.remote.s32 $0x1  }
0xc2: {  	_ =	sfence.sel $0xFFFF  }
0xc3: {  	[dreg:$0x0] =	wrdreg $0xFFFFFFFF;
	(pc) =	sbr.abs _section_cstart, $3  }
0xc4: {  	[dreg:$0x1] =	wrdreg $0xFFFFFFFF  }
0xc5: {  	_ =	task.clear_ibuf [dreg:s9], $0x2FFFF;
	_ =	strace $0x9FFFFFFF  }
0xc6: {  	(tm) =	ssettm $0x7FFFFFFF  }
0xc7: {  	_ =	shalt  }
tec
execute0_lowered:
.L_overlay_start_1:
0x0: {  	(tag) =	ssettag $0x1  }
0x1: {  	s0 =	rddreg [dreg:$0x0]  }
0x2: {  	s1 =	rddreg [dreg:$0x1]  }
0x3: {  	s2 =	rddreg [dreg:$0x3];
	s4 =	simm.s32 $0x0  }
0x4: {  	s3 =	srdreg.scid;
	s5 =	stileid.u32;
	s16 =	simm.s32 $0x80  }
0x5: {  	s17 =	simm.s32 $0x3410;
	s23 =	simm.s32 $0x5410;
	s20 =	simm.s32 $0x1  }
0x6: {  	s11 =	simm.s32 $0xED90;
	s14 =	simm.s32 $0xEF90;
	s25 =	simm.s32 $0xF190  }
0x7: {  	s28 =	simm.s32 $0xF390;
	s30 =	simm.s32 $0x3;
	s21 =	simm.s32 $0x4  }
0x8: {  	s22 =	simm.s32 $0x9410;
	s24 =	simm.s32 $0x8;
	s26 =	simm.s32 $0x6  }
0x9: {  	s12 =	simm.s32 $0x0;
	[smem:$0x7FF] =	sst s4;
	s3 =	sand.u32 $0x1, s3  }
0xa: {  	s7 =	sshll.u32 s5, $0x3;
	s6 =	ssub.s32 $0x2, s3;
	s3 =	sshll.u32 s3, $0x2  }
0xb: {  	s5 =	sadd.s32 $0xF42800, s1;
	_ =	strace $0x80000047;
	s3 =	sor.u32 s3, s7  }
.Ltmp0:
0xc: {  	s29 =	sshrl.u32 s6, $0x1;
	s7 =	sshll.u32 s3, $0x4;
	(pc) =	sbr.rel .LBB2_1-.Ltmp0, $4  }
0xd: {  	s1 =	ssub.s32 s6, s29;
	s6 =	sshll.u32 s3, $0xA;
	s0 =	sadd.s32 s0, s7  }
0xe: {  	s8 =	sor.u32 $0x400, s6;
	s9 =	sor.u32 $0x800, s6;
	s10 =	sor.u32 $0xC00, s6  }
0xf: {  	v0 =	vlaneseq.u32;
	s31 =	smax.u32 s1, $0x1;
	s1 =	simm.s32 $0x2;
	[dreg:$0x5] =	wrdreg s0  }
0x10: {  	v0 =	vmul.u32 $0x10, v0;
	s7 =	simm.s32 $0xEB90;
	[dreg:$0x6] =	wrdreg s31;
	s0 =	simm.s32 $0x7410  }
.LBB2_15:
0x11: {  	s3 =	simm.s32 $0x5  }
0x12: {  	_ =	swait.ge [sflag:s3], $0x400  }
0x13: {  	[sflag:s3] =	ssyncset.done $0x0  }
0x14: {  	[sflag:s3] =	ssyncadd.s32 $0xFFFFFC00  }
0x15: {  	_ =	swait.ge [sflag:s3], $0x400  }
0x16: {  	[sflag:s3] =	ssyncset.done $0x0  }
0x17: {  	[sflag:s3] =	ssyncadd.s32 $0xFFFFFC00  }
0x18: {  	_ =	swait.ge [sflag:s3], $0x400  }
0x19: {  	[sflag:s3] =	ssyncset.done $0x0  }
0x1a: {  	[sflag:s3] =	ssyncadd.s32 $0xFFFFFC00  }
0x1b: {  	_ =	swait.ge [sflag:s3], $0x400  }
0x1c: {  	[sflag:s3] =	ssyncset.done $0x0  }
0x1d: {  	[sflag:s3] =	ssyncadd.s32 $0xFFFFFC00  }
0x1e: {  	_ =	swait.ge [sflag:s3], $0x400  }
0x1f: {  	[sflag:s3] =	ssyncset.done $0x0  }
0x20: {  	[sflag:s3] =	ssyncadd.s32 $0xFFFFFC00  }
0x21: {  	_ =	swait.ge [sflag:s3], $0x400  }
0x22: {  	[sflag:s3] =	ssyncset.done $0x0  }
0x23: {  	[sflag:s3] =	ssyncadd.s32 $0xFFFFFC00  }
0x24: {  	_ =	swait.ge [sflag:s3], $0x400  }
0x25: {  	[sflag:s3] =	ssyncset.done $0x0  }
0x26: {  	[sflag:s3] =	ssyncadd.s32 $0xFFFFFC00  }
0x27: {  	_ =	swait.ge [sflag:s3], $0x400  }
0x28: {  	[sflag:s3] =	ssyncset.done $0x0  }
0x29: {  	[sflag:s3] =	ssyncadd.s32 $0xFFFFFC00  }
0x2a: {  	_ =	swait.ge [sflag:s26], $0x400  }
0x2b: {  	[sflag:s26] =	ssyncset.done $0x0  }
0x2c: {  	[sflag:s26] =	ssyncadd.s32 $0xFFFFFC00  }
0x2d: {  	_ =	swait.ge [sflag:s26], $0x400  }
0x2e: {  	[sflag:s26] =	ssyncset.done $0x0  }
0x2f: {  	[sflag:s26] =	ssyncadd.s32 $0xFFFFFC00  }
0x30: {  	_ =	swait.ge [sflag:s26], $0x400  }
0x31: {  	[sflag:s26] =	ssyncset.done $0x0  }
0x32: {  	[sflag:s26] =	ssyncadd.s32 $0xFFFFFC00  }
0x33: {  	_ =	swait.ge [sflag:s26], $0x400  }
0x34: {  	[sflag:s26] =	ssyncset.done $0x0  }
0x35: {  	[sflag:s26] =	ssyncadd.s32 $0xFFFFFC00  }
0x36: {  	_ =	swait.ge [sflag:s26], $0x400  }
0x37: {  	[sflag:s26] =	ssyncset.done $0x0  }
0x38: {  	[sflag:s26] =	ssyncadd.s32 $0xFFFFFC00  }
0x39: {  	_ =	swait.ge [sflag:s26], $0x400  }
0x3a: {  	[sflag:s26] =	ssyncset.done $0x0  }
0x3b: {  	[sflag:s26] =	ssyncadd.s32 $0xFFFFFC00  }
0x3c: {  	_ =	swait.ge [sflag:s26], $0x400  }
0x3d: {  	[sflag:s26] =	ssyncset.done $0x0  }
0x3e: {  	[sflag:s26] =	ssyncadd.s32 $0xFFFFFC00  }
0x3f: {  	_ =	swait.ge [sflag:s26], $0x400  }
0x40: {  	[sflag:s26] =	ssyncset.done $0x0  }
0x41: {  	s29 =	simm.s32 $0x7;
	[sflag:s26] =	ssyncadd.s32 $0xFFFFFC00  }
0x42: {  	_ =	swait.ge [sflag:s29], $0x400  }
0x43: {  	[sflag:s29] =	ssyncset.done $0x0  }
0x44: {  	[sflag:s29] =	ssyncadd.s32 $0xFFFFFC00  }
0x45: {  	_ =	swait.ge [sflag:s29], $0x400  }
0x46: {  	[sflag:s29] =	ssyncset.done $0x0  }
0x47: {  	[sflag:s29] =	ssyncadd.s32 $0xFFFFFC00  }
0x48: {  	_ =	swait.ge [sflag:s29], $0x400  }
0x49: {  	[sflag:s29] =	ssyncset.done $0x0  }
0x4a: {  	[sflag:s29] =	ssyncadd.s32 $0xFFFFFC00  }
0x4b: {  	_ =	swait.ge [sflag:s29], $0x400  }
0x4c: {  	[sflag:s29] =	ssyncset.done $0x0  }
0x4d: {  	[sflag:s29] =	ssyncadd.s32 $0xFFFFFC00  }
0x4e: {  	_ =	swait.ge [sflag:s29], $0x400  }
0x4f: {  	[sflag:s29] =	ssyncset.done $0x0  }
0x50: {  	[sflag:s29] =	ssyncadd.s32 $0xFFFFFC00  }
0x51: {  	_ =	swait.ge [sflag:s29], $0x400  }
0x52: {  	[sflag:s29] =	ssyncset.done $0x0  }
0x53: {  	[sflag:s29] =	ssyncadd.s32 $0xFFFFFC00  }
0x54: {  	_ =	swait.ge [sflag:s29], $0x400  }
0x55: {  	[sflag:s29] =	ssyncset.done $0x0  }
0x56: {  	[sflag:s29] =	ssyncadd.s32 $0xFFFFFC00  }
0x57: {  	_ =	swait.ge [sflag:s29], $0x400  }
0x58: {  	[sflag:s29] =	ssyncset.done $0x0  }
0x59: {  	[sflag:s29] =	ssyncadd.s32 $0xFFFFFC00  }
0x5a: {  	_ =	swait.ge [sflag:s24], $0x400  }
0x5b: {  	[sflag:s24] =	ssyncset.done $0x0  }
0x5c: {  	[sflag:s24] =	ssyncadd.s32 $0xFFFFFC00  }
0x5d: {  	_ =	swait.ge [sflag:s24], $0x400  }
0x5e: {  	[sflag:s24] =	ssyncset.done $0x0  }
0x5f: {  	[sflag:s24] =	ssyncadd.s32 $0xFFFFFC00  }
0x60: {  	_ =	swait.ge [sflag:s24], $0x400  }
0x61: {  	[sflag:s24] =	ssyncset.done $0x0  }
0x62: {  	[sflag:s24] =	ssyncadd.s32 $0xFFFFFC00  }
0x63: {  	_ =	swait.ge [sflag:s24], $0x400  }
0x64: {  	[sflag:s24] =	ssyncset.done $0x0  }
0x65: {  	[sflag:s24] =	ssyncadd.s32 $0xFFFFFC00  }
0x66: {  	_ =	swait.ge [sflag:s24], $0x400  }
0x67: {  	[sflag:s24] =	ssyncset.done $0x0  }
0x68: {  	[sflag:s24] =	ssyncadd.s32 $0xFFFFFC00  }
0x69: {  	_ =	swait.ge [sflag:s24], $0x400  }
0x6a: {  	[sflag:s24] =	ssyncset.done $0x0  }
0x6b: {  	[sflag:s24] =	ssyncadd.s32 $0xFFFFFC00  }
0x6c: {  	_ =	swait.ge [sflag:s24], $0x400  }
0x6d: {  	[sflag:s24] =	ssyncset.done $0x0  }
0x6e: {  	[sflag:s24] =	ssyncadd.s32 $0xFFFFFC00  }
0x6f: {  	_ =	swait.ge [sflag:s24], $0x400  }
0x70: {  	s12 =	rddreg [dreg:$0x7]  }
0x71: {  	s31 =	rddreg [dreg:$0x6];
	s12 =	sadd.s32 $0x1, s12  }
0x72: {  	p0 =	sne.s32 s12, s31  }
.Ltmp1:
0x73: {  	_ = 	snop;
	(pc) =	sbr.rel @!p0 .LBB2_16-.Ltmp1, $3  }
0x74: {  	_ =	sdelay $0x1  }
0x75: {  	[sflag:s24] =	ssyncset.done $0x0  }
0x76: {  	[sflag:s24] =	ssyncadd.s32 $0xFFFFFC00  }
.LBB2_1:
0x77: {  	[dreg:$0x7] =	wrdreg s12  }
0x78: {  	s3 =	rddreg [dreg:$0x5]  }
0x79: {  	s12 =	simm.s32 $0x200;
	s13 =	simm.s32 $0x4000;
	s19 =	simm.s32 $0x9  }
0x7a: {  	[tilespmem:s4], [sflag:$0x9] =	stream.strided.gather [hbm4b:s3+s12], $0x3400, s13, s12, $0x38;
	[tilespmem:$0x13410] =	vst v63  }
0x7b: {  	_ =	swait.ge [sflag:s19], $0x3400  }
0x7c: {  	[sflag:s19] =	ssyncset.done $0x0  }
0x7d: {  	[sflag:s19] =	ssyncadd.s32 $0xFFFFCC00  }
0x7e: {  	s15 =	simm.s32 $0x3400;
	s31 =	rddreg [dreg:$0x2]  }
0x7f: {  	[tilespmem:s15], [sflag:$0x9] =	stream.linear.gather [hbm4b:s31+s4], $0x10, $0x38;
	[tilespmem:$0x13410] =	vst v63  }
0x80: {  	_ =	swait.ge [sflag:s19], $0x10  }
0x81: {  	[sflag:s19] =	ssyncset.done $0x0  }
0x82: {  	[sflag:s19] =	ssyncadd.s32 $0xFFFFFFF0  }
0x83: {  	v1 =	vld [tilespmem:$0x3400];
	[tilespmem:s17], [sflag:$0x1] =	stream.indirect.gather [hbm4b:s5+s16], $0x10, s4, s16, $0xb8  }
0x84: {  	s18 =	simm.s32 $0x3C10  }
0x85: {  	[tilespmem:s18], [sflag:$0x1] =	stream.indirect.gather [hbm4b:s5+s16], $0x10, s16, s16, $0xb8;
	[tilespmem:$0x13410] =	vst v63  }
0x86: {  	s31 =	simm.s32 $0x4410;
	s19 =	simm.s32 $0x100  }
0x87: {  	[tilespmem:s31], [sflag:$0x1] =	stream.indirect.gather [hbm4b:s5+s16], $0x10, s19, s16, $0xb8;
	[tilespmem:$0x13410] =	vst v63  }
0x88: {  	s15 =	simm.s32 $0x180;
	s18 =	simm.s32 $0x4C10  }
0x89: {  	[tilespmem:s18], [sflag:$0x1] =	stream.indirect.gather [hbm4b:s5+s16], $0x10, s15, s16, $0xb8;
	[tilespmem:$0x13410] =	vst v63  }
0x8a: {  	_ = 	snop  }
0x8b: {  	[tilespmem:s23], [sflag:$0x2] =	stream.indirect.gather [hbm4b:s5+s16], $0x10, s12, s16, $0xb8;
	[tilespmem:$0x13410] =	vst v63  }
0x8c: {  	s19 =	simm.s32 $0x280;
	s31 =	simm.s32 $0x5C10  }
0x8d: {  	[tilespmem:s31], [sflag:$0x2] =	stream.indirect.gather [hbm4b:s5+s16], $0x10, s19, s16, $0xb8;
	[tilespmem:$0x13410] =	vst v63  }
0x8e: {  	s13 =	simm.s32 $0x300;
	s15 =	simm.s32 $0x6410  }
0x8f: {  	[tilespmem:s15], [sflag:$0x2] =	stream.indirect.gather [hbm4b:s5+s16], $0x10, s13, s16, $0xb8;
	[tilespmem:$0x13410] =	vst v63  }
0x90: {  	s18 =	simm.s32 $0x380;
	s19 =	simm.s32 $0x6C10  }
0x91: {  	[tilespmem:s19], [sflag:$0x2] =	stream.indirect.gather [hbm4b:s5+s16], $0x10, s18, s16, $0xb8;
	[tilespmem:$0x13410] =	vst v63  }
0x92: {  	s31 =	simm.s32 $0x400  }
0x93: {  	[tilespmem:s0], [sflag:$0x3] =	stream.indirect.gather [hbm4b:s5+s16], $0x10, s31, s16, $0xb8;
	[tilespmem:$0x13410] =	vst v63  }
0x94: {  	s12 =	simm.s32 $0x480;
	s13 =	simm.s32 $0x7C10  }
0x95: {  	[tilespmem:s13], [sflag:$0x3] =	stream.indirect.gather [hbm4b:s5+s16], $0x10, s12, s16, $0xb8;
	[tilespmem:$0x13410] =	vst v63  }
.Ltmp2:
0x96: {  	_ = 	snop;
	(pc) =	sbr.rel .LBB2_2-.Ltmp2, $4  }
0x97: {  	s15 =	simm.s32 $0x500;
	s18 =	simm.s32 $0x8410  }
0x98: {  	[tilespmem:s18], [sflag:$0x3] =	stream.indirect.gather [hbm4b:s5+s16], $0x10, s15, s16, $0xb8;
	[tilespmem:$0x13410] =	vst v63  }
0x99: {  	s29 =	simm.s32 $0x0;
	s19 =	simm.s32 $0x580;
	s31 =	simm.s32 $0x8C10  }
0x9a: {  	[tilespmem:s31], [sflag:$0x3] =	stream.indirect.gather [hbm4b:s5+s16], $0x10, s19, s16, $0xb8;
	[tilespmem:$0x13410] =	vst v63  }
.LBB2_14:
0x9b: {  	s29 =	sadd.s32 $0x1, s29  }
0x9c: {  	p0 =	sne.s32 s29, $0x7  }
.Ltmp3:
0x9d: {  	_ = 	snop;
	(pc) =	sbr.rel @!p0 .LBB2_15-.Ltmp3, $1  }
0x9e: {  	_ =	sdelay $0x3  }
.LBB2_2:
0x9f: {  	_ =	swait.ge [sflag:s20], $0x800  }
0xa0: {  	[sflag:s20] =	ssyncset.done $0x0  }
0xa1: {  	[sflag:s20] =	ssyncadd.s32 $0xFFFFF800  }
0xa2: {  	_ =	swait.ge [sflag:s20], $0x800  }
0xa3: {  	[sflag:s20] =	ssyncset.done $0x0  }
0xa4: {  	[sflag:s20] =	ssyncadd.s32 $0xFFFFF800  }
0xa5: {  	_ =	swait.ge [sflag:s20], $0x800  }
0xa6: {  	[sflag:s20] =	ssyncset.done $0x0  }
0xa7: {  	s31 =	sshllo.u32 s29, $0x2;
	[sflag:s20] =	ssyncadd.s32 $0xFFFFF800  }
0xa8: {  	p0 =	sgt.u32 s31, $0x19;
	_ =	swait.ge [sflag:s20], $0x800  }
0xa9: {  	s3 =	sshll.u32 @!p0 s31, $0x9;
	s13 =	simm.s32 @!p0 $0x80;
	[sflag:s20] =	ssyncset.done $0x0  }
0xaa: {  	s15 =	simm.s32 @!p0 $0x9410;
	s3 =	sand.u32 @!p0 $0x3FFFFE00, s3;
	[sflag:s20] =	ssyncadd.s32 $0xFFFFF800  }
0xab: {  	[tilespmem:s15], [sflag:$0x4] =	stream.indirect.gather @!p0 [hbm4b:s5+s13], $0x10, s3, s13, $0xb8;
	[tilespmem:$0x13410] =	vst v63  }
0xac: {  	s18 =	simm.s32 @!p0 $0x9C10;
	s15 =	sor.u32 @!p0 $0x80, s3  }
0xad: {  	[tilespmem:s18], [sflag:$0x4] =	stream.indirect.gather @!p0 [hbm4b:s5+s13], $0x10, s15, s13, $0xb8;
	[tilespmem:$0x13410] =	vst v63  }
0xae: {  	s15 =	sor.u32 @!p0 $0x100, s3;
	s18 =	simm.s32 @!p0 $0xA410  }
0xaf: {  	[tilespmem:s18], [sflag:$0x4] =	stream.indirect.gather @!p0 [hbm4b:s5+s13], $0x10, s15, s13, $0xb8;
	[tilespmem:$0x13410] =	vst v63  }
0xb0: {  	p1 =	seq.s32 s29, $0x0;
	s3 =	sor.u32 @!p0 $0x180, s3;
	s15 =	simm.s32 @!p0 $0xAC10  }
0xb1: {  	[tilespmem:s15], [sflag:$0x4] =	stream.indirect.gather @!p0 [hbm4b:s5+s13], $0x10, s3, s13, $0xb8;
	[tilespmem:$0x13410] =	vst v63  }
0xb2: {  	s3 =	simm.s32 @!p1 $0x5  }
0xb3: {  	_ =	swait.ge @!p1 [sflag:s3], $0x400  }
0xb4: {  	[sflag:s3] =	ssyncset.done @!p1 $0x0  }
0xb5: {  	[sflag:s3] =	ssyncadd.s32 @!p1 $0xFFFFFC00  }
0xb6: {  	_ =	swait.ge @!p1 [sflag:s3], $0x400  }
0xb7: {  	[sflag:s3] =	ssyncset.done @!p1 $0x0  }
0xb8: {  	[sflag:s3] =	ssyncadd.s32 @!p1 $0xFFFFFC00  }
0xb9: {  	_ =	swait.ge @!p1 [sflag:s3], $0x400  }
0xba: {  	[sflag:s3] =	ssyncset.done @!p1 $0x0  }
0xbb: {  	[sflag:s3] =	ssyncadd.s32 @!p1 $0xFFFFFC00  }
0xbc: {  	_ =	swait.ge @!p1 [sflag:s3], $0x400  }
0xbd: {  	[sflag:s3] =	ssyncset.done @!p1 $0x0  }
0xbe: {  	[sflag:s3] =	ssyncadd.s32 @!p1 $0xFFFFFC00  }
0xbf: {  	_ =	swait.ge @!p1 [sflag:s3], $0x400  }
0xc0: {  	[sflag:s3] =	ssyncset.done @!p1 $0x0  }
0xc1: {  	[sflag:s3] =	ssyncadd.s32 @!p1 $0xFFFFFC00  }
0xc2: {  	_ =	swait.ge @!p1 [sflag:s3], $0x400  }
0xc3: {  	s19 =	simm.s32 $0x0;
	[sflag:s3] =	ssyncset.done @!p1 $0x0  }
0xc4: {  	v2 =	vmov s19;
	[sflag:s3] =	ssyncadd.s32 @!p1 $0xFFFFFC00  }
0xc5: {  	v2 =	vshll.u32 v2, $0x4;
	_ =	swait.ge @!p1 [sflag:s3], $0x400  }
0xc6: {  	v2 =	vor.u32 v0, v2;
	[sflag:s3] =	ssyncset.done @!p1 $0x0  }
0xc7: {  	v3 =	vor.u32 $0xF, v2;
	[sflag:s3] =	ssyncadd.s32 @!p1 $0xFFFFFC00  }
0xc8: {  	v4 =	vor.u32 $0x1, v2;
	_ =	swait.ge @!p1 [sflag:s3], $0x400  }
0xc9: {  	v5 =	vor.u32 $0x2, v2;
	[sflag:s3] =	ssyncset.done @!p1 $0x0  }
0xca: {  	v6 =	vor.u32 $0x3, v2;
	[sflag:s3] =	ssyncadd.s32 @!p1 $0xFFFFFC00  }
0xcb: {  	v7 =	vor.u32 $0x4, v2;
	v8 =	vld.idx.msk [tilespmem:v2+s17+$0x0], $0xffff  }
0xcc: {  	v9 =	vor.u32 $0x5, v2;
	v3 =	vld.idx.msk [tilespmem:v3+s17+$0x0], $0xffff  }
0xcd: {  	v10 =	vor.u32 $0x6, v2;
	v4 =	vld.idx.msk [tilespmem:v4+s17+$0x0], $0xffff  }
0xce: {  	v11 =	vor.u32 $0x7, v2;
	v5 =	vld.idx.msk [tilespmem:v5+s17+$0x0], $0xffff  }
0xcf: {  	v13 =	vor.u32 $0x9, v2;
	v6 =	vld.idx.msk [tilespmem:v6+s17+$0x0], $0xffff  }
0xd0: {  	v12 =	vor.u32 $0x8, v2;
	v7 =	vld.idx.msk [tilespmem:v7+s17+$0x0], $0xffff  }
0xd1: {  	v14 =	vor.u32 $0xA, v2;
	s15 =	simm.s32 $0x10;
	v15 =	vld.idx.msk [tilespmem:v9+s17+$0x0], $0xffff  }
0xd2: {  	v16 =	vor.u32 $0xC, v2;
	v18 =	vmov s15;
	v10 =	vld.idx.msk [tilespmem:v10+s17+$0x0], $0xffff  }
0xd3: {  	v17 =	vor.u32 $0xD, v2;
	v18 =	vshll.u32 v18, $0x4;
	v11 =	vld.idx.msk [tilespmem:v11+s17+$0x0], $0xffff  }
0xd4: {  	v22 =	vor.u32 v0, v18;
	v13 =	vld.idx.msk [tilespmem:v13+s17+$0x0], $0xffff  }
0xd5: {  	v9 =	vor.u32 $0xB, v2;
	v12 =	vld.idx.msk [tilespmem:v12+s17+$0x0], $0xffff  }
0xd6: {  	v2 =	vor.u32 $0xE, v2;
	v14 =	vld.idx.msk [tilespmem:v14+s17+$0x0], $0xffff;
	v3 =	vmul.f32 v3, v1  }
0xd7: {  	s13 =	simm.s32 $0xC410;
	v18 =	vor.u32 $0xF, v22;
	v23 =	vld.idx.msk [tilespmem:v16+s17+$0x0], $0xffff;
	v4 =	vmul.f32 v4, v1  }
0xd8: {  	v19 =	vor.u32 $0x3, v22;
	v24 =	vld.idx.msk [tilespmem:v17+s17+$0x0], $0xffff;
	v5 =	vmul.f32 v5, v1;
	[tilespmem:s13+$0xE00] =	vst v3  }
0xd9: {  	v27 =	vld.idx.msk [tilespmem:v22+s17+$0x0], $0xffff;
	v30 =	vmul.f32 v13, v1;
	v3 =	vor.u32 $0x1, v22;
	[tilespmem:s13+$0xFFFFF200] =	vst v4  }
0xda: {  	v16 =	vor.u32 $0x2, v22;
	v20 =	vld.idx.msk [tilespmem:v9+s17+$0x0], $0xffff;
	v4 =	vmul.f32 v6, v1;
	[tilespmem:s13+$0xFFFFF400] =	vst v5  }
0xdb: {  	v25 =	vor.u32 $0x4, v22;
	v26 =	vor.u32 $0x5, v22;
	v2 =	vld.idx.msk [tilespmem:v2+s17+$0x0], $0xffff;
	v5 =	vmul.f32 v7, v1;
	[tilespmem:s13+$0x200] =	vst v30  }
0xdc: {  	v28 =	vor.u32 $0x6, v22;
	v29 =	vld.idx.msk [tilespmem:v18+s17+$0x0], $0xffff;
	v21 =	vmul.f32 v14, v1;
	v6 =	vmul.f32 v8, v1;
	[tilespmem:s13+$0xFFFFF600] =	vst v4  }
0xdd: {  	v19 =	vld.idx.msk [tilespmem:v19+s17+$0x0], $0xffff;
	v9 =	vor.u32 $0x7, v22;
	v13 =	vmul.f32 v24, v1;
	[tilespmem:s13+$0xFFFFF800] =	vst v5;
	v4 =	vmul.f32 v15, v1  }
0xde: {  	v8 =	vor.u32 $0x8, v22;
	v7 =	vor.u32 $0x9, v22;
	v5 =	vmul.f32 v10, v1;
	[tilespmem:s13+$0xFFFFF000] =	vst v6;
	v17 =	vld.idx.msk [tilespmem:v3+s17+$0x0], $0xffff  }
0xdf: {  	v18 =	vld.idx.msk [tilespmem:v16+s17+$0x0], $0xffff;
	v6 =	vor.u32 $0xA, v22;
	v16 =	vmul.f32 v20, v1;
	[tilespmem:s13+$0xFFFFFA00] =	vst v4;
	v3 =	vmul.f32 v11, v1  }
0xe0: {  	v14 =	vld.idx.msk [tilespmem:v26+s17+$0x0], $0xffff;
	v10 =	vmul.f32 v2, v1;
	v2 =	vor.u32 $0xE, v22;
	[tilespmem:s13+$0xFFFFFC00] =	vst v5;
	v11 =	vmul.f32 v12, v1  }
0xe1: {  	v20 =	vld.idx.msk [tilespmem:v25+s17+$0x0], $0xffff;
	v4 =	vor.u32 $0xB, v22;
	v5 =	vor.u32 $0xC, v22;
	v12 =	vmul.f32 v23, v1;
	[tilespmem:s13+$0xFFFFFE00] =	vst v3  }
0xe2: {  	s18 =	simm.s32 $0xC410;
	s3 =	sshll.u32 s29, $0x2;
	v15 =	vld.idx.msk [tilespmem:v28+s17+$0x0], $0xffff;
	v3 =	vor.u32 $0xD, v22;
	[tilespmem:s13+$0x0] =	vst v11;
	v11 =	vmul.f32 v27, v1;
	v22 =	vmul.f32 v29, v1  }
.LBB2_3:
0xe3: {  	s15 =	sadd.s32 $0x10, s15;
	v17 =	vmul.f32 v17, v1;
	v23 =	vld.idx.msk [tilespmem:v9+s17+$0x0], $0xffff;
	[tilespmem:s13+$0x400] =	vst v21;
	s18 =	sadd.s32 $0x10, s18  }
0xe4: {  	v18 =	vmul.f32 v18, v1;
	v9 =	vmov s15;
	p2 =	slt.u32 s15, $0x1F0;
	v21 =	vld.idx.msk [tilespmem:v8+s17+$0x0], $0xffff;
	[tilespmem:s18+$0xE00] =	vst v22  }
0xe5: {  	v8 =	vshll.u32 v9, $0x4;
	[tilespmem:s18+$0xFFFFF200] =	vst v17;
	v9 =	vmul.f32 v19, v1;
	v19 =	vld.idx.msk [tilespmem:v7+s17+$0x0], $0xffff  }
0xe6: {  	v7 =	vmul.f32 v20, v1;
	v17 =	vor.u32 v0, v8;
	[tilespmem:s18+$0xFFFFF400] =	vst v18;
	v20 =	vld.idx.msk [tilespmem:v6+s17+$0x0], $0xffff  }
0xe7: {  	v18 =	vor.u32 $0x1, v17;
	v22 =	vor.u32 $0x2, v17;
	v24 =	vor.u32 $0xF, v17;
	[tilespmem:s18+$0xFFFFF600] =	vst v9;
	v25 =	vld.idx.msk [tilespmem:v4+s17+$0x0], $0xffff  }
0xe8: {  	v26 =	vor.u32 $0x3, v17;
	v27 =	vor.u32 $0x4, v17;
	v28 =	vor.u32 $0x5, v17;
	[tilespmem:s18+$0xFFFFF800] =	vst v7;
	v29 =	vld.idx.msk [tilespmem:v5+s17+$0x0], $0xffff  }
0xe9: {  	v30 =	vor.u32 $0x6, v17;
	v9 =	vor.u32 $0x7, v17;
	v8 =	vor.u32 $0x8, v17;
	v31 =	vld.idx.msk [tilespmem:v3+s17+$0x0], $0xffff;
	[tilespmem:s13+$0x600] =	vst v16  }
0xea: {  	v6 =	vor.u32 $0xA, v17;
	v4 =	vor.u32 $0xB, v17;
	v7 =	vor.u32 $0x9, v17;
	v32 =	vld.idx.msk [tilespmem:v2+s17+$0x0], $0xffff;
	[tilespmem:s13+$0x800] =	vst v12  }
0xeb: {  	v5 =	vor.u32 $0xC, v17;
	v3 =	vor.u32 $0xD, v17;
	v2 =	vor.u32 $0xE, v17;
	v33 =	vld.idx.msk [tilespmem:v17+s17+$0x0], $0xffff;
	[tilespmem:s13+$0xA00] =	vst v13  }
0xec: {  	v12 =	vmul.f32 v14, v1;
	v13 =	vmul.f32 v15, v1;
	v24 =	vld.idx.msk [tilespmem:v24+s17+$0x0], $0xffff;
	[tilespmem:s13+$0xC00] =	vst v10;
	s13 =	smov.u32 s18  }
0xed: {  	v15 =	vmul.f32 v21, v1;
	v10 =	vmul.f32 v23, v1;
	v17 =	vld.idx.msk [tilespmem:v18+s17+$0x0], $0xffff;
	[tilespmem:s18+$0xFFFFF000] =	vst v11  }
.Ltmp4:
0xee: {  	v21 =	vmul.f32 v20, v1;
	v23 =	vmul.f32 v19, v1;
	v18 =	vld.idx.msk [tilespmem:v22+s17+$0x0], $0xffff;
	[tilespmem:s18+$0xFFFFFA00] =	vst v12;
	(pc) =	sbr.rel @p2 .LBB2_3-.Ltmp4, $4  }
0xef: {  	v16 =	vmul.f32 v25, v1;
	v12 =	vmul.f32 v29, v1;
	v19 =	vld.idx.msk [tilespmem:v26+s17+$0x0], $0xffff;
	[tilespmem:s18+$0xFFFFFC00] =	vst v13  }
0xf0: {  	v13 =	vmul.f32 v31, v1;
	v20 =	vld.idx.msk [tilespmem:v27+s17+$0x0], $0xffff;
	[tilespmem:s18+$0xFFFFFE00] =	vst v10;
	v10 =	vmul.f32 v32, v1  }
0xf1: {  	v11 =	vmul.f32 v33, v1;
	v14 =	vld.idx.msk [tilespmem:v28+s17+$0x0], $0xffff;
	[tilespmem:s18+$0x0] =	vst v15  }
0xf2: {  	v22 =	vmul.f32 v24, v1;
	v15 =	vld.idx.msk [tilespmem:v30+s17+$0x0], $0xffff;
	[tilespmem:s18+$0x200] =	vst v23  }
0xf3: {  	[tilespmem:s13+$0x400] =	vst v21  }
0xf4: {  	[tilespmem:s13+$0x600] =	vst v16  }
0xf5: {  	[tilespmem:s13+$0x800] =	vst v12  }
0xf6: {  	[tilespmem:s13+$0xA00] =	vst v13  }
0xf7: {  	s15 =	sadd.s32 $0x10, s18;
	[tilespmem:s13+$0xC00] =	vst v10  }
0xf8: {  	v17 =	vmul.f32 v17, v1;
	[tilespmem:s15+$0xE00] =	vst v22  }
0xf9: {  	v18 =	vmul.f32 v18, v1;
	v9 =	vld.idx.msk [tilespmem:v9+s17+$0x0], $0xffff;
	[tilespmem:s15+$0xFFFFF000] =	vst v11  }
0xfa: {  	v8 =	vld.idx.msk [tilespmem:v8+s17+$0x0], $0xffff;
	[tilespmem:s15+$0xFFFFF200] =	vst v17;
	v17 =	vmul.f32 v19, v1  }
0xfb: {  	v7 =	vld.idx.msk [tilespmem:v7+s17+$0x0], $0xffff;
	[tilespmem:s15+$0xFFFFF400] =	vst v18;
	v18 =	vmul.f32 v20, v1  }
0xfc: {  	v6 =	vld.idx.msk [tilespmem:v6+s17+$0x0], $0xffff;
	v12 =	vmul.f32 v14, v1;
	[tilespmem:s15+$0xFFFFF600] =	vst v17  }
0xfd: {  	v4 =	vld.idx.msk [tilespmem:v4+s17+$0x0], $0xffff;
	[tilespmem:s15+$0xFFFFF800] =	vst v18;
	v10 =	vmul.f32 v15, v1  }
0xfe: {  	v5 =	vld.idx.msk [tilespmem:v5+s17+$0x0], $0xffff;
	v9 =	vmul.f32 v9, v1;
	[tilespmem:s15+$0xFFFFFA00] =	vst v12  }
0xff: {  	v3 =	vld.idx.msk [tilespmem:v3+s17+$0x0], $0xffff;
	v8 =	vmul.f32 v8, v1;
	[tilespmem:s15+$0xFFFFFC00] =	vst v10  }
0x100: {  	v2 =	vld.idx.msk [tilespmem:v2+s17+$0x0], $0xffff;
	v7 =	vmul.f32 v7, v1;
	[tilespmem:s15+$0xFFFFFE00] =	vst v9  }
0x101: {  	v6 =	vmul.f32 v6, v1;
	[tilespmem:s15+$0x0] =	vst v8  }
0x102: {  	v4 =	vmul.f32 v4, v1;
	[tilespmem:s15+$0x200] =	vst v7  }
0x103: {  	v5 =	vmul.f32 v5, v1;
	[tilespmem:s15+$0x400] =	vst v6  }
0x104: {  	s13 =	sshll.u32 s29, $0x14;
	v3 =	vmul.f32 v3, v1;
	[tilespmem:s15+$0x600] =	vst v4  }
0x105: {  	s12 =	sor.u32 s6, s13;
	v2 =	vmul.f32 v2, v1;
	[tilespmem:s15+$0x800] =	vst v5  }
0x106: {  	s18 =	sshrl.u32 s12, $0x3;
	[tilespmem:s15+$0xA00] =	vst v3  }
0x107: {  	s12 =	simm.s32 $0xB410;
	[tilespmem:s15+$0xC00] =	vst v2;
	s15 =	sadd.s32 s2, s18  }
0x108: {  	[hbm4b:s15+s4] =	stream.linear.scatter [tilespmem:s12], [sflag:$0x5], $0x80, $0x38;
	[tilespmem:$0x13410] =	vst v63  }
0x109: {  	s19 =	simm.s32 $0xB610;
	s18 =	sadd.s32 $0x10, s15  }
0x10a: {  	[hbm4b:s18+s4] =	stream.linear.scatter [tilespmem:s19], [sflag:$0x5], $0x80, $0x38;
	[tilespmem:$0x13410] =	vst v63  }
0x10b: {  	s12 =	sadd.s32 $0x20, s15;
	s19 =	simm.s32 $0xB810  }
0x10c: {  	[hbm4b:s12+s4] =	stream.linear.scatter [tilespmem:s19], [sflag:$0x5], $0x80, $0x38;
	[tilespmem:$0x13410] =	vst v63  }
0x10d: {  	s12 =	sadd.s32 $0x30, s15;
	s19 =	simm.s32 $0xBA10  }
0x10e: {  	[hbm4b:s12+s4] =	stream.linear.scatter [tilespmem:s19], [sflag:$0x5], $0x80, $0x38;
	[tilespmem:$0x13410] =	vst v63  }
0x10f: {  	s12 =	sadd.s32 $0x40, s15;
	s19 =	simm.s32 $0xBC10  }
0x110: {  	[hbm4b:s12+s4] =	stream.linear.scatter [tilespmem:s19], [sflag:$0x5], $0x80, $0x38;
	[tilespmem:$0x13410] =	vst v63  }
0x111: {  	s12 =	sadd.s32 $0x50, s15;
	s19 =	simm.s32 $0xBE10  }
0x112: {  	[hbm4b:s12+s4] =	stream.linear.scatter [tilespmem:s19], [sflag:$0x5], $0x80, $0x38;
	[tilespmem:$0x13410] =	vst v63  }
0x113: {  	s12 =	sadd.s32 $0x60, s15;
	s19 =	simm.s32 $0xC010  }
0x114: {  	[hbm4b:s12+s4] =	stream.linear.scatter [tilespmem:s19], [sflag:$0x5], $0x80, $0x38;
	[tilespmem:$0x13410] =	vst v63  }
0x115: {  	s18 =	sor.u32 s8, s13;
	s15 =	sadd.s32 $0x70, s15;
	s19 =	simm.s32 $0xC210  }
0x116: {  	[hbm4b:s15+s4] =	stream.linear.scatter [tilespmem:s19], [sflag:$0x5], $0x80, $0x38;
	[tilespmem:$0x13410] =	vst v63  }
0x117: {  	s15 =	sshrl.u32 s18, $0x3  }
0x118: {  	s19 =	simm.s32 $0xB490;
	s15 =	sadd.s32 s2, s15  }
0x119: {  	[hbm4b:s15+s4] =	stream.linear.scatter [tilespmem:s19], [sflag:$0x5], $0x80, $0x38;
	[tilespmem:$0x13410] =	vst v63  }
0x11a: {  	s12 =	sadd.s32 $0x10, s15;
	s19 =	simm.s32 $0xB690  }
0x11b: {  	[hbm4b:s12+s4] =	stream.linear.scatter [tilespmem:s19], [sflag:$0x5], $0x80, $0x38;
	[tilespmem:$0x13410] =	vst v63  }
0x11c: {  	s12 =	sadd.s32 $0x20, s15;
	s19 =	simm.s32 $0xB890  }
0x11d: {  	[hbm4b:s12+s4] =	stream.linear.scatter [tilespmem:s19], [sflag:$0x5], $0x80, $0x38;
	[tilespmem:$0x13410] =	vst v63  }
0x11e: {  	s12 =	sadd.s32 $0x30, s15;
	s19 =	simm.s32 $0xBA90  }
0x11f: {  	[hbm4b:s12+s4] =	stream.linear.scatter [tilespmem:s19], [sflag:$0x5], $0x80, $0x38;
	[tilespmem:$0x13410] =	vst v63  }
0x120: {  	s12 =	sadd.s32 $0x40, s15;
	s19 =	simm.s32 $0xBC90  }
0x121: {  	[hbm4b:s12+s4] =	stream.linear.scatter [tilespmem:s19], [sflag:$0x5], $0x80, $0x38;
	[tilespmem:$0x13410] =	vst v63  }
0x122: {  	s12 =	sadd.s32 $0x50, s15;
	s19 =	simm.s32 $0xBE90  }
0x123: {  	[hbm4b:s12+s4] =	stream.linear.scatter [tilespmem:s19], [sflag:$0x5], $0x80, $0x38;
	[tilespmem:$0x13410] =	vst v63  }
0x124: {  	s12 =	sadd.s32 $0x60, s15;
	s19 =	simm.s32 $0xC090  }
0x125: {  	[hbm4b:s12+s4] =	stream.linear.scatter [tilespmem:s19], [sflag:$0x5], $0x80, $0x38;
	[tilespmem:$0x13410] =	vst v63  }
0x126: {  	s18 =	sor.u32 s9, s13;
	s15 =	sadd.s32 $0x70, s15;
	s19 =	simm.s32 $0xC290  }
0x127: {  	[hbm4b:s15+s4] =	stream.linear.scatter [tilespmem:s19], [sflag:$0x5], $0x80, $0x38;
	[tilespmem:$0x13410] =	vst v63  }
0x128: {  	s15 =	sshrl.u32 s18, $0x3  }
0x129: {  	s19 =	simm.s32 $0xB510;
	s15 =	sadd.s32 s2, s15  }
0x12a: {  	[hbm4b:s15+s4] =	stream.linear.scatter [tilespmem:s19], [sflag:$0x5], $0x80, $0x38;
	[tilespmem:$0x13410] =	vst v63  }
0x12b: {  	s12 =	sadd.s32 $0x10, s15;
	s19 =	simm.s32 $0xB710  }
0x12c: {  	[hbm4b:s12+s4] =	stream.linear.scatter [tilespmem:s19], [sflag:$0x5], $0x80, $0x38;
	[tilespmem:$0x13410] =	vst v63  }
0x12d: {  	s12 =	sadd.s32 $0x20, s15;
	s19 =	simm.s32 $0xB910  }
0x12e: {  	[hbm4b:s12+s4] =	stream.linear.scatter [tilespmem:s19], [sflag:$0x5], $0x80, $0x38;
	[tilespmem:$0x13410] =	vst v63  }
0x12f: {  	s12 =	sadd.s32 $0x30, s15;
	s19 =	simm.s32 $0xBB10  }
0x130: {  	[hbm4b:s12+s4] =	stream.linear.scatter [tilespmem:s19], [sflag:$0x5], $0x80, $0x38;
	[tilespmem:$0x13410] =	vst v63  }
0x131: {  	s12 =	sadd.s32 $0x40, s15;
	s19 =	simm.s32 $0xBD10  }
0x132: {  	[hbm4b:s12+s4] =	stream.linear.scatter [tilespmem:s19], [sflag:$0x5], $0x80, $0x38;
	[tilespmem:$0x13410] =	vst v63  }
0x133: {  	s12 =	sadd.s32 $0x50, s15;
	s19 =	simm.s32 $0xBF10  }
0x134: {  	[hbm4b:s12+s4] =	stream.linear.scatter [tilespmem:s19], [sflag:$0x5], $0x80, $0x38;
	[tilespmem:$0x13410] =	vst v63  }
0x135: {  	s12 =	sadd.s32 $0x60, s15;
	s19 =	simm.s32 $0xC110  }
0x136: {  	[hbm4b:s12+s4] =	stream.linear.scatter [tilespmem:s19], [sflag:$0x5], $0x80, $0x38;
	[tilespmem:$0x13410] =	vst v63  }
0x137: {  	s18 =	sor.u32 s10, s13;
	s15 =	sadd.s32 $0x70, s15;
	s19 =	simm.s32 $0xC310  }
0x138: {  	[hbm4b:s15+s4] =	stream.linear.scatter [tilespmem:s19], [sflag:$0x5], $0x80, $0x38;
	[tilespmem:$0x13410] =	vst v63  }
0x139: {  	s15 =	sshrl.u32 s18, $0x3  }
0x13a: {  	s19 =	simm.s32 $0xB590;
	s15 =	sadd.s32 s2, s15  }
0x13b: {  	[hbm4b:s15+s4] =	stream.linear.scatter [tilespmem:s19], [sflag:$0x5], $0x80, $0x38;
	[tilespmem:$0x13410] =	vst v63  }
0x13c: {  	s12 =	sadd.s32 $0x10, s15;
	s19 =	simm.s32 $0xB790  }
0x13d: {  	[hbm4b:s12+s4] =	stream.linear.scatter [tilespmem:s19], [sflag:$0x5], $0x80, $0x38;
	[tilespmem:$0x13410] =	vst v63  }
0x13e: {  	s12 =	sadd.s32 $0x20, s15;
	s19 =	simm.s32 $0xB990  }
0x13f: {  	[hbm4b:s12+s4] =	stream.linear.scatter [tilespmem:s19], [sflag:$0x5], $0x80, $0x38;
	[tilespmem:$0x13410] =	vst v63  }
0x140: {  	s12 =	sadd.s32 $0x30, s15;
	s19 =	simm.s32 $0xBB90  }
0x141: {  	[hbm4b:s12+s4] =	stream.linear.scatter [tilespmem:s19], [sflag:$0x5], $0x80, $0x38;
	[tilespmem:$0x13410] =	vst v63  }
0x142: {  	s12 =	sadd.s32 $0x40, s15;
	s19 =	simm.s32 $0xBD90  }
0x143: {  	[hbm4b:s12+s4] =	stream.linear.scatter [tilespmem:s19], [sflag:$0x5], $0x80, $0x38;
	[tilespmem:$0x13410] =	vst v63  }
0x144: {  	s12 =	sadd.s32 $0x50, s15;
	s19 =	simm.s32 $0xBF90  }
0x145: {  	[hbm4b:s12+s4] =	stream.linear.scatter [tilespmem:s19], [sflag:$0x5], $0x80, $0x38;
	[tilespmem:$0x13410] =	vst v63  }
0x146: {  	s12 =	sadd.s32 $0x60, s15;
	s19 =	simm.s32 $0xC190  }
0x147: {  	[hbm4b:s12+s4] =	stream.linear.scatter [tilespmem:s19], [sflag:$0x5], $0x80, $0x38;
	[tilespmem:$0x13410] =	vst v63  }
0x148: {  	s15 =	sadd.s32 $0x70, s15;
	s19 =	simm.s32 $0xC390  }
0x149: {  	[hbm4b:s15+s4] =	stream.linear.scatter [tilespmem:s19], [sflag:$0x5], $0x80, $0x38;
	[tilespmem:$0x13410] =	vst v63  }
0x14a: {  	s15 =	sor.u32 $0x20000, s13  }
0x14b: {  	s12 =	sor.u32 s6, s15  }
0x14c: {  	s18 =	sshrl.u32 s12, $0x3  }
0x14d: {  	s19 =	simm.s32 $0xC410;
	s18 =	sadd.s32 s2, s18  }
0x14e: {  	[hbm4b:s18+s4] =	stream.linear.scatter [tilespmem:s19], [sflag:$0x5], $0x80, $0x38;
	[tilespmem:$0x13410] =	vst v63  }
0x14f: {  	s12 =	simm.s32 $0xC610;
	s19 =	sadd.s32 $0x10, s18  }
0x150: {  	[hbm4b:s19+s4] =	stream.linear.scatter [tilespmem:s12], [sflag:$0x5], $0x80, $0x38;
	[tilespmem:$0x13410] =	vst v63  }
0x151: {  	s19 =	sadd.s32 $0x20, s18;
	s12 =	simm.s32 $0xC810  }
0x152: {  	[hbm4b:s19+s4] =	stream.linear.scatter [tilespmem:s12], [sflag:$0x5], $0x80, $0x38;
	[tilespmem:$0x13410] =	vst v63  }
0x153: {  	s19 =	sadd.s32 $0x30, s18;
	s12 =	simm.s32 $0xCA10  }
0x154: {  	[hbm4b:s19+s4] =	stream.linear.scatter [tilespmem:s12], [sflag:$0x5], $0x80, $0x38;
	[tilespmem:$0x13410] =	vst v63  }
0x155: {  	s19 =	sadd.s32 $0x40, s18;
	s12 =	simm.s32 $0xCC10  }
0x156: {  	[hbm4b:s19+s4] =	stream.linear.scatter [tilespmem:s12], [sflag:$0x5], $0x80, $0x38;
	[tilespmem:$0x13410] =	vst v63  }
0x157: {  	s19 =	sadd.s32 $0x50, s18;
	s12 =	simm.s32 $0xCE10  }
0x158: {  	[hbm4b:s19+s4] =	stream.linear.scatter [tilespmem:s12], [sflag:$0x5], $0x80, $0x38;
	[tilespmem:$0x13410] =	vst v63  }
0x159: {  	s19 =	sadd.s32 $0x60, s18;
	s12 =	simm.s32 $0xD010  }
0x15a: {  	[hbm4b:s19+s4] =	stream.linear.scatter [tilespmem:s12], [sflag:$0x5], $0x80, $0x38;
	[tilespmem:$0x13410] =	vst v63  }
0x15b: {  	s18 =	sadd.s32 $0x70, s18;
	s19 =	simm.s32 $0xD210;
	s12 =	sor.u32 s8, s15  }
0x15c: {  	[hbm4b:s18+s4] =	stream.linear.scatter [tilespmem:s19], [sflag:$0x5], $0x80, $0x38;
	[tilespmem:$0x13410] =	vst v63  }
0x15d: {  	s18 =	sshrl.u32 s12, $0x3  }
0x15e: {  	s19 =	simm.s32 $0xC490;
	s18 =	sadd.s32 s2, s18  }
0x15f: {  	[hbm4b:s18+s4] =	stream.linear.scatter [tilespmem:s19], [sflag:$0x5], $0x80, $0x38;
	[tilespmem:$0x13410] =	vst v63  }
0x160: {  	s12 =	simm.s32 $0xC690;
	s19 =	sadd.s32 $0x10, s18  }
0x161: {  	[hbm4b:s19+s4] =	stream.linear.scatter [tilespmem:s12], [sflag:$0x5], $0x80, $0x38;
	[tilespmem:$0x13410] =	vst v63  }
0x162: {  	s19 =	sadd.s32 $0x20, s18;
	s12 =	simm.s32 $0xC890  }
0x163: {  	[hbm4b:s19+s4] =	stream.linear.scatter [tilespmem:s12], [sflag:$0x5], $0x80, $0x38;
	[tilespmem:$0x13410] =	vst v63  }
0x164: {  	s19 =	sadd.s32 $0x30, s18;
	s12 =	simm.s32 $0xCA90  }
0x165: {  	[hbm4b:s19+s4] =	stream.linear.scatter [tilespmem:s12], [sflag:$0x5], $0x80, $0x38;
	[tilespmem:$0x13410] =	vst v63  }
0x166: {  	s19 =	sadd.s32 $0x40, s18;
	s12 =	simm.s32 $0xCC90  }
0x167: {  	[hbm4b:s19+s4] =	stream.linear.scatter [tilespmem:s12], [sflag:$0x5], $0x80, $0x38;
	[tilespmem:$0x13410] =	vst v63  }
0x168: {  	s19 =	sadd.s32 $0x50, s18;
	s12 =	simm.s32 $0xCE90  }
0x169: {  	[hbm4b:s19+s4] =	stream.linear.scatter [tilespmem:s12], [sflag:$0x5], $0x80, $0x38;
	[tilespmem:$0x13410] =	vst v63  }
0x16a: {  	s19 =	sadd.s32 $0x60, s18;
	s12 =	simm.s32 $0xD090  }
0x16b: {  	[hbm4b:s19+s4] =	stream.linear.scatter [tilespmem:s12], [sflag:$0x5], $0x80, $0x38;
	[tilespmem:$0x13410] =	vst v63  }
0x16c: {  	s18 =	sadd.s32 $0x70, s18;
	s19 =	simm.s32 $0xD290;
	s12 =	sor.u32 s9, s15  }
0x16d: {  	[hbm4b:s18+s4] =	stream.linear.scatter [tilespmem:s19], [sflag:$0x5], $0x80, $0x38;
	[tilespmem:$0x13410] =	vst v63  }
0x16e: {  	s18 =	sshrl.u32 s12, $0x3  }
0x16f: {  	s19 =	simm.s32 $0xC510;
	s18 =	sadd.s32 s2, s18  }
0x170: {  	[hbm4b:s18+s4] =	stream.linear.scatter [tilespmem:s19], [sflag:$0x5], $0x80, $0x38;
	[tilespmem:$0x13410] =	vst v63  }
0x171: {  	s12 =	simm.s32 $0xC710;
	s19 =	sadd.s32 $0x10, s18  }
0x172: {  	[hbm4b:s19+s4] =	stream.linear.scatter [tilespmem:s12], [sflag:$0x5], $0x80, $0x38;
	[tilespmem:$0x13410] =	vst v63  }
0x173: {  	s19 =	sadd.s32 $0x20, s18;
	s12 =	simm.s32 $0xC910  }
0x174: {  	[hbm4b:s19+s4] =	stream.linear.scatter [tilespmem:s12], [sflag:$0x5], $0x80, $0x38;
	[tilespmem:$0x13410] =	vst v63  }
0x175: {  	s19 =	sadd.s32 $0x30, s18;
	s12 =	simm.s32 $0xCB10  }
0x176: {  	[hbm4b:s19+s4] =	stream.linear.scatter [tilespmem:s12], [sflag:$0x5], $0x80, $0x38;
	[tilespmem:$0x13410] =	vst v63  }
0x177: {  	s19 =	sadd.s32 $0x40, s18;
	s12 =	simm.s32 $0xCD10  }
0x178: {  	[hbm4b:s19+s4] =	stream.linear.scatter [tilespmem:s12], [sflag:$0x5], $0x80, $0x38;
	[tilespmem:$0x13410] =	vst v63  }
0x179: {  	s19 =	sadd.s32 $0x50, s18;
	s12 =	simm.s32 $0xCF10  }
0x17a: {  	[hbm4b:s19+s4] =	stream.linear.scatter [tilespmem:s12], [sflag:$0x5], $0x80, $0x38;
	[tilespmem:$0x13410] =	vst v63  }
0x17b: {  	s15 =	sor.u32 s10, s15;
	s19 =	sadd.s32 $0x60, s18;
	s12 =	simm.s32 $0xD110  }
0x17c: {  	[hbm4b:s19+s4] =	stream.linear.scatter [tilespmem:s12], [sflag:$0x5], $0x80, $0x38;
	[tilespmem:$0x13410] =	vst v63  }
0x17d: {  	s15 =	sshrl.u32 s15, $0x3;
	s18 =	sadd.s32 $0x70, s18;
	s19 =	simm.s32 $0xD310  }
0x17e: {  	[hbm4b:s18+s4] =	stream.linear.scatter [tilespmem:s19], [sflag:$0x5], $0x80, $0x38;
	[tilespmem:$0x13410] =	vst v63  }
0x17f: {  	s15 =	sadd.s32 s2, s15;
	s19 =	simm.s32 $0xC590  }
0x180: {  	[hbm4b:s15+s4] =	stream.linear.scatter [tilespmem:s19], [sflag:$0x5], $0x80, $0x38;
	[tilespmem:$0x13410] =	vst v63  }
0x181: {  	s12 =	sadd.s32 $0x10, s15;
	s19 =	simm.s32 $0xC790  }
0x182: {  	[hbm4b:s12+s4] =	stream.linear.scatter [tilespmem:s19], [sflag:$0x5], $0x80, $0x38;
	[tilespmem:$0x13410] =	vst v63  }
0x183: {  	s12 =	sadd.s32 $0x20, s15;
	s19 =	simm.s32 $0xC990  }
0x184: {  	[hbm4b:s12+s4] =	stream.linear.scatter [tilespmem:s19], [sflag:$0x5], $0x80, $0x38;
	[tilespmem:$0x13410] =	vst v63  }
0x185: {  	s12 =	sadd.s32 $0x30, s15;
	s19 =	simm.s32 $0xCB90  }
0x186: {  	[hbm4b:s12+s4] =	stream.linear.scatter [tilespmem:s19], [sflag:$0x5], $0x80, $0x38;
	[tilespmem:$0x13410] =	vst v63  }
0x187: {  	s12 =	sadd.s32 $0x40, s15;
	s19 =	simm.s32 $0xCD90  }
0x188: {  	[hbm4b:s12+s4] =	stream.linear.scatter [tilespmem:s19], [sflag:$0x5], $0x80, $0x38;
	[tilespmem:$0x13410] =	vst v63  }
0x189: {  	s12 =	sadd.s32 $0x50, s15;
	s19 =	simm.s32 $0xCF90  }
0x18a: {  	[hbm4b:s12+s4] =	stream.linear.scatter [tilespmem:s19], [sflag:$0x5], $0x80, $0x38;
	[tilespmem:$0x13410] =	vst v63  }
0x18b: {  	s12 =	sadd.s32 $0x60, s15;
	s19 =	simm.s32 $0xD190  }
0x18c: {  	[hbm4b:s12+s4] =	stream.linear.scatter [tilespmem:s19], [sflag:$0x5], $0x80, $0x38;
	[tilespmem:$0x13410] =	vst v63  }
0x18d: {  	s18 =	simm.s32 $0xD390;
	s15 =	sadd.s32 $0x70, s15  }
0x18e: {  	[hbm4b:s15+s4] =	stream.linear.scatter [tilespmem:s18], [sflag:$0x5], $0x80, $0x38;
	[tilespmem:$0x13410] =	vst v63  }
0x18f: {  	_ =	swait.ge [sflag:s1], $0x800  }
0x190: {  	[sflag:s1] =	ssyncset.done $0x0  }
0x191: {  	[sflag:s1] =	ssyncadd.s32 $0xFFFFF800  }
0x192: {  	_ =	swait.ge [sflag:s1], $0x800  }
0x193: {  	[sflag:s1] =	ssyncset.done $0x0  }
0x194: {  	[sflag:s1] =	ssyncadd.s32 $0xFFFFF800  }
0x195: {  	_ =	swait.ge [sflag:s1], $0x800  }
0x196: {  	[sflag:s1] =	ssyncset.done $0x0  }
0x197: {  	p2 =	seq.s32 s29, $0x6;
	[sflag:s1] =	ssyncadd.s32 $0xFFFFF800  }
0x198: {  	s15 =	sshll.u32 @!p2 s29, $0xB;
	_ =	swait.ge [sflag:s1], $0x800  }
0x199: {  	s19 =	simm.s32 @!p2 $0x80;
	s15 =	sand.u32 @!p2 $0x3FFFF800, s15;
	[sflag:s1] =	ssyncset.done $0x0  }
0x19a: {  	s12 =	simm.s32 @!p2 $0x3410;
	s18 =	sadd.s32 @!p2 $0x800, s15;
	[sflag:s1] =	ssyncadd.s32 $0xFFFFF800  }
0x19b: {  	[tilespmem:s12], [sflag:$0x1] =	stream.indirect.gather @!p2 [hbm4b:s5+s19], $0x10, s18, s19, $0xb8;
	[tilespmem:$0x13410] =	vst v63  }
0x19c: {  	s12 =	sadd.s32 @!p2 $0x880, s15;
	s18 =	simm.s32 @!p2 $0x3C10  }
0x19d: {  	[tilespmem:s18], [sflag:$0x1] =	stream.indirect.gather @!p2 [hbm4b:s5+s19], $0x10, s12, s19, $0xb8;
	[tilespmem:$0x13410] =	vst v63  }
0x19e: {  	s12 =	sadd.s32 @!p2 $0x900, s15;
	s18 =	simm.s32 @!p2 $0x4410  }
0x19f: {  	[tilespmem:s18], [sflag:$0x1] =	stream.indirect.gather @!p2 [hbm4b:s5+s19], $0x10, s12, s19, $0xb8;
	[tilespmem:$0x13410] =	vst v63  }
0x1a0: {  	p3 =	seq.s32 @!p2 s29, $0x0;
	s12 =	sadd.s32 @!p2 $0x980, s15;
	s15 =	simm.s32 @!p2 $0x4C10  }
0x1a1: {  	[tilespmem:s15], [sflag:$0x1] =	stream.indirect.gather @!p2 [hbm4b:s5+s19], $0x10, s12, s19, $0xb8;
	[tilespmem:$0x13410] =	vst v63  }
0x1a2: {  	p2 =	por p2, !p3  }
0x1a3: {  	_ =	swait.ge @p2 [sflag:s26], $0x400  }
0x1a4: {  	[sflag:s26] =	ssyncset.done @p2 $0x0  }
0x1a5: {  	[sflag:s26] =	ssyncadd.s32 @p2 $0xFFFFFC00  }
0x1a6: {  	_ =	swait.ge @p2 [sflag:s26], $0x400  }
0x1a7: {  	[sflag:s26] =	ssyncset.done @p2 $0x0  }
0x1a8: {  	[sflag:s26] =	ssyncadd.s32 @p2 $0xFFFFFC00  }
0x1a9: {  	_ =	swait.ge @p2 [sflag:s26], $0x400  }
0x1aa: {  	[sflag:s26] =	ssyncset.done @p2 $0x0  }
0x1ab: {  	[sflag:s26] =	ssyncadd.s32 @p2 $0xFFFFFC00  }
0x1ac: {  	_ =	swait.ge @p2 [sflag:s26], $0x400  }
0x1ad: {  	[sflag:s26] =	ssyncset.done @p2 $0x0  }
0x1ae: {  	[sflag:s26] =	ssyncadd.s32 @p2 $0xFFFFFC00  }
0x1af: {  	_ =	swait.ge @p2 [sflag:s26], $0x400  }
0x1b0: {  	[sflag:s26] =	ssyncset.done @p2 $0x0  }
0x1b1: {  	[sflag:s26] =	ssyncadd.s32 @p2 $0xFFFFFC00  }
0x1b2: {  	_ =	swait.ge @p2 [sflag:s26], $0x400  }
0x1b3: {  	s19 =	simm.s32 $0x0;
	[sflag:s26] =	ssyncset.done @p2 $0x0  }
0x1b4: {  	v2 =	vmov s19;
	[sflag:s26] =	ssyncadd.s32 @p2 $0xFFFFFC00  }
0x1b5: {  	v2 =	vshll.u32 v2, $0x4;
	_ =	swait.ge @p2 [sflag:s26], $0x400  }
0x1b6: {  	v2 =	vor.u32 v0, v2;
	[sflag:s26] =	ssyncset.done @p2 $0x0  }
0x1b7: {  	v3 =	vor.u32 $0xF, v2;
	[sflag:s26] =	ssyncadd.s32 @p2 $0xFFFFFC00  }
0x1b8: {  	v4 =	vor.u32 $0x1, v2;
	_ =	swait.ge @p2 [sflag:s26], $0x400  }
0x1b9: {  	v5 =	vor.u32 $0x2, v2;
	[sflag:s26] =	ssyncset.done @p2 $0x0  }
0x1ba: {  	v6 =	vor.u32 $0x3, v2;
	[sflag:s26] =	ssyncadd.s32 @p2 $0xFFFFFC00  }
0x1bb: {  	v7 =	vor.u32 $0x4, v2;
	v8 =	vld.idx.msk [tilespmem:v2+s23+$0x0], $0xffff  }
0x1bc: {  	v9 =	vor.u32 $0x5, v2;
	v3 =	vld.idx.msk [tilespmem:v3+s23+$0x0], $0xffff  }
0x1bd: {  	v10 =	vor.u32 $0x6, v2;
	v4 =	vld.idx.msk [tilespmem:v4+s23+$0x0], $0xffff  }
0x1be: {  	v11 =	vor.u32 $0x7, v2;
	v5 =	vld.idx.msk [tilespmem:v5+s23+$0x0], $0xffff  }
0x1bf: {  	v13 =	vor.u32 $0x9, v2;
	v6 =	vld.idx.msk [tilespmem:v6+s23+$0x0], $0xffff  }
0x1c0: {  	v12 =	vor.u32 $0x8, v2;
	v7 =	vld.idx.msk [tilespmem:v7+s23+$0x0], $0xffff  }
0x1c1: {  	s18 =	simm.s32 $0x10;
	v14 =	vor.u32 $0xA, v2;
	v15 =	vld.idx.msk [tilespmem:v9+s23+$0x0], $0xffff  }
0x1c2: {  	v18 =	vmov s18;
	v16 =	vor.u32 $0xC, v2;
	v10 =	vld.idx.msk [tilespmem:v10+s23+$0x0], $0xffff  }
0x1c3: {  	v18 =	vshll.u32 v18, $0x4;
	v17 =	vor.u32 $0xD, v2;
	v11 =	vld.idx.msk [tilespmem:v11+s23+$0x0], $0xffff  }
0x1c4: {  	v22 =	vor.u32 v0, v18;
	v13 =	vld.idx.msk [tilespmem:v13+s23+$0x0], $0xffff  }
0x1c5: {  	v18 =	vor.u32 $0xF, v22;
	v12 =	vld.idx.msk [tilespmem:v12+s23+$0x0], $0xffff  }
0x1c6: {  	v9 =	vor.u32 $0xB, v2;
	v14 =	vld.idx.msk [tilespmem:v14+s23+$0x0], $0xffff;
	v3 =	vmul.f32 v3, v1  }
0x1c7: {  	s15 =	simm.s32 $0xE410;
	v2 =	vor.u32 $0xE, v2;
	v23 =	vld.idx.msk [tilespmem:v16+s23+$0x0], $0xffff;
	v4 =	vmul.f32 v4, v1  }
0x1c8: {  	v19 =	vor.u32 $0x3, v22;
	v24 =	vld.idx.msk [tilespmem:v17+s23+$0x0], $0xffff;
	v5 =	vmul.f32 v5, v1;
	[tilespmem:s15+$0xE00] =	vst v3  }
0x1c9: {  	v27 =	vld.idx.msk [tilespmem:v22+s23+$0x0], $0xffff;
	v30 =	vmul.f32 v13, v1;
	v3 =	vor.u32 $0x1, v22;
	[tilespmem:s15+$0xFFFFF200] =	vst v4  }
0x1ca: {  	v16 =	vor.u32 $0x2, v22;
	v29 =	vld.idx.msk [tilespmem:v18+s23+$0x0], $0xffff;
	v4 =	vmul.f32 v6, v1;
	[tilespmem:s15+$0xFFFFF400] =	vst v5  }
0x1cb: {  	v25 =	vor.u32 $0x4, v22;
	v26 =	vor.u32 $0x5, v22;
	v20 =	vld.idx.msk [tilespmem:v9+s23+$0x0], $0xffff;
	v5 =	vmul.f32 v7, v1;
	[tilespmem:s15+$0x200] =	vst v30  }
0x1cc: {  	v28 =	vor.u32 $0x6, v22;
	v2 =	vld.idx.msk [tilespmem:v2+s23+$0x0], $0xffff;
	v21 =	vmul.f32 v14, v1;
	v6 =	vmul.f32 v8, v1;
	[tilespmem:s15+$0xFFFFF600] =	vst v4  }
0x1cd: {  	v19 =	vld.idx.msk [tilespmem:v19+s23+$0x0], $0xffff;
	v9 =	vor.u32 $0x7, v22;
	v13 =	vmul.f32 v24, v1;
	[tilespmem:s15+$0xFFFFF800] =	vst v5;
	v4 =	vmul.f32 v15, v1  }
0x1ce: {  	v8 =	vor.u32 $0x8, v22;
	v7 =	vor.u32 $0x9, v22;
	v5 =	vmul.f32 v10, v1;
	[tilespmem:s15+$0xFFFFF000] =	vst v6;
	v17 =	vld.idx.msk [tilespmem:v3+s23+$0x0], $0xffff  }
0x1cf: {  	v18 =	vld.idx.msk [tilespmem:v16+s23+$0x0], $0xffff;
	v6 =	vor.u32 $0xA, v22;
	v10 =	vmul.f32 v12, v1;
	v12 =	vmul.f32 v23, v1;
	[tilespmem:s15+$0xFFFFFA00] =	vst v4  }
0x1d0: {  	v14 =	vld.idx.msk [tilespmem:v26+s23+$0x0], $0xffff;
	v16 =	vmul.f32 v20, v1;
	v4 =	vor.u32 $0xB, v22;
	[tilespmem:s15+$0xFFFFFC00] =	vst v5;
	v3 =	vmul.f32 v11, v1  }
0x1d1: {  	v20 =	vld.idx.msk [tilespmem:v25+s23+$0x0], $0xffff;
	v5 =	vor.u32 $0xC, v22;
	[tilespmem:s15+$0x0] =	vst v10;
	v10 =	vmul.f32 v27, v1;
	v11 =	vmul.f32 v2, v1  }
0x1d2: {  	s19 =	simm.s32 $0xE410;
	v15 =	vld.idx.msk [tilespmem:v28+s23+$0x0], $0xffff;
	v2 =	vor.u32 $0xE, v22;
	[tilespmem:s15+$0xFFFFFE00] =	vst v3;
	v3 =	vor.u32 $0xD, v22;
	v22 =	vmul.f32 v29, v1  }
.LBB2_5:
0x1d3: {  	s18 =	sadd.s32 $0x10, s18;
	v17 =	vmul.f32 v17, v1;
	v23 =	vld.idx.msk [tilespmem:v9+s23+$0x0], $0xffff;
	[tilespmem:s15+$0x400] =	vst v21;
	s19 =	sadd.s32 $0x10, s19  }
0x1d4: {  	v18 =	vmul.f32 v18, v1;
	v9 =	vmov s18;
	p2 =	slt.u32 s18, $0x1F0;
	v21 =	vld.idx.msk [tilespmem:v8+s23+$0x0], $0xffff;
	[tilespmem:s19+$0xE00] =	vst v22  }
0x1d5: {  	v8 =	vshll.u32 v9, $0x4;
	[tilespmem:s19+$0xFFFFF200] =	vst v17;
	v9 =	vmul.f32 v19, v1;
	v19 =	vld.idx.msk [tilespmem:v7+s23+$0x0], $0xffff  }
0x1d6: {  	v7 =	vmul.f32 v20, v1;
	v17 =	vor.u32 v0, v8;
	[tilespmem:s19+$0xFFFFF400] =	vst v18;
	v20 =	vld.idx.msk [tilespmem:v6+s23+$0x0], $0xffff  }
0x1d7: {  	v18 =	vor.u32 $0x1, v17;
	v22 =	vor.u32 $0x2, v17;
	v24 =	vor.u32 $0xF, v17;
	[tilespmem:s19+$0xFFFFF600] =	vst v9;
	v25 =	vld.idx.msk [tilespmem:v4+s23+$0x0], $0xffff  }
0x1d8: {  	v26 =	vor.u32 $0x3, v17;
	v27 =	vor.u32 $0x4, v17;
	v28 =	vor.u32 $0x5, v17;
	[tilespmem:s19+$0xFFFFF800] =	vst v7;
	v29 =	vld.idx.msk [tilespmem:v5+s23+$0x0], $0xffff  }
0x1d9: {  	v30 =	vor.u32 $0x6, v17;
	v9 =	vor.u32 $0x7, v17;
	v8 =	vor.u32 $0x8, v17;
	v31 =	vld.idx.msk [tilespmem:v3+s23+$0x0], $0xffff;
	[tilespmem:s15+$0x600] =	vst v16  }
0x1da: {  	v6 =	vor.u32 $0xA, v17;
	v4 =	vor.u32 $0xB, v17;
	v7 =	vor.u32 $0x9, v17;
	v32 =	vld.idx.msk [tilespmem:v2+s23+$0x0], $0xffff;
	[tilespmem:s15+$0x800] =	vst v12  }
0x1db: {  	v5 =	vor.u32 $0xC, v17;
	v3 =	vor.u32 $0xD, v17;
	v2 =	vor.u32 $0xE, v17;
	v33 =	vld.idx.msk [tilespmem:v17+s23+$0x0], $0xffff;
	[tilespmem:s15+$0xA00] =	vst v13  }
0x1dc: {  	v12 =	vmul.f32 v14, v1;
	v13 =	vmul.f32 v15, v1;
	v24 =	vld.idx.msk [tilespmem:v24+s23+$0x0], $0xffff;
	[tilespmem:s15+$0xC00] =	vst v11;
	s15 =	smov.u32 s19  }
0x1dd: {  	v15 =	vmul.f32 v21, v1;
	v17 =	vld.idx.msk [tilespmem:v18+s23+$0x0], $0xffff;
	[tilespmem:s19+$0xFFFFF000] =	vst v10;
	v10 =	vmul.f32 v23, v1  }
.Ltmp5:
0x1de: {  	v21 =	vmul.f32 v20, v1;
	v23 =	vmul.f32 v19, v1;
	v18 =	vld.idx.msk [tilespmem:v22+s23+$0x0], $0xffff;
	[tilespmem:s19+$0xFFFFFA00] =	vst v12;
	(pc) =	sbr.rel @p2 .LBB2_5-.Ltmp5, $4  }
0x1df: {  	v16 =	vmul.f32 v25, v1;
	v12 =	vmul.f32 v29, v1;
	v19 =	vld.idx.msk [tilespmem:v26+s23+$0x0], $0xffff;
	[tilespmem:s19+$0xFFFFFC00] =	vst v13  }
0x1e0: {  	v13 =	vmul.f32 v31, v1;
	v11 =	vmul.f32 v32, v1;
	v20 =	vld.idx.msk [tilespmem:v27+s23+$0x0], $0xffff;
	[tilespmem:s19+$0xFFFFFE00] =	vst v10  }
0x1e1: {  	v10 =	vmul.f32 v33, v1;
	v14 =	vld.idx.msk [tilespmem:v28+s23+$0x0], $0xffff;
	[tilespmem:s19+$0x0] =	vst v15  }
0x1e2: {  	v22 =	vmul.f32 v24, v1;
	v15 =	vld.idx.msk [tilespmem:v30+s23+$0x0], $0xffff;
	[tilespmem:s19+$0x200] =	vst v23  }
0x1e3: {  	[tilespmem:s15+$0x400] =	vst v21  }
0x1e4: {  	[tilespmem:s15+$0x600] =	vst v16  }
0x1e5: {  	[tilespmem:s15+$0x800] =	vst v12  }
0x1e6: {  	[tilespmem:s15+$0xA00] =	vst v13  }
0x1e7: {  	s12 =	sadd.s32 $0x10, s19;
	[tilespmem:s15+$0xC00] =	vst v11  }
0x1e8: {  	v17 =	vmul.f32 v17, v1;
	[tilespmem:s12+$0xE00] =	vst v22  }
0x1e9: {  	v18 =	vmul.f32 v18, v1;
	v9 =	vld.idx.msk [tilespmem:v9+s23+$0x0], $0xffff;
	[tilespmem:s12+$0xFFFFF000] =	vst v10  }
0x1ea: {  	v8 =	vld.idx.msk [tilespmem:v8+s23+$0x0], $0xffff;
	v60 =	vmul.f32 v19, v1;
	[tilespmem:s12+$0xFFFFF200] =	vst v17  }
0x1eb: {  	v7 =	vld.idx.msk [tilespmem:v7+s23+$0x0], $0xffff;
	[tilespmem:s12+$0xFFFFF400] =	vst v18;
	v61 =	vmul.f32 v20, v1  }
0x1ec: {  	v6 =	vld.idx.msk [tilespmem:v6+s23+$0x0], $0xffff;
	[tilespmem:s12+$0xFFFFF600] =	vst v60;
	v62 =	vmul.f32 v14, v1  }
0x1ed: {  	v4 =	vld.idx.msk [tilespmem:v4+s23+$0x0], $0xffff;
	[tilespmem:s12+$0xFFFFF800] =	vst v61;
	v63 =	vmul.f32 v15, v1  }
0x1ee: {  	v5 =	vld.idx.msk [tilespmem:v5+s23+$0x0], $0xffff;
	v9 =	vmul.f32 v9, v1;
	[tilespmem:s12+$0xFFFFFA00] =	vst v62  }
0x1ef: {  	v3 =	vld.idx.msk [tilespmem:v3+s23+$0x0], $0xffff;
	v8 =	vmul.f32 v8, v1;
	[tilespmem:s12+$0xFFFFFC00] =	vst v63  }
0x1f0: {  	v2 =	vld.idx.msk [tilespmem:v2+s23+$0x0], $0xffff;
	v7 =	vmul.f32 v7, v1;
	[tilespmem:s12+$0xFFFFFE00] =	vst v9  }
0x1f1: {  	v6 =	vmul.f32 v6, v1;
	[tilespmem:s12+$0x0] =	vst v8  }
0x1f2: {  	v4 =	vmul.f32 v4, v1;
	[tilespmem:s12+$0x200] =	vst v7  }
0x1f3: {  	v5 =	vmul.f32 v5, v1;
	[tilespmem:s12+$0x400] =	vst v6  }
0x1f4: {  	s15 =	sor.u32 $0x40000, s13;
	v3 =	vmul.f32 v3, v1;
	[tilespmem:s12+$0x600] =	vst v4  }
0x1f5: {  	s18 =	sor.u32 s6, s15;
	v2 =	vmul.f32 v2, v1;
	[tilespmem:s12+$0x800] =	vst v5  }
0x1f6: {  	s18 =	sshrl.u32 s18, $0x3;
	[tilespmem:s12+$0xA00] =	vst v3  }
0x1f7: {  	s19 =	simm.s32 $0xD410;
	[tilespmem:s12+$0xC00] =	vst v2;
	s12 =	sadd.s32 s2, s18  }
0x1f8: {  	[hbm4b:s12+s4] =	stream.linear.scatter [tilespmem:s19], [sflag:$0x6], $0x80, $0x38;
	[tilespmem:$0x13410] =	vst v63  }
0x1f9: {  	s18 =	sadd.s32 $0x10, s12;
	s19 =	simm.s32 $0xD610  }
0x1fa: {  	[hbm4b:s18+s4] =	stream.linear.scatter [tilespmem:s19], [sflag:$0x6], $0x80, $0x38;
	[tilespmem:$0x13410] =	vst v63  }
0x1fb: {  	s18 =	sadd.s32 $0x20, s12;
	s19 =	simm.s32 $0xD810  }
0x1fc: {  	[hbm4b:s18+s4] =	stream.linear.scatter [tilespmem:s19], [sflag:$0x6], $0x80, $0x38;
	[tilespmem:$0x13410] =	vst v63  }
0x1fd: {  	s18 =	sadd.s32 $0x30, s12;
	s19 =	simm.s32 $0xDA10  }
0x1fe: {  	[hbm4b:s18+s4] =	stream.linear.scatter [tilespmem:s19], [sflag:$0x6], $0x80, $0x38;
	[tilespmem:$0x13410] =	vst v63  }
0x1ff: {  	s18 =	sadd.s32 $0x40, s12;
	s19 =	simm.s32 $0xDC10  }
0x200: {  	[hbm4b:s18+s4] =	stream.linear.scatter [tilespmem:s19], [sflag:$0x6], $0x80, $0x38;
	[tilespmem:$0x13410] =	vst v63  }
0x201: {  	s18 =	sadd.s32 $0x50, s12;
	s19 =	simm.s32 $0xDE10  }
0x202: {  	[hbm4b:s18+s4] =	stream.linear.scatter [tilespmem:s19], [sflag:$0x6], $0x80, $0x38;
	[tilespmem:$0x13410] =	vst v63  }
0x203: {  	s18 =	sadd.s32 $0x60, s12;
	s19 =	simm.s32 $0xE010  }
0x204: {  	[hbm4b:s18+s4] =	stream.linear.scatter [tilespmem:s19], [sflag:$0x6], $0x80, $0x38;
	[tilespmem:$0x13410] =	vst v63  }
0x205: {  	s12 =	sadd.s32 $0x70, s12;
	s19 =	simm.s32 $0xE210;
	s18 =	sor.u32 s8, s15  }
0x206: {  	[hbm4b:s12+s4] =	stream.linear.scatter [tilespmem:s19], [sflag:$0x6], $0x80, $0x38;
	[tilespmem:$0x13410] =	vst v63  }
0x207: {  	s12 =	sshrl.u32 s18, $0x3  }
0x208: {  	s19 =	simm.s32 $0xD490;
	s12 =	sadd.s32 s2, s12  }
0x209: {  	[hbm4b:s12+s4] =	stream.linear.scatter [tilespmem:s19], [sflag:$0x6], $0x80, $0x38;
	[tilespmem:$0x13410] =	vst v63  }
0x20a: {  	s18 =	sadd.s32 $0x10, s12;
	s19 =	simm.s32 $0xD690  }
0x20b: {  	[hbm4b:s18+s4] =	stream.linear.scatter [tilespmem:s19], [sflag:$0x6], $0x80, $0x38;
	[tilespmem:$0x13410] =	vst v63  }
0x20c: {  	s18 =	sadd.s32 $0x20, s12;
	s19 =	simm.s32 $0xD890  }
0x20d: {  	[hbm4b:s18+s4] =	stream.linear.scatter [tilespmem:s19], [sflag:$0x6], $0x80, $0x38;
	[tilespmem:$0x13410] =	vst v63  }
0x20e: {  	s18 =	sadd.s32 $0x30, s12;
	s19 =	simm.s32 $0xDA90  }
0x20f: {  	[hbm4b:s18+s4] =	stream.linear.scatter [tilespmem:s19], [sflag:$0x6], $0x80, $0x38;
	[tilespmem:$0x13410] =	vst v63  }
0x210: {  	s18 =	sadd.s32 $0x40, s12;
	s19 =	simm.s32 $0xDC90  }
0x211: {  	[hbm4b:s18+s4] =	stream.linear.scatter [tilespmem:s19], [sflag:$0x6], $0x80, $0x38;
	[tilespmem:$0x13410] =	vst v63  }
0x212: {  	s18 =	sadd.s32 $0x50, s12;
	s19 =	simm.s32 $0xDE90  }
0x213: {  	[hbm4b:s18+s4] =	stream.linear.scatter [tilespmem:s19], [sflag:$0x6], $0x80, $0x38;
	[tilespmem:$0x13410] =	vst v63  }
0x214: {  	s18 =	sadd.s32 $0x60, s12;
	s19 =	simm.s32 $0xE090  }
0x215: {  	[hbm4b:s18+s4] =	stream.linear.scatter [tilespmem:s19], [sflag:$0x6], $0x80, $0x38;
	[tilespmem:$0x13410] =	vst v63  }
0x216: {  	s12 =	sadd.s32 $0x70, s12;
	s19 =	simm.s32 $0xE290;
	s18 =	sor.u32 s9, s15  }
0x217: {  	[hbm4b:s12+s4] =	stream.linear.scatter [tilespmem:s19], [sflag:$0x6], $0x80, $0x38;
	[tilespmem:$0x13410] =	vst v63  }
0x218: {  	s12 =	sshrl.u32 s18, $0x3  }
0x219: {  	s19 =	simm.s32 $0xD510;
	s12 =	sadd.s32 s2, s12  }
0x21a: {  	[hbm4b:s12+s4] =	stream.linear.scatter [tilespmem:s19], [sflag:$0x6], $0x80, $0x38;
	[tilespmem:$0x13410] =	vst v63  }
0x21b: {  	s18 =	sadd.s32 $0x10, s12;
	s19 =	simm.s32 $0xD710  }
0x21c: {  	[hbm4b:s18+s4] =	stream.linear.scatter [tilespmem:s19], [sflag:$0x6], $0x80, $0x38;
	[tilespmem:$0x13410] =	vst v63  }
0x21d: {  	s18 =	sadd.s32 $0x20, s12;
	s19 =	simm.s32 $0xD910  }
0x21e: {  	[hbm4b:s18+s4] =	stream.linear.scatter [tilespmem:s19], [sflag:$0x6], $0x80, $0x38;
	[tilespmem:$0x13410] =	vst v63  }
0x21f: {  	s18 =	sadd.s32 $0x30, s12;
	s19 =	simm.s32 $0xDB10  }
0x220: {  	[hbm4b:s18+s4] =	stream.linear.scatter [tilespmem:s19], [sflag:$0x6], $0x80, $0x38;
	[tilespmem:$0x13410] =	vst v63  }
0x221: {  	s18 =	sadd.s32 $0x40, s12;
	s19 =	simm.s32 $0xDD10  }
0x222: {  	[hbm4b:s18+s4] =	stream.linear.scatter [tilespmem:s19], [sflag:$0x6], $0x80, $0x38;
	[tilespmem:$0x13410] =	vst v63  }
0x223: {  	s18 =	sadd.s32 $0x50, s12;
	s19 =	simm.s32 $0xDF10  }
0x224: {  	[hbm4b:s18+s4] =	stream.linear.scatter [tilespmem:s19], [sflag:$0x6], $0x80, $0x38;
	[tilespmem:$0x13410] =	vst v63  }
0x225: {  	s18 =	sadd.s32 $0x60, s12;
	s19 =	simm.s32 $0xE110  }
0x226: {  	[hbm4b:s18+s4] =	stream.linear.scatter [tilespmem:s19], [sflag:$0x6], $0x80, $0x38;
	[tilespmem:$0x13410] =	vst v63  }
0x227: {  	s12 =	sadd.s32 $0x70, s12;
	s19 =	simm.s32 $0xE310;
	s18 =	sor.u32 s10, s15  }
0x228: {  	[hbm4b:s12+s4] =	stream.linear.scatter [tilespmem:s19], [sflag:$0x6], $0x80, $0x38;
	[tilespmem:$0x13410] =	vst v63  }
0x229: {  	s12 =	sshrl.u32 s18, $0x3  }
0x22a: {  	s19 =	simm.s32 $0xD590;
	s12 =	sadd.s32 s2, s12  }
0x22b: {  	[hbm4b:s12+s4] =	stream.linear.scatter [tilespmem:s19], [sflag:$0x6], $0x80, $0x38;
	[tilespmem:$0x13410] =	vst v63  }
0x22c: {  	s18 =	sadd.s32 $0x10, s12;
	s19 =	simm.s32 $0xD790  }
0x22d: {  	[hbm4b:s18+s4] =	stream.linear.scatter [tilespmem:s19], [sflag:$0x6], $0x80, $0x38;
	[tilespmem:$0x13410] =	vst v63  }
0x22e: {  	s18 =	sadd.s32 $0x20, s12;
	s19 =	simm.s32 $0xD990  }
0x22f: {  	[hbm4b:s18+s4] =	stream.linear.scatter [tilespmem:s19], [sflag:$0x6], $0x80, $0x38;
	[tilespmem:$0x13410] =	vst v63  }
0x230: {  	s18 =	sadd.s32 $0x30, s12;
	s19 =	simm.s32 $0xDB90  }
0x231: {  	[hbm4b:s18+s4] =	stream.linear.scatter [tilespmem:s19], [sflag:$0x6], $0x80, $0x38;
	[tilespmem:$0x13410] =	vst v63  }
0x232: {  	s18 =	sadd.s32 $0x40, s12;
	s19 =	simm.s32 $0xDD90  }
0x233: {  	[hbm4b:s18+s4] =	stream.linear.scatter [tilespmem:s19], [sflag:$0x6], $0x80, $0x38;
	[tilespmem:$0x13410] =	vst v63  }
0x234: {  	s18 =	sadd.s32 $0x50, s12;
	s19 =	simm.s32 $0xDF90  }
0x235: {  	[hbm4b:s18+s4] =	stream.linear.scatter [tilespmem:s19], [sflag:$0x6], $0x80, $0x38;
	[tilespmem:$0x13410] =	vst v63  }
0x236: {  	s18 =	sadd.s32 $0x60, s12;
	s19 =	simm.s32 $0xE190  }
0x237: {  	[hbm4b:s18+s4] =	stream.linear.scatter [tilespmem:s19], [sflag:$0x6], $0x80, $0x38;
	[tilespmem:$0x13410] =	vst v63  }
0x238: {  	s12 =	sadd.s32 $0x70, s12;
	s18 =	simm.s32 $0xE390  }
0x239: {  	[hbm4b:s12+s4] =	stream.linear.scatter [tilespmem:s18], [sflag:$0x6], $0x80, $0x38;
	[tilespmem:$0x13410] =	vst v63  }
0x23a: {  	s12 =	sor.u32 $0x60000, s13  }
0x23b: {  	s13 =	sor.u32 s6, s12  }
0x23c: {  	s13 =	sshrl.u32 s13, $0x3  }
0x23d: {  	s19 =	simm.s32 $0xE410;
	s13 =	sadd.s32 s2, s13  }
0x23e: {  	[hbm4b:s13+s4] =	stream.linear.scatter [tilespmem:s19], [sflag:$0x6], $0x80, $0x38;
	[tilespmem:$0x13410] =	vst v63  }
0x23f: {  	s18 =	sadd.s32 $0x10, s13;
	s19 =	simm.s32 $0xE610  }
0x240: {  	[hbm4b:s18+s4] =	stream.linear.scatter [tilespmem:s19], [sflag:$0x6], $0x80, $0x38;
	[tilespmem:$0x13410] =	vst v63  }
0x241: {  	s18 =	sadd.s32 $0x20, s13;
	s19 =	simm.s32 $0xE810  }
0x242: {  	[hbm4b:s18+s4] =	stream.linear.scatter [tilespmem:s19], [sflag:$0x6], $0x80, $0x38;
	[tilespmem:$0x13410] =	vst v63  }
0x243: {  	s18 =	sadd.s32 $0x30, s13;
	s19 =	simm.s32 $0xEA10  }
0x244: {  	[hbm4b:s18+s4] =	stream.linear.scatter [tilespmem:s19], [sflag:$0x6], $0x80, $0x38;
	[tilespmem:$0x13410] =	vst v63  }
0x245: {  	s18 =	sadd.s32 $0x40, s13;
	s19 =	simm.s32 $0xEC10  }
0x246: {  	[hbm4b:s18+s4] =	stream.linear.scatter [tilespmem:s19], [sflag:$0x6], $0x80, $0x38;
	[tilespmem:$0x13410] =	vst v63  }
0x247: {  	s18 =	sadd.s32 $0x50, s13;
	s19 =	simm.s32 $0xEE10  }
0x248: {  	[hbm4b:s18+s4] =	stream.linear.scatter [tilespmem:s19], [sflag:$0x6], $0x80, $0x38;
	[tilespmem:$0x13410] =	vst v63  }
0x249: {  	s18 =	sadd.s32 $0x60, s13;
	s19 =	simm.s32 $0xF010  }
0x24a: {  	[hbm4b:s18+s4] =	stream.linear.scatter [tilespmem:s19], [sflag:$0x6], $0x80, $0x38;
	[tilespmem:$0x13410] =	vst v63  }
0x24b: {  	s13 =	sadd.s32 $0x70, s13;
	s19 =	simm.s32 $0xF210;
	s18 =	sor.u32 s8, s12  }
0x24c: {  	[hbm4b:s13+s4] =	stream.linear.scatter [tilespmem:s19], [sflag:$0x6], $0x80, $0x38;
	[tilespmem:$0x13410] =	vst v63  }
0x24d: {  	s13 =	sshrl.u32 s18, $0x3  }
0x24e: {  	s19 =	simm.s32 $0xE490;
	s13 =	sadd.s32 s2, s13  }
0x24f: {  	[hbm4b:s13+s4] =	stream.linear.scatter [tilespmem:s19], [sflag:$0x6], $0x80, $0x38;
	[tilespmem:$0x13410] =	vst v63  }
0x250: {  	s18 =	sadd.s32 $0x10, s13;
	s19 =	simm.s32 $0xE690  }
0x251: {  	[hbm4b:s18+s4] =	stream.linear.scatter [tilespmem:s19], [sflag:$0x6], $0x80, $0x38;
	[tilespmem:$0x13410] =	vst v63  }
0x252: {  	s18 =	sadd.s32 $0x20, s13;
	s19 =	simm.s32 $0xE890  }
0x253: {  	[hbm4b:s18+s4] =	stream.linear.scatter [tilespmem:s19], [sflag:$0x6], $0x80, $0x38;
	[tilespmem:$0x13410] =	vst v63  }
0x254: {  	s18 =	sadd.s32 $0x30, s13;
	s19 =	simm.s32 $0xEA90  }
0x255: {  	[hbm4b:s18+s4] =	stream.linear.scatter [tilespmem:s19], [sflag:$0x6], $0x80, $0x38;
	[tilespmem:$0x13410] =	vst v63  }
0x256: {  	s18 =	sadd.s32 $0x40, s13;
	s19 =	simm.s32 $0xEC90  }
0x257: {  	[hbm4b:s18+s4] =	stream.linear.scatter [tilespmem:s19], [sflag:$0x6], $0x80, $0x38;
	[tilespmem:$0x13410] =	vst v63  }
0x258: {  	s18 =	sadd.s32 $0x50, s13;
	s19 =	simm.s32 $0xEE90  }
0x259: {  	[hbm4b:s18+s4] =	stream.linear.scatter [tilespmem:s19], [sflag:$0x6], $0x80, $0x38;
	[tilespmem:$0x13410] =	vst v63  }
0x25a: {  	s18 =	sadd.s32 $0x60, s13;
	s19 =	simm.s32 $0xF090  }
0x25b: {  	[hbm4b:s18+s4] =	stream.linear.scatter [tilespmem:s19], [sflag:$0x6], $0x80, $0x38;
	[tilespmem:$0x13410] =	vst v63  }
0x25c: {  	s13 =	sadd.s32 $0x70, s13;
	s19 =	simm.s32 $0xF290;
	s18 =	sor.u32 s9, s12  }
0x25d: {  	[hbm4b:s13+s4] =	stream.linear.scatter [tilespmem:s19], [sflag:$0x6], $0x80, $0x38;
	[tilespmem:$0x13410] =	vst v63  }
0x25e: {  	s13 =	sshrl.u32 s18, $0x3  }
0x25f: {  	s19 =	simm.s32 $0xE510;
	s13 =	sadd.s32 s2, s13  }
0x260: {  	[hbm4b:s13+s4] =	stream.linear.scatter [tilespmem:s19], [sflag:$0x6], $0x80, $0x38;
	[tilespmem:$0x13410] =	vst v63  }
0x261: {  	s18 =	sadd.s32 $0x10, s13;
	s19 =	simm.s32 $0xE710  }
0x262: {  	[hbm4b:s18+s4] =	stream.linear.scatter [tilespmem:s19], [sflag:$0x6], $0x80, $0x38;
	[tilespmem:$0x13410] =	vst v63  }
0x263: {  	s18 =	sadd.s32 $0x20, s13;
	s19 =	simm.s32 $0xE910  }
0x264: {  	[hbm4b:s18+s4] =	stream.linear.scatter [tilespmem:s19], [sflag:$0x6], $0x80, $0x38;
	[tilespmem:$0x13410] =	vst v63  }
0x265: {  	s18 =	sadd.s32 $0x30, s13;
	s19 =	simm.s32 $0xEB10  }
0x266: {  	[hbm4b:s18+s4] =	stream.linear.scatter [tilespmem:s19], [sflag:$0x6], $0x80, $0x38;
	[tilespmem:$0x13410] =	vst v63  }
0x267: {  	s18 =	sadd.s32 $0x40, s13;
	s19 =	simm.s32 $0xED10  }
0x268: {  	[hbm4b:s18+s4] =	stream.linear.scatter [tilespmem:s19], [sflag:$0x6], $0x80, $0x38;
	[tilespmem:$0x13410] =	vst v63  }
0x269: {  	s18 =	sadd.s32 $0x50, s13;
	s19 =	simm.s32 $0xEF10  }
0x26a: {  	[hbm4b:s18+s4] =	stream.linear.scatter [tilespmem:s19], [sflag:$0x6], $0x80, $0x38;
	[tilespmem:$0x13410] =	vst v63  }
0x26b: {  	s12 =	sor.u32 s10, s12;
	s18 =	sadd.s32 $0x60, s13;
	s19 =	simm.s32 $0xF110  }
0x26c: {  	[hbm4b:s18+s4] =	stream.linear.scatter [tilespmem:s19], [sflag:$0x6], $0x80, $0x38;
	[tilespmem:$0x13410] =	vst v63  }
0x26d: {  	s12 =	sshrl.u32 s12, $0x3;
	s13 =	sadd.s32 $0x70, s13;
	s19 =	simm.s32 $0xF310  }
0x26e: {  	[hbm4b:s13+s4] =	stream.linear.scatter [tilespmem:s19], [sflag:$0x6], $0x80, $0x38;
	[tilespmem:$0x13410] =	vst v63  }
0x26f: {  	s15 =	simm.s32 $0xE590;
	s12 =	sadd.s32 s2, s12  }
0x270: {  	[hbm4b:s12+s4] =	stream.linear.scatter [tilespmem:s15], [sflag:$0x6], $0x80, $0x38;
	[tilespmem:$0x13410] =	vst v63  }
0x271: {  	s18 =	sadd.s32 $0x10, s12;
	s19 =	simm.s32 $0xE790  }
0x272: {  	[hbm4b:s18+s4] =	stream.linear.scatter [tilespmem:s19], [sflag:$0x6], $0x80, $0x38;
	[tilespmem:$0x13410] =	vst v63  }
0x273: {  	s15 =	sadd.s32 $0x20, s12;
	s18 =	simm.s32 $0xE990  }
0x274: {  	[hbm4b:s15+s4] =	stream.linear.scatter [tilespmem:s18], [sflag:$0x6], $0x80, $0x38;
	[tilespmem:$0x13410] =	vst v63  }
0x275: {  	s19 =	sadd.s32 $0x30, s12  }
0x276: {  	[hbm4b:s19+s4] =	stream.linear.scatter [tilespmem:s7], [sflag:$0x6], $0x80, $0x38;
	[tilespmem:$0x13410] =	vst v63  }
0x277: {  	s3 =	sor.u32 $0x2, s3;
	s15 =	sadd.s32 $0x40, s12  }
0x278: {  	[hbm4b:s15+s4] =	stream.linear.scatter [tilespmem:s11], [sflag:$0x6], $0x80, $0x38;
	[tilespmem:$0x13410] =	vst v63  }
0x279: {  	p2 =	sgt.u32 s3, $0x19;
	s18 =	sadd.s32 $0x50, s12  }
0x27a: {  	[hbm4b:s18+s4] =	stream.linear.scatter [tilespmem:s14], [sflag:$0x6], $0x80, $0x38;
	[tilespmem:$0x13410] =	vst v63  }
.Ltmp6:
0x27b: {  	_ = 	snop;
	(pc) =	sbr.rel @p2 .LBB2_10-.Ltmp6, $4  }
0x27c: {  	s19 =	sadd.s32 $0x60, s12  }
0x27d: {  	[hbm4b:s19+s4] =	stream.linear.scatter [tilespmem:s25], [sflag:$0x6], $0x80, $0x38;
	[tilespmem:$0x13410] =	vst v63  }
0x27e: {  	s12 =	sadd.s32 $0x70, s12  }
0x27f: {  	[hbm4b:s12+s4] =	stream.linear.scatter [tilespmem:s28], [sflag:$0x6], $0x80, $0x38;
	[tilespmem:$0x13410] =	vst v63  }
0x280: {  	_ =	swait.ge [sflag:s30], $0x800  }
0x281: {  	[sflag:s30] =	ssyncset.done $0x0  }
0x282: {  	[sflag:s30] =	ssyncadd.s32 $0xFFFFF800  }
0x283: {  	_ =	swait.ge [sflag:s30], $0x800  }
0x284: {  	[sflag:s30] =	ssyncset.done $0x0  }
0x285: {  	[sflag:s30] =	ssyncadd.s32 $0xFFFFF800  }
0x286: {  	_ =	swait.ge [sflag:s30], $0x800  }
0x287: {  	[sflag:s30] =	ssyncset.done $0x0  }
0x288: {  	[sflag:s30] =	ssyncadd.s32 $0xFFFFF800  }
0x289: {  	s12 =	sshll.u32 s29, $0xB;
	_ =	swait.ge [sflag:s30], $0x800  }
0x28a: {  	s12 =	sand.u32 $0x3FFFF800, s12;
	[sflag:s30] =	ssyncset.done $0x0  }
0x28b: {  	s13 =	sadd.s32 $0xA00, s12;
	[sflag:s30] =	ssyncadd.s32 $0xFFFFF800  }
0x28c: {  	[tilespmem:s23], [sflag:$0x2] =	stream.indirect.gather [hbm4b:s5+s16], $0x10, s13, s16, $0xb8;
	[tilespmem:$0x13410] =	vst v63  }
0x28d: {  	s15 =	simm.s32 $0x5C10;
	s19 =	sadd.s32 $0xA80, s12  }
0x28e: {  	[tilespmem:s15], [sflag:$0x2] =	stream.indirect.gather [hbm4b:s5+s16], $0x10, s19, s16, $0xb8;
	[tilespmem:$0x13410] =	vst v63  }
0x28f: {  	s18 =	sadd.s32 $0xB00, s12;
	s19 =	simm.s32 $0x6410  }
0x290: {  	[tilespmem:s19], [sflag:$0x2] =	stream.indirect.gather [hbm4b:s5+s16], $0x10, s18, s16, $0xb8;
	[tilespmem:$0x13410] =	vst v63  }
0x291: {  	s12 =	sadd.s32 $0xB80, s12;
	s18 =	simm.s32 $0x6C10  }
0x292: {  	[tilespmem:s18], [sflag:$0x2] =	stream.indirect.gather [hbm4b:s5+s16], $0x10, s12, s16, $0xb8;
	[tilespmem:$0x13410] =	vst v63  }
0x293: {  	s12 =	simm.s32 @!p1 $0x7  }
0x294: {  	_ =	swait.ge @!p1 [sflag:s12], $0x400  }
0x295: {  	[sflag:s12] =	ssyncset.done @!p1 $0x0  }
0x296: {  	[sflag:s12] =	ssyncadd.s32 @!p1 $0xFFFFFC00  }
0x297: {  	_ =	swait.ge @!p1 [sflag:s12], $0x400  }
0x298: {  	[sflag:s12] =	ssyncset.done @!p1 $0x0  }
0x299: {  	[sflag:s12] =	ssyncadd.s32 @!p1 $0xFFFFFC00  }
0x29a: {  	_ =	swait.ge @!p1 [sflag:s12], $0x400  }
0x29b: {  	[sflag:s12] =	ssyncset.done @!p1 $0x0  }
0x29c: {  	[sflag:s12] =	ssyncadd.s32 @!p1 $0xFFFFFC00  }
0x29d: {  	_ =	swait.ge @!p1 [sflag:s12], $0x400  }
0x29e: {  	[sflag:s12] =	ssyncset.done @!p1 $0x0  }
0x29f: {  	[sflag:s12] =	ssyncadd.s32 @!p1 $0xFFFFFC00  }
0x2a0: {  	_ =	swait.ge @!p1 [sflag:s12], $0x400  }
0x2a1: {  	[sflag:s12] =	ssyncset.done @!p1 $0x0  }
0x2a2: {  	[sflag:s12] =	ssyncadd.s32 @!p1 $0xFFFFFC00  }
0x2a3: {  	_ =	swait.ge @!p1 [sflag:s12], $0x400  }
0x2a4: {  	s19 =	simm.s32 $0x0;
	[sflag:s12] =	ssyncset.done @!p1 $0x0  }
0x2a5: {  	v2 =	vmov s19;
	[sflag:s12] =	ssyncadd.s32 @!p1 $0xFFFFFC00  }
0x2a6: {  	v2 =	vshll.u32 v2, $0x4;
	_ =	swait.ge @!p1 [sflag:s12], $0x400  }
0x2a7: {  	v2 =	vor.u32 v0, v2;
	[sflag:s12] =	ssyncset.done @!p1 $0x0  }
0x2a8: {  	v3 =	vor.u32 $0xF, v2;
	[sflag:s12] =	ssyncadd.s32 @!p1 $0xFFFFFC00  }
0x2a9: {  	v4 =	vor.u32 $0x1, v2;
	_ =	swait.ge @!p1 [sflag:s12], $0x400  }
0x2aa: {  	v5 =	vor.u32 $0x2, v2;
	[sflag:s12] =	ssyncset.done @!p1 $0x0  }
0x2ab: {  	v6 =	vor.u32 $0x3, v2;
	[sflag:s12] =	ssyncadd.s32 @!p1 $0xFFFFFC00  }
0x2ac: {  	v7 =	vor.u32 $0x4, v2;
	v8 =	vld.idx.msk [tilespmem:v2+s0+$0x0], $0xffff  }
0x2ad: {  	v9 =	vor.u32 $0x5, v2;
	v3 =	vld.idx.msk [tilespmem:v3+s0+$0x0], $0xffff  }
0x2ae: {  	v10 =	vor.u32 $0x6, v2;
	v4 =	vld.idx.msk [tilespmem:v4+s0+$0x0], $0xffff  }
0x2af: {  	v11 =	vor.u32 $0x7, v2;
	v5 =	vld.idx.msk [tilespmem:v5+s0+$0x0], $0xffff  }
0x2b0: {  	v13 =	vor.u32 $0x9, v2;
	v6 =	vld.idx.msk [tilespmem:v6+s0+$0x0], $0xffff  }
0x2b1: {  	v12 =	vor.u32 $0x8, v2;
	v7 =	vld.idx.msk [tilespmem:v7+s0+$0x0], $0xffff  }
0x2b2: {  	s15 =	simm.s32 $0x10;
	v14 =	vor.u32 $0xA, v2;
	v15 =	vld.idx.msk [tilespmem:v9+s0+$0x0], $0xffff  }
0x2b3: {  	v18 =	vmov s15;
	v16 =	vor.u32 $0xC, v2;
	v10 =	vld.idx.msk [tilespmem:v10+s0+$0x0], $0xffff  }
0x2b4: {  	v18 =	vshll.u32 v18, $0x4;
	v17 =	vor.u32 $0xD, v2;
	v11 =	vld.idx.msk [tilespmem:v11+s0+$0x0], $0xffff  }
0x2b5: {  	v22 =	vor.u32 v0, v18;
	v13 =	vld.idx.msk [tilespmem:v13+s0+$0x0], $0xffff  }
0x2b6: {  	v18 =	vor.u32 $0xF, v22;
	v12 =	vld.idx.msk [tilespmem:v12+s0+$0x0], $0xffff  }
0x2b7: {  	v9 =	vor.u32 $0xB, v2;
	v14 =	vld.idx.msk [tilespmem:v14+s0+$0x0], $0xffff;
	v3 =	vmul.f32 v3, v1  }
0x2b8: {  	s13 =	simm.s32 $0x10410;
	v2 =	vor.u32 $0xE, v2;
	v23 =	vld.idx.msk [tilespmem:v16+s0+$0x0], $0xffff;
	v4 =	vmul.f32 v4, v1  }
0x2b9: {  	v19 =	vor.u32 $0x3, v22;
	v24 =	vld.idx.msk [tilespmem:v17+s0+$0x0], $0xffff;
	v5 =	vmul.f32 v5, v1;
	[tilespmem:s13+$0xE00] =	vst v3  }
0x2ba: {  	v27 =	vld.idx.msk [tilespmem:v22+s0+$0x0], $0xffff;
	v30 =	vmul.f32 v13, v1;
	v3 =	vor.u32 $0x1, v22;
	[tilespmem:s13+$0xFFFFF200] =	vst v4  }
0x2bb: {  	v16 =	vor.u32 $0x2, v22;
	v29 =	vld.idx.msk [tilespmem:v18+s0+$0x0], $0xffff;
	v4 =	vmul.f32 v6, v1;
	[tilespmem:s13+$0xFFFFF400] =	vst v5  }
0x2bc: {  	v25 =	vor.u32 $0x4, v22;
	v26 =	vor.u32 $0x5, v22;
	v20 =	vld.idx.msk [tilespmem:v9+s0+$0x0], $0xffff;
	v5 =	vmul.f32 v7, v1;
	[tilespmem:s13+$0x200] =	vst v30  }
0x2bd: {  	v28 =	vor.u32 $0x6, v22;
	v2 =	vld.idx.msk [tilespmem:v2+s0+$0x0], $0xffff;
	v21 =	vmul.f32 v14, v1;
	v6 =	vmul.f32 v8, v1;
	[tilespmem:s13+$0xFFFFF600] =	vst v4  }
0x2be: {  	v19 =	vld.idx.msk [tilespmem:v19+s0+$0x0], $0xffff;
	v9 =	vor.u32 $0x7, v22;
	v13 =	vmul.f32 v24, v1;
	[tilespmem:s13+$0xFFFFF800] =	vst v5;
	v4 =	vmul.f32 v15, v1  }
0x2bf: {  	v8 =	vor.u32 $0x8, v22;
	v7 =	vor.u32 $0x9, v22;
	v5 =	vmul.f32 v10, v1;
	[tilespmem:s13+$0xFFFFF000] =	vst v6;
	v17 =	vld.idx.msk [tilespmem:v3+s0+$0x0], $0xffff  }
0x2c0: {  	v18 =	vld.idx.msk [tilespmem:v16+s0+$0x0], $0xffff;
	v6 =	vor.u32 $0xA, v22;
	v10 =	vmul.f32 v12, v1;
	v12 =	vmul.f32 v23, v1;
	[tilespmem:s13+$0xFFFFFA00] =	vst v4  }
0x2c1: {  	v14 =	vld.idx.msk [tilespmem:v26+s0+$0x0], $0xffff;
	v16 =	vmul.f32 v20, v1;
	v4 =	vor.u32 $0xB, v22;
	[tilespmem:s13+$0xFFFFFC00] =	vst v5;
	v3 =	vmul.f32 v11, v1  }
0x2c2: {  	v20 =	vld.idx.msk [tilespmem:v25+s0+$0x0], $0xffff;
	v5 =	vor.u32 $0xC, v22;
	[tilespmem:s13+$0x0] =	vst v10;
	v10 =	vmul.f32 v27, v1;
	v11 =	vmul.f32 v2, v1  }
0x2c3: {  	s18 =	simm.s32 $0x10410;
	v15 =	vld.idx.msk [tilespmem:v28+s0+$0x0], $0xffff;
	v2 =	vor.u32 $0xE, v22;
	[tilespmem:s13+$0xFFFFFE00] =	vst v3;
	v3 =	vor.u32 $0xD, v22;
	v22 =	vmul.f32 v29, v1  }
.LBB2_8:
0x2c4: {  	s15 =	sadd.s32 $0x10, s15;
	v17 =	vmul.f32 v17, v1;
	v23 =	vld.idx.msk [tilespmem:v9+s0+$0x0], $0xffff;
	[tilespmem:s13+$0x400] =	vst v21;
	s18 =	sadd.s32 $0x10, s18  }
0x2c5: {  	v18 =	vmul.f32 v18, v1;
	v9 =	vmov s15;
	p1 =	slt.u32 s15, $0x1F0;
	v21 =	vld.idx.msk [tilespmem:v8+s0+$0x0], $0xffff;
	[tilespmem:s18+$0xE00] =	vst v22  }
0x2c6: {  	v8 =	vshll.u32 v9, $0x4;
	[tilespmem:s18+$0xFFFFF200] =	vst v17;
	v9 =	vmul.f32 v19, v1;
	v19 =	vld.idx.msk [tilespmem:v7+s0+$0x0], $0xffff  }
0x2c7: {  	v7 =	vmul.f32 v20, v1;
	v17 =	vor.u32 v0, v8;
	[tilespmem:s18+$0xFFFFF400] =	vst v18;
	v20 =	vld.idx.msk [tilespmem:v6+s0+$0x0], $0xffff  }
0x2c8: {  	v18 =	vor.u32 $0x1, v17;
	v22 =	vor.u32 $0x2, v17;
	v24 =	vor.u32 $0xF, v17;
	[tilespmem:s18+$0xFFFFF600] =	vst v9;
	v25 =	vld.idx.msk [tilespmem:v4+s0+$0x0], $0xffff  }
0x2c9: {  	v26 =	vor.u32 $0x3, v17;
	v27 =	vor.u32 $0x4, v17;
	v28 =	vor.u32 $0x5, v17;
	[tilespmem:s18+$0xFFFFF800] =	vst v7;
	v29 =	vld.idx.msk [tilespmem:v5+s0+$0x0], $0xffff  }
0x2ca: {  	v30 =	vor.u32 $0x6, v17;
	v9 =	vor.u32 $0x7, v17;
	v8 =	vor.u32 $0x8, v17;
	v31 =	vld.idx.msk [tilespmem:v3+s0+$0x0], $0xffff;
	[tilespmem:s13+$0x600] =	vst v16  }
0x2cb: {  	v6 =	vor.u32 $0xA, v17;
	v4 =	vor.u32 $0xB, v17;
	v7 =	vor.u32 $0x9, v17;
	v32 =	vld.idx.msk [tilespmem:v2+s0+$0x0], $0xffff;
	[tilespmem:s13+$0x800] =	vst v12  }
0x2cc: {  	v5 =	vor.u32 $0xC, v17;
	v3 =	vor.u32 $0xD, v17;
	v2 =	vor.u32 $0xE, v17;
	v33 =	vld.idx.msk [tilespmem:v17+s0+$0x0], $0xffff;
	[tilespmem:s13+$0xA00] =	vst v13  }
0x2cd: {  	v12 =	vmul.f32 v14, v1;
	v13 =	vmul.f32 v15, v1;
	v24 =	vld.idx.msk [tilespmem:v24+s0+$0x0], $0xffff;
	[tilespmem:s13+$0xC00] =	vst v11;
	s13 =	smov.u32 s18  }
0x2ce: {  	v15 =	vmul.f32 v21, v1;
	v17 =	vld.idx.msk [tilespmem:v18+s0+$0x0], $0xffff;
	[tilespmem:s18+$0xFFFFF000] =	vst v10;
	v10 =	vmul.f32 v23, v1  }
.Ltmp7:
0x2cf: {  	v21 =	vmul.f32 v20, v1;
	v23 =	vmul.f32 v19, v1;
	v18 =	vld.idx.msk [tilespmem:v22+s0+$0x0], $0xffff;
	[tilespmem:s18+$0xFFFFFA00] =	vst v12;
	(pc) =	sbr.rel @p1 .LBB2_8-.Ltmp7, $4  }
0x2d0: {  	v16 =	vmul.f32 v25, v1;
	v12 =	vmul.f32 v29, v1;
	v19 =	vld.idx.msk [tilespmem:v26+s0+$0x0], $0xffff;
	[tilespmem:s18+$0xFFFFFC00] =	vst v13  }
0x2d1: {  	v13 =	vmul.f32 v31, v1;
	v11 =	vmul.f32 v32, v1;
	v20 =	vld.idx.msk [tilespmem:v27+s0+$0x0], $0xffff;
	[tilespmem:s18+$0xFFFFFE00] =	vst v10  }
0x2d2: {  	v10 =	vmul.f32 v33, v1;
	v14 =	vld.idx.msk [tilespmem:v28+s0+$0x0], $0xffff;
	[tilespmem:s18+$0x0] =	vst v15  }
0x2d3: {  	v22 =	vmul.f32 v24, v1;
	v15 =	vld.idx.msk [tilespmem:v30+s0+$0x0], $0xffff;
	[tilespmem:s18+$0x200] =	vst v23  }
0x2d4: {  	[tilespmem:s13+$0x400] =	vst v21  }
0x2d5: {  	[tilespmem:s13+$0x600] =	vst v16  }
0x2d6: {  	[tilespmem:s13+$0x800] =	vst v12  }
0x2d7: {  	[tilespmem:s13+$0xA00] =	vst v13  }
0x2d8: {  	s12 =	sadd.s32 $0x10, s18;
	[tilespmem:s13+$0xC00] =	vst v11  }
0x2d9: {  	v17 =	vmul.f32 v17, v1;
	[tilespmem:s12+$0xE00] =	vst v22  }
0x2da: {  	v18 =	vmul.f32 v18, v1;
	v9 =	vld.idx.msk [tilespmem:v9+s0+$0x0], $0xffff;
	[tilespmem:s12+$0xFFFFF000] =	vst v10  }
0x2db: {  	v8 =	vld.idx.msk [tilespmem:v8+s0+$0x0], $0xffff;
	v60 =	vmul.f32 v19, v1;
	[tilespmem:s12+$0xFFFFF200] =	vst v17  }
0x2dc: {  	v7 =	vld.idx.msk [tilespmem:v7+s0+$0x0], $0xffff;
	[tilespmem:s12+$0xFFFFF400] =	vst v18;
	v61 =	vmul.f32 v20, v1  }
0x2dd: {  	v6 =	vld.idx.msk [tilespmem:v6+s0+$0x0], $0xffff;
	[tilespmem:s12+$0xFFFFF600] =	vst v60;
	v62 =	vmul.f32 v14, v1  }
0x2de: {  	v4 =	vld.idx.msk [tilespmem:v4+s0+$0x0], $0xffff;
	[tilespmem:s12+$0xFFFFF800] =	vst v61;
	v63 =	vmul.f32 v15, v1  }
0x2df: {  	v5 =	vld.idx.msk [tilespmem:v5+s0+$0x0], $0xffff;
	v9 =	vmul.f32 v9, v1;
	[tilespmem:s12+$0xFFFFFA00] =	vst v62  }
0x2e0: {  	v3 =	vld.idx.msk [tilespmem:v3+s0+$0x0], $0xffff;
	v8 =	vmul.f32 v8, v1;
	[tilespmem:s12+$0xFFFFFC00] =	vst v63  }
0x2e1: {  	v2 =	vld.idx.msk [tilespmem:v2+s0+$0x0], $0xffff;
	v7 =	vmul.f32 v7, v1;
	[tilespmem:s12+$0xFFFFFE00] =	vst v9  }
0x2e2: {  	v6 =	vmul.f32 v6, v1;
	[tilespmem:s12+$0x0] =	vst v8  }
0x2e3: {  	v4 =	vmul.f32 v4, v1;
	[tilespmem:s12+$0x200] =	vst v7  }
0x2e4: {  	v5 =	vmul.f32 v5, v1;
	[tilespmem:s12+$0x400] =	vst v6  }
0x2e5: {  	s3 =	sshll.u32 s3, $0x12;
	v3 =	vmul.f32 v3, v1;
	[tilespmem:s12+$0x600] =	vst v4  }
0x2e6: {  	s15 =	sor.u32 s6, s3;
	v2 =	vmul.f32 v2, v1;
	[tilespmem:s12+$0x800] =	vst v5  }
0x2e7: {  	s13 =	sshrl.u32 s15, $0x3;
	[tilespmem:s12+$0xA00] =	vst v3  }
0x2e8: {  	s18 =	simm.s32 $0xF410;
	[tilespmem:s12+$0xC00] =	vst v2;
	s12 =	sadd.s32 s2, s13  }
0x2e9: {  	[hbm4b:s12+s4] =	stream.linear.scatter [tilespmem:s18], [sflag:$0x7], $0x80, $0x38;
	[tilespmem:$0x13410] =	vst v63  }
0x2ea: {  	s15 =	simm.s32 $0xF610;
	s19 =	sadd.s32 $0x10, s12  }
0x2eb: {  	[hbm4b:s19+s4] =	stream.linear.scatter [tilespmem:s15], [sflag:$0x7], $0x80, $0x38;
	[tilespmem:$0x13410] =	vst v63  }
0x2ec: {  	s18 =	sadd.s32 $0x20, s12;
	s19 =	simm.s32 $0xF810  }
0x2ed: {  	[hbm4b:s18+s4] =	stream.linear.scatter [tilespmem:s19], [sflag:$0x7], $0x80, $0x38;
	[tilespmem:$0x13410] =	vst v63  }
0x2ee: {  	s18 =	sadd.s32 $0x30, s12;
	s19 =	simm.s32 $0xFA10  }
0x2ef: {  	[hbm4b:s18+s4] =	stream.linear.scatter [tilespmem:s19], [sflag:$0x7], $0x80, $0x38;
	[tilespmem:$0x13410] =	vst v63  }
0x2f0: {  	s18 =	sadd.s32 $0x40, s12;
	s19 =	simm.s32 $0xFC10  }
0x2f1: {  	[hbm4b:s18+s4] =	stream.linear.scatter [tilespmem:s19], [sflag:$0x7], $0x80, $0x38;
	[tilespmem:$0x13410] =	vst v63  }
0x2f2: {  	s18 =	sadd.s32 $0x50, s12;
	s19 =	simm.s32 $0xFE10  }
0x2f3: {  	[hbm4b:s18+s4] =	stream.linear.scatter [tilespmem:s19], [sflag:$0x7], $0x80, $0x38;
	[tilespmem:$0x13410] =	vst v63  }
0x2f4: {  	s15 =	sadd.s32 $0x60, s12;
	s18 =	simm.s32 $0x10010  }
0x2f5: {  	[hbm4b:s15+s4] =	stream.linear.scatter [tilespmem:s18], [sflag:$0x7], $0x80, $0x38;
	[tilespmem:$0x13410] =	vst v63  }
0x2f6: {  	s13 =	sor.u32 s8, s3;
	s12 =	sadd.s32 $0x70, s12;
	s19 =	simm.s32 $0x10210  }
0x2f7: {  	[hbm4b:s12+s4] =	stream.linear.scatter [tilespmem:s19], [sflag:$0x7], $0x80, $0x38;
	[tilespmem:$0x13410] =	vst v63  }
0x2f8: {  	s12 =	sshrl.u32 s13, $0x3  }
0x2f9: {  	s15 =	simm.s32 $0xF490;
	s12 =	sadd.s32 s2, s12  }
0x2fa: {  	[hbm4b:s12+s4] =	stream.linear.scatter [tilespmem:s15], [sflag:$0x7], $0x80, $0x38;
	[tilespmem:$0x13410] =	vst v63  }
0x2fb: {  	s19 =	simm.s32 $0xF690;
	s18 =	sadd.s32 $0x10, s12  }
0x2fc: {  	[hbm4b:s18+s4] =	stream.linear.scatter [tilespmem:s19], [sflag:$0x7], $0x80, $0x38;
	[tilespmem:$0x13410] =	vst v63  }
0x2fd: {  	s18 =	sadd.s32 $0x20, s12;
	s19 =	simm.s32 $0xF890  }
0x2fe: {  	[hbm4b:s18+s4] =	stream.linear.scatter [tilespmem:s19], [sflag:$0x7], $0x80, $0x38;
	[tilespmem:$0x13410] =	vst v63  }
0x2ff: {  	s18 =	sadd.s32 $0x30, s12;
	s19 =	simm.s32 $0xFA90  }
0x300: {  	[hbm4b:s18+s4] =	stream.linear.scatter [tilespmem:s19], [sflag:$0x7], $0x80, $0x38;
	[tilespmem:$0x13410] =	vst v63  }
0x301: {  	s18 =	sadd.s32 $0x40, s12;
	s19 =	simm.s32 $0xFC90  }
0x302: {  	[hbm4b:s18+s4] =	stream.linear.scatter [tilespmem:s19], [sflag:$0x7], $0x80, $0x38;
	[tilespmem:$0x13410] =	vst v63  }
0x303: {  	s18 =	sadd.s32 $0x50, s12;
	s19 =	simm.s32 $0xFE90  }
0x304: {  	[hbm4b:s18+s4] =	stream.linear.scatter [tilespmem:s19], [sflag:$0x7], $0x80, $0x38;
	[tilespmem:$0x13410] =	vst v63  }
0x305: {  	s15 =	sadd.s32 $0x60, s12;
	s18 =	simm.s32 $0x10090  }
0x306: {  	[hbm4b:s15+s4] =	stream.linear.scatter [tilespmem:s18], [sflag:$0x7], $0x80, $0x38;
	[tilespmem:$0x13410] =	vst v63  }
0x307: {  	s13 =	sor.u32 s9, s3;
	s12 =	sadd.s32 $0x70, s12;
	s19 =	simm.s32 $0x10290  }
0x308: {  	[hbm4b:s12+s4] =	stream.linear.scatter [tilespmem:s19], [sflag:$0x7], $0x80, $0x38;
	[tilespmem:$0x13410] =	vst v63  }
0x309: {  	s12 =	sshrl.u32 s13, $0x3  }
0x30a: {  	s15 =	simm.s32 $0xF510;
	s12 =	sadd.s32 s2, s12  }
0x30b: {  	[hbm4b:s12+s4] =	stream.linear.scatter [tilespmem:s15], [sflag:$0x7], $0x80, $0x38;
	[tilespmem:$0x13410] =	vst v63  }
0x30c: {  	s19 =	simm.s32 $0xF710;
	s18 =	sadd.s32 $0x10, s12  }
0x30d: {  	[hbm4b:s18+s4] =	stream.linear.scatter [tilespmem:s19], [sflag:$0x7], $0x80, $0x38;
	[tilespmem:$0x13410] =	vst v63  }
0x30e: {  	s18 =	sadd.s32 $0x20, s12;
	s19 =	simm.s32 $0xF910  }
0x30f: {  	[hbm4b:s18+s4] =	stream.linear.scatter [tilespmem:s19], [sflag:$0x7], $0x80, $0x38;
	[tilespmem:$0x13410] =	vst v63  }
0x310: {  	s18 =	sadd.s32 $0x30, s12;
	s19 =	simm.s32 $0xFB10  }
0x311: {  	[hbm4b:s18+s4] =	stream.linear.scatter [tilespmem:s19], [sflag:$0x7], $0x80, $0x38;
	[tilespmem:$0x13410] =	vst v63  }
0x312: {  	s18 =	sadd.s32 $0x40, s12;
	s19 =	simm.s32 $0xFD10  }
0x313: {  	[hbm4b:s18+s4] =	stream.linear.scatter [tilespmem:s19], [sflag:$0x7], $0x80, $0x38;
	[tilespmem:$0x13410] =	vst v63  }
0x314: {  	s18 =	sadd.s32 $0x50, s12;
	s19 =	simm.s32 $0xFF10  }
0x315: {  	[hbm4b:s18+s4] =	stream.linear.scatter [tilespmem:s19], [sflag:$0x7], $0x80, $0x38;
	[tilespmem:$0x13410] =	vst v63  }
0x316: {  	s15 =	sadd.s32 $0x60, s12;
	s18 =	simm.s32 $0x10110  }
0x317: {  	[hbm4b:s15+s4] =	stream.linear.scatter [tilespmem:s18], [sflag:$0x7], $0x80, $0x38;
	[tilespmem:$0x13410] =	vst v63  }
0x318: {  	s13 =	sor.u32 s10, s3;
	s12 =	sadd.s32 $0x70, s12;
	s19 =	simm.s32 $0x10310  }
0x319: {  	[hbm4b:s12+s4] =	stream.linear.scatter [tilespmem:s19], [sflag:$0x7], $0x80, $0x38;
	[tilespmem:$0x13410] =	vst v63  }
0x31a: {  	s12 =	sshrl.u32 s13, $0x3  }
0x31b: {  	s15 =	simm.s32 $0xF590;
	s12 =	sadd.s32 s2, s12  }
0x31c: {  	[hbm4b:s12+s4] =	stream.linear.scatter [tilespmem:s15], [sflag:$0x7], $0x80, $0x38;
	[tilespmem:$0x13410] =	vst v63  }
0x31d: {  	s19 =	simm.s32 $0xF790;
	s18 =	sadd.s32 $0x10, s12  }
0x31e: {  	[hbm4b:s18+s4] =	stream.linear.scatter [tilespmem:s19], [sflag:$0x7], $0x80, $0x38;
	[tilespmem:$0x13410] =	vst v63  }
0x31f: {  	s18 =	sadd.s32 $0x20, s12;
	s19 =	simm.s32 $0xF990  }
0x320: {  	[hbm4b:s18+s4] =	stream.linear.scatter [tilespmem:s19], [sflag:$0x7], $0x80, $0x38;
	[tilespmem:$0x13410] =	vst v63  }
0x321: {  	s18 =	sadd.s32 $0x30, s12;
	s19 =	simm.s32 $0xFB90  }
0x322: {  	[hbm4b:s18+s4] =	stream.linear.scatter [tilespmem:s19], [sflag:$0x7], $0x80, $0x38;
	[tilespmem:$0x13410] =	vst v63  }
0x323: {  	s18 =	sadd.s32 $0x40, s12;
	s19 =	simm.s32 $0xFD90  }
0x324: {  	[hbm4b:s18+s4] =	stream.linear.scatter [tilespmem:s19], [sflag:$0x7], $0x80, $0x38;
	[tilespmem:$0x13410] =	vst v63  }
0x325: {  	s18 =	sadd.s32 $0x50, s12;
	s19 =	simm.s32 $0xFF90  }
0x326: {  	[hbm4b:s18+s4] =	stream.linear.scatter [tilespmem:s19], [sflag:$0x7], $0x80, $0x38;
	[tilespmem:$0x13410] =	vst v63  }
0x327: {  	s3 =	sor.u32 $0x20000, s3;
	s15 =	sadd.s32 $0x60, s12;
	s18 =	simm.s32 $0x10190  }
0x328: {  	[hbm4b:s15+s4] =	stream.linear.scatter [tilespmem:s18], [sflag:$0x7], $0x80, $0x38;
	[tilespmem:$0x13410] =	vst v63  }
0x329: {  	s13 =	sor.u32 s6, s3;
	s12 =	sadd.s32 $0x70, s12;
	s19 =	simm.s32 $0x10390  }
0x32a: {  	[hbm4b:s12+s4] =	stream.linear.scatter [tilespmem:s19], [sflag:$0x7], $0x80, $0x38;
	[tilespmem:$0x13410] =	vst v63  }
0x32b: {  	s12 =	sshrl.u32 s13, $0x3  }
0x32c: {  	s15 =	simm.s32 $0x10410;
	s12 =	sadd.s32 s2, s12  }
0x32d: {  	[hbm4b:s12+s4] =	stream.linear.scatter [tilespmem:s15], [sflag:$0x7], $0x80, $0x38;
	[tilespmem:$0x13410] =	vst v63  }
0x32e: {  	s19 =	simm.s32 $0x10610;
	s18 =	sadd.s32 $0x10, s12  }
0x32f: {  	[hbm4b:s18+s4] =	stream.linear.scatter [tilespmem:s19], [sflag:$0x7], $0x80, $0x38;
	[tilespmem:$0x13410] =	vst v63  }
0x330: {  	s18 =	sadd.s32 $0x20, s12;
	s19 =	simm.s32 $0x10810  }
0x331: {  	[hbm4b:s18+s4] =	stream.linear.scatter [tilespmem:s19], [sflag:$0x7], $0x80, $0x38;
	[tilespmem:$0x13410] =	vst v63  }
0x332: {  	s18 =	sadd.s32 $0x30, s12;
	s19 =	simm.s32 $0x10A10  }
0x333: {  	[hbm4b:s18+s4] =	stream.linear.scatter [tilespmem:s19], [sflag:$0x7], $0x80, $0x38;
	[tilespmem:$0x13410] =	vst v63  }
0x334: {  	s18 =	sadd.s32 $0x40, s12;
	s19 =	simm.s32 $0x10C10  }
0x335: {  	[hbm4b:s18+s4] =	stream.linear.scatter [tilespmem:s19], [sflag:$0x7], $0x80, $0x38;
	[tilespmem:$0x13410] =	vst v63  }
0x336: {  	s18 =	sadd.s32 $0x50, s12;
	s19 =	simm.s32 $0x10E10  }
0x337: {  	[hbm4b:s18+s4] =	stream.linear.scatter [tilespmem:s19], [sflag:$0x7], $0x80, $0x38;
	[tilespmem:$0x13410] =	vst v63  }
0x338: {  	s15 =	sadd.s32 $0x60, s12;
	s18 =	simm.s32 $0x11010  }
0x339: {  	[hbm4b:s15+s4] =	stream.linear.scatter [tilespmem:s18], [sflag:$0x7], $0x80, $0x38;
	[tilespmem:$0x13410] =	vst v63  }
0x33a: {  	s13 =	sor.u32 s8, s3;
	s12 =	sadd.s32 $0x70, s12;
	s19 =	simm.s32 $0x11210  }
0x33b: {  	[hbm4b:s12+s4] =	stream.linear.scatter [tilespmem:s19], [sflag:$0x7], $0x80, $0x38;
	[tilespmem:$0x13410] =	vst v63  }
0x33c: {  	s12 =	sshrl.u32 s13, $0x3  }
0x33d: {  	s15 =	simm.s32 $0x10490;
	s12 =	sadd.s32 s2, s12  }
0x33e: {  	[hbm4b:s12+s4] =	stream.linear.scatter [tilespmem:s15], [sflag:$0x7], $0x80, $0x38;
	[tilespmem:$0x13410] =	vst v63  }
0x33f: {  	s19 =	simm.s32 $0x10690;
	s18 =	sadd.s32 $0x10, s12  }
0x340: {  	[hbm4b:s18+s4] =	stream.linear.scatter [tilespmem:s19], [sflag:$0x7], $0x80, $0x38;
	[tilespmem:$0x13410] =	vst v63  }
0x341: {  	s18 =	sadd.s32 $0x20, s12;
	s19 =	simm.s32 $0x10890  }
0x342: {  	[hbm4b:s18+s4] =	stream.linear.scatter [tilespmem:s19], [sflag:$0x7], $0x80, $0x38;
	[tilespmem:$0x13410] =	vst v63  }
0x343: {  	s18 =	sadd.s32 $0x30, s12;
	s19 =	simm.s32 $0x10A90  }
0x344: {  	[hbm4b:s18+s4] =	stream.linear.scatter [tilespmem:s19], [sflag:$0x7], $0x80, $0x38;
	[tilespmem:$0x13410] =	vst v63  }
0x345: {  	s18 =	sadd.s32 $0x40, s12;
	s19 =	simm.s32 $0x10C90  }
0x346: {  	[hbm4b:s18+s4] =	stream.linear.scatter [tilespmem:s19], [sflag:$0x7], $0x80, $0x38;
	[tilespmem:$0x13410] =	vst v63  }
0x347: {  	s18 =	sadd.s32 $0x50, s12;
	s19 =	simm.s32 $0x10E90  }
0x348: {  	[hbm4b:s18+s4] =	stream.linear.scatter [tilespmem:s19], [sflag:$0x7], $0x80, $0x38;
	[tilespmem:$0x13410] =	vst v63  }
0x349: {  	s15 =	sadd.s32 $0x60, s12;
	s18 =	simm.s32 $0x11090  }
0x34a: {  	[hbm4b:s15+s4] =	stream.linear.scatter [tilespmem:s18], [sflag:$0x7], $0x80, $0x38;
	[tilespmem:$0x13410] =	vst v63  }
0x34b: {  	s13 =	sor.u32 s9, s3;
	s12 =	sadd.s32 $0x70, s12;
	s19 =	simm.s32 $0x11290  }
0x34c: {  	[hbm4b:s12+s4] =	stream.linear.scatter [tilespmem:s19], [sflag:$0x7], $0x80, $0x38;
	[tilespmem:$0x13410] =	vst v63  }
0x34d: {  	s12 =	sshrl.u32 s13, $0x3  }
0x34e: {  	s15 =	simm.s32 $0x10510;
	s12 =	sadd.s32 s2, s12  }
0x34f: {  	[hbm4b:s12+s4] =	stream.linear.scatter [tilespmem:s15], [sflag:$0x7], $0x80, $0x38;
	[tilespmem:$0x13410] =	vst v63  }
0x350: {  	s19 =	simm.s32 $0x10710;
	s18 =	sadd.s32 $0x10, s12  }
0x351: {  	[hbm4b:s18+s4] =	stream.linear.scatter [tilespmem:s19], [sflag:$0x7], $0x80, $0x38;
	[tilespmem:$0x13410] =	vst v63  }
0x352: {  	s18 =	sadd.s32 $0x20, s12;
	s19 =	simm.s32 $0x10910  }
0x353: {  	[hbm4b:s18+s4] =	stream.linear.scatter [tilespmem:s19], [sflag:$0x7], $0x80, $0x38;
	[tilespmem:$0x13410] =	vst v63  }
0x354: {  	s18 =	sadd.s32 $0x30, s12;
	s19 =	simm.s32 $0x10B10  }
0x355: {  	[hbm4b:s18+s4] =	stream.linear.scatter [tilespmem:s19], [sflag:$0x7], $0x80, $0x38;
	[tilespmem:$0x13410] =	vst v63  }
0x356: {  	s18 =	sadd.s32 $0x40, s12;
	s19 =	simm.s32 $0x10D10  }
0x357: {  	[hbm4b:s18+s4] =	stream.linear.scatter [tilespmem:s19], [sflag:$0x7], $0x80, $0x38;
	[tilespmem:$0x13410] =	vst v63  }
0x358: {  	s18 =	sadd.s32 $0x50, s12;
	s19 =	simm.s32 $0x10F10  }
0x359: {  	[hbm4b:s18+s4] =	stream.linear.scatter [tilespmem:s19], [sflag:$0x7], $0x80, $0x38;
	[tilespmem:$0x13410] =	vst v63  }
0x35a: {  	s3 =	sor.u32 s10, s3;
	s15 =	sadd.s32 $0x60, s12;
	s18 =	simm.s32 $0x11110  }
0x35b: {  	[hbm4b:s15+s4] =	stream.linear.scatter [tilespmem:s18], [sflag:$0x7], $0x80, $0x38;
	[tilespmem:$0x13410] =	vst v63  }
0x35c: {  	s3 =	sshrl.u32 s3, $0x3;
	s12 =	sadd.s32 $0x70, s12;
	s19 =	simm.s32 $0x11310  }
0x35d: {  	[hbm4b:s12+s4] =	stream.linear.scatter [tilespmem:s19], [sflag:$0x7], $0x80, $0x38;
	[tilespmem:$0x13410] =	vst v63  }
0x35e: {  	s3 =	sadd.s32 s2, s3;
	s15 =	simm.s32 $0x10590  }
0x35f: {  	[hbm4b:s3+s4] =	stream.linear.scatter [tilespmem:s15], [sflag:$0x7], $0x80, $0x38;
	[tilespmem:$0x13410] =	vst v63  }
0x360: {  	s18 =	sadd.s32 $0x10, s3;
	s19 =	simm.s32 $0x10790  }
0x361: {  	[hbm4b:s18+s4] =	stream.linear.scatter [tilespmem:s19], [sflag:$0x7], $0x80, $0x38;
	[tilespmem:$0x13410] =	vst v63  }
0x362: {  	s13 =	sadd.s32 $0x20, s3;
	s15 =	simm.s32 $0x10990  }
0x363: {  	[hbm4b:s13+s4] =	stream.linear.scatter [tilespmem:s15], [sflag:$0x7], $0x80, $0x38;
	[tilespmem:$0x13410] =	vst v63  }
0x364: {  	s18 =	sadd.s32 $0x30, s3;
	s19 =	simm.s32 $0x10B90  }
0x365: {  	[hbm4b:s18+s4] =	stream.linear.scatter [tilespmem:s19], [sflag:$0x7], $0x80, $0x38;
	[tilespmem:$0x13410] =	vst v63  }
0x366: {  	s13 =	sadd.s32 $0x40, s3;
	s15 =	simm.s32 $0x10D90  }
0x367: {  	[hbm4b:s13+s4] =	stream.linear.scatter [tilespmem:s15], [sflag:$0x7], $0x80, $0x38;
	[tilespmem:$0x13410] =	vst v63  }
0x368: {  	s18 =	sadd.s32 $0x50, s3;
	s19 =	simm.s32 $0x10F90  }
0x369: {  	[hbm4b:s18+s4] =	stream.linear.scatter [tilespmem:s19], [sflag:$0x7], $0x80, $0x38;
	[tilespmem:$0x13410] =	vst v63  }
0x36a: {  	s15 =	sadd.s32 $0x60, s3;
	s18 =	simm.s32 $0x11190  }
0x36b: {  	[hbm4b:s15+s4] =	stream.linear.scatter [tilespmem:s18], [sflag:$0x7], $0x80, $0x38;
	[tilespmem:$0x13410] =	vst v63  }
0x36c: {  	s3 =	sadd.s32 $0x70, s3;
	s19 =	simm.s32 $0x11390  }
0x36d: {  	[hbm4b:s3+s4] =	stream.linear.scatter [tilespmem:s19], [sflag:$0x7], $0x80, $0x38;
	[tilespmem:$0x13410] =	vst v63  }
.LBB2_10:
.Ltmp8:
0x36e: {  	(pc) =	sbr.rel @p0 .LBB2_14-.Ltmp8, $1  }
0x36f: {  	_ =	sdelay $0x3  }
0x370: {  	_ =	swait.ge [sflag:s21], $0x800  }
0x371: {  	[sflag:s21] =	ssyncset.done $0x0  }
0x372: {  	[sflag:s21] =	ssyncadd.s32 $0xFFFFF800  }
0x373: {  	_ =	swait.ge [sflag:s21], $0x800  }
0x374: {  	[sflag:s21] =	ssyncset.done $0x0  }
0x375: {  	[sflag:s21] =	ssyncadd.s32 $0xFFFFF800  }
0x376: {  	_ =	swait.ge [sflag:s21], $0x800  }
0x377: {  	[sflag:s21] =	ssyncset.done $0x0  }
0x378: {  	p0 =	sgt.u32 s29, $0x4;
	[sflag:s21] =	ssyncadd.s32 $0xFFFFF800  }
0x379: {  	s3 =	sshll.u32 @!p0 s29, $0xB;
	_ =	swait.ge [sflag:s21], $0x800  }
0x37a: {  	s13 =	simm.s32 @!p0 $0x80;
	s3 =	sand.u32 @!p0 $0x3FFFF800, s3;
	[sflag:s21] =	ssyncset.done $0x0  }
0x37b: {  	s15 =	simm.s32 @!p0 $0x7410;
	s12 =	sadd.s32 @!p0 $0xC00, s3;
	[sflag:s21] =	ssyncadd.s32 $0xFFFFF800  }
0x37c: {  	[tilespmem:s15], [sflag:$0x3] =	stream.indirect.gather @!p0 [hbm4b:s5+s13], $0x10, s12, s13, $0xb8;
	[tilespmem:$0x13410] =	vst v63  }
0x37d: {  	s12 =	sadd.s32 @!p0 $0xC80, s3;
	s15 =	simm.s32 @!p0 $0x7C10  }
0x37e: {  	[tilespmem:s15], [sflag:$0x3] =	stream.indirect.gather @!p0 [hbm4b:s5+s13], $0x10, s12, s13, $0xb8;
	[tilespmem:$0x13410] =	vst v63  }
0x37f: {  	s12 =	sadd.s32 @!p0 $0xD00, s3;
	s15 =	simm.s32 @!p0 $0x8410  }
0x380: {  	[tilespmem:s15], [sflag:$0x3] =	stream.indirect.gather @!p0 [hbm4b:s5+s13], $0x10, s12, s13, $0xb8;
	[tilespmem:$0x13410] =	vst v63  }
0x381: {  	p1 =	seq.s32 @!p0 s29, $0x0;
	s3 =	sadd.s32 @!p0 $0xD80, s3;
	s12 =	simm.s32 @!p0 $0x8C10  }
0x382: {  	[tilespmem:s12], [sflag:$0x3] =	stream.indirect.gather @!p0 [hbm4b:s5+s13], $0x10, s3, s13, $0xb8;
	[tilespmem:$0x13410] =	vst v63  }
0x383: {  	p0 =	por p0, !p1  }
0x384: {  	_ =	swait.ge @p0 [sflag:s24], $0x400  }
0x385: {  	[sflag:s24] =	ssyncset.done @p0 $0x0  }
0x386: {  	[sflag:s24] =	ssyncadd.s32 @p0 $0xFFFFFC00  }
0x387: {  	_ =	swait.ge @p0 [sflag:s24], $0x400  }
0x388: {  	[sflag:s24] =	ssyncset.done @p0 $0x0  }
0x389: {  	[sflag:s24] =	ssyncadd.s32 @p0 $0xFFFFFC00  }
0x38a: {  	_ =	swait.ge @p0 [sflag:s24], $0x400  }
0x38b: {  	[sflag:s24] =	ssyncset.done @p0 $0x0  }
0x38c: {  	[sflag:s24] =	ssyncadd.s32 @p0 $0xFFFFFC00  }
0x38d: {  	_ =	swait.ge @p0 [sflag:s24], $0x400  }
0x38e: {  	[sflag:s24] =	ssyncset.done @p0 $0x0  }
0x38f: {  	[sflag:s24] =	ssyncadd.s32 @p0 $0xFFFFFC00  }
0x390: {  	_ =	swait.ge @p0 [sflag:s24], $0x400  }
0x391: {  	[sflag:s24] =	ssyncset.done @p0 $0x0  }
0x392: {  	[sflag:s24] =	ssyncadd.s32 @p0 $0xFFFFFC00  }
0x393: {  	_ =	swait.ge @p0 [sflag:s24], $0x400  }
0x394: {  	s19 =	simm.s32 $0x0;
	[sflag:s24] =	ssyncset.done @p0 $0x0  }
0x395: {  	v2 =	vmov s19;
	[sflag:s24] =	ssyncadd.s32 @p0 $0xFFFFFC00  }
0x396: {  	v2 =	vshll.u32 v2, $0x4;
	_ =	swait.ge @p0 [sflag:s24], $0x400  }
0x397: {  	v2 =	vor.u32 v0, v2;
	[sflag:s24] =	ssyncset.done @p0 $0x0  }
0x398: {  	v3 =	vor.u32 $0xF, v2;
	[sflag:s24] =	ssyncadd.s32 @p0 $0xFFFFFC00  }
0x399: {  	v4 =	vor.u32 $0x1, v2;
	_ =	swait.ge @p0 [sflag:s24], $0x400  }
0x39a: {  	v5 =	vor.u32 $0x2, v2;
	[sflag:s24] =	ssyncset.done @p0 $0x0  }
0x39b: {  	v6 =	vor.u32 $0x3, v2;
	[sflag:s24] =	ssyncadd.s32 @p0 $0xFFFFFC00  }
0x39c: {  	v7 =	vor.u32 $0x4, v2;
	v8 =	vld.idx.msk [tilespmem:v2+s22+$0x0], $0xffff  }
0x39d: {  	v9 =	vor.u32 $0x5, v2;
	v3 =	vld.idx.msk [tilespmem:v3+s22+$0x0], $0xffff  }
0x39e: {  	v10 =	vor.u32 $0x6, v2;
	v4 =	vld.idx.msk [tilespmem:v4+s22+$0x0], $0xffff  }
0x39f: {  	v11 =	vor.u32 $0x7, v2;
	v5 =	vld.idx.msk [tilespmem:v5+s22+$0x0], $0xffff  }
0x3a0: {  	v13 =	vor.u32 $0x9, v2;
	v6 =	vld.idx.msk [tilespmem:v6+s22+$0x0], $0xffff  }
0x3a1: {  	v12 =	vor.u32 $0x8, v2;
	v7 =	vld.idx.msk [tilespmem:v7+s22+$0x0], $0xffff  }
0x3a2: {  	v14 =	vor.u32 $0xA, v2;
	s13 =	simm.s32 $0x10;
	v15 =	vld.idx.msk [tilespmem:v9+s22+$0x0], $0xffff  }
0x3a3: {  	v16 =	vor.u32 $0xC, v2;
	v18 =	vmov s13;
	v10 =	vld.idx.msk [tilespmem:v10+s22+$0x0], $0xffff  }
0x3a4: {  	v17 =	vor.u32 $0xD, v2;
	v18 =	vshll.u32 v18, $0x4;
	v11 =	vld.idx.msk [tilespmem:v11+s22+$0x0], $0xffff  }
0x3a5: {  	v22 =	vor.u32 v0, v18;
	v13 =	vld.idx.msk [tilespmem:v13+s22+$0x0], $0xffff  }
0x3a6: {  	v18 =	vor.u32 $0xF, v22;
	v12 =	vld.idx.msk [tilespmem:v12+s22+$0x0], $0xffff  }
0x3a7: {  	v9 =	vor.u32 $0xB, v2;
	v14 =	vld.idx.msk [tilespmem:v14+s22+$0x0], $0xffff;
	v3 =	vmul.f32 v3, v1  }
0x3a8: {  	s3 =	simm.s32 $0x12410;
	v2 =	vor.u32 $0xE, v2;
	v23 =	vld.idx.msk [tilespmem:v16+s22+$0x0], $0xffff;
	v4 =	vmul.f32 v4, v1  }
0x3a9: {  	v19 =	vor.u32 $0x3, v22;
	v24 =	vld.idx.msk [tilespmem:v17+s22+$0x0], $0xffff;
	v5 =	vmul.f32 v5, v1;
	[tilespmem:s3+$0xE00] =	vst v3  }
0x3aa: {  	v27 =	vld.idx.msk [tilespmem:v22+s22+$0x0], $0xffff;
	v30 =	vmul.f32 v13, v1;
	v3 =	vor.u32 $0x1, v22;
	[tilespmem:s3+$0xFFFFF200] =	vst v4  }
0x3ab: {  	v16 =	vor.u32 $0x2, v22;
	v29 =	vld.idx.msk [tilespmem:v18+s22+$0x0], $0xffff;
	v4 =	vmul.f32 v6, v1;
	[tilespmem:s3+$0xFFFFF400] =	vst v5  }
0x3ac: {  	v25 =	vor.u32 $0x4, v22;
	v26 =	vor.u32 $0x5, v22;
	v20 =	vld.idx.msk [tilespmem:v9+s22+$0x0], $0xffff;
	v5 =	vmul.f32 v7, v1;
	[tilespmem:s3+$0x200] =	vst v30  }
0x3ad: {  	v28 =	vor.u32 $0x6, v22;
	v2 =	vld.idx.msk [tilespmem:v2+s22+$0x0], $0xffff;
	v21 =	vmul.f32 v14, v1;
	v6 =	vmul.f32 v8, v1;
	[tilespmem:s3+$0xFFFFF600] =	vst v4  }
0x3ae: {  	v19 =	vld.idx.msk [tilespmem:v19+s22+$0x0], $0xffff;
	v9 =	vor.u32 $0x7, v22;
	v13 =	vmul.f32 v24, v1;
	[tilespmem:s3+$0xFFFFF800] =	vst v5;
	v4 =	vmul.f32 v15, v1  }
0x3af: {  	v8 =	vor.u32 $0x8, v22;
	v7 =	vor.u32 $0x9, v22;
	v5 =	vmul.f32 v10, v1;
	[tilespmem:s3+$0xFFFFF000] =	vst v6;
	v17 =	vld.idx.msk [tilespmem:v3+s22+$0x0], $0xffff  }
0x3b0: {  	v18 =	vld.idx.msk [tilespmem:v16+s22+$0x0], $0xffff;
	v6 =	vor.u32 $0xA, v22;
	v10 =	vmul.f32 v12, v1;
	v12 =	vmul.f32 v23, v1;
	[tilespmem:s3+$0xFFFFFA00] =	vst v4  }
0x3b1: {  	v14 =	vld.idx.msk [tilespmem:v26+s22+$0x0], $0xffff;
	v16 =	vmul.f32 v20, v1;
	v4 =	vor.u32 $0xB, v22;
	[tilespmem:s3+$0xFFFFFC00] =	vst v5;
	v3 =	vmul.f32 v11, v1  }
0x3b2: {  	v20 =	vld.idx.msk [tilespmem:v25+s22+$0x0], $0xffff;
	v5 =	vor.u32 $0xC, v22;
	[tilespmem:s3+$0x0] =	vst v10;
	v10 =	vmul.f32 v27, v1;
	v11 =	vmul.f32 v2, v1  }
0x3b3: {  	s15 =	simm.s32 $0x12410;
	v15 =	vld.idx.msk [tilespmem:v28+s22+$0x0], $0xffff;
	v2 =	vor.u32 $0xE, v22;
	[tilespmem:s3+$0xFFFFFE00] =	vst v3;
	v3 =	vor.u32 $0xD, v22;
	v22 =	vmul.f32 v29, v1  }
.LBB2_12:
0x3b4: {  	s13 =	sadd.s32 $0x10, s13;
	v17 =	vmul.f32 v17, v1;
	v23 =	vld.idx.msk [tilespmem:v9+s22+$0x0], $0xffff;
	[tilespmem:s3+$0x400] =	vst v21;
	s15 =	sadd.s32 $0x10, s15  }
0x3b5: {  	v18 =	vmul.f32 v18, v1;
	v9 =	vmov s13;
	p0 =	slt.u32 s13, $0x1F0;
	v21 =	vld.idx.msk [tilespmem:v8+s22+$0x0], $0xffff;
	[tilespmem:s15+$0xE00] =	vst v22  }
0x3b6: {  	v8 =	vshll.u32 v9, $0x4;
	[tilespmem:s15+$0xFFFFF200] =	vst v17;
	v9 =	vmul.f32 v19, v1;
	v19 =	vld.idx.msk [tilespmem:v7+s22+$0x0], $0xffff  }
0x3b7: {  	v7 =	vmul.f32 v20, v1;
	v17 =	vor.u32 v0, v8;
	[tilespmem:s15+$0xFFFFF400] =	vst v18;
	v20 =	vld.idx.msk [tilespmem:v6+s22+$0x0], $0xffff  }
0x3b8: {  	v18 =	vor.u32 $0x1, v17;
	v22 =	vor.u32 $0x2, v17;
	v24 =	vor.u32 $0xF, v17;
	[tilespmem:s15+$0xFFFFF600] =	vst v9;
	v25 =	vld.idx.msk [tilespmem:v4+s22+$0x0], $0xffff  }
0x3b9: {  	v26 =	vor.u32 $0x3, v17;
	v27 =	vor.u32 $0x4, v17;
	v28 =	vor.u32 $0x5, v17;
	[tilespmem:s15+$0xFFFFF800] =	vst v7;
	v29 =	vld.idx.msk [tilespmem:v5+s22+$0x0], $0xffff  }
0x3ba: {  	v30 =	vor.u32 $0x6, v17;
	v9 =	vor.u32 $0x7, v17;
	v8 =	vor.u32 $0x8, v17;
	v31 =	vld.idx.msk [tilespmem:v3+s22+$0x0], $0xffff;
	[tilespmem:s3+$0x600] =	vst v16  }
0x3bb: {  	v6 =	vor.u32 $0xA, v17;
	v4 =	vor.u32 $0xB, v17;
	v7 =	vor.u32 $0x9, v17;
	v32 =	vld.idx.msk [tilespmem:v2+s22+$0x0], $0xffff;
	[tilespmem:s3+$0x800] =	vst v12  }
0x3bc: {  	v5 =	vor.u32 $0xC, v17;
	v3 =	vor.u32 $0xD, v17;
	v2 =	vor.u32 $0xE, v17;
	v33 =	vld.idx.msk [tilespmem:v17+s22+$0x0], $0xffff;
	[tilespmem:s3+$0xA00] =	vst v13  }
0x3bd: {  	v12 =	vmul.f32 v14, v1;
	v13 =	vmul.f32 v15, v1;
	v24 =	vld.idx.msk [tilespmem:v24+s22+$0x0], $0xffff;
	[tilespmem:s3+$0xC00] =	vst v11;
	s3 =	smov.u32 s15  }
0x3be: {  	v15 =	vmul.f32 v21, v1;
	v17 =	vld.idx.msk [tilespmem:v18+s22+$0x0], $0xffff;
	[tilespmem:s15+$0xFFFFF000] =	vst v10;
	v10 =	vmul.f32 v23, v1  }
.Ltmp9:
0x3bf: {  	v21 =	vmul.f32 v20, v1;
	v23 =	vmul.f32 v19, v1;
	v18 =	vld.idx.msk [tilespmem:v22+s22+$0x0], $0xffff;
	[tilespmem:s15+$0xFFFFFA00] =	vst v12;
	(pc) =	sbr.rel @p0 .LBB2_12-.Ltmp9, $4  }
0x3c0: {  	v16 =	vmul.f32 v25, v1;
	v12 =	vmul.f32 v29, v1;
	v19 =	vld.idx.msk [tilespmem:v26+s22+$0x0], $0xffff;
	[tilespmem:s15+$0xFFFFFC00] =	vst v13  }
0x3c1: {  	v13 =	vmul.f32 v31, v1;
	v11 =	vmul.f32 v32, v1;
	v20 =	vld.idx.msk [tilespmem:v27+s22+$0x0], $0xffff;
	[tilespmem:s15+$0xFFFFFE00] =	vst v10  }
0x3c2: {  	v10 =	vmul.f32 v33, v1;
	v14 =	vld.idx.msk [tilespmem:v28+s22+$0x0], $0xffff;
	[tilespmem:s15+$0x0] =	vst v15  }
0x3c3: {  	v22 =	vmul.f32 v24, v1;
	v15 =	vld.idx.msk [tilespmem:v30+s22+$0x0], $0xffff;
	[tilespmem:s15+$0x200] =	vst v23  }
0x3c4: {  	[tilespmem:s3+$0x400] =	vst v21  }
0x3c5: {  	[tilespmem:s3+$0x600] =	vst v16  }
0x3c6: {  	[tilespmem:s3+$0x800] =	vst v12  }
0x3c7: {  	[tilespmem:s3+$0xA00] =	vst v13  }
0x3c8: {  	s12 =	sadd.s32 $0x10, s15;
	[tilespmem:s3+$0xC00] =	vst v11  }
0x3c9: {  	v17 =	vmul.f32 v17, v1;
	[tilespmem:s12+$0xE00] =	vst v22  }
0x3ca: {  	v18 =	vmul.f32 v18, v1;
	v9 =	vld.idx.msk [tilespmem:v9+s22+$0x0], $0xffff;
	[tilespmem:s12+$0xFFFFF000] =	vst v10  }
0x3cb: {  	v8 =	vld.idx.msk [tilespmem:v8+s22+$0x0], $0xffff;
	v60 =	vmul.f32 v19, v1;
	[tilespmem:s12+$0xFFFFF200] =	vst v17  }
0x3cc: {  	v7 =	vld.idx.msk [tilespmem:v7+s22+$0x0], $0xffff;
	[tilespmem:s12+$0xFFFFF400] =	vst v18;
	v61 =	vmul.f32 v20, v1  }
0x3cd: {  	v6 =	vld.idx.msk [tilespmem:v6+s22+$0x0], $0xffff;
	[tilespmem:s12+$0xFFFFF600] =	vst v60;
	v62 =	vmul.f32 v14, v1  }
0x3ce: {  	v4 =	vld.idx.msk [tilespmem:v4+s22+$0x0], $0xffff;
	[tilespmem:s12+$0xFFFFF800] =	vst v61;
	v63 =	vmul.f32 v15, v1  }
0x3cf: {  	v5 =	vld.idx.msk [tilespmem:v5+s22+$0x0], $0xffff;
	v9 =	vmul.f32 v9, v1;
	[tilespmem:s12+$0xFFFFFA00] =	vst v62  }
0x3d0: {  	v3 =	vld.idx.msk [tilespmem:v3+s22+$0x0], $0xffff;
	v8 =	vmul.f32 v8, v1;
	[tilespmem:s12+$0xFFFFFC00] =	vst v63  }
0x3d1: {  	v2 =	vld.idx.msk [tilespmem:v2+s22+$0x0], $0xffff;
	v7 =	vmul.f32 v7, v1;
	[tilespmem:s12+$0xFFFFFE00] =	vst v9  }
0x3d2: {  	v6 =	vmul.f32 v6, v1;
	[tilespmem:s12+$0x0] =	vst v8  }
0x3d3: {  	v4 =	vmul.f32 v4, v1;
	[tilespmem:s12+$0x200] =	vst v7  }
0x3d4: {  	v5 =	vmul.f32 v5, v1;
	[tilespmem:s12+$0x400] =	vst v6  }
0x3d5: {  	s3 =	sshll.u32 s31, $0x12;
	v3 =	vmul.f32 v3, v1;
	[tilespmem:s12+$0x600] =	vst v4  }
0x3d6: {  	s13 =	sor.u32 s6, s3;
	v2 =	vmul.f32 v2, v1;
	[tilespmem:s12+$0x800] =	vst v5  }
0x3d7: {  	s13 =	sshrl.u32 s13, $0x3;
	[tilespmem:s12+$0xA00] =	vst v3  }
0x3d8: {  	s18 =	simm.s32 $0x11410;
	[tilespmem:s12+$0xC00] =	vst v2;
	s12 =	sadd.s32 s2, s13  }
0x3d9: {  	[hbm4b:s12+s4] =	stream.linear.scatter [tilespmem:s18], [sflag:$0x8], $0x80, $0x38;
	[tilespmem:$0x13410] =	vst v63  }
0x3da: {  	s31 =	simm.s32 $0x11610;
	s19 =	sadd.s32 $0x10, s12  }
0x3db: {  	[hbm4b:s19+s4] =	stream.linear.scatter [tilespmem:s31], [sflag:$0x8], $0x80, $0x38;
	[tilespmem:$0x13410] =	vst v63  }
0x3dc: {  	s15 =	sadd.s32 $0x20, s12;
	s18 =	simm.s32 $0x11810  }
0x3dd: {  	[hbm4b:s15+s4] =	stream.linear.scatter [tilespmem:s18], [sflag:$0x8], $0x80, $0x38;
	[tilespmem:$0x13410] =	vst v63  }
0x3de: {  	s19 =	sadd.s32 $0x30, s12;
	s31 =	simm.s32 $0x11A10  }
0x3df: {  	[hbm4b:s19+s4] =	stream.linear.scatter [tilespmem:s31], [sflag:$0x8], $0x80, $0x38;
	[tilespmem:$0x13410] =	vst v63  }
0x3e0: {  	s15 =	sadd.s32 $0x40, s12;
	s18 =	simm.s32 $0x11C10  }
0x3e1: {  	[hbm4b:s15+s4] =	stream.linear.scatter [tilespmem:s18], [sflag:$0x8], $0x80, $0x38;
	[tilespmem:$0x13410] =	vst v63  }
0x3e2: {  	s19 =	sadd.s32 $0x50, s12;
	s31 =	simm.s32 $0x11E10  }
0x3e3: {  	[hbm4b:s19+s4] =	stream.linear.scatter [tilespmem:s31], [sflag:$0x8], $0x80, $0x38;
	[tilespmem:$0x13410] =	vst v63  }
0x3e4: {  	s18 =	sadd.s32 $0x60, s12;
	s19 =	simm.s32 $0x12010  }
0x3e5: {  	[hbm4b:s18+s4] =	stream.linear.scatter [tilespmem:s19], [sflag:$0x8], $0x80, $0x38;
	[tilespmem:$0x13410] =	vst v63  }
0x3e6: {  	s12 =	sadd.s32 $0x70, s12;
	s15 =	sor.u32 s8, s3;
	s31 =	simm.s32 $0x12210  }
0x3e7: {  	[hbm4b:s12+s4] =	stream.linear.scatter [tilespmem:s31], [sflag:$0x8], $0x80, $0x38;
	[tilespmem:$0x13410] =	vst v63  }
0x3e8: {  	s12 =	sshrl.u32 s15, $0x3  }
0x3e9: {  	s18 =	simm.s32 $0x11490;
	s12 =	sadd.s32 s2, s12  }
0x3ea: {  	[hbm4b:s12+s4] =	stream.linear.scatter [tilespmem:s18], [sflag:$0x8], $0x80, $0x38;
	[tilespmem:$0x13410] =	vst v63  }
0x3eb: {  	s31 =	simm.s32 $0x11690;
	s19 =	sadd.s32 $0x10, s12  }
0x3ec: {  	[hbm4b:s19+s4] =	stream.linear.scatter [tilespmem:s31], [sflag:$0x8], $0x80, $0x38;
	[tilespmem:$0x13410] =	vst v63  }
0x3ed: {  	s15 =	sadd.s32 $0x20, s12;
	s18 =	simm.s32 $0x11890  }
0x3ee: {  	[hbm4b:s15+s4] =	stream.linear.scatter [tilespmem:s18], [sflag:$0x8], $0x80, $0x38;
	[tilespmem:$0x13410] =	vst v63  }
0x3ef: {  	s19 =	sadd.s32 $0x30, s12;
	s31 =	simm.s32 $0x11A90  }
0x3f0: {  	[hbm4b:s19+s4] =	stream.linear.scatter [tilespmem:s31], [sflag:$0x8], $0x80, $0x38;
	[tilespmem:$0x13410] =	vst v63  }
0x3f1: {  	s15 =	sadd.s32 $0x40, s12;
	s18 =	simm.s32 $0x11C90  }
0x3f2: {  	[hbm4b:s15+s4] =	stream.linear.scatter [tilespmem:s18], [sflag:$0x8], $0x80, $0x38;
	[tilespmem:$0x13410] =	vst v63  }
0x3f3: {  	s19 =	sadd.s32 $0x50, s12;
	s31 =	simm.s32 $0x11E90  }
0x3f4: {  	[hbm4b:s19+s4] =	stream.linear.scatter [tilespmem:s31], [sflag:$0x8], $0x80, $0x38;
	[tilespmem:$0x13410] =	vst v63  }
0x3f5: {  	s18 =	sadd.s32 $0x60, s12;
	s19 =	simm.s32 $0x12090  }
0x3f6: {  	[hbm4b:s18+s4] =	stream.linear.scatter [tilespmem:s19], [sflag:$0x8], $0x80, $0x38;
	[tilespmem:$0x13410] =	vst v63  }
0x3f7: {  	s12 =	sadd.s32 $0x70, s12;
	s15 =	sor.u32 s9, s3;
	s31 =	simm.s32 $0x12290  }
0x3f8: {  	[hbm4b:s12+s4] =	stream.linear.scatter [tilespmem:s31], [sflag:$0x8], $0x80, $0x38;
	[tilespmem:$0x13410] =	vst v63  }
0x3f9: {  	s12 =	sshrl.u32 s15, $0x3  }
0x3fa: {  	s18 =	simm.s32 $0x11510;
	s12 =	sadd.s32 s2, s12  }
0x3fb: {  	[hbm4b:s12+s4] =	stream.linear.scatter [tilespmem:s18], [sflag:$0x8], $0x80, $0x38;
	[tilespmem:$0x13410] =	vst v63  }
0x3fc: {  	s31 =	simm.s32 $0x11710;
	s19 =	sadd.s32 $0x10, s12  }
0x3fd: {  	[hbm4b:s19+s4] =	stream.linear.scatter [tilespmem:s31], [sflag:$0x8], $0x80, $0x38;
	[tilespmem:$0x13410] =	vst v63  }
0x3fe: {  	s15 =	sadd.s32 $0x20, s12;
	s18 =	simm.s32 $0x11910  }
0x3ff: {  	[hbm4b:s15+s4] =	stream.linear.scatter [tilespmem:s18], [sflag:$0x8], $0x80, $0x38;
	[tilespmem:$0x13410] =	vst v63  }
0x400: {  	s19 =	sadd.s32 $0x30, s12;
	s31 =	simm.s32 $0x11B10  }
0x401: {  	[hbm4b:s19+s4] =	stream.linear.scatter [tilespmem:s31], [sflag:$0x8], $0x80, $0x38;
	[tilespmem:$0x13410] =	vst v63  }
0x402: {  	s15 =	sadd.s32 $0x40, s12;
	s18 =	simm.s32 $0x11D10  }
0x403: {  	[hbm4b:s15+s4] =	stream.linear.scatter [tilespmem:s18], [sflag:$0x8], $0x80, $0x38;
	[tilespmem:$0x13410] =	vst v63  }
0x404: {  	s19 =	sadd.s32 $0x50, s12;
	s31 =	simm.s32 $0x11F10  }
0x405: {  	[hbm4b:s19+s4] =	stream.linear.scatter [tilespmem:s31], [sflag:$0x8], $0x80, $0x38;
	[tilespmem:$0x13410] =	vst v63  }
0x406: {  	s18 =	sadd.s32 $0x60, s12;
	s19 =	simm.s32 $0x12110  }
0x407: {  	[hbm4b:s18+s4] =	stream.linear.scatter [tilespmem:s19], [sflag:$0x8], $0x80, $0x38;
	[tilespmem:$0x13410] =	vst v63  }
0x408: {  	s12 =	sadd.s32 $0x70, s12;
	s15 =	sor.u32 s10, s3;
	s31 =	simm.s32 $0x12310  }
0x409: {  	[hbm4b:s12+s4] =	stream.linear.scatter [tilespmem:s31], [sflag:$0x8], $0x80, $0x38;
	[tilespmem:$0x13410] =	vst v63  }
0x40a: {  	s12 =	sshrl.u32 s15, $0x3  }
0x40b: {  	s18 =	simm.s32 $0x11590;
	s12 =	sadd.s32 s2, s12  }
0x40c: {  	[hbm4b:s12+s4] =	stream.linear.scatter [tilespmem:s18], [sflag:$0x8], $0x80, $0x38;
	[tilespmem:$0x13410] =	vst v63  }
0x40d: {  	s31 =	simm.s32 $0x11790;
	s19 =	sadd.s32 $0x10, s12  }
0x40e: {  	[hbm4b:s19+s4] =	stream.linear.scatter [tilespmem:s31], [sflag:$0x8], $0x80, $0x38;
	[tilespmem:$0x13410] =	vst v63  }
0x40f: {  	s15 =	sadd.s32 $0x20, s12;
	s18 =	simm.s32 $0x11990  }
0x410: {  	[hbm4b:s15+s4] =	stream.linear.scatter [tilespmem:s18], [sflag:$0x8], $0x80, $0x38;
	[tilespmem:$0x13410] =	vst v63  }
0x411: {  	s19 =	sadd.s32 $0x30, s12;
	s31 =	simm.s32 $0x11B90  }
0x412: {  	[hbm4b:s19+s4] =	stream.linear.scatter [tilespmem:s31], [sflag:$0x8], $0x80, $0x38;
	[tilespmem:$0x13410] =	vst v63  }
0x413: {  	s15 =	sadd.s32 $0x40, s12;
	s18 =	simm.s32 $0x11D90  }
0x414: {  	[hbm4b:s15+s4] =	stream.linear.scatter [tilespmem:s18], [sflag:$0x8], $0x80, $0x38;
	[tilespmem:$0x13410] =	vst v63  }
0x415: {  	s19 =	sadd.s32 $0x50, s12;
	s31 =	simm.s32 $0x11F90  }
0x416: {  	[hbm4b:s19+s4] =	stream.linear.scatter [tilespmem:s31], [sflag:$0x8], $0x80, $0x38;
	[tilespmem:$0x13410] =	vst v63  }
0x417: {  	s3 =	sor.u32 $0x20000, s3;
	s18 =	sadd.s32 $0x60, s12;
	s19 =	simm.s32 $0x12190  }
0x418: {  	[hbm4b:s18+s4] =	stream.linear.scatter [tilespmem:s19], [sflag:$0x8], $0x80, $0x38;
	[tilespmem:$0x13410] =	vst v63  }
0x419: {  	s12 =	sadd.s32 $0x70, s12;
	s15 =	sor.u32 s6, s3;
	s31 =	simm.s32 $0x12390  }
0x41a: {  	[hbm4b:s12+s4] =	stream.linear.scatter [tilespmem:s31], [sflag:$0x8], $0x80, $0x38;
	[tilespmem:$0x13410] =	vst v63  }
0x41b: {  	s12 =	sshrl.u32 s15, $0x3  }
0x41c: {  	s18 =	simm.s32 $0x12410;
	s12 =	sadd.s32 s2, s12  }
0x41d: {  	[hbm4b:s12+s4] =	stream.linear.scatter [tilespmem:s18], [sflag:$0x8], $0x80, $0x38;
	[tilespmem:$0x13410] =	vst v63  }
0x41e: {  	s31 =	simm.s32 $0x12610;
	s19 =	sadd.s32 $0x10, s12  }
0x41f: {  	[hbm4b:s19+s4] =	stream.linear.scatter [tilespmem:s31], [sflag:$0x8], $0x80, $0x38;
	[tilespmem:$0x13410] =	vst v63  }
0x420: {  	s15 =	sadd.s32 $0x20, s12;
	s18 =	simm.s32 $0x12810  }
0x421: {  	[hbm4b:s15+s4] =	stream.linear.scatter [tilespmem:s18], [sflag:$0x8], $0x80, $0x38;
	[tilespmem:$0x13410] =	vst v63  }
0x422: {  	s19 =	sadd.s32 $0x30, s12;
	s31 =	simm.s32 $0x12A10  }
0x423: {  	[hbm4b:s19+s4] =	stream.linear.scatter [tilespmem:s31], [sflag:$0x8], $0x80, $0x38;
	[tilespmem:$0x13410] =	vst v63  }
0x424: {  	s15 =	sadd.s32 $0x40, s12;
	s18 =	simm.s32 $0x12C10  }
0x425: {  	[hbm4b:s15+s4] =	stream.linear.scatter [tilespmem:s18], [sflag:$0x8], $0x80, $0x38;
	[tilespmem:$0x13410] =	vst v63  }
0x426: {  	s19 =	sadd.s32 $0x50, s12;
	s31 =	simm.s32 $0x12E10  }
0x427: {  	[hbm4b:s19+s4] =	stream.linear.scatter [tilespmem:s31], [sflag:$0x8], $0x80, $0x38;
	[tilespmem:$0x13410] =	vst v63  }
0x428: {  	s18 =	sadd.s32 $0x60, s12;
	s19 =	simm.s32 $0x13010  }
0x429: {  	[hbm4b:s18+s4] =	stream.linear.scatter [tilespmem:s19], [sflag:$0x8], $0x80, $0x38;
	[tilespmem:$0x13410] =	vst v63  }
0x42a: {  	s12 =	sadd.s32 $0x70, s12;
	s15 =	sor.u32 s8, s3;
	s31 =	simm.s32 $0x13210  }
0x42b: {  	[hbm4b:s12+s4] =	stream.linear.scatter [tilespmem:s31], [sflag:$0x8], $0x80, $0x38;
	[tilespmem:$0x13410] =	vst v63  }
0x42c: {  	s12 =	sshrl.u32 s15, $0x3  }
0x42d: {  	s18 =	simm.s32 $0x12490;
	s12 =	sadd.s32 s2, s12  }
0x42e: {  	[hbm4b:s12+s4] =	stream.linear.scatter [tilespmem:s18], [sflag:$0x8], $0x80, $0x38;
	[tilespmem:$0x13410] =	vst v63  }
0x42f: {  	s31 =	simm.s32 $0x12690;
	s19 =	sadd.s32 $0x10, s12  }
0x430: {  	[hbm4b:s19+s4] =	stream.linear.scatter [tilespmem:s31], [sflag:$0x8], $0x80, $0x38;
	[tilespmem:$0x13410] =	vst v63  }
0x431: {  	s15 =	sadd.s32 $0x20, s12;
	s18 =	simm.s32 $0x12890  }
0x432: {  	[hbm4b:s15+s4] =	stream.linear.scatter [tilespmem:s18], [sflag:$0x8], $0x80, $0x38;
	[tilespmem:$0x13410] =	vst v63  }
0x433: {  	s19 =	sadd.s32 $0x30, s12;
	s31 =	simm.s32 $0x12A90  }
0x434: {  	[hbm4b:s19+s4] =	stream.linear.scatter [tilespmem:s31], [sflag:$0x8], $0x80, $0x38;
	[tilespmem:$0x13410] =	vst v63  }
0x435: {  	s15 =	sadd.s32 $0x40, s12;
	s18 =	simm.s32 $0x12C90  }
0x436: {  	[hbm4b:s15+s4] =	stream.linear.scatter [tilespmem:s18], [sflag:$0x8], $0x80, $0x38;
	[tilespmem:$0x13410] =	vst v63  }
0x437: {  	s19 =	sadd.s32 $0x50, s12;
	s31 =	simm.s32 $0x12E90  }
0x438: {  	[hbm4b:s19+s4] =	stream.linear.scatter [tilespmem:s31], [sflag:$0x8], $0x80, $0x38;
	[tilespmem:$0x13410] =	vst v63  }
0x439: {  	s18 =	sadd.s32 $0x60, s12;
	s19 =	simm.s32 $0x13090  }
0x43a: {  	[hbm4b:s18+s4] =	stream.linear.scatter [tilespmem:s19], [sflag:$0x8], $0x80, $0x38;
	[tilespmem:$0x13410] =	vst v63  }
0x43b: {  	s12 =	sadd.s32 $0x70, s12;
	s15 =	sor.u32 s9, s3;
	s31 =	simm.s32 $0x13290  }
0x43c: {  	[hbm4b:s12+s4] =	stream.linear.scatter [tilespmem:s31], [sflag:$0x8], $0x80, $0x38;
	[tilespmem:$0x13410] =	vst v63  }
0x43d: {  	s12 =	sshrl.u32 s15, $0x3  }
0x43e: {  	s18 =	simm.s32 $0x12510;
	s12 =	sadd.s32 s2, s12  }
0x43f: {  	[hbm4b:s12+s4] =	stream.linear.scatter [tilespmem:s18], [sflag:$0x8], $0x80, $0x38;
	[tilespmem:$0x13410] =	vst v63  }
0x440: {  	s31 =	simm.s32 $0x12710;
	s19 =	sadd.s32 $0x10, s12  }
0x441: {  	[hbm4b:s19+s4] =	stream.linear.scatter [tilespmem:s31], [sflag:$0x8], $0x80, $0x38;
	[tilespmem:$0x13410] =	vst v63  }
0x442: {  	s15 =	sadd.s32 $0x20, s12;
	s18 =	simm.s32 $0x12910  }
0x443: {  	[hbm4b:s15+s4] =	stream.linear.scatter [tilespmem:s18], [sflag:$0x8], $0x80, $0x38;
	[tilespmem:$0x13410] =	vst v63  }
0x444: {  	s19 =	sadd.s32 $0x30, s12;
	s31 =	simm.s32 $0x12B10  }
0x445: {  	[hbm4b:s19+s4] =	stream.linear.scatter [tilespmem:s31], [sflag:$0x8], $0x80, $0x38;
	[tilespmem:$0x13410] =	vst v63  }
0x446: {  	s15 =	sadd.s32 $0x40, s12;
	s18 =	simm.s32 $0x12D10  }
0x447: {  	[hbm4b:s15+s4] =	stream.linear.scatter [tilespmem:s18], [sflag:$0x8], $0x80, $0x38;
	[tilespmem:$0x13410] =	vst v63  }
0x448: {  	s19 =	sadd.s32 $0x50, s12;
	s31 =	simm.s32 $0x12F10  }
0x449: {  	[hbm4b:s19+s4] =	stream.linear.scatter [tilespmem:s31], [sflag:$0x8], $0x80, $0x38;
	[tilespmem:$0x13410] =	vst v63  }
0x44a: {  	s3 =	sor.u32 s10, s3;
	s18 =	sadd.s32 $0x60, s12;
	s19 =	simm.s32 $0x13110  }
0x44b: {  	[hbm4b:s18+s4] =	stream.linear.scatter [tilespmem:s19], [sflag:$0x8], $0x80, $0x38;
	[tilespmem:$0x13410] =	vst v63  }
0x44c: {  	s3 =	sshrl.u32 s3, $0x3;
	s12 =	sadd.s32 $0x70, s12;
	s31 =	simm.s32 $0x13310  }
0x44d: {  	[hbm4b:s12+s4] =	stream.linear.scatter [tilespmem:s31], [sflag:$0x8], $0x80, $0x38;
	[tilespmem:$0x13410] =	vst v63  }
0x44e: {  	s13 =	simm.s32 $0x12590;
	s3 =	sadd.s32 s2, s3  }
0x44f: {  	[hbm4b:s3+s4] =	stream.linear.scatter [tilespmem:s13], [sflag:$0x8], $0x80, $0x38;
	[tilespmem:$0x13410] =	vst v63  }
0x450: {  	s15 =	sadd.s32 $0x10, s3;
	s18 =	simm.s32 $0x12790  }
0x451: {  	[hbm4b:s15+s4] =	stream.linear.scatter [tilespmem:s18], [sflag:$0x8], $0x80, $0x38;
	[tilespmem:$0x13410] =	vst v63  }
0x452: {  	s19 =	sadd.s32 $0x20, s3;
	s31 =	simm.s32 $0x12990  }
0x453: {  	[hbm4b:s19+s4] =	stream.linear.scatter [tilespmem:s31], [sflag:$0x8], $0x80, $0x38;
	[tilespmem:$0x13410] =	vst v63  }
0x454: {  	s15 =	sadd.s32 $0x30, s3;
	s18 =	simm.s32 $0x12B90  }
0x455: {  	[hbm4b:s15+s4] =	stream.linear.scatter [tilespmem:s18], [sflag:$0x8], $0x80, $0x38;
	[tilespmem:$0x13410] =	vst v63  }
0x456: {  	s19 =	sadd.s32 $0x40, s3;
	s31 =	simm.s32 $0x12D90  }
0x457: {  	[hbm4b:s19+s4] =	stream.linear.scatter [tilespmem:s31], [sflag:$0x8], $0x80, $0x38;
	[tilespmem:$0x13410] =	vst v63  }
0x458: {  	s13 =	sadd.s32 $0x50, s3;
	s15 =	simm.s32 $0x12F90  }
0x459: {  	[hbm4b:s13+s4] =	stream.linear.scatter [tilespmem:s15], [sflag:$0x8], $0x80, $0x38;
	[tilespmem:$0x13410] =	vst v63  }
.Ltmp10:
0x45a: {  	_ = 	snop;
	(pc) =	sbr.rel .LBB2_14-.Ltmp10, $4  }
0x45b: {  	s18 =	sadd.s32 $0x60, s3;
	s19 =	simm.s32 $0x13190  }
0x45c: {  	[hbm4b:s18+s4] =	stream.linear.scatter [tilespmem:s19], [sflag:$0x8], $0x80, $0x38;
	[tilespmem:$0x13410] =	vst v63  }
0x45d: {  	s3 =	sadd.s32 $0x70, s3;
	s31 =	simm.s32 $0x13390  }
0x45e: {  	[hbm4b:s3+s4] =	stream.linear.scatter [tilespmem:s31], [sflag:$0x8], $0x80, $0x38;
	[tilespmem:$0x13410] =	vst v63  }
.LBB2_16:
0x45f: {  	_ =	sfence.sel $0x180000  }
0x460: {  	[bflag:$0x0] =	sbarrier.arrive $0xFFFF  }
0x461: {  	_ =	strace $0x90000047  }
0x462: {  	s0 =	stileid.u32;
	[bflag:$0x2] =	sbarrier.arrive $0xFFFF  }
0x463: {  	p0 =	sne.s32 s0, $0x0;
	s0 =	rddreg [dreg:$0x4]  }
0x464: {  	s0 =	sadd.s32 @!p0 $0x100000, s0  }
0x465: {  	[sflag:s0] =	ssyncadd.tile.s32 @!p0 $0x1;
	_ =	shalt  }
.Lfunc_end2:
_tile_overlayer_lowered:
.L_overlay_start_2:
0x466: {  	(tag) =	ssettag $0x2  }
0x467: {  	s0 =	rddreg [dreg:$0x0];
	s2 =	stileid.u32  }
0x468: {  	s1 =	rddreg [dreg:$0x1];
	p0 =	sne.s32 s2, $0x0  }
0x469: {  	s3 =	rddreg [dreg:$0x2];
	[bflag:$0x3] =	sbarrier.arrive $0xFFFF;
	s2 =	simm.s32 @!p0 $0x1C09  }
0x46a: {  	[timem:s3], [sflag:s2] =	dma.local @!p0 [hbm:s0], s1  }
0x46b: {  	s0 =	simm.s32 @!p0 $0x9  }
0x46c: {  	_ =	swait.ge @!p0 [sflag:s0], s1  }
0x46d: {  	s1 =	ssub.s32 @!p0 $0x0, s1;
	[sflag:s0] =	ssyncset.done @!p0 $0x0  }
0x46e: {  	[sflag:s0] =	ssyncadd.s32 @!p0 s1  }
0x46f: {  	[bflag:$0x3] =	sbarrier.arrive $0xFFFF  }
0x470: {  	_ =	shalt  }

</sc_bundles>
